<compile_context>
chip_gen: v7x
topology: tpu7x:2x2x1
jax: 0.10.2.dev20260603
libtpu: 0.0.44.dev20260713+nightly
codegen_flags: <defaults>
</compile_context>

<pallas_src>
import functools

import jax
import jax.numpy as jnp
from jax import lax
from jax.experimental import pallas as pl
from jax.experimental.pallas import tpu as pltpu
from jax.experimental.pallas import tpu_sc as plsc

N_NODES = 10000
N_EDGES = 320000
D = 128

NC, NS = 2, 16
APAD = 10240
ZB = APAD // NS
CH = 80
HOLE = APAD // 2
GLO, GHI = HOLE - 8, HOLE + 8
EPC = N_EDGES // NC
EPT = EPC // NS
NCH = EPT // CH

_mesh = plsc.VectorSubcoreMesh(core_axis_name="c", subcore_axis_name="s")


@functools.partial(
    pl.kernel,
    out_type=jax.ShapeDtypeStruct((NC, APAD, D), jnp.float32),
    mesh=_mesh,
    scratch_types=[
        pltpu.VMEM((1, 2, CH), jnp.int32),
        pltpu.VMEM((1, 2, CH), jnp.int32),
        pltpu.VMEM((CH, D), jnp.float32),
        pltpu.VMEM((CH, D), jnp.float32),
        pltpu.VMEM_SHARED((APAD, D), jnp.float32),
        pltpu.SemaphoreType.DMA,
        pltpu.SemaphoreType.DMA,
    ],
)
def _sc_aggregate(xp_hbm, edges_hbm, zrow_hbm,
                  acc_out, ea_v, eb_v,
                  rows_a, rows_b, acc_sh, sem_a, sem_b):
    c = lax.axis_index("c")
    s = lax.axis_index("s")

    pltpu.sync_copy(zrow_hbm, rows_a)
    for k in range(ZB // CH):
        pltpu.sync_copy(rows_a, acc_sh.at[pl.ds(s * ZB + k * CH, CH)])
    plsc.subcore_barrier()

    cbase = (c * EPC + s * EPT) // CH

    pltpu.sync_copy(edges_hbm.at[pl.ds(cbase, 1)], ea_v)
    ga = pltpu.async_copy(xp_hbm.at[ea_v.at[0, 0]], rows_a, sem_a)

    @pl.loop(0, (NCH - 1) // 2)
    def _(j2):
        cid = cbase + 2 * j2
        pltpu.sync_copy(edges_hbm.at[pl.ds(cid + 1, 1)], eb_v)
        gb = pltpu.async_copy(xp_hbm.at[eb_v.at[0, 0]], rows_b, sem_b)
        ga.wait()
        pltpu.sync_copy(rows_a, acc_sh.at[ea_v.at[0, 1]], add=True)
        pltpu.sync_copy(edges_hbm.at[pl.ds(cid + 2, 1)], ea_v)
        pltpu.async_copy(xp_hbm.at[ea_v.at[0, 0]], rows_a, sem_a)
        gb.wait()
        pltpu.sync_copy(rows_b, acc_sh.at[eb_v.at[0, 1]], add=True)

    ga.wait()
    pltpu.sync_copy(rows_a, acc_sh.at[ea_v.at[0, 1]], add=True)

    plsc.subcore_barrier()
    for k in range(ZB // CH):
        pltpu.sync_copy(acc_sh.at[pl.ds(s * ZB + k * CH, CH)], rows_a)
        pltpu.sync_copy(rows_a, acc_out.at[c, pl.ds(s * ZB + k * CH, CH)])


@functools.partial(
    pl.kernel,
    out_type=jax.ShapeDtypeStruct((NC, APAD, D), jnp.float32),
    mesh=_mesh,
    scratch_types=[
        pltpu.VMEM((1, 2, CH), jnp.int32),
        pltpu.VMEM((1, 2, CH), jnp.int32),
        pltpu.VMEM((CH, D), jnp.float32),
        pltpu.VMEM_SHARED((APAD, D), jnp.float32),
        pltpu.SemaphoreType.DMA,
        pltpu.SemaphoreType.DMA,
    ],
)
def _sc_count(edges_hbm, zrow_hbm, ones_hbm,
              cnt_out, ea_v, eb_v, rows_v, cnt_sh, sem_a, sem_b):
    c = lax.axis_index("c")
    s = lax.axis_index("s")

    pltpu.sync_copy(zrow_hbm, rows_v)
    for k in range(ZB // CH):
        pltpu.sync_copy(rows_v, cnt_sh.at[pl.ds(s * ZB + k * CH, CH)])
    pltpu.sync_copy(ones_hbm, rows_v)
    plsc.subcore_barrier()

    cbase = (c * EPC + s * EPT) // CH

    ia = pltpu.async_copy(edges_hbm.at[pl.ds(cbase, 1)], ea_v, sem_a)

    @pl.loop(0, (NCH - 1) // 2)
    def _(j2):
        cid = cbase + 2 * j2
        ib = pltpu.async_copy(edges_hbm.at[pl.ds(cid + 1, 1)], eb_v, sem_b)
        ia.wait()
        pltpu.sync_copy(rows_v, cnt_sh.at[ea_v.at[0, 1]], add=True)
        pltpu.async_copy(edges_hbm.at[pl.ds(cid + 2, 1)], ea_v, sem_a)
        ib.wait()
        pltpu.sync_copy(rows_v, cnt_sh.at[eb_v.at[0, 1]], add=True)

    ia.wait()
    pltpu.sync_copy(rows_v, cnt_sh.at[ea_v.at[0, 1]], add=True)

    plsc.subcore_barrier()
    for k in range(ZB // CH):
        pltpu.sync_copy(cnt_sh.at[pl.ds(s * ZB + k * CH, CH)], rows_v)
        pltpu.sync_copy(rows_v, cnt_out.at[c, pl.ds(s * ZB + k * CH, CH)])


_BR = 2000


def _dot(a, b):
    return jnp.dot(a, b, preferred_element_type=jnp.float32,
                   precision=lax.Precision.HIGHEST)


def _dense_relu(x, W, b):
    def body(x_ref, w_ref, b_ref, o_ref):
        o_ref[...] = jnp.maximum(_dot(x_ref[...], w_ref[...]) + b_ref[...], 0.0)

    return pl.pallas_call(
        body,
        grid=(N_NODES // _BR,),
        in_specs=[
            pl.BlockSpec((_BR, D), lambda i: (i, 0)),
            pl.BlockSpec((D, D), lambda i: (0, 0)),
            pl.BlockSpec((1, D), lambda i: (0, 0)),
        ],
        out_specs=pl.BlockSpec((_BR, D), lambda i: (i, 0)),
        out_shape=jax.ShapeDtypeStruct((N_NODES, D), jnp.float32),
    )(x, W, b.reshape(1, D))


def _combine_mid(part, cnt1, xp, Wl, bl, Wr, g, be, Wp2, bp2):
    def body(p_ref, c_ref, xp_ref, wl_ref, bl_ref, wr_ref, g_ref, be_ref,
             wp_ref, bp_ref, o_ref):
        summed = p_ref[0] + p_ref[1]
        cnt = c_ref[0] + c_ref[1]
        mean = summed / jnp.maximum(cnt, 1.0)
        t = _dot(mean, wl_ref[...]) + bl_ref[...] + _dot(xp_ref[...], wr_ref[...])
        t = jnp.maximum(t, 0.0)
        mu = jnp.mean(t, axis=-1, keepdims=True)
        var = jnp.mean((t - mu) * (t - mu), axis=-1, keepdims=True)
        h = (t - mu) * lax.rsqrt(var + 1e-5) * g_ref[...] + be_ref[...]
        o_ref[...] = jnp.maximum(_dot(h, wp_ref[...]) + bp_ref[...], 0.0)

    return pl.pallas_call(
        body,
        grid=(N_NODES // _BR,),
        in_specs=[
            pl.BlockSpec((NC, _BR, D), lambda i: (0, i, 0)),
            pl.BlockSpec((NC, _BR, 1), lambda i: (0, i, 0)),
            pl.BlockSpec((_BR, D), lambda i: (i, 0)),
            pl.BlockSpec((D, D), lambda i: (0, 0)),
            pl.BlockSpec((1, D), lambda i: (0, 0)),
            pl.BlockSpec((D, D), lambda i: (0, 0)),
            pl.BlockSpec((1, D), lambda i: (0, 0)),
            pl.BlockSpec((1, D), lambda i: (0, 0)),
            pl.BlockSpec((D, D), lambda i: (0, 0)),
            pl.BlockSpec((1, D), lambda i: (0, 0)),
        ],
        out_specs=pl.BlockSpec((_BR, D), lambda i: (i, 0)),
        out_shape=jax.ShapeDtypeStruct((N_NODES, D), jnp.float32),
    )(part, cnt1, xp, Wl, bl.reshape(1, D), Wr, g.reshape(1, D),
      be.reshape(1, D), Wp2, bp2.reshape(1, D))


def _combine_final(part, cnt1, xp, Wl, bl, Wr):
    def body(p_ref, c_ref, xp_ref, wl_ref, bl_ref, wr_ref, o_ref):
        summed = p_ref[0] + p_ref[1]
        cnt = c_ref[0] + c_ref[1]
        mean = summed / jnp.maximum(cnt, 1.0)
        o_ref[...] = (_dot(mean, wl_ref[...]) + bl_ref[...]
                      + _dot(xp_ref[...], wr_ref[...]))

    return pl.pallas_call(
        body,
        grid=(N_NODES // _BR,),
        in_specs=[
            pl.BlockSpec((NC, _BR, D), lambda i: (0, i, 0)),
            pl.BlockSpec((NC, _BR, 1), lambda i: (0, i, 0)),
            pl.BlockSpec((_BR, D), lambda i: (i, 0)),
            pl.BlockSpec((D, D), lambda i: (0, 0)),
            pl.BlockSpec((1, D), lambda i: (0, 0)),
            pl.BlockSpec((D, D), lambda i: (0, 0)),
        ],
        out_specs=pl.BlockSpec((_BR, D), lambda i: (i, 0)),
        out_shape=jax.ShapeDtypeStruct((N_NODES, D), jnp.float32),
    )(part, cnt1, xp, Wl, bl.reshape(1, D), Wr)


def _unmap(a):
    return jnp.concatenate(
        [a[:, :GLO], a[:, GHI:GHI + (N_NODES - GLO)]], axis=1)


def kernel(x, edge_index, Wp1, bp1, Wl1, bl1, Wr1, g1, be1,
           Wp2, bp2, Wl2, bl2, Wr2):
    src = edge_index[0].astype(jnp.int32)
    dst = edge_index[1].astype(jnp.int32)
    dst2 = dst + jnp.where(dst >= GLO, 16, 0).astype(jnp.int32)
    edges2d = jnp.stack(
        [src.reshape(N_EDGES // CH, CH), dst2.reshape(N_EDGES // CH, CH)],
        axis=1)
    zrow = jnp.zeros((CH, D), jnp.float32)
    ones = jnp.ones((CH, D), jnp.float32)

    cnt = _sc_count(edges2d, zrow, ones)
    cnt1 = _unmap(cnt[:, :, :1])

    xp1 = _dense_relu(x, Wp1, bp1)
    part1 = _unmap(_sc_aggregate(xp1, edges2d, zrow))
    xp2 = _combine_mid(part1, cnt1, xp1, Wl1, bl1, Wr1, g1, be1, Wp2, bp2)
    part2 = _unmap(_sc_aggregate(xp2, edges2d, zrow))
    out = _combine_final(part2, cnt1, xp2, Wl2, bl2, Wr2)
    return out

# --- scband reference (transcript-rebuilt; emitter-appended) ---
"""Pipeline reference for scband-sage-graph-conv-49916109914462 (READ-ONLY COPY).

The authoritative reference and input builder live on the scoring server;
editing this copy changes nothing except your own understanding.
"""

import jax, jax.numpy as jnp
import numpy as np

N_NODES = 10000
N_EDGES = 320000
D = 128

def _sage_conv(x, edge_index, Wp, bp, Wl, bl, Wr):
    # PyG SAGEConv with project=True, aggr='mean', normalize=False
    xp = jax.nn.relu(x @ Wp + bp)
    src = edge_index[0]
    dst = edge_index[1]
    msgs = jnp.take(xp, src, axis=0)
    summed = jax.ops.segment_sum(msgs, dst, num_segments=N_NODES)
    cnt = jax.ops.segment_sum(jnp.ones((msgs.shape[0],), dtype=x.dtype), dst, num_segments=N_NODES)
    mean = summed / jnp.clip(cnt, 1.0, None)[:, None]
    return mean @ Wl + bl + xp @ Wr

def _layer_norm(x, gamma, beta, eps=1e-5):
    mu = jnp.mean(x, axis=-1, keepdims=True)
    var = jnp.var(x, axis=-1, keepdims=True)
    return (x - mu) / jnp.sqrt(var + eps) * gamma + beta

def setup_inputs(seed: int = 0) -> dict:
    key = jax.random.key(seed)
    ks = jax.random.split(key, 16)
    s = 1.0 / np.sqrt(D)
    inp = {
        "x": jax.random.normal(ks[0], (N_NODES, D), dtype=jnp.float32),
        "edge_index": jax.random.randint(ks[1], (2, N_EDGES), 0, N_NODES, dtype=jnp.int64 if jax.config.jax_enable_x64 else jnp.int32),
        "Wp1": jax.random.normal(ks[2], (D, D), jnp.float32) * s,
        "bp1": jnp.zeros((D,), jnp.float32),
        "Wl1": jax.random.normal(ks[3], (D, D), jnp.float32) * s,
        "bl1": jnp.zeros((D,), jnp.float32),
        "Wr1": jax.random.normal(ks[4], (D, D), jnp.float32) * s,
        "g1": jnp.ones((D,), jnp.float32),
        "be1": jnp.zeros((D,), jnp.float32),
        "Wp2": jax.random.normal(ks[5], (D, D), jnp.float32) * s,
        "bp2": jnp.zeros((D,), jnp.float32),
        "Wl2": jax.random.normal(ks[6], (D, D), jnp.float32) * s,
        "bl2": jnp.zeros((D,), jnp.float32),
        "Wr2": jax.random.normal(ks[7], (D, D), jnp.float32) * s,
    }
    return inp

def reference(x, edge_index, Wp1, bp1, Wl1, bl1, Wr1, g1, be1, Wp2, bp2, Wl2, bl2, Wr2):
    h = _sage_conv(x, edge_index, Wp1, bp1, Wl1, bl1, Wr1)
    h = jax.nn.relu(h)
    h = _layer_norm(h, g1, be1)
    out = _sage_conv(h, edge_index, Wp2, bp2, Wl2, bl2, Wr2)
    return out

if __name__ == "__main__":
    import jax
    _d = setup_inputs()
    print(jax.jit(kernel)(*tuple(_d.values())))

</pallas_src>

<mosaic_0001>
#map = affine_map<(d0, d1) -> (0, 0, 0)>
#map1 = affine_map<(d0, d1) -> (0, 0)>
module attributes {stable_mosaic.version = 14 : i64} {
  func.func @_sc_count(%arg0: i32, %arg1: i32, %arg2: memref<4000x2x80xi32, #tpu.memory_space<hbm>>, %arg3: memref<80x128xf32, #tpu.memory_space<hbm>>, %arg4: memref<80x128xf32, #tpu.memory_space<hbm>>, %arg5: memref<2x10240x128xf32, #tpu.memory_space<hbm>>, %arg6: memref<1x2x80xi32, #tpu.memory_space<vmem>>, %arg7: memref<1x2x80xi32, #tpu.memory_space<vmem>>, %arg8: memref<80x128xf32, #tpu.memory_space<vmem>>, %arg9: memref<10240x128xf32, #tpu.memory_space<vmem_shared>>, %arg10: memref<!tpu.dma_semaphore, #tpu.memory_space<semaphore_mem>>, %arg11: memref<!tpu.dma_semaphore, #tpu.memory_space<semaphore_mem>>) attributes {dimension_semantics = [#tpu.dimension_semantics<core_parallel>, #tpu.dimension_semantics<subcore_parallel>], iteration_bounds = array<i64: 2, 16>, scalar_prefetch = 0 : i64, scratch_operands = 6 : i64, tpu.core_type = #tpu.core_type<sc_vector_subcore>, window_params = [{transform_indices = #map}, {transform_indices = #map1}, {transform_indices = #map1}, {transform_indices = #map}]} {
    "tpu.region"() ({
      %run_scoped3A_131 = tpu.sem_alloc : memref<!tpu.dma_semaphore, #tpu.memory_space<semaphore_mem>>
      tpu.enqueue_dma source(%arg3 : memref<80x128xf32, #tpu.memory_space<hbm>>) target(%arg8 : memref<80x128xf32, #tpu.memory_space<vmem>>) target_semaphore(%run_scoped3A_131 : memref<!tpu.dma_semaphore, #tpu.memory_space<semaphore_mem>>)
      tpu.wait_dma2 semaphore(%run_scoped3A_131 : memref<!tpu.dma_semaphore, #tpu.memory_space<semaphore_mem>>) src(%arg3 : memref<80x128xf32, #tpu.memory_space<hbm>>) dst(%arg8 : memref<80x128xf32, #tpu.memory_space<vmem>>)
      tpu.yield
    }) : () -> ()
    %mul3A = arith.constant 640 : i32
    %mul3A_0 = arith.muli %arg1, %mul3A : i32
    %add3A = arith.constant 0 : i32
    %add3A_1 = arith.addi %mul3A_0, %add3A : i32
    "tpu.region"() ({
      %run_scoped3A_131 = tpu.sem_alloc : memref<!tpu.dma_semaphore, #tpu.memory_space<semaphore_mem>>
      %dma_start3A_132 = arith.constant 0 : i32
      %dma_start3A_133 = tpu.memref_slice %arg9[%add3A_1, %dma_start3A_132] : memref<10240x128xf32, #tpu.memory_space<vmem_shared>> -> memref<80x128xf32, #tpu.memory_space<vmem_shared>>
      %dma_start3A_134 = arith.constant 0 : i32
      %dma_start3A_135 = tpu.memref_slice %arg9[%add3A_1, %dma_start3A_134] : memref<10240x128xf32, #tpu.memory_space<vmem_shared>> -> memref<80x128xf32, #tpu.memory_space<vmem_shared>>
      tpu.enqueue_dma source(%arg8 : memref<80x128xf32, #tpu.memory_space<vmem>>) target(%dma_start3A_135 : memref<80x128xf32, #tpu.memory_space<vmem_shared>>) target_semaphore(%run_scoped3A_131 : memref<!tpu.dma_semaphore, #tpu.memory_space<semaphore_mem>>)
      %dma_wait3A_136 = arith.constant 0 : i32
      %dma_wait3A_137 = tpu.memref_slice %arg9[%add3A_1, %dma_wait3A_136] : memref<10240x128xf32, #tpu.memory_space<vmem_shared>> -> memref<80x128xf32, #tpu.memory_space<vmem_shared>>
      %dma_wait3A_138 = arith.constant 0 : i32
      %dma_wait3A_139 = tpu.memref_slice %arg9[%add3A_1, %dma_wait3A_138] : memref<10240x128xf32, #tpu.memory_space<vmem_shared>> -> memref<80x128xf32, #tpu.memory_space<vmem_shared>>
      tpu.wait_dma2 semaphore(%run_scoped3A_131 : memref<!tpu.dma_semaphore, #tpu.memory_space<semaphore_mem>>) src(%arg8 : memref<80x128xf32, #tpu.memory_space<vmem>>) dst(%dma_wait3A_139 : memref<80x128xf32, #tpu.memory_space<vmem_shared>>)
      tpu.yield
    }) : () -> ()
    %mul3A_2 = arith.constant 640 : i32
    %mul3A_3 = arith.muli %arg1, %mul3A_2 : i32
    %add3A_4 = arith.constant 80 : i32
    %add3A_5 = arith.addi %mul3A_3, %add3A_4 : i32
    "tpu.region"() ({
      %run_scoped3A_131 = tpu.sem_alloc : memref<!tpu.dma_semaphore, #tpu.memory_space<semaphore_mem>>
      %dma_start3A_132 = arith.constant 0 : i32
      %dma_start3A_133 = tpu.memref_slice %arg9[%add3A_5, %dma_start3A_132] : memref<10240x128xf32, #tpu.memory_space<vmem_shared>> -> memref<80x128xf32, #tpu.memory_space<vmem_shared>>
      %dma_start3A_134 = arith.constant 0 : i32
      %dma_start3A_135 = tpu.memref_slice %arg9[%add3A_5, %dma_start3A_134] : memref<10240x128xf32, #tpu.memory_space<vmem_shared>> -> memref<80x128xf32, #tpu.memory_space<vmem_shared>>
      tpu.enqueue_dma source(%arg8 : memref<80x128xf32, #tpu.memory_space<vmem>>) target(%dma_start3A_135 : memref<80x128xf32, #tpu.memory_space<vmem_shared>>) target_semaphore(%run_scoped3A_131 : memref<!tpu.dma_semaphore, #tpu.memory_space<semaphore_mem>>)
      %dma_wait3A_136 = arith.constant 0 : i32
      %dma_wait3A_137 = tpu.memref_slice %arg9[%add3A_5, %dma_wait3A_136] : memref<10240x128xf32, #tpu.memory_space<vmem_shared>> -> memref<80x128xf32, #tpu.memory_space<vmem_shared>>
      %dma_wait3A_138 = arith.constant 0 : i32
      %dma_wait3A_139 = tpu.memref_slice %arg9[%add3A_5, %dma_wait3A_138] : memref<10240x128xf32, #tpu.memory_space<vmem_shared>> -> memref<80x128xf32, #tpu.memory_space<vmem_shared>>
      tpu.wait_dma2 semaphore(%run_scoped3A_131 : memref<!tpu.dma_semaphore, #tpu.memory_space<semaphore_mem>>) src(%arg8 : memref<80x128xf32, #tpu.memory_space<vmem>>) dst(%dma_wait3A_139 : memref<80x128xf32, #tpu.memory_space<vmem_shared>>)
      tpu.yield
    }) : () -> ()
    %mul3A_6 = arith.constant 640 : i32
    %mul3A_7 = arith.muli %arg1, %mul3A_6 : i32
    %add3A_8 = arith.constant 160 : i32
    %add3A_9 = arith.addi %mul3A_7, %add3A_8 : i32
    "tpu.region"() ({
      %run_scoped3A_131 = tpu.sem_alloc : memref<!tpu.dma_semaphore, #tpu.memory_space<semaphore_mem>>
      %dma_start3A_132 = arith.constant 0 : i32
      %dma_start3A_133 = tpu.memref_slice %arg9[%add3A_9, %dma_start3A_132] : memref<10240x128xf32, #tpu.memory_space<vmem_shared>> -> memref<80x128xf32, #tpu.memory_space<vmem_shared>>
      %dma_start3A_134 = arith.constant 0 : i32
      %dma_start3A_135 = tpu.memref_slice %arg9[%add3A_9, %dma_start3A_134] : memref<10240x128xf32, #tpu.memory_space<vmem_shared>> -> memref<80x128xf32, #tpu.memory_space<vmem_shared>>
      tpu.enqueue_dma source(%arg8 : memref<80x128xf32, #tpu.memory_space<vmem>>) target(%dma_start3A_135 : memref<80x128xf32, #tpu.memory_space<vmem_shared>>) target_semaphore(%run_scoped3A_131 : memref<!tpu.dma_semaphore, #tpu.memory_space<semaphore_mem>>)
      %dma_wait3A_136 = arith.constant 0 : i32
      %dma_wait3A_137 = tpu.memref_slice %arg9[%add3A_9, %dma_wait3A_136] : memref<10240x128xf32, #tpu.memory_space<vmem_shared>> -> memref<80x128xf32, #tpu.memory_space<vmem_shared>>
      %dma_wait3A_138 = arith.constant 0 : i32
      %dma_wait3A_139 = tpu.memref_slice %arg9[%add3A_9, %dma_wait3A_138] : memref<10240x128xf32, #tpu.memory_space<vmem_shared>> -> memref<80x128xf32, #tpu.memory_space<vmem_shared>>
      tpu.wait_dma2 semaphore(%run_scoped3A_131 : memref<!tpu.dma_semaphore, #tpu.memory_space<semaphore_mem>>) src(%arg8 : memref<80x128xf32, #tpu.memory_space<vmem>>) dst(%dma_wait3A_139 : memref<80x128xf32, #tpu.memory_space<vmem_shared>>)
      tpu.yield
    }) : () -> ()
    %mul3A_10 = arith.constant 640 : i32
    %mul3A_11 = arith.muli %arg1, %mul3A_10 : i32
    %add3A_12 = arith.constant 240 : i32
    %add3A_13 = arith.addi %mul3A_11, %add3A_12 : i32
    "tpu.region"() ({
      %run_scoped3A_131 = tpu.sem_alloc : memref<!tpu.dma_semaphore, #tpu.memory_space<semaphore_mem>>
      %dma_start3A_132 = arith.constant 0 : i32
      %dma_start3A_133 = tpu.memref_slice %arg9[%add3A_13, %dma_start3A_132] : memref<10240x128xf32, #tpu.memory_space<vmem_shared>> -> memref<80x128xf32, #tpu.memory_space<vmem_shared>>
      %dma_start3A_134 = arith.constant 0 : i32
      %dma_start3A_135 = tpu.memref_slice %arg9[%add3A_13, %dma_start3A_134] : memref<10240x128xf32, #tpu.memory_space<vmem_shared>> -> memref<80x128xf32, #tpu.memory_space<vmem_shared>>
      tpu.enqueue_dma source(%arg8 : memref<80x128xf32, #tpu.memory_space<vmem>>) target(%dma_start3A_135 : memref<80x128xf32, #tpu.memory_space<vmem_shared>>) target_semaphore(%run_scoped3A_131 : memref<!tpu.dma_semaphore, #tpu.memory_space<semaphore_mem>>)
      %dma_wait3A_136 = arith.constant 0 : i32
      %dma_wait3A_137 = tpu.memref_slice %arg9[%add3A_13, %dma_wait3A_136] : memref<10240x128xf32, #tpu.memory_space<vmem_shared>> -> memref<80x128xf32, #tpu.memory_space<vmem_shared>>
      %dma_wait3A_138 = arith.constant 0 : i32
      %dma_wait3A_139 = tpu.memref_slice %arg9[%add3A_13, %dma_wait3A_138] : memref<10240x128xf32, #tpu.memory_space<vmem_shared>> -> memref<80x128xf32, #tpu.memory_space<vmem_shared>>
      tpu.wait_dma2 semaphore(%run_scoped3A_131 : memref<!tpu.dma_semaphore, #tpu.memory_space<semaphore_mem>>) src(%arg8 : memref<80x128xf32, #tpu.memory_space<vmem>>) dst(%dma_wait3A_139 : memref<80x128xf32, #tpu.memory_space<vmem_shared>>)
      tpu.yield
    }) : () -> ()
    %mul3A_14 = arith.constant 640 : i32
    %mul3A_15 = arith.muli %arg1, %mul3A_14 : i32
    %add3A_16 = arith.constant 320 : i32
    %add3A_17 = arith.addi %mul3A_15, %add3A_16 : i32
    "tpu.region"() ({
      %run_scoped3A_131 = tpu.sem_alloc : memref<!tpu.dma_semaphore, #tpu.memory_space<semaphore_mem>>
      %dma_start3A_132 = arith.constant 0 : i32
      %dma_start3A_133 = tpu.memref_slice %arg9[%add3A_17, %dma_start3A_132] : memref<10240x128xf32, #tpu.memory_space<vmem_shared>> -> memref<80x128xf32, #tpu.memory_space<vmem_shared>>
      %dma_start3A_134 = arith.constant 0 : i32
      %dma_start3A_135 = tpu.memref_slice %arg9[%add3A_17, %dma_start3A_134] : memref<10240x128xf32, #tpu.memory_space<vmem_shared>> -> memref<80x128xf32, #tpu.memory_space<vmem_shared>>
      tpu.enqueue_dma source(%arg8 : memref<80x128xf32, #tpu.memory_space<vmem>>) target(%dma_start3A_135 : memref<80x128xf32, #tpu.memory_space<vmem_shared>>) target_semaphore(%run_scoped3A_131 : memref<!tpu.dma_semaphore, #tpu.memory_space<semaphore_mem>>)
      %dma_wait3A_136 = arith.constant 0 : i32
      %dma_wait3A_137 = tpu.memref_slice %arg9[%add3A_17, %dma_wait3A_136] : memref<10240x128xf32, #tpu.memory_space<vmem_shared>> -> memref<80x128xf32, #tpu.memory_space<vmem_shared>>
      %dma_wait3A_138 = arith.constant 0 : i32
      %dma_wait3A_139 = tpu.memref_slice %arg9[%add3A_17, %dma_wait3A_138] : memref<10240x128xf32, #tpu.memory_space<vmem_shared>> -> memref<80x128xf32, #tpu.memory_space<vmem_shared>>
      tpu.wait_dma2 semaphore(%run_scoped3A_131 : memref<!tpu.dma_semaphore, #tpu.memory_space<semaphore_mem>>) src(%arg8 : memref<80x128xf32, #tpu.memory_space<vmem>>) dst(%dma_wait3A_139 : memref<80x128xf32, #tpu.memory_space<vmem_shared>>)
      tpu.yield
    }) : () -> ()
    %mul3A_18 = arith.constant 640 : i32
    %mul3A_19 = arith.muli %arg1, %mul3A_18 : i32
    %add3A_20 = arith.constant 400 : i32
    %add3A_21 = arith.addi %mul3A_19, %add3A_20 : i32
    "tpu.region"() ({
      %run_scoped3A_131 = tpu.sem_alloc : memref<!tpu.dma_semaphore, #tpu.memory_space<semaphore_mem>>
      %dma_start3A_132 = arith.constant 0 : i32
      %dma_start3A_133 = tpu.memref_slice %arg9[%add3A_21, %dma_start3A_132] : memref<10240x128xf32, #tpu.memory_space<vmem_shared>> -> memref<80x128xf32, #tpu.memory_space<vmem_shared>>
      %dma_start3A_134 = arith.constant 0 : i32
      %dma_start3A_135 = tpu.memref_slice %arg9[%add3A_21, %dma_start3A_134] : memref<10240x128xf32, #tpu.memory_space<vmem_shared>> -> memref<80x128xf32, #tpu.memory_space<vmem_shared>>
      tpu.enqueue_dma source(%arg8 : memref<80x128xf32, #tpu.memory_space<vmem>>) target(%dma_start3A_135 : memref<80x128xf32, #tpu.memory_space<vmem_shared>>) target_semaphore(%run_scoped3A_131 : memref<!tpu.dma_semaphore, #tpu.memory_space<semaphore_mem>>)
      %dma_wait3A_136 = arith.constant 0 : i32
      %dma_wait3A_137 = tpu.memref_slice %arg9[%add3A_21, %dma_wait3A_136] : memref<10240x128xf32, #tpu.memory_space<vmem_shared>> -> memref<80x128xf32, #tpu.memory_space<vmem_shared>>
      %dma_wait3A_138 = arith.constant 0 : i32
      %dma_wait3A_139 = tpu.memref_slice %arg9[%add3A_21, %dma_wait3A_138] : memref<10240x128xf32, #tpu.memory_space<vmem_shared>> -> memref<80x128xf32, #tpu.memory_space<vmem_shared>>
      tpu.wait_dma2 semaphore(%run_scoped3A_131 : memref<!tpu.dma_semaphore, #tpu.memory_space<semaphore_mem>>) src(%arg8 : memref<80x128xf32, #tpu.memory_space<vmem>>) dst(%dma_wait3A_139 : memref<80x128xf32, #tpu.memory_space<vmem_shared>>)
      tpu.yield
    }) : () -> ()
    %mul3A_22 = arith.constant 640 : i32
    %mul3A_23 = arith.muli %arg1, %mul3A_22 : i32
    %add3A_24 = arith.constant 480 : i32
    %add3A_25 = arith.addi %mul3A_23, %add3A_24 : i32
    "tpu.region"() ({
      %run_scoped3A_131 = tpu.sem_alloc : memref<!tpu.dma_semaphore, #tpu.memory_space<semaphore_mem>>
      %dma_start3A_132 = arith.constant 0 : i32
      %dma_start3A_133 = tpu.memref_slice %arg9[%add3A_25, %dma_start3A_132] : memref<10240x128xf32, #tpu.memory_space<vmem_shared>> -> memref<80x128xf32, #tpu.memory_space<vmem_shared>>
      %dma_start3A_134 = arith.constant 0 : i32
      %dma_start3A_135 = tpu.memref_slice %arg9[%add3A_25, %dma_start3A_134] : memref<10240x128xf32, #tpu.memory_space<vmem_shared>> -> memref<80x128xf32, #tpu.memory_space<vmem_shared>>
      tpu.enqueue_dma source(%arg8 : memref<80x128xf32, #tpu.memory_space<vmem>>) target(%dma_start3A_135 : memref<80x128xf32, #tpu.memory_space<vmem_shared>>) target_semaphore(%run_scoped3A_131 : memref<!tpu.dma_semaphore, #tpu.memory_space<semaphore_mem>>)
      %dma_wait3A_136 = arith.constant 0 : i32
      %dma_wait3A_137 = tpu.memref_slice %arg9[%add3A_25, %dma_wait3A_136] : memref<10240x128xf32, #tpu.memory_space<vmem_shared>> -> memref<80x128xf32, #tpu.memory_space<vmem_shared>>
      %dma_wait3A_138 = arith.constant 0 : i32
      %dma_wait3A_139 = tpu.memref_slice %arg9[%add3A_25, %dma_wait3A_138] : memref<10240x128xf32, #tpu.memory_space<vmem_shared>> -> memref<80x128xf32, #tpu.memory_space<vmem_shared>>
      tpu.wait_dma2 semaphore(%run_scoped3A_131 : memref<!tpu.dma_semaphore, #tpu.memory_space<semaphore_mem>>) src(%arg8 : memref<80x128xf32, #tpu.memory_space<vmem>>) dst(%dma_wait3A_139 : memref<80x128xf32, #tpu.memory_space<vmem_shared>>)
      tpu.yield
    }) : () -> ()
    %mul3A_26 = arith.constant 640 : i32
    %mul3A_27 = arith.muli %arg1, %mul3A_26 : i32
    %add3A_28 = arith.constant 560 : i32
    %add3A_29 = arith.addi %mul3A_27, %add3A_28 : i32
    "tpu.region"() ({
      %run_scoped3A_131 = tpu.sem_alloc : memref<!tpu.dma_semaphore, #tpu.memory_space<semaphore_mem>>
      %dma_start3A_132 = arith.constant 0 : i32
      %dma_start3A_133 = tpu.memref_slice %arg9[%add3A_29, %dma_start3A_132] : memref<10240x128xf32, #tpu.memory_space<vmem_shared>> -> memref<80x128xf32, #tpu.memory_space<vmem_shared>>
      %dma_start3A_134 = arith.constant 0 : i32
      %dma_start3A_135 = tpu.memref_slice %arg9[%add3A_29, %dma_start3A_134] : memref<10240x128xf32, #tpu.memory_space<vmem_shared>> -> memref<80x128xf32, #tpu.memory_space<vmem_shared>>
      tpu.enqueue_dma source(%arg8 : memref<80x128xf32, #tpu.memory_space<vmem>>) target(%dma_start3A_135 : memref<80x128xf32, #tpu.memory_space<vmem_shared>>) target_semaphore(%run_scoped3A_131 : memref<!tpu.dma_semaphore, #tpu.memory_space<semaphore_mem>>)
      %dma_wait3A_136 = arith.constant 0 : i32
      %dma_wait3A_137 = tpu.memref_slice %arg9[%add3A_29, %dma_wait3A_136] : memref<10240x128xf32, #tpu.memory_space<vmem_shared>> -> memref<80x128xf32, #tpu.memory_space<vmem_shared>>
      %dma_wait3A_138 = arith.constant 0 : i32
      %dma_wait3A_139 = tpu.memref_slice %arg9[%add3A_29, %dma_wait3A_138] : memref<10240x128xf32, #tpu.memory_space<vmem_shared>> -> memref<80x128xf32, #tpu.memory_space<vmem_shared>>
      tpu.wait_dma2 semaphore(%run_scoped3A_131 : memref<!tpu.dma_semaphore, #tpu.memory_space<semaphore_mem>>) src(%arg8 : memref<80x128xf32, #tpu.memory_space<vmem>>) dst(%dma_wait3A_139 : memref<80x128xf32, #tpu.memory_space<vmem_shared>>)
      tpu.yield
    }) : () -> ()
    "tpu.region"() ({
      %run_scoped3A_131 = tpu.sem_alloc : memref<!tpu.dma_semaphore, #tpu.memory_space<semaphore_mem>>
      tpu.enqueue_dma source(%arg4 : memref<80x128xf32, #tpu.memory_space<hbm>>) target(%arg8 : memref<80x128xf32, #tpu.memory_space<vmem>>) target_semaphore(%run_scoped3A_131 : memref<!tpu.dma_semaphore, #tpu.memory_space<semaphore_mem>>)
      tpu.wait_dma2 semaphore(%run_scoped3A_131 : memref<!tpu.dma_semaphore, #tpu.memory_space<semaphore_mem>>) src(%arg4 : memref<80x128xf32, #tpu.memory_space<hbm>>) dst(%arg8 : memref<80x128xf32, #tpu.memory_space<vmem>>)
      tpu.yield
    }) : () -> ()
    %barrier3A = arith.constant 0 : index
    tpu.barrier barrier_id(%barrier3A)
    %mul3A_30 = arith.constant 160000 : i32
    %mul3A_31 = arith.muli %arg0, %mul3A_30 : i32
    %mul3A_32 = arith.constant 10000 : i32
    %mul3A_33 = arith.muli %arg1, %mul3A_32 : i32
    %add3A_34 = arith.addi %mul3A_31, %mul3A_33 : i32
    %jit3A = arith.constant 80 : i32
    %div3A = arith.divsi %add3A_34, %jit3A : i32
    %sign3A = arith.constant 0 : i32
    %sign3A_35 = arith.cmpi sgt, %add3A_34, %sign3A : i32
    %sign3A_36 = arith.extui %sign3A_35 : i1 to i32
    %sign3A_37 = arith.constant 0 : i32
    %sign3A_38 = arith.cmpi slt, %add3A_34, %sign3A_37 : i32
    %sign3A_39 = arith.extui %sign3A_38 : i1 to i32
    %sign3A_40 = arith.subi %sign3A_36, %sign3A_39 : i32
    %sign3A_41 = arith.constant 0 : i32
    %sign3A_42 = arith.cmpi sgt, %jit3A, %sign3A_41 : i32
    %sign3A_43 = arith.extui %sign3A_42 : i1 to i32
    %sign3A_44 = arith.constant 0 : i32
    %sign3A_45 = arith.cmpi slt, %jit3A, %sign3A_44 : i32
    %sign3A_46 = arith.extui %sign3A_45 : i1 to i32
    %sign3A_47 = arith.subi %sign3A_43, %sign3A_46 : i32
    %ne3A = arith.cmpi ne, %sign3A_40, %sign3A_47 : i32
    %rem3A = arith.remsi %add3A_34, %jit3A : i32
    %ne3A_48 = arith.constant 0 : i32
    %ne3A_49 = arith.cmpi ne, %rem3A, %ne3A_48 : i32
    %and3A = arith.andi %ne3A, %ne3A_49 : i1
    %sub3A = arith.constant 1 : i32
    %sub3A_50 = arith.subi %div3A, %sub3A : i32
    %select_n3A = arith.select %and3A, %sub3A_50, %div3A : i32
    %dma_start3A = arith.constant 0 : i32
    %dma_start3A_51 = arith.constant 0 : i32
    %dma_start3A_52 = tpu.memref_slice %arg2[%select_n3A, %dma_start3A, %dma_start3A_51] : memref<4000x2x80xi32, #tpu.memory_space<hbm>> -> memref<1x2x80xi32, #tpu.memory_space<hbm>>
    %dma_start3A_53 = arith.constant 0 : i32
    %dma_start3A_54 = arith.constant 0 : i32
    %dma_start3A_55 = tpu.memref_slice %arg2[%select_n3A, %dma_start3A_53, %dma_start3A_54] : memref<4000x2x80xi32, #tpu.memory_space<hbm>> -> memref<1x2x80xi32, #tpu.memory_space<hbm>>
    tpu.enqueue_dma source(%dma_start3A_55 : memref<1x2x80xi32, #tpu.memory_space<hbm>>) target(%arg6 : memref<1x2x80xi32, #tpu.memory_space<vmem>>) target_semaphore(%arg10 : memref<!tpu.dma_semaphore, #tpu.memory_space<semaphore_mem>>)
    %scan3A = arith.constant 0 : i32
    %scan3A_56 = arith.constant 62 : i32
    %scan3A_57 = arith.addi %scan3A, %scan3A_56 : i32
    %scan3A_58 = arith.constant 1 : i32
    scf.for %scan3A_131 = %scan3A to %scan3A_57 step %scan3A_58  : i32 {
      %mul3A_132 = arith.constant 1 : i32
      %mul3A_133 = arith.muli %scan3A_131, %mul3A_132 : i32
      %add3A_134 = arith.constant 0 : i32
      %add3A_135 = arith.addi %add3A_134, %mul3A_133 : i32
      %mul3A_136 = arith.constant 2 : i32
      %mul3A_137 = arith.muli %mul3A_136, %add3A_135 : i32
      %add3A_138 = arith.addi %select_n3A, %mul3A_137 : i32
      %add3A_139 = arith.constant 1 : i32
      %add3A_140 = arith.addi %add3A_138, %add3A_139 : i32
      %dma_start3A_141 = arith.constant 0 : i32
      %dma_start3A_142 = arith.constant 0 : i32
      %dma_start3A_143 = tpu.memref_slice %arg2[%add3A_140, %dma_start3A_141, %dma_start3A_142] : memref<4000x2x80xi32, #tpu.memory_space<hbm>> -> memref<1x2x80xi32, #tpu.memory_space<hbm>>
      %dma_start3A_144 = arith.constant 0 : i32
      %dma_start3A_145 = arith.constant 0 : i32
      %dma_start3A_146 = tpu.memref_slice %arg2[%add3A_140, %dma_start3A_144, %dma_start3A_145] : memref<4000x2x80xi32, #tpu.memory_space<hbm>> -> memref<1x2x80xi32, #tpu.memory_space<hbm>>
      tpu.enqueue_dma source(%dma_start3A_146 : memref<1x2x80xi32, #tpu.memory_space<hbm>>) target(%arg7 : memref<1x2x80xi32, #tpu.memory_space<vmem>>) target_semaphore(%arg11 : memref<!tpu.dma_semaphore, #tpu.memory_space<semaphore_mem>>)
      %dma_wait3A_147 = arith.constant 0 : i32
      %dma_wait3A_148 = arith.constant 0 : i32
      %dma_wait3A_149 = tpu.memref_slice %arg2[%select_n3A, %dma_wait3A_147, %dma_wait3A_148] : memref<4000x2x80xi32, #tpu.memory_space<hbm>> -> memref<1x2x80xi32, #tpu.memory_space<hbm>>
      %dma_wait3A_150 = arith.constant 0 : i32
      %dma_wait3A_151 = arith.constant 0 : i32
      %dma_wait3A_152 = tpu.memref_slice %arg2[%select_n3A, %dma_wait3A_150, %dma_wait3A_151] : memref<4000x2x80xi32, #tpu.memory_space<hbm>> -> memref<1x2x80xi32, #tpu.memory_space<hbm>>
      tpu.wait_dma2 semaphore(%arg10 : memref<!tpu.dma_semaphore, #tpu.memory_space<semaphore_mem>>) src(%dma_wait3A_152 : memref<1x2x80xi32, #tpu.memory_space<hbm>>) dst(%arg6 : memref<1x2x80xi32, #tpu.memory_space<vmem>>)
      %run_scoped3A_153 = arith.constant 0 : i32
      %run_scoped3A_154 = arith.constant 1 : i32
      "tpu.region"() ({
        %run_scoped3A_171 = tpu.sem_alloc : memref<!tpu.dma_semaphore, #tpu.memory_space<semaphore_mem>>
        %dma_start3A_172 = arith.constant 0 : i32
        %dma_start3A_173 = tpu.memref_slice %arg6[%run_scoped3A_153, %run_scoped3A_154, %dma_start3A_172] : memref<1x2x80xi32, #tpu.memory_space<vmem>> -> memref<1x1x80xi32, #tpu.memory_space<vmem>>
        %dma_start3A_174 = tpu.memref_squeeze %dma_start3A_173 : memref<1x1x80xi32, #tpu.memory_space<vmem>> -> memref<80xi32, #tpu.memory_space<vmem>>
        %dma_start3A_175 = arith.constant 0 : i32
        %dma_start3A_176 = arith.constant 0 : i32
        %dma_start3A_177 = tpu.memref_slice %arg9[%dma_start3A_175, %dma_start3A_176] : memref<10240x128xf32, #tpu.memory_space<vmem_shared>> -> memref<10240x128xf32, #tpu.memory_space<vmem_shared>>
        tpu.enqueue_indirect_dma source(%arg8 : memref<80x128xf32, #tpu.memory_space<vmem>>) target(%dma_start3A_177 : memref<10240x128xf32, #tpu.memory_space<vmem_shared>>) offsets(%dma_start3A_174 : memref<80xi32, #tpu.memory_space<vmem>>) semaphore(%run_scoped3A_171 : memref<!tpu.dma_semaphore, #tpu.memory_space<semaphore_mem>>) {add = true}
        %dma_wait3A_178 = arith.constant 0 : i32
        %dma_wait3A_179 = tpu.memref_slice %arg6[%run_scoped3A_153, %run_scoped3A_154, %dma_wait3A_178] : memref<1x2x80xi32, #tpu.memory_space<vmem>> -> memref<1x1x80xi32, #tpu.memory_space<vmem>>
        %dma_wait3A_180 = tpu.memref_squeeze %dma_wait3A_179 : memref<1x1x80xi32, #tpu.memory_space<vmem>> -> memref<80xi32, #tpu.memory_space<vmem>>
        %dma_wait3A_181 = arith.constant 0 : i32
        %dma_wait3A_182 = arith.constant 0 : i32
        %dma_wait3A_183 = tpu.memref_slice %arg9[%dma_wait3A_181, %dma_wait3A_182] : memref<10240x128xf32, #tpu.memory_space<vmem_shared>> -> memref<10240x128xf32, #tpu.memory_space<vmem_shared>>
        tpu.wait_indirect_dma semaphore(%run_scoped3A_171 : memref<!tpu.dma_semaphore, #tpu.memory_space<semaphore_mem>>) src(%arg8 : memref<80x128xf32, #tpu.memory_space<vmem>>) dst(%dma_wait3A_183 : memref<10240x128xf32, #tpu.memory_space<vmem_shared>>)
        tpu.yield
      }) : () -> ()
      %add3A_155 = arith.constant 2 : i32
      %add3A_156 = arith.addi %add3A_138, %add3A_155 : i32
      %dma_start3A_157 = arith.constant 0 : i32
      %dma_start3A_158 = arith.constant 0 : i32
      %dma_start3A_159 = tpu.memref_slice %arg2[%add3A_156, %dma_start3A_157, %dma_start3A_158] : memref<4000x2x80xi32, #tpu.memory_space<hbm>> -> memref<1x2x80xi32, #tpu.memory_space<hbm>>
      %dma_start3A_160 = arith.constant 0 : i32
      %dma_start3A_161 = arith.constant 0 : i32
      %dma_start3A_162 = tpu.memref_slice %arg2[%add3A_156, %dma_start3A_160, %dma_start3A_161] : memref<4000x2x80xi32, #tpu.memory_space<hbm>> -> memref<1x2x80xi32, #tpu.memory_space<hbm>>
      tpu.enqueue_dma source(%dma_start3A_162 : memref<1x2x80xi32, #tpu.memory_space<hbm>>) target(%arg6 : memref<1x2x80xi32, #tpu.memory_space<vmem>>) target_semaphore(%arg10 : memref<!tpu.dma_semaphore, #tpu.memory_space<semaphore_mem>>)
      %dma_wait3A_163 = arith.constant 0 : i32
      %dma_wait3A_164 = arith.constant 0 : i32
      %dma_wait3A_165 = tpu.memref_slice %arg2[%add3A_140, %dma_wait3A_163, %dma_wait3A_164] : memref<4000x2x80xi32, #tpu.memory_space<hbm>> -> memref<1x2x80xi32, #tpu.memory_space<hbm>>
      %dma_wait3A_166 = arith.constant 0 : i32
      %dma_wait3A_167 = arith.constant 0 : i32
      %dma_wait3A_168 = tpu.memref_slice %arg2[%add3A_140, %dma_wait3A_166, %dma_wait3A_167] : memref<4000x2x80xi32, #tpu.memory_space<hbm>> -> memref<1x2x80xi32, #tpu.memory_space<hbm>>
      tpu.wait_dma2 semaphore(%arg11 : memref<!tpu.dma_semaphore, #tpu.memory_space<semaphore_mem>>) src(%dma_wait3A_168 : memref<1x2x80xi32, #tpu.memory_space<hbm>>) dst(%arg7 : memref<1x2x80xi32, #tpu.memory_space<vmem>>)
      %run_scoped3A_169 = arith.constant 0 : i32
      %run_scoped3A_170 = arith.constant 1 : i32
      "tpu.region"() ({
        %run_scoped3A_171 = tpu.sem_alloc : memref<!tpu.dma_semaphore, #tpu.memory_space<semaphore_mem>>
        %dma_start3A_172 = arith.constant 0 : i32
        %dma_start3A_173 = tpu.memref_slice %arg7[%run_scoped3A_169, %run_scoped3A_170, %dma_start3A_172] : memref<1x2x80xi32, #tpu.memory_space<vmem>> -> memref<1x1x80xi32, #tpu.memory_space<vmem>>
        %dma_start3A_174 = tpu.memref_squeeze %dma_start3A_173 : memref<1x1x80xi32, #tpu.memory_space<vmem>> -> memref<80xi32, #tpu.memory_space<vmem>>
        %dma_start3A_175 = arith.constant 0 : i32
        %dma_start3A_176 = arith.constant 0 : i32
        %dma_start3A_177 = tpu.memref_slice %arg9[%dma_start3A_175, %dma_start3A_176] : memref<10240x128xf32, #tpu.memory_space<vmem_shared>> -> memref<10240x128xf32, #tpu.memory_space<vmem_shared>>
        tpu.enqueue_indirect_dma source(%arg8 : memref<80x128xf32, #tpu.memory_space<vmem>>) target(%dma_start3A_177 : memref<10240x128xf32, #tpu.memory_space<vmem_shared>>) offsets(%dma_start3A_174 : memref<80xi32, #tpu.memory_space<vmem>>) semaphore(%run_scoped3A_171 : memref<!tpu.dma_semaphore, #tpu.memory_space<semaphore_mem>>) {add = true}
        %dma_wait3A_178 = arith.constant 0 : i32
        %dma_wait3A_179 = tpu.memref_slice %arg7[%run_scoped3A_169, %run_scoped3A_170, %dma_wait3A_178] : memref<1x2x80xi32, #tpu.memory_space<vmem>> -> memref<1x1x80xi32, #tpu.memory_space<vmem>>
        %dma_wait3A_180 = tpu.memref_squeeze %dma_wait3A_179 : memref<1x1x80xi32, #tpu.memory_space<vmem>> -> memref<80xi32, #tpu.memory_space<vmem>>
        %dma_wait3A_181 = arith.constant 0 : i32
        %dma_wait3A_182 = arith.constant 0 : i32
        %dma_wait3A_183 = tpu.memref_slice %arg9[%dma_wait3A_181, %dma_wait3A_182] : memref<10240x128xf32, #tpu.memory_space<vmem_shared>> -> memref<10240x128xf32, #tpu.memory_space<vmem_shared>>
        tpu.wait_indirect_dma semaphore(%run_scoped3A_171 : memref<!tpu.dma_semaphore, #tpu.memory_space<semaphore_mem>>) src(%arg8 : memref<80x128xf32, #tpu.memory_space<vmem>>) dst(%dma_wait3A_183 : memref<10240x128xf32, #tpu.memory_space<vmem_shared>>)
        tpu.yield
      }) : () -> ()
    }
    %scan3A_59 = arith.constant 62 : i32
    %dma_wait3A = arith.constant 0 : i32
    %dma_wait3A_60 = arith.constant 0 : i32
    %dma_wait3A_61 = tpu.memref_slice %arg2[%select_n3A, %dma_wait3A, %dma_wait3A_60] : memref<4000x2x80xi32, #tpu.memory_space<hbm>> -> memref<1x2x80xi32, #tpu.memory_space<hbm>>
    %dma_wait3A_62 = arith.constant 0 : i32
    %dma_wait3A_63 = arith.constant 0 : i32
    %dma_wait3A_64 = tpu.memref_slice %arg2[%select_n3A, %dma_wait3A_62, %dma_wait3A_63] : memref<4000x2x80xi32, #tpu.memory_space<hbm>> -> memref<1x2x80xi32, #tpu.memory_space<hbm>>
    tpu.wait_dma2 semaphore(%arg10 : memref<!tpu.dma_semaphore, #tpu.memory_space<semaphore_mem>>) src(%dma_wait3A_64 : memref<1x2x80xi32, #tpu.memory_space<hbm>>) dst(%arg6 : memref<1x2x80xi32, #tpu.memory_space<vmem>>)
    %run_scoped3A = arith.constant 0 : i32
    %run_scoped3A_65 = arith.constant 1 : i32
    "tpu.region"() ({
      %run_scoped3A_131 = tpu.sem_alloc : memref<!tpu.dma_semaphore, #tpu.memory_space<semaphore_mem>>
      %dma_start3A_132 = arith.constant 0 : i32
      %dma_start3A_133 = tpu.memref_slice %arg6[%run_scoped3A, %run_scoped3A_65, %dma_start3A_132] : memref<1x2x80xi32, #tpu.memory_space<vmem>> -> memref<1x1x80xi32, #tpu.memory_space<vmem>>
      %dma_start3A_134 = tpu.memref_squeeze %dma_start3A_133 : memref<1x1x80xi32, #tpu.memory_space<vmem>> -> memref<80xi32, #tpu.memory_space<vmem>>
      %dma_start3A_135 = arith.constant 0 : i32
      %dma_start3A_136 = arith.constant 0 : i32
      %dma_start3A_137 = tpu.memref_slice %arg9[%dma_start3A_135, %dma_start3A_136] : memref<10240x128xf32, #tpu.memory_space<vmem_shared>> -> memref<10240x128xf32, #tpu.memory_space<vmem_shared>>
      tpu.enqueue_indirect_dma source(%arg8 : memref<80x128xf32, #tpu.memory_space<vmem>>) target(%dma_start3A_137 : memref<10240x128xf32, #tpu.memory_space<vmem_shared>>) offsets(%dma_start3A_134 : memref<80xi32, #tpu.memory_space<vmem>>) semaphore(%run_scoped3A_131 : memref<!tpu.dma_semaphore, #tpu.memory_space<semaphore_mem>>) {add = true}
      %dma_wait3A_138 = arith.constant 0 : i32
      %dma_wait3A_139 = tpu.memref_slice %arg6[%run_scoped3A, %run_scoped3A_65, %dma_wait3A_138] : memref<1x2x80xi32, #tpu.memory_space<vmem>> -> memref<1x1x80xi32, #tpu.memory_space<vmem>>
      %dma_wait3A_140 = tpu.memref_squeeze %dma_wait3A_139 : memref<1x1x80xi32, #tpu.memory_space<vmem>> -> memref<80xi32, #tpu.memory_space<vmem>>
      %dma_wait3A_141 = arith.constant 0 : i32
      %dma_wait3A_142 = arith.constant 0 : i32
      %dma_wait3A_143 = tpu.memref_slice %arg9[%dma_wait3A_141, %dma_wait3A_142] : memref<10240x128xf32, #tpu.memory_space<vmem_shared>> -> memref<10240x128xf32, #tpu.memory_space<vmem_shared>>
      tpu.wait_indirect_dma semaphore(%run_scoped3A_131 : memref<!tpu.dma_semaphore, #tpu.memory_space<semaphore_mem>>) src(%arg8 : memref<80x128xf32, #tpu.memory_space<vmem>>) dst(%dma_wait3A_143 : memref<10240x128xf32, #tpu.memory_space<vmem_shared>>)
      tpu.yield
    }) : () -> ()
    %barrier3A_66 = arith.constant 0 : index
    tpu.barrier barrier_id(%barrier3A_66)
    %mul3A_67 = arith.constant 640 : i32
    %mul3A_68 = arith.muli %arg1, %mul3A_67 : i32
    %add3A_69 = arith.constant 0 : i32
    %add3A_70 = arith.addi %mul3A_68, %add3A_69 : i32
    "tpu.region"() ({
      %run_scoped3A_131 = tpu.sem_alloc : memref<!tpu.dma_semaphore, #tpu.memory_space<semaphore_mem>>
      %dma_start3A_132 = arith.constant 0 : i32
      %dma_start3A_133 = tpu.memref_slice %arg9[%add3A_70, %dma_start3A_132] : memref<10240x128xf32, #tpu.memory_space<vmem_shared>> -> memref<80x128xf32, #tpu.memory_space<vmem_shared>>
      %dma_start3A_134 = arith.constant 0 : i32
      %dma_start3A_135 = tpu.memref_slice %arg9[%add3A_70, %dma_start3A_134] : memref<10240x128xf32, #tpu.memory_space<vmem_shared>> -> memref<80x128xf32, #tpu.memory_space<vmem_shared>>
      tpu.enqueue_dma source(%dma_start3A_135 : memref<80x128xf32, #tpu.memory_space<vmem_shared>>) target(%arg8 : memref<80x128xf32, #tpu.memory_space<vmem>>) target_semaphore(%run_scoped3A_131 : memref<!tpu.dma_semaphore, #tpu.memory_space<semaphore_mem>>)
      %dma_wait3A_136 = arith.constant 0 : i32
      %dma_wait3A_137 = tpu.memref_slice %arg9[%add3A_70, %dma_wait3A_136] : memref<10240x128xf32, #tpu.memory_space<vmem_shared>> -> memref<80x128xf32, #tpu.memory_space<vmem_shared>>
      %dma_wait3A_138 = arith.constant 0 : i32
      %dma_wait3A_139 = tpu.memref_slice %arg9[%add3A_70, %dma_wait3A_138] : memref<10240x128xf32, #tpu.memory_space<vmem_shared>> -> memref<80x128xf32, #tpu.memory_space<vmem_shared>>
      tpu.wait_dma2 semaphore(%run_scoped3A_131 : memref<!tpu.dma_semaphore, #tpu.memory_space<semaphore_mem>>) src(%dma_wait3A_139 : memref<80x128xf32, #tpu.memory_space<vmem_shared>>) dst(%arg8 : memref<80x128xf32, #tpu.memory_space<vmem>>)
      tpu.yield
    }) : () -> ()
    %mul3A_71 = arith.constant 640 : i32
    %mul3A_72 = arith.muli %arg1, %mul3A_71 : i32
    %add3A_73 = arith.constant 0 : i32
    %add3A_74 = arith.addi %mul3A_72, %add3A_73 : i32
    "tpu.region"() ({
      %run_scoped3A_131 = tpu.sem_alloc : memref<!tpu.dma_semaphore, #tpu.memory_space<semaphore_mem>>
      %dma_start3A_132 = arith.constant 0 : i32
      %dma_start3A_133 = tpu.memref_slice %arg5[%arg0, %add3A_74, %dma_start3A_132] : memref<2x10240x128xf32, #tpu.memory_space<hbm>> -> memref<1x80x128xf32, #tpu.memory_space<hbm>>
      %dma_start3A_134 = tpu.memref_squeeze %dma_start3A_133 : memref<1x80x128xf32, #tpu.memory_space<hbm>> -> memref<80x128xf32, #tpu.memory_space<hbm>>
      %dma_start3A_135 = arith.constant 0 : i32
      %dma_start3A_136 = tpu.memref_slice %arg5[%arg0, %add3A_74, %dma_start3A_135] : memref<2x10240x128xf32, #tpu.memory_space<hbm>> -> memref<1x80x128xf32, #tpu.memory_space<hbm>>
      %dma_start3A_137 = tpu.memref_squeeze %dma_start3A_136 : memref<1x80x128xf32, #tpu.memory_space<hbm>> -> memref<80x128xf32, #tpu.memory_space<hbm>>
      tpu.enqueue_dma source(%arg8 : memref<80x128xf32, #tpu.memory_space<vmem>>) target(%dma_start3A_137 : memref<80x128xf32, #tpu.memory_space<hbm>>) target_semaphore(%run_scoped3A_131 : memref<!tpu.dma_semaphore, #tpu.memory_space<semaphore_mem>>)
      %dma_wait3A_138 = arith.constant 0 : i32
      %dma_wait3A_139 = tpu.memref_slice %arg5[%arg0, %add3A_74, %dma_wait3A_138] : memref<2x10240x128xf32, #tpu.memory_space<hbm>> -> memref<1x80x128xf32, #tpu.memory_space<hbm>>
      %dma_wait3A_140 = tpu.memref_squeeze %dma_wait3A_139 : memref<1x80x128xf32, #tpu.memory_space<hbm>> -> memref<80x128xf32, #tpu.memory_space<hbm>>
      %dma_wait3A_141 = arith.constant 0 : i32
      %dma_wait3A_142 = tpu.memref_slice %arg5[%arg0, %add3A_74, %dma_wait3A_141] : memref<2x10240x128xf32, #tpu.memory_space<hbm>> -> memref<1x80x128xf32, #tpu.memory_space<hbm>>
      %dma_wait3A_143 = tpu.memref_squeeze %dma_wait3A_142 : memref<1x80x128xf32, #tpu.memory_space<hbm>> -> memref<80x128xf32, #tpu.memory_space<hbm>>
      tpu.wait_dma2 semaphore(%run_scoped3A_131 : memref<!tpu.dma_semaphore, #tpu.memory_space<semaphore_mem>>) src(%arg8 : memref<80x128xf32, #tpu.memory_space<vmem>>) dst(%dma_wait3A_143 : memref<80x128xf32, #tpu.memory_space<hbm>>)
      tpu.yield
    }) : () -> ()
    %mul3A_75 = arith.constant 640 : i32
    %mul3A_76 = arith.muli %arg1, %mul3A_75 : i32
    %add3A_77 = arith.constant 80 : i32
    %add3A_78 = arith.addi %mul3A_76, %add3A_77 : i32
    "tpu.region"() ({
      %run_scoped3A_131 = tpu.sem_alloc : memref<!tpu.dma_semaphore, #tpu.memory_space<semaphore_mem>>
      %dma_start3A_132 = arith.constant 0 : i32
      %dma_start3A_133 = tpu.memref_slice %arg9[%add3A_78, %dma_start3A_132] : memref<10240x128xf32, #tpu.memory_space<vmem_shared>> -> memref<80x128xf32, #tpu.memory_space<vmem_shared>>
      %dma_start3A_134 = arith.constant 0 : i32
      %dma_start3A_135 = tpu.memref_slice %arg9[%add3A_78, %dma_start3A_134] : memref<10240x128xf32, #tpu.memory_space<vmem_shared>> -> memref<80x128xf32, #tpu.memory_space<vmem_shared>>
      tpu.enqueue_dma source(%dma_start3A_135 : memref<80x128xf32, #tpu.memory_space<vmem_shared>>) target(%arg8 : memref<80x128xf32, #tpu.memory_space<vmem>>) target_semaphore(%run_scoped3A_131 : memref<!tpu.dma_semaphore, #tpu.memory_space<semaphore_mem>>)
      %dma_wait3A_136 = arith.constant 0 : i32
      %dma_wait3A_137 = tpu.memref_slice %arg9[%add3A_78, %dma_wait3A_136] : memref<10240x128xf32, #tpu.memory_space<vmem_shared>> -> memref<80x128xf32, #tpu.memory_space<vmem_shared>>
      %dma_wait3A_138 = arith.constant 0 : i32
      %dma_wait3A_139 = tpu.memref_slice %arg9[%add3A_78, %dma_wait3A_138] : memref<10240x128xf32, #tpu.memory_space<vmem_shared>> -> memref<80x128xf32, #tpu.memory_space<vmem_shared>>
      tpu.wait_dma2 semaphore(%run_scoped3A_131 : memref<!tpu.dma_semaphore, #tpu.memory_space<semaphore_mem>>) src(%dma_wait3A_139 : memref<80x128xf32, #tpu.memory_space<vmem_shared>>) dst(%arg8 : memref<80x128xf32, #tpu.memory_space<vmem>>)
      tpu.yield
    }) : () -> ()
    %mul3A_79 = arith.constant 640 : i32
    %mul3A_80 = arith.muli %arg1, %mul3A_79 : i32
    %add3A_81 = arith.constant 80 : i32
    %add3A_82 = arith.addi %mul3A_80, %add3A_81 : i32
    "tpu.region"() ({
      %run_scoped3A_131 = tpu.sem_alloc : memref<!tpu.dma_semaphore, #tpu.memory_space<semaphore_mem>>
      %dma_start3A_132 = arith.constant 0 : i32
      %dma_start3A_133 = tpu.memref_slice %arg5[%arg0, %add3A_82, %dma_start3A_132] : memref<2x10240x128xf32, #tpu.memory_space<hbm>> -> memref<1x80x128xf32, #tpu.memory_space<hbm>>
      %dma_start3A_134 = tpu.memref_squeeze %dma_start3A_133 : memref<1x80x128xf32, #tpu.memory_space<hbm>> -> memref<80x128xf32, #tpu.memory_space<hbm>>
      %dma_start3A_135 = arith.constant 0 : i32
      %dma_start3A_136 = tpu.memref_slice %arg5[%arg0, %add3A_82, %dma_start3A_135] : memref<2x10240x128xf32, #tpu.memory_space<hbm>> -> memref<1x80x128xf32, #tpu.memory_space<hbm>>
      %dma_start3A_137 = tpu.memref_squeeze %dma_start3A_136 : memref<1x80x128xf32, #tpu.memory_space<hbm>> -> memref<80x128xf32, #tpu.memory_space<hbm>>
      tpu.enqueue_dma source(%arg8 : memref<80x128xf32, #tpu.memory_space<vmem>>) target(%dma_start3A_137 : memref<80x128xf32, #tpu.memory_space<hbm>>) target_semaphore(%run_scoped3A_131 : memref<!tpu.dma_semaphore, #tpu.memory_space<semaphore_mem>>)
      %dma_wait3A_138 = arith.constant 0 : i32
      %dma_wait3A_139 = tpu.memref_slice %arg5[%arg0, %add3A_82, %dma_wait3A_138] : memref<2x10240x128xf32, #tpu.memory_space<hbm>> -> memref<1x80x128xf32, #tpu.memory_space<hbm>>
      %dma_wait3A_140 = tpu.memref_squeeze %dma_wait3A_139 : memref<1x80x128xf32, #tpu.memory_space<hbm>> -> memref<80x128xf32, #tpu.memory_space<hbm>>
      %dma_wait3A_141 = arith.constant 0 : i32
      %dma_wait3A_142 = tpu.memref_slice %arg5[%arg0, %add3A_82, %dma_wait3A_141] : memref<2x10240x128xf32, #tpu.memory_space<hbm>> -> memref<1x80x128xf32, #tpu.memory_space<hbm>>
      %dma_wait3A_143 = tpu.memref_squeeze %dma_wait3A_142 : memref<1x80x128xf32, #tpu.memory_space<hbm>> -> memref<80x128xf32, #tpu.memory_space<hbm>>
      tpu.wait_dma2 semaphore(%run_scoped3A_131 : memref<!tpu.dma_semaphore, #tpu.memory_space<semaphore_mem>>) src(%arg8 : memref<80x128xf32, #tpu.memory_space<vmem>>) dst(%dma_wait3A_143 : memref<80x128xf32, #tpu.memory_space<hbm>>)
      tpu.yield
    }) : () -> ()
    %mul3A_83 = arith.constant 640 : i32
    %mul3A_84 = arith.muli %arg1, %mul3A_83 : i32
    %add3A_85 = arith.constant 160 : i32
    %add3A_86 = arith.addi %mul3A_84, %add3A_85 : i32
    "tpu.region"() ({
      %run_scoped3A_131 = tpu.sem_alloc : memref<!tpu.dma_semaphore, #tpu.memory_space<semaphore_mem>>
      %dma_start3A_132 = arith.constant 0 : i32
      %dma_start3A_133 = tpu.memref_slice %arg9[%add3A_86, %dma_start3A_132] : memref<10240x128xf32, #tpu.memory_space<vmem_shared>> -> memref<80x128xf32, #tpu.memory_space<vmem_shared>>
      %dma_start3A_134 = arith.constant 0 : i32
      %dma_start3A_135 = tpu.memref_slice %arg9[%add3A_86, %dma_start3A_134] : memref<10240x128xf32, #tpu.memory_space<vmem_shared>> -> memref<80x128xf32, #tpu.memory_space<vmem_shared>>
      tpu.enqueue_dma source(%dma_start3A_135 : memref<80x128xf32, #tpu.memory_space<vmem_shared>>) target(%arg8 : memref<80x128xf32, #tpu.memory_space<vmem>>) target_semaphore(%run_scoped3A_131 : memref<!tpu.dma_semaphore, #tpu.memory_space<semaphore_mem>>)
      %dma_wait3A_136 = arith.constant 0 : i32
      %dma_wait3A_137 = tpu.memref_slice %arg9[%add3A_86, %dma_wait3A_136] : memref<10240x128xf32, #tpu.memory_space<vmem_shared>> -> memref<80x128xf32, #tpu.memory_space<vmem_shared>>
      %dma_wait3A_138 = arith.constant 0 : i32
      %dma_wait3A_139 = tpu.memref_slice %arg9[%add3A_86, %dma_wait3A_138] : memref<10240x128xf32, #tpu.memory_space<vmem_shared>> -> memref<80x128xf32, #tpu.memory_space<vmem_shared>>
      tpu.wait_dma2 semaphore(%run_scoped3A_131 : memref<!tpu.dma_semaphore, #tpu.memory_space<semaphore_mem>>) src(%dma_wait3A_139 : memref<80x128xf32, #tpu.memory_space<vmem_shared>>) dst(%arg8 : memref<80x128xf32, #tpu.memory_space<vmem>>)
      tpu.yield
    }) : () -> ()
    %mul3A_87 = arith.constant 640 : i32
    %mul3A_88 = arith.muli %arg1, %mul3A_87 : i32
    %add3A_89 = arith.constant 160 : i32
    %add3A_90 = arith.addi %mul3A_88, %add3A_89 : i32
    "tpu.region"() ({
      %run_scoped3A_131 = tpu.sem_alloc : memref<!tpu.dma_semaphore, #tpu.memory_space<semaphore_mem>>
      %dma_start3A_132 = arith.constant 0 : i32
      %dma_start3A_133 = tpu.memref_slice %arg5[%arg0, %add3A_90, %dma_start3A_132] : memref<2x10240x128xf32, #tpu.memory_space<hbm>> -> memref<1x80x128xf32, #tpu.memory_space<hbm>>
      %dma_start3A_134 = tpu.memref_squeeze %dma_start3A_133 : memref<1x80x128xf32, #tpu.memory_space<hbm>> -> memref<80x128xf32, #tpu.memory_space<hbm>>
      %dma_start3A_135 = arith.constant 0 : i32
      %dma_start3A_136 = tpu.memref_slice %arg5[%arg0, %add3A_90, %dma_start3A_135] : memref<2x10240x128xf32, #tpu.memory_space<hbm>> -> memref<1x80x128xf32, #tpu.memory_space<hbm>>
      %dma_start3A_137 = tpu.memref_squeeze %dma_start3A_136 : memref<1x80x128xf32, #tpu.memory_space<hbm>> -> memref<80x128xf32, #tpu.memory_space<hbm>>
      tpu.enqueue_dma source(%arg8 : memref<80x128xf32, #tpu.memory_space<vmem>>) target(%dma_start3A_137 : memref<80x128xf32, #tpu.memory_space<hbm>>) target_semaphore(%run_scoped3A_131 : memref<!tpu.dma_semaphore, #tpu.memory_space<semaphore_mem>>)
      %dma_wait3A_138 = arith.constant 0 : i32
      %dma_wait3A_139 = tpu.memref_slice %arg5[%arg0, %add3A_90, %dma_wait3A_138] : memref<2x10240x128xf32, #tpu.memory_space<hbm>> -> memref<1x80x128xf32, #tpu.memory_space<hbm>>
      %dma_wait3A_140 = tpu.memref_squeeze %dma_wait3A_139 : memref<1x80x128xf32, #tpu.memory_space<hbm>> -> memref<80x128xf32, #tpu.memory_space<hbm>>
      %dma_wait3A_141 = arith.constant 0 : i32
      %dma_wait3A_142 = tpu.memref_slice %arg5[%arg0, %add3A_90, %dma_wait3A_141] : memref<2x10240x128xf32, #tpu.memory_space<hbm>> -> memref<1x80x128xf32, #tpu.memory_space<hbm>>
      %dma_wait3A_143 = tpu.memref_squeeze %dma_wait3A_142 : memref<1x80x128xf32, #tpu.memory_space<hbm>> -> memref<80x128xf32, #tpu.memory_space<hbm>>
      tpu.wait_dma2 semaphore(%run_scoped3A_131 : memref<!tpu.dma_semaphore, #tpu.memory_space<semaphore_mem>>) src(%arg8 : memref<80x128xf32, #tpu.memory_space<vmem>>) dst(%dma_wait3A_143 : memref<80x128xf32, #tpu.memory_space<hbm>>)
      tpu.yield
    }) : () -> ()
    %mul3A_91 = arith.constant 640 : i32
    %mul3A_92 = arith.muli %arg1, %mul3A_91 : i32
    %add3A_93 = arith.constant 240 : i32
    %add3A_94 = arith.addi %mul3A_92, %add3A_93 : i32
    "tpu.region"() ({
      %run_scoped3A_131 = tpu.sem_alloc : memref<!tpu.dma_semaphore, #tpu.memory_space<semaphore_mem>>
      %dma_start3A_132 = arith.constant 0 : i32
      %dma_start3A_133 = tpu.memref_slice %arg9[%add3A_94, %dma_start3A_132] : memref<10240x128xf32, #tpu.memory_space<vmem_shared>> -> memref<80x128xf32, #tpu.memory_space<vmem_shared>>
      %dma_start3A_134 = arith.constant 0 : i32
      %dma_start3A_135 = tpu.memref_slice %arg9[%add3A_94, %dma_start3A_134] : memref<10240x128xf32, #tpu.memory_space<vmem_shared>> -> memref<80x128xf32, #tpu.memory_space<vmem_shared>>
      tpu.enqueue_dma source(%dma_start3A_135 : memref<80x128xf32, #tpu.memory_space<vmem_shared>>) target(%arg8 : memref<80x128xf32, #tpu.memory_space<vmem>>) target_semaphore(%run_scoped3A_131 : memref<!tpu.dma_semaphore, #tpu.memory_space<semaphore_mem>>)
      %dma_wait3A_136 = arith.constant 0 : i32
      %dma_wait3A_137 = tpu.memref_slice %arg9[%add3A_94, %dma_wait3A_136] : memref<10240x128xf32, #tpu.memory_space<vmem_shared>> -> memref<80x128xf32, #tpu.memory_space<vmem_shared>>
      %dma_wait3A_138 = arith.constant 0 : i32
      %dma_wait3A_139 = tpu.memref_slice %arg9[%add3A_94, %dma_wait3A_138] : memref<10240x128xf32, #tpu.memory_space<vmem_shared>> -> memref<80x128xf32, #tpu.memory_space<vmem_shared>>
      tpu.wait_dma2 semaphore(%run_scoped3A_131 : memref<!tpu.dma_semaphore, #tpu.memory_space<semaphore_mem>>) src(%dma_wait3A_139 : memref<80x128xf32, #tpu.memory_space<vmem_shared>>) dst(%arg8 : memref<80x128xf32, #tpu.memory_space<vmem>>)
      tpu.yield
    }) : () -> ()
    %mul3A_95 = arith.constant 640 : i32
    %mul3A_96 = arith.muli %arg1, %mul3A_95 : i32
    %add3A_97 = arith.constant 240 : i32
    %add3A_98 = arith.addi %mul3A_96, %add3A_97 : i32
    "tpu.region"() ({
      %run_scoped3A_131 = tpu.sem_alloc : memref<!tpu.dma_semaphore, #tpu.memory_space<semaphore_mem>>
      %dma_start3A_132 = arith.constant 0 : i32
      %dma_start3A_133 = tpu.memref_slice %arg5[%arg0, %add3A_98, %dma_start3A_132] : memref<2x10240x128xf32, #tpu.memory_space<hbm>> -> memref<1x80x128xf32, #tpu.memory_space<hbm>>
      %dma_start3A_134 = tpu.memref_squeeze %dma_start3A_133 : memref<1x80x128xf32, #tpu.memory_space<hbm>> -> memref<80x128xf32, #tpu.memory_space<hbm>>
      %dma_start3A_135 = arith.constant 0 : i32
      %dma_start3A_136 = tpu.memref_slice %arg5[%arg0, %add3A_98, %dma_start3A_135] : memref<2x10240x128xf32, #tpu.memory_space<hbm>> -> memref<1x80x128xf32, #tpu.memory_space<hbm>>
      %dma_start3A_137 = tpu.memref_squeeze %dma_start3A_136 : memref<1x80x128xf32, #tpu.memory_space<hbm>> -> memref<80x128xf32, #tpu.memory_space<hbm>>
      tpu.enqueue_dma source(%arg8 : memref<80x128xf32, #tpu.memory_space<vmem>>) target(%dma_start3A_137 : memref<80x128xf32, #tpu.memory_space<hbm>>) target_semaphore(%run_scoped3A_131 : memref<!tpu.dma_semaphore, #tpu.memory_space<semaphore_mem>>)
      %dma_wait3A_138 = arith.constant 0 : i32
      %dma_wait3A_139 = tpu.memref_slice %arg5[%arg0, %add3A_98, %dma_wait3A_138] : memref<2x10240x128xf32, #tpu.memory_space<hbm>> -> memref<1x80x128xf32, #tpu.memory_space<hbm>>
      %dma_wait3A_140 = tpu.memref_squeeze %dma_wait3A_139 : memref<1x80x128xf32, #tpu.memory_space<hbm>> -> memref<80x128xf32, #tpu.memory_space<hbm>>
      %dma_wait3A_141 = arith.constant 0 : i32
      %dma_wait3A_142 = tpu.memref_slice %arg5[%arg0, %add3A_98, %dma_wait3A_141] : memref<2x10240x128xf32, #tpu.memory_space<hbm>> -> memref<1x80x128xf32, #tpu.memory_space<hbm>>
      %dma_wait3A_143 = tpu.memref_squeeze %dma_wait3A_142 : memref<1x80x128xf32, #tpu.memory_space<hbm>> -> memref<80x128xf32, #tpu.memory_space<hbm>>
      tpu.wait_dma2 semaphore(%run_scoped3A_131 : memref<!tpu.dma_semaphore, #tpu.memory_space<semaphore_mem>>) src(%arg8 : memref<80x128xf32, #tpu.memory_space<vmem>>) dst(%dma_wait3A_143 : memref<80x128xf32, #tpu.memory_space<hbm>>)
      tpu.yield
    }) : () -> ()
    %mul3A_99 = arith.constant 640 : i32
    %mul3A_100 = arith.muli %arg1, %mul3A_99 : i32
    %add3A_101 = arith.constant 320 : i32
    %add3A_102 = arith.addi %mul3A_100, %add3A_101 : i32
    "tpu.region"() ({
      %run_scoped3A_131 = tpu.sem_alloc : memref<!tpu.dma_semaphore, #tpu.memory_space<semaphore_mem>>
      %dma_start3A_132 = arith.constant 0 : i32
      %dma_start3A_133 = tpu.memref_slice %arg9[%add3A_102, %dma_start3A_132] : memref<10240x128xf32, #tpu.memory_space<vmem_shared>> -> memref<80x128xf32, #tpu.memory_space<vmem_shared>>
      %dma_start3A_134 = arith.constant 0 : i32
      %dma_start3A_135 = tpu.memref_slice %arg9[%add3A_102, %dma_start3A_134] : memref<10240x128xf32, #tpu.memory_space<vmem_shared>> -> memref<80x128xf32, #tpu.memory_space<vmem_shared>>
      tpu.enqueue_dma source(%dma_start3A_135 : memref<80x128xf32, #tpu.memory_space<vmem_shared>>) target(%arg8 : memref<80x128xf32, #tpu.memory_space<vmem>>) target_semaphore(%run_scoped3A_131 : memref<!tpu.dma_semaphore, #tpu.memory_space<semaphore_mem>>)
      %dma_wait3A_136 = arith.constant 0 : i32
      %dma_wait3A_137 = tpu.memref_slice %arg9[%add3A_102, %dma_wait3A_136] : memref<10240x128xf32, #tpu.memory_space<vmem_shared>> -> memref<80x128xf32, #tpu.memory_space<vmem_shared>>
      %dma_wait3A_138 = arith.constant 0 : i32
      %dma_wait3A_139 = tpu.memref_slice %arg9[%add3A_102, %dma_wait3A_138] : memref<10240x128xf32, #tpu.memory_space<vmem_shared>> -> memref<80x128xf32, #tpu.memory_space<vmem_shared>>
      tpu.wait_dma2 semaphore(%run_scoped3A_131 : memref<!tpu.dma_semaphore, #tpu.memory_space<semaphore_mem>>) src(%dma_wait3A_139 : memref<80x128xf32, #tpu.memory_space<vmem_shared>>) dst(%arg8 : memref<80x128xf32, #tpu.memory_space<vmem>>)
      tpu.yield
    }) : () -> ()
    %mul3A_103 = arith.constant 640 : i32
    %mul3A_104 = arith.muli %arg1, %mul3A_103 : i32
    %add3A_105 = arith.constant 320 : i32
    %add3A_106 = arith.addi %mul3A_104, %add3A_105 : i32
    "tpu.region"() ({
      %run_scoped3A_131 = tpu.sem_alloc : memref<!tpu.dma_semaphore, #tpu.memory_space<semaphore_mem>>
      %dma_start3A_132 = arith.constant 0 : i32
      %dma_start3A_133 = tpu.memref_slice %arg5[%arg0, %add3A_106, %dma_start3A_132] : memref<2x10240x128xf32, #tpu.memory_space<hbm>> -> memref<1x80x128xf32, #tpu.memory_space<hbm>>
      %dma_start3A_134 = tpu.memref_squeeze %dma_start3A_133 : memref<1x80x128xf32, #tpu.memory_space<hbm>> -> memref<80x128xf32, #tpu.memory_space<hbm>>
      %dma_start3A_135 = arith.constant 0 : i32
      %dma_start3A_136 = tpu.memref_slice %arg5[%arg0, %add3A_106, %dma_start3A_135] : memref<2x10240x128xf32, #tpu.memory_space<hbm>> -> memref<1x80x128xf32, #tpu.memory_space<hbm>>
      %dma_start3A_137 = tpu.memref_squeeze %dma_start3A_136 : memref<1x80x128xf32, #tpu.memory_space<hbm>> -> memref<80x128xf32, #tpu.memory_space<hbm>>
      tpu.enqueue_dma source(%arg8 : memref<80x128xf32, #tpu.memory_space<vmem>>) target(%dma_start3A_137 : memref<80x128xf32, #tpu.memory_space<hbm>>) target_semaphore(%run_scoped3A_131 : memref<!tpu.dma_semaphore, #tpu.memory_space<semaphore_mem>>)
      %dma_wait3A_138 = arith.constant 0 : i32
      %dma_wait3A_139 = tpu.memref_slice %arg5[%arg0, %add3A_106, %dma_wait3A_138] : memref<2x10240x128xf32, #tpu.memory_space<hbm>> -> memref<1x80x128xf32, #tpu.memory_space<hbm>>
      %dma_wait3A_140 = tpu.memref_squeeze %dma_wait3A_139 : memref<1x80x128xf32, #tpu.memory_space<hbm>> -> memref<80x128xf32, #tpu.memory_space<hbm>>
      %dma_wait3A_141 = arith.constant 0 : i32
      %dma_wait3A_142 = tpu.memref_slice %arg5[%arg0, %add3A_106, %dma_wait3A_141] : memref<2x10240x128xf32, #tpu.memory_space<hbm>> -> memref<1x80x128xf32, #tpu.memory_space<hbm>>
      %dma_wait3A_143 = tpu.memref_squeeze %dma_wait3A_142 : memref<1x80x128xf32, #tpu.memory_space<hbm>> -> memref<80x128xf32, #tpu.memory_space<hbm>>
      tpu.wait_dma2 semaphore(%run_scoped3A_131 : memref<!tpu.dma_semaphore, #tpu.memory_space<semaphore_mem>>) src(%arg8 : memref<80x128xf32, #tpu.memory_space<vmem>>) dst(%dma_wait3A_143 : memref<80x128xf32, #tpu.memory_space<hbm>>)
      tpu.yield
    }) : () -> ()
    %mul3A_107 = arith.constant 640 : i32
    %mul3A_108 = arith.muli %arg1, %mul3A_107 : i32
    %add3A_109 = arith.constant 400 : i32
    %add3A_110 = arith.addi %mul3A_108, %add3A_109 : i32
    "tpu.region"() ({
      %run_scoped3A_131 = tpu.sem_alloc : memref<!tpu.dma_semaphore, #tpu.memory_space<semaphore_mem>>
      %dma_start3A_132 = arith.constant 0 : i32
      %dma_start3A_133 = tpu.memref_slice %arg9[%add3A_110, %dma_start3A_132] : memref<10240x128xf32, #tpu.memory_space<vmem_shared>> -> memref<80x128xf32, #tpu.memory_space<vmem_shared>>
      %dma_start3A_134 = arith.constant 0 : i32
      %dma_start3A_135 = tpu.memref_slice %arg9[%add3A_110, %dma_start3A_134] : memref<10240x128xf32, #tpu.memory_space<vmem_shared>> -> memref<80x128xf32, #tpu.memory_space<vmem_shared>>
      tpu.enqueue_dma source(%dma_start3A_135 : memref<80x128xf32, #tpu.memory_space<vmem_shared>>) target(%arg8 : memref<80x128xf32, #tpu.memory_space<vmem>>) target_semaphore(%run_scoped3A_131 : memref<!tpu.dma_semaphore, #tpu.memory_space<semaphore_mem>>)
      %dma_wait3A_136 = arith.constant 0 : i32
      %dma_wait3A_137 = tpu.memref_slice %arg9[%add3A_110, %dma_wait3A_136] : memref<10240x128xf32, #tpu.memory_space<vmem_shared>> -> memref<80x128xf32, #tpu.memory_space<vmem_shared>>
      %dma_wait3A_138 = arith.constant 0 : i32
      %dma_wait3A_139 = tpu.memref_slice %arg9[%add3A_110, %dma_wait3A_138] : memref<10240x128xf32, #tpu.memory_space<vmem_shared>> -> memref<80x128xf32, #tpu.memory_space<vmem_shared>>
      tpu.wait_dma2 semaphore(%run_scoped3A_131 : memref<!tpu.dma_semaphore, #tpu.memory_space<semaphore_mem>>) src(%dma_wait3A_139 : memref<80x128xf32, #tpu.memory_space<vmem_shared>>) dst(%arg8 : memref<80x128xf32, #tpu.memory_space<vmem>>)
      tpu.yield
    }) : () -> ()
    %mul3A_111 = arith.constant 640 : i32
    %mul3A_112 = arith.muli %arg1, %mul3A_111 : i32
    %add3A_113 = arith.constant 400 : i32
    %add3A_114 = arith.addi %mul3A_112, %add3A_113 : i32
    "tpu.region"() ({
      %run_scoped3A_131 = tpu.sem_alloc : memref<!tpu.dma_semaphore, #tpu.memory_space<semaphore_mem>>
      %dma_start3A_132 = arith.constant 0 : i32
      %dma_start3A_133 = tpu.memref_slice %arg5[%arg0, %add3A_114, %dma_start3A_132] : memref<2x10240x128xf32, #tpu.memory_space<hbm>> -> memref<1x80x128xf32, #tpu.memory_space<hbm>>
      %dma_start3A_134 = tpu.memref_squeeze %dma_start3A_133 : memref<1x80x128xf32, #tpu.memory_space<hbm>> -> memref<80x128xf32, #tpu.memory_space<hbm>>
      %dma_start3A_135 = arith.constant 0 : i32
      %dma_start3A_136 = tpu.memref_slice %arg5[%arg0, %add3A_114, %dma_start3A_135] : memref<2x10240x128xf32, #tpu.memory_space<hbm>> -> memref<1x80x128xf32, #tpu.memory_space<hbm>>
      %dma_start3A_137 = tpu.memref_squeeze %dma_start3A_136 : memref<1x80x128xf32, #tpu.memory_space<hbm>> -> memref<80x128xf32, #tpu.memory_space<hbm>>
      tpu.enqueue_dma source(%arg8 : memref<80x128xf32, #tpu.memory_space<vmem>>) target(%dma_start3A_137 : memref<80x128xf32, #tpu.memory_space<hbm>>) target_semaphore(%run_scoped3A_131 : memref<!tpu.dma_semaphore, #tpu.memory_space<semaphore_mem>>)
      %dma_wait3A_138 = arith.constant 0 : i32
      %dma_wait3A_139 = tpu.memref_slice %arg5[%arg0, %add3A_114, %dma_wait3A_138] : memref<2x10240x128xf32, #tpu.memory_space<hbm>> -> memref<1x80x128xf32, #tpu.memory_space<hbm>>
      %dma_wait3A_140 = tpu.memref_squeeze %dma_wait3A_139 : memref<1x80x128xf32, #tpu.memory_space<hbm>> -> memref<80x128xf32, #tpu.memory_space<hbm>>
      %dma_wait3A_141 = arith.constant 0 : i32
      %dma_wait3A_142 = tpu.memref_slice %arg5[%arg0, %add3A_114, %dma_wait3A_141] : memref<2x10240x128xf32, #tpu.memory_space<hbm>> -> memref<1x80x128xf32, #tpu.memory_space<hbm>>
      %dma_wait3A_143 = tpu.memref_squeeze %dma_wait3A_142 : memref<1x80x128xf32, #tpu.memory_space<hbm>> -> memref<80x128xf32, #tpu.memory_space<hbm>>
      tpu.wait_dma2 semaphore(%run_scoped3A_131 : memref<!tpu.dma_semaphore, #tpu.memory_space<semaphore_mem>>) src(%arg8 : memref<80x128xf32, #tpu.memory_space<vmem>>) dst(%dma_wait3A_143 : memref<80x128xf32, #tpu.memory_space<hbm>>)
      tpu.yield
    }) : () -> ()
    %mul3A_115 = arith.constant 640 : i32
    %mul3A_116 = arith.muli %arg1, %mul3A_115 : i32
    %add3A_117 = arith.constant 480 : i32
    %add3A_118 = arith.addi %mul3A_116, %add3A_117 : i32
    "tpu.region"() ({
      %run_scoped3A_131 = tpu.sem_alloc : memref<!tpu.dma_semaphore, #tpu.memory_space<semaphore_mem>>
      %dma_start3A_132 = arith.constant 0 : i32
      %dma_start3A_133 = tpu.memref_slice %arg9[%add3A_118, %dma_start3A_132] : memref<10240x128xf32, #tpu.memory_space<vmem_shared>> -> memref<80x128xf32, #tpu.memory_space<vmem_shared>>
      %dma_start3A_134 = arith.constant 0 : i32
      %dma_start3A_135 = tpu.memref_slice %arg9[%add3A_118, %dma_start3A_134] : memref<10240x128xf32, #tpu.memory_space<vmem_shared>> -> memref<80x128xf32, #tpu.memory_space<vmem_shared>>
      tpu.enqueue_dma source(%dma_start3A_135 : memref<80x128xf32, #tpu.memory_space<vmem_shared>>) target(%arg8 : memref<80x128xf32, #tpu.memory_space<vmem>>) target_semaphore(%run_scoped3A_131 : memref<!tpu.dma_semaphore, #tpu.memory_space<semaphore_mem>>)
      %dma_wait3A_136 = arith.constant 0 : i32
      %dma_wait3A_137 = tpu.memref_slice %arg9[%add3A_118, %dma_wait3A_136] : memref<10240x128xf32, #tpu.memory_space<vmem_shared>> -> memref<80x128xf32, #tpu.memory_space<vmem_shared>>
      %dma_wait3A_138 = arith.constant 0 : i32
      %dma_wait3A_139 = tpu.memref_slice %arg9[%add3A_118, %dma_wait3A_138] : memref<10240x128xf32, #tpu.memory_space<vmem_shared>> -> memref<80x128xf32, #tpu.memory_space<vmem_shared>>
      tpu.wait_dma2 semaphore(%run_scoped3A_131 : memref<!tpu.dma_semaphore, #tpu.memory_space<semaphore_mem>>) src(%dma_wait3A_139 : memref<80x128xf32, #tpu.memory_space<vmem_shared>>) dst(%arg8 : memref<80x128xf32, #tpu.memory_space<vmem>>)
      tpu.yield
    }) : () -> ()
    %mul3A_119 = arith.constant 640 : i32
    %mul3A_120 = arith.muli %arg1, %mul3A_119 : i32
    %add3A_121 = arith.constant 480 : i32
    %add3A_122 = arith.addi %mul3A_120, %add3A_121 : i32
    "tpu.region"() ({
      %run_scoped3A_131 = tpu.sem_alloc : memref<!tpu.dma_semaphore, #tpu.memory_space<semaphore_mem>>
      %dma_start3A_132 = arith.constant 0 : i32
      %dma_start3A_133 = tpu.memref_slice %arg5[%arg0, %add3A_122, %dma_start3A_132] : memref<2x10240x128xf32, #tpu.memory_space<hbm>> -> memref<1x80x128xf32, #tpu.memory_space<hbm>>
      %dma_start3A_134 = tpu.memref_squeeze %dma_start3A_133 : memref<1x80x128xf32, #tpu.memory_space<hbm>> -> memref<80x128xf32, #tpu.memory_space<hbm>>
      %dma_start3A_135 = arith.constant 0 : i32
      %dma_start3A_136 = tpu.memref_slice %arg5[%arg0, %add3A_122, %dma_start3A_135] : memref<2x10240x128xf32, #tpu.memory_space<hbm>> -> memref<1x80x128xf32, #tpu.memory_space<hbm>>
      %dma_start3A_137 = tpu.memref_squeeze %dma_start3A_136 : memref<1x80x128xf32, #tpu.memory_space<hbm>> -> memref<80x128xf32, #tpu.memory_space<hbm>>
      tpu.enqueue_dma source(%arg8 : memref<80x128xf32, #tpu.memory_space<vmem>>) target(%dma_start3A_137 : memref<80x128xf32, #tpu.memory_space<hbm>>) target_semaphore(%run_scoped3A_131 : memref<!tpu.dma_semaphore, #tpu.memory_space<semaphore_mem>>)
      %dma_wait3A_138 = arith.constant 0 : i32
      %dma_wait3A_139 = tpu.memref_slice %arg5[%arg0, %add3A_122, %dma_wait3A_138] : memref<2x10240x128xf32, #tpu.memory_space<hbm>> -> memref<1x80x128xf32, #tpu.memory_space<hbm>>
      %dma_wait3A_140 = tpu.memref_squeeze %dma_wait3A_139 : memref<1x80x128xf32, #tpu.memory_space<hbm>> -> memref<80x128xf32, #tpu.memory_space<hbm>>
      %dma_wait3A_141 = arith.constant 0 : i32
      %dma_wait3A_142 = tpu.memref_slice %arg5[%arg0, %add3A_122, %dma_wait3A_141] : memref<2x10240x128xf32, #tpu.memory_space<hbm>> -> memref<1x80x128xf32, #tpu.memory_space<hbm>>
      %dma_wait3A_143 = tpu.memref_squeeze %dma_wait3A_142 : memref<1x80x128xf32, #tpu.memory_space<hbm>> -> memref<80x128xf32, #tpu.memory_space<hbm>>
      tpu.wait_dma2 semaphore(%run_scoped3A_131 : memref<!tpu.dma_semaphore, #tpu.memory_space<semaphore_mem>>) src(%arg8 : memref<80x128xf32, #tpu.memory_space<vmem>>) dst(%dma_wait3A_143 : memref<80x128xf32, #tpu.memory_space<hbm>>)
      tpu.yield
    }) : () -> ()
    %mul3A_123 = arith.constant 640 : i32
    %mul3A_124 = arith.muli %arg1, %mul3A_123 : i32
    %add3A_125 = arith.constant 560 : i32
    %add3A_126 = arith.addi %mul3A_124, %add3A_125 : i32
    "tpu.region"() ({
      %run_scoped3A_131 = tpu.sem_alloc : memref<!tpu.dma_semaphore, #tpu.memory_space<semaphore_mem>>
      %dma_start3A_132 = arith.constant 0 : i32
      %dma_start3A_133 = tpu.memref_slice %arg9[%add3A_126, %dma_start3A_132] : memref<10240x128xf32, #tpu.memory_space<vmem_shared>> -> memref<80x128xf32, #tpu.memory_space<vmem_shared>>
      %dma_start3A_134 = arith.constant 0 : i32
      %dma_start3A_135 = tpu.memref_slice %arg9[%add3A_126, %dma_start3A_134] : memref<10240x128xf32, #tpu.memory_space<vmem_shared>> -> memref<80x128xf32, #tpu.memory_space<vmem_shared>>
      tpu.enqueue_dma source(%dma_start3A_135 : memref<80x128xf32, #tpu.memory_space<vmem_shared>>) target(%arg8 : memref<80x128xf32, #tpu.memory_space<vmem>>) target_semaphore(%run_scoped3A_131 : memref<!tpu.dma_semaphore, #tpu.memory_space<semaphore_mem>>)
      %dma_wait3A_136 = arith.constant 0 : i32
      %dma_wait3A_137 = tpu.memref_slice %arg9[%add3A_126, %dma_wait3A_136] : memref<10240x128xf32, #tpu.memory_space<vmem_shared>> -> memref<80x128xf32, #tpu.memory_space<vmem_shared>>
      %dma_wait3A_138 = arith.constant 0 : i32
      %dma_wait3A_139 = tpu.memref_slice %arg9[%add3A_126, %dma_wait3A_138] : memref<10240x128xf32, #tpu.memory_space<vmem_shared>> -> memref<80x128xf32, #tpu.memory_space<vmem_shared>>
      tpu.wait_dma2 semaphore(%run_scoped3A_131 : memref<!tpu.dma_semaphore, #tpu.memory_space<semaphore_mem>>) src(%dma_wait3A_139 : memref<80x128xf32, #tpu.memory_space<vmem_shared>>) dst(%arg8 : memref<80x128xf32, #tpu.memory_space<vmem>>)
      tpu.yield
    }) : () -> ()
    %mul3A_127 = arith.constant 640 : i32
    %mul3A_128 = arith.muli %arg1, %mul3A_127 : i32
    %add3A_129 = arith.constant 560 : i32
    %add3A_130 = arith.addi %mul3A_128, %add3A_129 : i32
    "tpu.region"() ({
      %run_scoped3A_131 = tpu.sem_alloc : memref<!tpu.dma_semaphore, #tpu.memory_space<semaphore_mem>>
      %dma_start3A_132 = arith.constant 0 : i32
      %dma_start3A_133 = tpu.memref_slice %arg5[%arg0, %add3A_130, %dma_start3A_132] : memref<2x10240x128xf32, #tpu.memory_space<hbm>> -> memref<1x80x128xf32, #tpu.memory_space<hbm>>
      %dma_start3A_134 = tpu.memref_squeeze %dma_start3A_133 : memref<1x80x128xf32, #tpu.memory_space<hbm>> -> memref<80x128xf32, #tpu.memory_space<hbm>>
      %dma_start3A_135 = arith.constant 0 : i32
      %dma_start3A_136 = tpu.memref_slice %arg5[%arg0, %add3A_130, %dma_start3A_135] : memref<2x10240x128xf32, #tpu.memory_space<hbm>> -> memref<1x80x128xf32, #tpu.memory_space<hbm>>
      %dma_start3A_137 = tpu.memref_squeeze %dma_start3A_136 : memref<1x80x128xf32, #tpu.memory_space<hbm>> -> memref<80x128xf32, #tpu.memory_space<hbm>>
      tpu.enqueue_dma source(%arg8 : memref<80x128xf32, #tpu.memory_space<vmem>>) target(%dma_start3A_137 : memref<80x128xf32, #tpu.memory_space<hbm>>) target_semaphore(%run_scoped3A_131 : memref<!tpu.dma_semaphore, #tpu.memory_space<semaphore_mem>>)
      %dma_wait3A_138 = arith.constant 0 : i32
      %dma_wait3A_139 = tpu.memref_slice %arg5[%arg0, %add3A_130, %dma_wait3A_138] : memref<2x10240x128xf32, #tpu.memory_space<hbm>> -> memref<1x80x128xf32, #tpu.memory_space<hbm>>
      %dma_wait3A_140 = tpu.memref_squeeze %dma_wait3A_139 : memref<1x80x128xf32, #tpu.memory_space<hbm>> -> memref<80x128xf32, #tpu.memory_space<hbm>>
      %dma_wait3A_141 = arith.constant 0 : i32
      %dma_wait3A_142 = tpu.memref_slice %arg5[%arg0, %add3A_130, %dma_wait3A_141] : memref<2x10240x128xf32, #tpu.memory_space<hbm>> -> memref<1x80x128xf32, #tpu.memory_space<hbm>>
      %dma_wait3A_143 = tpu.memref_squeeze %dma_wait3A_142 : memref<1x80x128xf32, #tpu.memory_space<hbm>> -> memref<80x128xf32, #tpu.memory_space<hbm>>
      tpu.wait_dma2 semaphore(%run_scoped3A_131 : memref<!tpu.dma_semaphore, #tpu.memory_space<semaphore_mem>>) src(%arg8 : memref<80x128xf32, #tpu.memory_space<vmem>>) dst(%dma_wait3A_143 : memref<80x128xf32, #tpu.memory_space<hbm>>)
      tpu.yield
    }) : () -> ()
    return
  }
}

#map = affine_map<(d0, d1) -> (0, 0)>
#map1 = affine_map<(d0, d1) -> (0, 0, 0)>
module attributes {stable_mosaic.version = 14 : i64} {
  func.func @_sc_aggregate(%arg0: i32, %arg1: i32, %arg2: memref<10000x128xf32, #tpu.memory_space<hbm>>, %arg3: memref<4000x2x80xi32, #tpu.memory_space<hbm>>, %arg4: memref<80x128xf32, #tpu.memory_space<hbm>>, %arg5: memref<2x10240x128xf32, #tpu.memory_space<hbm>>, %arg6: memref<1x2x80xi32, #tpu.memory_space<vmem>>, %arg7: memref<1x2x80xi32, #tpu.memory_space<vmem>>, %arg8: memref<80x128xf32, #tpu.memory_space<vmem>>, %arg9: memref<80x128xf32, #tpu.memory_space<vmem>>, %arg10: memref<10240x128xf32, #tpu.memory_space<vmem_shared>>, %arg11: memref<!tpu.dma_semaphore, #tpu.memory_space<semaphore_mem>>, %arg12: memref<!tpu.dma_semaphore, #tpu.memory_space<semaphore_mem>>) attributes {dimension_semantics = [#tpu.dimension_semantics<core_parallel>, #tpu.dimension_semantics<subcore_parallel>], iteration_bounds = array<i64: 2, 16>, scalar_prefetch = 0 : i64, scratch_operands = 7 : i64, tpu.core_type = #tpu.core_type<sc_vector_subcore>, window_params = [{transform_indices = #map}, {transform_indices = #map1}, {transform_indices = #map}, {transform_indices = #map1}]} {
    "tpu.region"() ({
      %run_scoped3A_137 = tpu.sem_alloc : memref<!tpu.dma_semaphore, #tpu.memory_space<semaphore_mem>>
      tpu.enqueue_dma source(%arg4 : memref<80x128xf32, #tpu.memory_space<hbm>>) target(%arg8 : memref<80x128xf32, #tpu.memory_space<vmem>>) target_semaphore(%run_scoped3A_137 : memref<!tpu.dma_semaphore, #tpu.memory_space<semaphore_mem>>)
      tpu.wait_dma2 semaphore(%run_scoped3A_137 : memref<!tpu.dma_semaphore, #tpu.memory_space<semaphore_mem>>) src(%arg4 : memref<80x128xf32, #tpu.memory_space<hbm>>) dst(%arg8 : memref<80x128xf32, #tpu.memory_space<vmem>>)
      tpu.yield
    }) : () -> ()
    %mul3A = arith.constant 640 : i32
    %mul3A_0 = arith.muli %arg1, %mul3A : i32
    %add3A = arith.constant 0 : i32
    %add3A_1 = arith.addi %mul3A_0, %add3A : i32
    "tpu.region"() ({
      %run_scoped3A_137 = tpu.sem_alloc : memref<!tpu.dma_semaphore, #tpu.memory_space<semaphore_mem>>
      %dma_start3A_138 = arith.constant 0 : i32
      %dma_start3A_139 = tpu.memref_slice %arg10[%add3A_1, %dma_start3A_138] : memref<10240x128xf32, #tpu.memory_space<vmem_shared>> -> memref<80x128xf32, #tpu.memory_space<vmem_shared>>
      %dma_start3A_140 = arith.constant 0 : i32
      %dma_start3A_141 = tpu.memref_slice %arg10[%add3A_1, %dma_start3A_140] : memref<10240x128xf32, #tpu.memory_space<vmem_shared>> -> memref<80x128xf32, #tpu.memory_space<vmem_shared>>
      tpu.enqueue_dma source(%arg8 : memref<80x128xf32, #tpu.memory_space<vmem>>) target(%dma_start3A_141 : memref<80x128xf32, #tpu.memory_space<vmem_shared>>) target_semaphore(%run_scoped3A_137 : memref<!tpu.dma_semaphore, #tpu.memory_space<semaphore_mem>>)
      %dma_wait3A_142 = arith.constant 0 : i32
      %dma_wait3A_143 = tpu.memref_slice %arg10[%add3A_1, %dma_wait3A_142] : memref<10240x128xf32, #tpu.memory_space<vmem_shared>> -> memref<80x128xf32, #tpu.memory_space<vmem_shared>>
      %dma_wait3A_144 = arith.constant 0 : i32
      %dma_wait3A_145 = tpu.memref_slice %arg10[%add3A_1, %dma_wait3A_144] : memref<10240x128xf32, #tpu.memory_space<vmem_shared>> -> memref<80x128xf32, #tpu.memory_space<vmem_shared>>
      tpu.wait_dma2 semaphore(%run_scoped3A_137 : memref<!tpu.dma_semaphore, #tpu.memory_space<semaphore_mem>>) src(%arg8 : memref<80x128xf32, #tpu.memory_space<vmem>>) dst(%dma_wait3A_145 : memref<80x128xf32, #tpu.memory_space<vmem_shared>>)
      tpu.yield
    }) : () -> ()
    %mul3A_2 = arith.constant 640 : i32
    %mul3A_3 = arith.muli %arg1, %mul3A_2 : i32
    %add3A_4 = arith.constant 80 : i32
    %add3A_5 = arith.addi %mul3A_3, %add3A_4 : i32
    "tpu.region"() ({
      %run_scoped3A_137 = tpu.sem_alloc : memref<!tpu.dma_semaphore, #tpu.memory_space<semaphore_mem>>
      %dma_start3A_138 = arith.constant 0 : i32
      %dma_start3A_139 = tpu.memref_slice %arg10[%add3A_5, %dma_start3A_138] : memref<10240x128xf32, #tpu.memory_space<vmem_shared>> -> memref<80x128xf32, #tpu.memory_space<vmem_shared>>
      %dma_start3A_140 = arith.constant 0 : i32
      %dma_start3A_141 = tpu.memref_slice %arg10[%add3A_5, %dma_start3A_140] : memref<10240x128xf32, #tpu.memory_space<vmem_shared>> -> memref<80x128xf32, #tpu.memory_space<vmem_shared>>
      tpu.enqueue_dma source(%arg8 : memref<80x128xf32, #tpu.memory_space<vmem>>) target(%dma_start3A_141 : memref<80x128xf32, #tpu.memory_space<vmem_shared>>) target_semaphore(%run_scoped3A_137 : memref<!tpu.dma_semaphore, #tpu.memory_space<semaphore_mem>>)
      %dma_wait3A_142 = arith.constant 0 : i32
      %dma_wait3A_143 = tpu.memref_slice %arg10[%add3A_5, %dma_wait3A_142] : memref<10240x128xf32, #tpu.memory_space<vmem_shared>> -> memref<80x128xf32, #tpu.memory_space<vmem_shared>>
      %dma_wait3A_144 = arith.constant 0 : i32
      %dma_wait3A_145 = tpu.memref_slice %arg10[%add3A_5, %dma_wait3A_144] : memref<10240x128xf32, #tpu.memory_space<vmem_shared>> -> memref<80x128xf32, #tpu.memory_space<vmem_shared>>
      tpu.wait_dma2 semaphore(%run_scoped3A_137 : memref<!tpu.dma_semaphore, #tpu.memory_space<semaphore_mem>>) src(%arg8 : memref<80x128xf32, #tpu.memory_space<vmem>>) dst(%dma_wait3A_145 : memref<80x128xf32, #tpu.memory_space<vmem_shared>>)
      tpu.yield
    }) : () -> ()
    %mul3A_6 = arith.constant 640 : i32
    %mul3A_7 = arith.muli %arg1, %mul3A_6 : i32
    %add3A_8 = arith.constant 160 : i32
    %add3A_9 = arith.addi %mul3A_7, %add3A_8 : i32
    "tpu.region"() ({
      %run_scoped3A_137 = tpu.sem_alloc : memref<!tpu.dma_semaphore, #tpu.memory_space<semaphore_mem>>
      %dma_start3A_138 = arith.constant 0 : i32
      %dma_start3A_139 = tpu.memref_slice %arg10[%add3A_9, %dma_start3A_138] : memref<10240x128xf32, #tpu.memory_space<vmem_shared>> -> memref<80x128xf32, #tpu.memory_space<vmem_shared>>
      %dma_start3A_140 = arith.constant 0 : i32
      %dma_start3A_141 = tpu.memref_slice %arg10[%add3A_9, %dma_start3A_140] : memref<10240x128xf32, #tpu.memory_space<vmem_shared>> -> memref<80x128xf32, #tpu.memory_space<vmem_shared>>
      tpu.enqueue_dma source(%arg8 : memref<80x128xf32, #tpu.memory_space<vmem>>) target(%dma_start3A_141 : memref<80x128xf32, #tpu.memory_space<vmem_shared>>) target_semaphore(%run_scoped3A_137 : memref<!tpu.dma_semaphore, #tpu.memory_space<semaphore_mem>>)
      %dma_wait3A_142 = arith.constant 0 : i32
      %dma_wait3A_143 = tpu.memref_slice %arg10[%add3A_9, %dma_wait3A_142] : memref<10240x128xf32, #tpu.memory_space<vmem_shared>> -> memref<80x128xf32, #tpu.memory_space<vmem_shared>>
      %dma_wait3A_144 = arith.constant 0 : i32
      %dma_wait3A_145 = tpu.memref_slice %arg10[%add3A_9, %dma_wait3A_144] : memref<10240x128xf32, #tpu.memory_space<vmem_shared>> -> memref<80x128xf32, #tpu.memory_space<vmem_shared>>
      tpu.wait_dma2 semaphore(%run_scoped3A_137 : memref<!tpu.dma_semaphore, #tpu.memory_space<semaphore_mem>>) src(%arg8 : memref<80x128xf32, #tpu.memory_space<vmem>>) dst(%dma_wait3A_145 : memref<80x128xf32, #tpu.memory_space<vmem_shared>>)
      tpu.yield
    }) : () -> ()
    %mul3A_10 = arith.constant 640 : i32
    %mul3A_11 = arith.muli %arg1, %mul3A_10 : i32
    %add3A_12 = arith.constant 240 : i32
    %add3A_13 = arith.addi %mul3A_11, %add3A_12 : i32
    "tpu.region"() ({
      %run_scoped3A_137 = tpu.sem_alloc : memref<!tpu.dma_semaphore, #tpu.memory_space<semaphore_mem>>
      %dma_start3A_138 = arith.constant 0 : i32
      %dma_start3A_139 = tpu.memref_slice %arg10[%add3A_13, %dma_start3A_138] : memref<10240x128xf32, #tpu.memory_space<vmem_shared>> -> memref<80x128xf32, #tpu.memory_space<vmem_shared>>
      %dma_start3A_140 = arith.constant 0 : i32
      %dma_start3A_141 = tpu.memref_slice %arg10[%add3A_13, %dma_start3A_140] : memref<10240x128xf32, #tpu.memory_space<vmem_shared>> -> memref<80x128xf32, #tpu.memory_space<vmem_shared>>
      tpu.enqueue_dma source(%arg8 : memref<80x128xf32, #tpu.memory_space<vmem>>) target(%dma_start3A_141 : memref<80x128xf32, #tpu.memory_space<vmem_shared>>) target_semaphore(%run_scoped3A_137 : memref<!tpu.dma_semaphore, #tpu.memory_space<semaphore_mem>>)
      %dma_wait3A_142 = arith.constant 0 : i32
      %dma_wait3A_143 = tpu.memref_slice %arg10[%add3A_13, %dma_wait3A_142] : memref<10240x128xf32, #tpu.memory_space<vmem_shared>> -> memref<80x128xf32, #tpu.memory_space<vmem_shared>>
      %dma_wait3A_144 = arith.constant 0 : i32
      %dma_wait3A_145 = tpu.memref_slice %arg10[%add3A_13, %dma_wait3A_144] : memref<10240x128xf32, #tpu.memory_space<vmem_shared>> -> memref<80x128xf32, #tpu.memory_space<vmem_shared>>
      tpu.wait_dma2 semaphore(%run_scoped3A_137 : memref<!tpu.dma_semaphore, #tpu.memory_space<semaphore_mem>>) src(%arg8 : memref<80x128xf32, #tpu.memory_space<vmem>>) dst(%dma_wait3A_145 : memref<80x128xf32, #tpu.memory_space<vmem_shared>>)
      tpu.yield
    }) : () -> ()
    %mul3A_14 = arith.constant 640 : i32
    %mul3A_15 = arith.muli %arg1, %mul3A_14 : i32
    %add3A_16 = arith.constant 320 : i32
    %add3A_17 = arith.addi %mul3A_15, %add3A_16 : i32
    "tpu.region"() ({
      %run_scoped3A_137 = tpu.sem_alloc : memref<!tpu.dma_semaphore, #tpu.memory_space<semaphore_mem>>
      %dma_start3A_138 = arith.constant 0 : i32
      %dma_start3A_139 = tpu.memref_slice %arg10[%add3A_17, %dma_start3A_138] : memref<10240x128xf32, #tpu.memory_space<vmem_shared>> -> memref<80x128xf32, #tpu.memory_space<vmem_shared>>
      %dma_start3A_140 = arith.constant 0 : i32
      %dma_start3A_141 = tpu.memref_slice %arg10[%add3A_17, %dma_start3A_140] : memref<10240x128xf32, #tpu.memory_space<vmem_shared>> -> memref<80x128xf32, #tpu.memory_space<vmem_shared>>
      tpu.enqueue_dma source(%arg8 : memref<80x128xf32, #tpu.memory_space<vmem>>) target(%dma_start3A_141 : memref<80x128xf32, #tpu.memory_space<vmem_shared>>) target_semaphore(%run_scoped3A_137 : memref<!tpu.dma_semaphore, #tpu.memory_space<semaphore_mem>>)
      %dma_wait3A_142 = arith.constant 0 : i32
      %dma_wait3A_143 = tpu.memref_slice %arg10[%add3A_17, %dma_wait3A_142] : memref<10240x128xf32, #tpu.memory_space<vmem_shared>> -> memref<80x128xf32, #tpu.memory_space<vmem_shared>>
      %dma_wait3A_144 = arith.constant 0 : i32
      %dma_wait3A_145 = tpu.memref_slice %arg10[%add3A_17, %dma_wait3A_144] : memref<10240x128xf32, #tpu.memory_space<vmem_shared>> -> memref<80x128xf32, #tpu.memory_space<vmem_shared>>
      tpu.wait_dma2 semaphore(%run_scoped3A_137 : memref<!tpu.dma_semaphore, #tpu.memory_space<semaphore_mem>>) src(%arg8 : memref<80x128xf32, #tpu.memory_space<vmem>>) dst(%dma_wait3A_145 : memref<80x128xf32, #tpu.memory_space<vmem_shared>>)
      tpu.yield
    }) : () -> ()
    %mul3A_18 = arith.constant 640 : i32
    %mul3A_19 = arith.muli %arg1, %mul3A_18 : i32
    %add3A_20 = arith.constant 400 : i32
    %add3A_21 = arith.addi %mul3A_19, %add3A_20 : i32
    "tpu.region"() ({
      %run_scoped3A_137 = tpu.sem_alloc : memref<!tpu.dma_semaphore, #tpu.memory_space<semaphore_mem>>
      %dma_start3A_138 = arith.constant 0 : i32
      %dma_start3A_139 = tpu.memref_slice %arg10[%add3A_21, %dma_start3A_138] : memref<10240x128xf32, #tpu.memory_space<vmem_shared>> -> memref<80x128xf32, #tpu.memory_space<vmem_shared>>
      %dma_start3A_140 = arith.constant 0 : i32
      %dma_start3A_141 = tpu.memref_slice %arg10[%add3A_21, %dma_start3A_140] : memref<10240x128xf32, #tpu.memory_space<vmem_shared>> -> memref<80x128xf32, #tpu.memory_space<vmem_shared>>
      tpu.enqueue_dma source(%arg8 : memref<80x128xf32, #tpu.memory_space<vmem>>) target(%dma_start3A_141 : memref<80x128xf32, #tpu.memory_space<vmem_shared>>) target_semaphore(%run_scoped3A_137 : memref<!tpu.dma_semaphore, #tpu.memory_space<semaphore_mem>>)
      %dma_wait3A_142 = arith.constant 0 : i32
      %dma_wait3A_143 = tpu.memref_slice %arg10[%add3A_21, %dma_wait3A_142] : memref<10240x128xf32, #tpu.memory_space<vmem_shared>> -> memref<80x128xf32, #tpu.memory_space<vmem_shared>>
      %dma_wait3A_144 = arith.constant 0 : i32
      %dma_wait3A_145 = tpu.memref_slice %arg10[%add3A_21, %dma_wait3A_144] : memref<10240x128xf32, #tpu.memory_space<vmem_shared>> -> memref<80x128xf32, #tpu.memory_space<vmem_shared>>
      tpu.wait_dma2 semaphore(%run_scoped3A_137 : memref<!tpu.dma_semaphore, #tpu.memory_space<semaphore_mem>>) src(%arg8 : memref<80x128xf32, #tpu.memory_space<vmem>>) dst(%dma_wait3A_145 : memref<80x128xf32, #tpu.memory_space<vmem_shared>>)
      tpu.yield
    }) : () -> ()
    %mul3A_22 = arith.constant 640 : i32
    %mul3A_23 = arith.muli %arg1, %mul3A_22 : i32
    %add3A_24 = arith.constant 480 : i32
    %add3A_25 = arith.addi %mul3A_23, %add3A_24 : i32
    "tpu.region"() ({
      %run_scoped3A_137 = tpu.sem_alloc : memref<!tpu.dma_semaphore, #tpu.memory_space<semaphore_mem>>
      %dma_start3A_138 = arith.constant 0 : i32
      %dma_start3A_139 = tpu.memref_slice %arg10[%add3A_25, %dma_start3A_138] : memref<10240x128xf32, #tpu.memory_space<vmem_shared>> -> memref<80x128xf32, #tpu.memory_space<vmem_shared>>
      %dma_start3A_140 = arith.constant 0 : i32
      %dma_start3A_141 = tpu.memref_slice %arg10[%add3A_25, %dma_start3A_140] : memref<10240x128xf32, #tpu.memory_space<vmem_shared>> -> memref<80x128xf32, #tpu.memory_space<vmem_shared>>
      tpu.enqueue_dma source(%arg8 : memref<80x128xf32, #tpu.memory_space<vmem>>) target(%dma_start3A_141 : memref<80x128xf32, #tpu.memory_space<vmem_shared>>) target_semaphore(%run_scoped3A_137 : memref<!tpu.dma_semaphore, #tpu.memory_space<semaphore_mem>>)
      %dma_wait3A_142 = arith.constant 0 : i32
      %dma_wait3A_143 = tpu.memref_slice %arg10[%add3A_25, %dma_wait3A_142] : memref<10240x128xf32, #tpu.memory_space<vmem_shared>> -> memref<80x128xf32, #tpu.memory_space<vmem_shared>>
      %dma_wait3A_144 = arith.constant 0 : i32
      %dma_wait3A_145 = tpu.memref_slice %arg10[%add3A_25, %dma_wait3A_144] : memref<10240x128xf32, #tpu.memory_space<vmem_shared>> -> memref<80x128xf32, #tpu.memory_space<vmem_shared>>
      tpu.wait_dma2 semaphore(%run_scoped3A_137 : memref<!tpu.dma_semaphore, #tpu.memory_space<semaphore_mem>>) src(%arg8 : memref<80x128xf32, #tpu.memory_space<vmem>>) dst(%dma_wait3A_145 : memref<80x128xf32, #tpu.memory_space<vmem_shared>>)
      tpu.yield
    }) : () -> ()
    %mul3A_26 = arith.constant 640 : i32
    %mul3A_27 = arith.muli %arg1, %mul3A_26 : i32
    %add3A_28 = arith.constant 560 : i32
    %add3A_29 = arith.addi %mul3A_27, %add3A_28 : i32
    "tpu.region"() ({
      %run_scoped3A_137 = tpu.sem_alloc : memref<!tpu.dma_semaphore, #tpu.memory_space<semaphore_mem>>
      %dma_start3A_138 = arith.constant 0 : i32
      %dma_start3A_139 = tpu.memref_slice %arg10[%add3A_29, %dma_start3A_138] : memref<10240x128xf32, #tpu.memory_space<vmem_shared>> -> memref<80x128xf32, #tpu.memory_space<vmem_shared>>
      %dma_start3A_140 = arith.constant 0 : i32
      %dma_start3A_141 = tpu.memref_slice %arg10[%add3A_29, %dma_start3A_140] : memref<10240x128xf32, #tpu.memory_space<vmem_shared>> -> memref<80x128xf32, #tpu.memory_space<vmem_shared>>
      tpu.enqueue_dma source(%arg8 : memref<80x128xf32, #tpu.memory_space<vmem>>) target(%dma_start3A_141 : memref<80x128xf32, #tpu.memory_space<vmem_shared>>) target_semaphore(%run_scoped3A_137 : memref<!tpu.dma_semaphore, #tpu.memory_space<semaphore_mem>>)
      %dma_wait3A_142 = arith.constant 0 : i32
      %dma_wait3A_143 = tpu.memref_slice %arg10[%add3A_29, %dma_wait3A_142] : memref<10240x128xf32, #tpu.memory_space<vmem_shared>> -> memref<80x128xf32, #tpu.memory_space<vmem_shared>>
      %dma_wait3A_144 = arith.constant 0 : i32
      %dma_wait3A_145 = tpu.memref_slice %arg10[%add3A_29, %dma_wait3A_144] : memref<10240x128xf32, #tpu.memory_space<vmem_shared>> -> memref<80x128xf32, #tpu.memory_space<vmem_shared>>
      tpu.wait_dma2 semaphore(%run_scoped3A_137 : memref<!tpu.dma_semaphore, #tpu.memory_space<semaphore_mem>>) src(%arg8 : memref<80x128xf32, #tpu.memory_space<vmem>>) dst(%dma_wait3A_145 : memref<80x128xf32, #tpu.memory_space<vmem_shared>>)
      tpu.yield
    }) : () -> ()
    %barrier3A = arith.constant 0 : index
    tpu.barrier barrier_id(%barrier3A)
    %mul3A_30 = arith.constant 160000 : i32
    %mul3A_31 = arith.muli %arg0, %mul3A_30 : i32
    %mul3A_32 = arith.constant 10000 : i32
    %mul3A_33 = arith.muli %arg1, %mul3A_32 : i32
    %add3A_34 = arith.addi %mul3A_31, %mul3A_33 : i32
    %jit3A = arith.constant 80 : i32
    %div3A = arith.divsi %add3A_34, %jit3A : i32
    %sign3A = arith.constant 0 : i32
    %sign3A_35 = arith.cmpi sgt, %add3A_34, %sign3A : i32
    %sign3A_36 = arith.extui %sign3A_35 : i1 to i32
    %sign3A_37 = arith.constant 0 : i32
    %sign3A_38 = arith.cmpi slt, %add3A_34, %sign3A_37 : i32
    %sign3A_39 = arith.extui %sign3A_38 : i1 to i32
    %sign3A_40 = arith.subi %sign3A_36, %sign3A_39 : i32
    %sign3A_41 = arith.constant 0 : i32
    %sign3A_42 = arith.cmpi sgt, %jit3A, %sign3A_41 : i32
    %sign3A_43 = arith.extui %sign3A_42 : i1 to i32
    %sign3A_44 = arith.constant 0 : i32
    %sign3A_45 = arith.cmpi slt, %jit3A, %sign3A_44 : i32
    %sign3A_46 = arith.extui %sign3A_45 : i1 to i32
    %sign3A_47 = arith.subi %sign3A_43, %sign3A_46 : i32
    %ne3A = arith.cmpi ne, %sign3A_40, %sign3A_47 : i32
    %rem3A = arith.remsi %add3A_34, %jit3A : i32
    %ne3A_48 = arith.constant 0 : i32
    %ne3A_49 = arith.cmpi ne, %rem3A, %ne3A_48 : i32
    %and3A = arith.andi %ne3A, %ne3A_49 : i1
    %sub3A = arith.constant 1 : i32
    %sub3A_50 = arith.subi %div3A, %sub3A : i32
    %select_n3A = arith.select %and3A, %sub3A_50, %div3A : i32
    "tpu.region"() ({
      %run_scoped3A_137 = tpu.sem_alloc : memref<!tpu.dma_semaphore, #tpu.memory_space<semaphore_mem>>
      %dma_start3A_138 = arith.constant 0 : i32
      %dma_start3A_139 = arith.constant 0 : i32
      %dma_start3A_140 = tpu.memref_slice %arg3[%select_n3A, %dma_start3A_138, %dma_start3A_139] : memref<4000x2x80xi32, #tpu.memory_space<hbm>> -> memref<1x2x80xi32, #tpu.memory_space<hbm>>
      %dma_start3A_141 = arith.constant 0 : i32
      %dma_start3A_142 = arith.constant 0 : i32
      %dma_start3A_143 = tpu.memref_slice %arg3[%select_n3A, %dma_start3A_141, %dma_start3A_142] : memref<4000x2x80xi32, #tpu.memory_space<hbm>> -> memref<1x2x80xi32, #tpu.memory_space<hbm>>
      tpu.enqueue_dma source(%dma_start3A_143 : memref<1x2x80xi32, #tpu.memory_space<hbm>>) target(%arg6 : memref<1x2x80xi32, #tpu.memory_space<vmem>>) target_semaphore(%run_scoped3A_137 : memref<!tpu.dma_semaphore, #tpu.memory_space<semaphore_mem>>)
      %dma_wait3A_144 = arith.constant 0 : i32
      %dma_wait3A_145 = arith.constant 0 : i32
      %dma_wait3A_146 = tpu.memref_slice %arg3[%select_n3A, %dma_wait3A_144, %dma_wait3A_145] : memref<4000x2x80xi32, #tpu.memory_space<hbm>> -> memref<1x2x80xi32, #tpu.memory_space<hbm>>
      %dma_wait3A_147 = arith.constant 0 : i32
      %dma_wait3A_148 = arith.constant 0 : i32
      %dma_wait3A_149 = tpu.memref_slice %arg3[%select_n3A, %dma_wait3A_147, %dma_wait3A_148] : memref<4000x2x80xi32, #tpu.memory_space<hbm>> -> memref<1x2x80xi32, #tpu.memory_space<hbm>>
      tpu.wait_dma2 semaphore(%run_scoped3A_137 : memref<!tpu.dma_semaphore, #tpu.memory_space<semaphore_mem>>) src(%dma_wait3A_149 : memref<1x2x80xi32, #tpu.memory_space<hbm>>) dst(%arg6 : memref<1x2x80xi32, #tpu.memory_space<vmem>>)
      tpu.yield
    }) : () -> ()
    %dma_start3A = arith.constant 0 : i32
    %dma_start3A_51 = arith.constant 0 : i32
    %dma_start3A_52 = arith.constant 0 : i32
    %dma_start3A_53 = tpu.memref_slice %arg6[%dma_start3A, %dma_start3A_51, %dma_start3A_52] : memref<1x2x80xi32, #tpu.memory_space<vmem>> -> memref<1x1x80xi32, #tpu.memory_space<vmem>>
    %dma_start3A_54 = tpu.memref_squeeze %dma_start3A_53 : memref<1x1x80xi32, #tpu.memory_space<vmem>> -> memref<80xi32, #tpu.memory_space<vmem>>
    %dma_start3A_55 = arith.constant 0 : i32
    %dma_start3A_56 = arith.constant 0 : i32
    %dma_start3A_57 = tpu.memref_slice %arg2[%dma_start3A_55, %dma_start3A_56] : memref<10000x128xf32, #tpu.memory_space<hbm>> -> memref<10000x128xf32, #tpu.memory_space<hbm>>
    tpu.enqueue_indirect_dma source(%dma_start3A_57 : memref<10000x128xf32, #tpu.memory_space<hbm>>) target(%arg8 : memref<80x128xf32, #tpu.memory_space<vmem>>) offsets(%dma_start3A_54 : memref<80xi32, #tpu.memory_space<vmem>>) semaphore(%arg11 : memref<!tpu.dma_semaphore, #tpu.memory_space<semaphore_mem>>)
    %scan3A = arith.constant 0 : i32
    %scan3A_58 = arith.constant 0 : i32
    %scan3A_59 = arith.constant 0 : i32
    %scan3A_60 = arith.constant 62 : i32
    %scan3A_61 = arith.addi %scan3A_59, %scan3A_60 : i32
    %scan3A_62 = arith.constant 1 : i32
    scf.for %scan3A_137 = %scan3A_59 to %scan3A_61 step %scan3A_62  : i32 {
      %mul3A_138 = arith.constant 1 : i32
      %mul3A_139 = arith.muli %scan3A_137, %mul3A_138 : i32
      %add3A_140 = arith.constant 0 : i32
      %add3A_141 = arith.addi %add3A_140, %mul3A_139 : i32
      %mul3A_142 = arith.constant 2 : i32
      %mul3A_143 = arith.muli %mul3A_142, %add3A_141 : i32
      %add3A_144 = arith.addi %select_n3A, %mul3A_143 : i32
      %add3A_145 = arith.constant 1 : i32
      %add3A_146 = arith.addi %add3A_144, %add3A_145 : i32
      "tpu.region"() ({
        %run_scoped3A_183 = tpu.sem_alloc : memref<!tpu.dma_semaphore, #tpu.memory_space<semaphore_mem>>
        %dma_start3A_184 = arith.constant 0 : i32
        %dma_start3A_185 = arith.constant 0 : i32
        %dma_start3A_186 = tpu.memref_slice %arg3[%add3A_146, %dma_start3A_184, %dma_start3A_185] : memref<4000x2x80xi32, #tpu.memory_space<hbm>> -> memref<1x2x80xi32, #tpu.memory_space<hbm>>
        %dma_start3A_187 = arith.constant 0 : i32
        %dma_start3A_188 = arith.constant 0 : i32
        %dma_start3A_189 = tpu.memref_slice %arg3[%add3A_146, %dma_start3A_187, %dma_start3A_188] : memref<4000x2x80xi32, #tpu.memory_space<hbm>> -> memref<1x2x80xi32, #tpu.memory_space<hbm>>
        tpu.enqueue_dma source(%dma_start3A_189 : memref<1x2x80xi32, #tpu.memory_space<hbm>>) target(%arg7 : memref<1x2x80xi32, #tpu.memory_space<vmem>>) target_semaphore(%run_scoped3A_183 : memref<!tpu.dma_semaphore, #tpu.memory_space<semaphore_mem>>)
        %dma_wait3A_190 = arith.constant 0 : i32
        %dma_wait3A_191 = arith.constant 0 : i32
        %dma_wait3A_192 = tpu.memref_slice %arg3[%add3A_146, %dma_wait3A_190, %dma_wait3A_191] : memref<4000x2x80xi32, #tpu.memory_space<hbm>> -> memref<1x2x80xi32, #tpu.memory_space<hbm>>
        %dma_wait3A_193 = arith.constant 0 : i32
        %dma_wait3A_194 = arith.constant 0 : i32
        %dma_wait3A_195 = tpu.memref_slice %arg3[%add3A_146, %dma_wait3A_193, %dma_wait3A_194] : memref<4000x2x80xi32, #tpu.memory_space<hbm>> -> memref<1x2x80xi32, #tpu.memory_space<hbm>>
        tpu.wait_dma2 semaphore(%run_scoped3A_183 : memref<!tpu.dma_semaphore, #tpu.memory_space<semaphore_mem>>) src(%dma_wait3A_195 : memref<1x2x80xi32, #tpu.memory_space<hbm>>) dst(%arg7 : memref<1x2x80xi32, #tpu.memory_space<vmem>>)
        tpu.yield
      }) : () -> ()
      %dma_start3A_147 = arith.constant 0 : i32
      %dma_start3A_148 = arith.constant 0 : i32
      %dma_start3A_149 = arith.constant 0 : i32
      %dma_start3A_150 = tpu.memref_slice %arg7[%dma_start3A_147, %dma_start3A_148, %dma_start3A_149] : memref<1x2x80xi32, #tpu.memory_space<vmem>> -> memref<1x1x80xi32, #tpu.memory_space<vmem>>
      %dma_start3A_151 = tpu.memref_squeeze %dma_start3A_150 : memref<1x1x80xi32, #tpu.memory_space<vmem>> -> memref<80xi32, #tpu.memory_space<vmem>>
      %dma_start3A_152 = arith.constant 0 : i32
      %dma_start3A_153 = arith.constant 0 : i32
      %dma_start3A_154 = tpu.memref_slice %arg2[%dma_start3A_152, %dma_start3A_153] : memref<10000x128xf32, #tpu.memory_space<hbm>> -> memref<10000x128xf32, #tpu.memory_space<hbm>>
      tpu.enqueue_indirect_dma source(%dma_start3A_154 : memref<10000x128xf32, #tpu.memory_space<hbm>>) target(%arg9 : memref<80x128xf32, #tpu.memory_space<vmem>>) offsets(%dma_start3A_151 : memref<80xi32, #tpu.memory_space<vmem>>) semaphore(%arg12 : memref<!tpu.dma_semaphore, #tpu.memory_space<semaphore_mem>>)
      %dma_wait3A_155 = arith.constant 0 : i32
      %dma_wait3A_156 = tpu.memref_slice %arg6[%scan3A, %scan3A_58, %dma_wait3A_155] : memref<1x2x80xi32, #tpu.memory_space<vmem>> -> memref<1x1x80xi32, #tpu.memory_space<vmem>>
      %dma_wait3A_157 = tpu.memref_squeeze %dma_wait3A_156 : memref<1x1x80xi32, #tpu.memory_space<vmem>> -> memref<80xi32, #tpu.memory_space<vmem>>
      %dma_wait3A_158 = arith.constant 0 : i32
      %dma_wait3A_159 = arith.constant 0 : i32
      %dma_wait3A_160 = tpu.memref_slice %arg2[%dma_wait3A_158, %dma_wait3A_159] : memref<10000x128xf32, #tpu.memory_space<hbm>> -> memref<10000x128xf32, #tpu.memory_space<hbm>>
      tpu.wait_indirect_dma semaphore(%arg11 : memref<!tpu.dma_semaphore, #tpu.memory_space<semaphore_mem>>) src(%dma_wait3A_160 : memref<10000x128xf32, #tpu.memory_space<hbm>>) dst(%arg8 : memref<80x128xf32, #tpu.memory_space<vmem>>)
      %run_scoped3A_161 = arith.constant 0 : i32
      %run_scoped3A_162 = arith.constant 1 : i32
      "tpu.region"() ({
        %run_scoped3A_183 = tpu.sem_alloc : memref<!tpu.dma_semaphore, #tpu.memory_space<semaphore_mem>>
        %dma_start3A_184 = arith.constant 0 : i32
        %dma_start3A_185 = tpu.memref_slice %arg6[%run_scoped3A_161, %run_scoped3A_162, %dma_start3A_184] : memref<1x2x80xi32, #tpu.memory_space<vmem>> -> memref<1x1x80xi32, #tpu.memory_space<vmem>>
        %dma_start3A_186 = tpu.memref_squeeze %dma_start3A_185 : memref<1x1x80xi32, #tpu.memory_space<vmem>> -> memref<80xi32, #tpu.memory_space<vmem>>
        %dma_start3A_187 = arith.constant 0 : i32
        %dma_start3A_188 = arith.constant 0 : i32
        %dma_start3A_189 = tpu.memref_slice %arg10[%dma_start3A_187, %dma_start3A_188] : memref<10240x128xf32, #tpu.memory_space<vmem_shared>> -> memref<10240x128xf32, #tpu.memory_space<vmem_shared>>
        tpu.enqueue_indirect_dma source(%arg8 : memref<80x128xf32, #tpu.memory_space<vmem>>) target(%dma_start3A_189 : memref<10240x128xf32, #tpu.memory_space<vmem_shared>>) offsets(%dma_start3A_186 : memref<80xi32, #tpu.memory_space<vmem>>) semaphore(%run_scoped3A_183 : memref<!tpu.dma_semaphore, #tpu.memory_space<semaphore_mem>>) {add = true}
        %dma_wait3A_190 = arith.constant 0 : i32
        %dma_wait3A_191 = tpu.memref_slice %arg6[%run_scoped3A_161, %run_scoped3A_162, %dma_wait3A_190] : memref<1x2x80xi32, #tpu.memory_space<vmem>> -> memref<1x1x80xi32, #tpu.memory_space<vmem>>
        %dma_wait3A_192 = tpu.memref_squeeze %dma_wait3A_191 : memref<1x1x80xi32, #tpu.memory_space<vmem>> -> memref<80xi32, #tpu.memory_space<vmem>>
        %dma_wait3A_193 = arith.constant 0 : i32
        %dma_wait3A_194 = arith.constant 0 : i32
        %dma_wait3A_195 = tpu.memref_slice %arg10[%dma_wait3A_193, %dma_wait3A_194] : memref<10240x128xf32, #tpu.memory_space<vmem_shared>> -> memref<10240x128xf32, #tpu.memory_space<vmem_shared>>
        tpu.wait_indirect_dma semaphore(%run_scoped3A_183 : memref<!tpu.dma_semaphore, #tpu.memory_space<semaphore_mem>>) src(%arg8 : memref<80x128xf32, #tpu.memory_space<vmem>>) dst(%dma_wait3A_195 : memref<10240x128xf32, #tpu.memory_space<vmem_shared>>)
        tpu.yield
      }) : () -> ()
      %add3A_163 = arith.constant 2 : i32
      %add3A_164 = arith.addi %add3A_144, %add3A_163 : i32
      "tpu.region"() ({
        %run_scoped3A_183 = tpu.sem_alloc : memref<!tpu.dma_semaphore, #tpu.memory_space<semaphore_mem>>
        %dma_start3A_184 = arith.constant 0 : i32
        %dma_start3A_185 = arith.constant 0 : i32
        %dma_start3A_186 = tpu.memref_slice %arg3[%add3A_164, %dma_start3A_184, %dma_start3A_185] : memref<4000x2x80xi32, #tpu.memory_space<hbm>> -> memref<1x2x80xi32, #tpu.memory_space<hbm>>
        %dma_start3A_187 = arith.constant 0 : i32
        %dma_start3A_188 = arith.constant 0 : i32
        %dma_start3A_189 = tpu.memref_slice %arg3[%add3A_164, %dma_start3A_187, %dma_start3A_188] : memref<4000x2x80xi32, #tpu.memory_space<hbm>> -> memref<1x2x80xi32, #tpu.memory_space<hbm>>
        tpu.enqueue_dma source(%dma_start3A_189 : memref<1x2x80xi32, #tpu.memory_space<hbm>>) target(%arg6 : memref<1x2x80xi32, #tpu.memory_space<vmem>>) target_semaphore(%run_scoped3A_183 : memref<!tpu.dma_semaphore, #tpu.memory_space<semaphore_mem>>)
        %dma_wait3A_190 = arith.constant 0 : i32
        %dma_wait3A_191 = arith.constant 0 : i32
        %dma_wait3A_192 = tpu.memref_slice %arg3[%add3A_164, %dma_wait3A_190, %dma_wait3A_191] : memref<4000x2x80xi32, #tpu.memory_space<hbm>> -> memref<1x2x80xi32, #tpu.memory_space<hbm>>
        %dma_wait3A_193 = arith.constant 0 : i32
        %dma_wait3A_194 = arith.constant 0 : i32
        %dma_wait3A_195 = tpu.memref_slice %arg3[%add3A_164, %dma_wait3A_193, %dma_wait3A_194] : memref<4000x2x80xi32, #tpu.memory_space<hbm>> -> memref<1x2x80xi32, #tpu.memory_space<hbm>>
        tpu.wait_dma2 semaphore(%run_scoped3A_183 : memref<!tpu.dma_semaphore, #tpu.memory_space<semaphore_mem>>) src(%dma_wait3A_195 : memref<1x2x80xi32, #tpu.memory_space<hbm>>) dst(%arg6 : memref<1x2x80xi32, #tpu.memory_space<vmem>>)
        tpu.yield
      }) : () -> ()
      %dma_start3A_165 = arith.constant 0 : i32
      %dma_start3A_166 = arith.constant 0 : i32
      %dma_start3A_167 = arith.constant 0 : i32
      %dma_start3A_168 = tpu.memref_slice %arg6[%dma_start3A_165, %dma_start3A_166, %dma_start3A_167] : memref<1x2x80xi32, #tpu.memory_space<vmem>> -> memref<1x1x80xi32, #tpu.memory_space<vmem>>
      %dma_start3A_169 = tpu.memref_squeeze %dma_start3A_168 : memref<1x1x80xi32, #tpu.memory_space<vmem>> -> memref<80xi32, #tpu.memory_space<vmem>>
      %dma_start3A_170 = arith.constant 0 : i32
      %dma_start3A_171 = arith.constant 0 : i32
      %dma_start3A_172 = tpu.memref_slice %arg2[%dma_start3A_170, %dma_start3A_171] : memref<10000x128xf32, #tpu.memory_space<hbm>> -> memref<10000x128xf32, #tpu.memory_space<hbm>>
      tpu.enqueue_indirect_dma source(%dma_start3A_172 : memref<10000x128xf32, #tpu.memory_space<hbm>>) target(%arg8 : memref<80x128xf32, #tpu.memory_space<vmem>>) offsets(%dma_start3A_169 : memref<80xi32, #tpu.memory_space<vmem>>) semaphore(%arg11 : memref<!tpu.dma_semaphore, #tpu.memory_space<semaphore_mem>>)
      %dma_wait3A_173 = arith.constant 0 : i32
      %dma_wait3A_174 = arith.constant 0 : i32
      %dma_wait3A_175 = arith.constant 0 : i32
      %dma_wait3A_176 = tpu.memref_slice %arg7[%dma_wait3A_173, %dma_wait3A_174, %dma_wait3A_175] : memref<1x2x80xi32, #tpu.memory_space<vmem>> -> memref<1x1x80xi32, #tpu.memory_space<vmem>>
      %dma_wait3A_177 = tpu.memref_squeeze %dma_wait3A_176 : memref<1x1x80xi32, #tpu.memory_space<vmem>> -> memref<80xi32, #tpu.memory_space<vmem>>
      %dma_wait3A_178 = arith.constant 0 : i32
      %dma_wait3A_179 = arith.constant 0 : i32
      %dma_wait3A_180 = tpu.memref_slice %arg2[%dma_wait3A_178, %dma_wait3A_179] : memref<10000x128xf32, #tpu.memory_space<hbm>> -> memref<10000x128xf32, #tpu.memory_space<hbm>>
      tpu.wait_indirect_dma semaphore(%arg12 : memref<!tpu.dma_semaphore, #tpu.memory_space<semaphore_mem>>) src(%dma_wait3A_180 : memref<10000x128xf32, #tpu.memory_space<hbm>>) dst(%arg9 : memref<80x128xf32, #tpu.memory_space<vmem>>)
      %run_scoped3A_181 = arith.constant 0 : i32
      %run_scoped3A_182 = arith.constant 1 : i32
      "tpu.region"() ({
        %run_scoped3A_183 = tpu.sem_alloc : memref<!tpu.dma_semaphore, #tpu.memory_space<semaphore_mem>>
        %dma_start3A_184 = arith.constant 0 : i32
        %dma_start3A_185 = tpu.memref_slice %arg7[%run_scoped3A_181, %run_scoped3A_182, %dma_start3A_184] : memref<1x2x80xi32, #tpu.memory_space<vmem>> -> memref<1x1x80xi32, #tpu.memory_space<vmem>>
        %dma_start3A_186 = tpu.memref_squeeze %dma_start3A_185 : memref<1x1x80xi32, #tpu.memory_space<vmem>> -> memref<80xi32, #tpu.memory_space<vmem>>
        %dma_start3A_187 = arith.constant 0 : i32
        %dma_start3A_188 = arith.constant 0 : i32
        %dma_start3A_189 = tpu.memref_slice %arg10[%dma_start3A_187, %dma_start3A_188] : memref<10240x128xf32, #tpu.memory_space<vmem_shared>> -> memref<10240x128xf32, #tpu.memory_space<vmem_shared>>
        tpu.enqueue_indirect_dma source(%arg9 : memref<80x128xf32, #tpu.memory_space<vmem>>) target(%dma_start3A_189 : memref<10240x128xf32, #tpu.memory_space<vmem_shared>>) offsets(%dma_start3A_186 : memref<80xi32, #tpu.memory_space<vmem>>) semaphore(%run_scoped3A_183 : memref<!tpu.dma_semaphore, #tpu.memory_space<semaphore_mem>>) {add = true}
        %dma_wait3A_190 = arith.constant 0 : i32
        %dma_wait3A_191 = tpu.memref_slice %arg7[%run_scoped3A_181, %run_scoped3A_182, %dma_wait3A_190] : memref<1x2x80xi32, #tpu.memory_space<vmem>> -> memref<1x1x80xi32, #tpu.memory_space<vmem>>
        %dma_wait3A_192 = tpu.memref_squeeze %dma_wait3A_191 : memref<1x1x80xi32, #tpu.memory_space<vmem>> -> memref<80xi32, #tpu.memory_space<vmem>>
        %dma_wait3A_193 = arith.constant 0 : i32
        %dma_wait3A_194 = arith.constant 0 : i32
        %dma_wait3A_195 = tpu.memref_slice %arg10[%dma_wait3A_193, %dma_wait3A_194] : memref<10240x128xf32, #tpu.memory_space<vmem_shared>> -> memref<10240x128xf32, #tpu.memory_space<vmem_shared>>
        tpu.wait_indirect_dma semaphore(%run_scoped3A_183 : memref<!tpu.dma_semaphore, #tpu.memory_space<semaphore_mem>>) src(%arg9 : memref<80x128xf32, #tpu.memory_space<vmem>>) dst(%dma_wait3A_195 : memref<10240x128xf32, #tpu.memory_space<vmem_shared>>)
        tpu.yield
      }) : () -> ()
    }
    %scan3A_63 = arith.constant 62 : i32
    %dma_wait3A = arith.constant 0 : i32
    %dma_wait3A_64 = arith.constant 0 : i32
    %dma_wait3A_65 = arith.constant 0 : i32
    %dma_wait3A_66 = tpu.memref_slice %arg6[%dma_wait3A, %dma_wait3A_64, %dma_wait3A_65] : memref<1x2x80xi32, #tpu.memory_space<vmem>> -> memref<1x1x80xi32, #tpu.memory_space<vmem>>
    %dma_wait3A_67 = tpu.memref_squeeze %dma_wait3A_66 : memref<1x1x80xi32, #tpu.memory_space<vmem>> -> memref<80xi32, #tpu.memory_space<vmem>>
    %dma_wait3A_68 = arith.constant 0 : i32
    %dma_wait3A_69 = arith.constant 0 : i32
    %dma_wait3A_70 = tpu.memref_slice %arg2[%dma_wait3A_68, %dma_wait3A_69] : memref<10000x128xf32, #tpu.memory_space<hbm>> -> memref<10000x128xf32, #tpu.memory_space<hbm>>
    tpu.wait_indirect_dma semaphore(%arg11 : memref<!tpu.dma_semaphore, #tpu.memory_space<semaphore_mem>>) src(%dma_wait3A_70 : memref<10000x128xf32, #tpu.memory_space<hbm>>) dst(%arg8 : memref<80x128xf32, #tpu.memory_space<vmem>>)
    %run_scoped3A = arith.constant 0 : i32
    %run_scoped3A_71 = arith.constant 1 : i32
    "tpu.region"() ({
      %run_scoped3A_137 = tpu.sem_alloc : memref<!tpu.dma_semaphore, #tpu.memory_space<semaphore_mem>>
      %dma_start3A_138 = arith.constant 0 : i32
      %dma_start3A_139 = tpu.memref_slice %arg6[%run_scoped3A, %run_scoped3A_71, %dma_start3A_138] : memref<1x2x80xi32, #tpu.memory_space<vmem>> -> memref<1x1x80xi32, #tpu.memory_space<vmem>>
      %dma_start3A_140 = tpu.memref_squeeze %dma_start3A_139 : memref<1x1x80xi32, #tpu.memory_space<vmem>> -> memref<80xi32, #tpu.memory_space<vmem>>
      %dma_start3A_141 = arith.constant 0 : i32
      %dma_start3A_142 = arith.constant 0 : i32
      %dma_start3A_143 = tpu.memref_slice %arg10[%dma_start3A_141, %dma_start3A_142] : memref<10240x128xf32, #tpu.memory_space<vmem_shared>> -> memref<10240x128xf32, #tpu.memory_space<vmem_shared>>
      tpu.enqueue_indirect_dma source(%arg8 : memref<80x128xf32, #tpu.memory_space<vmem>>) target(%dma_start3A_143 : memref<10240x128xf32, #tpu.memory_space<vmem_shared>>) offsets(%dma_start3A_140 : memref<80xi32, #tpu.memory_space<vmem>>) semaphore(%run_scoped3A_137 : memref<!tpu.dma_semaphore, #tpu.memory_space<semaphore_mem>>) {add = true}
      %dma_wait3A_144 = arith.constant 0 : i32
      %dma_wait3A_145 = tpu.memref_slice %arg6[%run_scoped3A, %run_scoped3A_71, %dma_wait3A_144] : memref<1x2x80xi32, #tpu.memory_space<vmem>> -> memref<1x1x80xi32, #tpu.memory_space<vmem>>
      %dma_wait3A_146 = tpu.memref_squeeze %dma_wait3A_145 : memref<1x1x80xi32, #tpu.memory_space<vmem>> -> memref<80xi32, #tpu.memory_space<vmem>>
      %dma_wait3A_147 = arith.constant 0 : i32
      %dma_wait3A_148 = arith.constant 0 : i32
      %dma_wait3A_149 = tpu.memref_slice %arg10[%dma_wait3A_147, %dma_wait3A_148] : memref<10240x128xf32, #tpu.memory_space<vmem_shared>> -> memref<10240x128xf32, #tpu.memory_space<vmem_shared>>
      tpu.wait_indirect_dma semaphore(%run_scoped3A_137 : memref<!tpu.dma_semaphore, #tpu.memory_space<semaphore_mem>>) src(%arg8 : memref<80x128xf32, #tpu.memory_space<vmem>>) dst(%dma_wait3A_149 : memref<10240x128xf32, #tpu.memory_space<vmem_shared>>)
      tpu.yield
    }) : () -> ()
    %barrier3A_72 = arith.constant 0 : index
    tpu.barrier barrier_id(%barrier3A_72)
    %mul3A_73 = arith.constant 640 : i32
    %mul3A_74 = arith.muli %arg1, %mul3A_73 : i32
    %add3A_75 = arith.constant 0 : i32
    %add3A_76 = arith.addi %mul3A_74, %add3A_75 : i32
    "tpu.region"() ({
      %run_scoped3A_137 = tpu.sem_alloc : memref<!tpu.dma_semaphore, #tpu.memory_space<semaphore_mem>>
      %dma_start3A_138 = arith.constant 0 : i32
      %dma_start3A_139 = tpu.memref_slice %arg10[%add3A_76, %dma_start3A_138] : memref<10240x128xf32, #tpu.memory_space<vmem_shared>> -> memref<80x128xf32, #tpu.memory_space<vmem_shared>>
      %dma_start3A_140 = arith.constant 0 : i32
      %dma_start3A_141 = tpu.memref_slice %arg10[%add3A_76, %dma_start3A_140] : memref<10240x128xf32, #tpu.memory_space<vmem_shared>> -> memref<80x128xf32, #tpu.memory_space<vmem_shared>>
      tpu.enqueue_dma source(%dma_start3A_141 : memref<80x128xf32, #tpu.memory_space<vmem_shared>>) target(%arg8 : memref<80x128xf32, #tpu.memory_space<vmem>>) target_semaphore(%run_scoped3A_137 : memref<!tpu.dma_semaphore, #tpu.memory_space<semaphore_mem>>)
      %dma_wait3A_142 = arith.constant 0 : i32
      %dma_wait3A_143 = tpu.memref_slice %arg10[%add3A_76, %dma_wait3A_142] : memref<10240x128xf32, #tpu.memory_space<vmem_shared>> -> memref<80x128xf32, #tpu.memory_space<vmem_shared>>
      %dma_wait3A_144 = arith.constant 0 : i32
      %dma_wait3A_145 = tpu.memref_slice %arg10[%add3A_76, %dma_wait3A_144] : memref<10240x128xf32, #tpu.memory_space<vmem_shared>> -> memref<80x128xf32, #tpu.memory_space<vmem_shared>>
      tpu.wait_dma2 semaphore(%run_scoped3A_137 : memref<!tpu.dma_semaphore, #tpu.memory_space<semaphore_mem>>) src(%dma_wait3A_145 : memref<80x128xf32, #tpu.memory_space<vmem_shared>>) dst(%arg8 : memref<80x128xf32, #tpu.memory_space<vmem>>)
      tpu.yield
    }) : () -> ()
    %mul3A_77 = arith.constant 640 : i32
    %mul3A_78 = arith.muli %arg1, %mul3A_77 : i32
    %add3A_79 = arith.constant 0 : i32
    %add3A_80 = arith.addi %mul3A_78, %add3A_79 : i32
    "tpu.region"() ({
      %run_scoped3A_137 = tpu.sem_alloc : memref<!tpu.dma_semaphore, #tpu.memory_space<semaphore_mem>>
      %dma_start3A_138 = arith.constant 0 : i32
      %dma_start3A_139 = tpu.memref_slice %arg5[%arg0, %add3A_80, %dma_start3A_138] : memref<2x10240x128xf32, #tpu.memory_space<hbm>> -> memref<1x80x128xf32, #tpu.memory_space<hbm>>
      %dma_start3A_140 = tpu.memref_squeeze %dma_start3A_139 : memref<1x80x128xf32, #tpu.memory_space<hbm>> -> memref<80x128xf32, #tpu.memory_space<hbm>>
      %dma_start3A_141 = arith.constant 0 : i32
      %dma_start3A_142 = tpu.memref_slice %arg5[%arg0, %add3A_80, %dma_start3A_141] : memref<2x10240x128xf32, #tpu.memory_space<hbm>> -> memref<1x80x128xf32, #tpu.memory_space<hbm>>
      %dma_start3A_143 = tpu.memref_squeeze %dma_start3A_142 : memref<1x80x128xf32, #tpu.memory_space<hbm>> -> memref<80x128xf32, #tpu.memory_space<hbm>>
      tpu.enqueue_dma source(%arg8 : memref<80x128xf32, #tpu.memory_space<vmem>>) target(%dma_start3A_143 : memref<80x128xf32, #tpu.memory_space<hbm>>) target_semaphore(%run_scoped3A_137 : memref<!tpu.dma_semaphore, #tpu.memory_space<semaphore_mem>>)
      %dma_wait3A_144 = arith.constant 0 : i32
      %dma_wait3A_145 = tpu.memref_slice %arg5[%arg0, %add3A_80, %dma_wait3A_144] : memref<2x10240x128xf32, #tpu.memory_space<hbm>> -> memref<1x80x128xf32, #tpu.memory_space<hbm>>
      %dma_wait3A_146 = tpu.memref_squeeze %dma_wait3A_145 : memref<1x80x128xf32, #tpu.memory_space<hbm>> -> memref<80x128xf32, #tpu.memory_space<hbm>>
      %dma_wait3A_147 = arith.constant 0 : i32
      %dma_wait3A_148 = tpu.memref_slice %arg5[%arg0, %add3A_80, %dma_wait3A_147] : memref<2x10240x128xf32, #tpu.memory_space<hbm>> -> memref<1x80x128xf32, #tpu.memory_space<hbm>>
      %dma_wait3A_149 = tpu.memref_squeeze %dma_wait3A_148 : memref<1x80x128xf32, #tpu.memory_space<hbm>> -> memref<80x128xf32, #tpu.memory_space<hbm>>
      tpu.wait_dma2 semaphore(%run_scoped3A_137 : memref<!tpu.dma_semaphore, #tpu.memory_space<semaphore_mem>>) src(%arg8 : memref<80x128xf32, #tpu.memory_space<vmem>>) dst(%dma_wait3A_149 : memref<80x128xf32, #tpu.memory_space<hbm>>)
      tpu.yield
    }) : () -> ()
    %mul3A_81 = arith.constant 640 : i32
    %mul3A_82 = arith.muli %arg1, %mul3A_81 : i32
    %add3A_83 = arith.constant 80 : i32
    %add3A_84 = arith.addi %mul3A_82, %add3A_83 : i32
    "tpu.region"() ({
      %run_scoped3A_137 = tpu.sem_alloc : memref<!tpu.dma_semaphore, #tpu.memory_space<semaphore_mem>>
      %dma_start3A_138 = arith.constant 0 : i32
      %dma_start3A_139 = tpu.memref_slice %arg10[%add3A_84, %dma_start3A_138] : memref<10240x128xf32, #tpu.memory_space<vmem_shared>> -> memref<80x128xf32, #tpu.memory_space<vmem_shared>>
      %dma_start3A_140 = arith.constant 0 : i32
      %dma_start3A_141 = tpu.memref_slice %arg10[%add3A_84, %dma_start3A_140] : memref<10240x128xf32, #tpu.memory_space<vmem_shared>> -> memref<80x128xf32, #tpu.memory_space<vmem_shared>>
      tpu.enqueue_dma source(%dma_start3A_141 : memref<80x128xf32, #tpu.memory_space<vmem_shared>>) target(%arg8 : memref<80x128xf32, #tpu.memory_space<vmem>>) target_semaphore(%run_scoped3A_137 : memref<!tpu.dma_semaphore, #tpu.memory_space<semaphore_mem>>)
      %dma_wait3A_142 = arith.constant 0 : i32
      %dma_wait3A_143 = tpu.memref_slice %arg10[%add3A_84, %dma_wait3A_142] : memref<10240x128xf32, #tpu.memory_space<vmem_shared>> -> memref<80x128xf32, #tpu.memory_space<vmem_shared>>
      %dma_wait3A_144 = arith.constant 0 : i32
      %dma_wait3A_145 = tpu.memref_slice %arg10[%add3A_84, %dma_wait3A_144] : memref<10240x128xf32, #tpu.memory_space<vmem_shared>> -> memref<80x128xf32, #tpu.memory_space<vmem_shared>>
      tpu.wait_dma2 semaphore(%run_scoped3A_137 : memref<!tpu.dma_semaphore, #tpu.memory_space<semaphore_mem>>) src(%dma_wait3A_145 : memref<80x128xf32, #tpu.memory_space<vmem_shared>>) dst(%arg8 : memref<80x128xf32, #tpu.memory_space<vmem>>)
      tpu.yield
    }) : () -> ()
    %mul3A_85 = arith.constant 640 : i32
    %mul3A_86 = arith.muli %arg1, %mul3A_85 : i32
    %add3A_87 = arith.constant 80 : i32
    %add3A_88 = arith.addi %mul3A_86, %add3A_87 : i32
    "tpu.region"() ({
      %run_scoped3A_137 = tpu.sem_alloc : memref<!tpu.dma_semaphore, #tpu.memory_space<semaphore_mem>>
      %dma_start3A_138 = arith.constant 0 : i32
      %dma_start3A_139 = tpu.memref_slice %arg5[%arg0, %add3A_88, %dma_start3A_138] : memref<2x10240x128xf32, #tpu.memory_space<hbm>> -> memref<1x80x128xf32, #tpu.memory_space<hbm>>
      %dma_start3A_140 = tpu.memref_squeeze %dma_start3A_139 : memref<1x80x128xf32, #tpu.memory_space<hbm>> -> memref<80x128xf32, #tpu.memory_space<hbm>>
      %dma_start3A_141 = arith.constant 0 : i32
      %dma_start3A_142 = tpu.memref_slice %arg5[%arg0, %add3A_88, %dma_start3A_141] : memref<2x10240x128xf32, #tpu.memory_space<hbm>> -> memref<1x80x128xf32, #tpu.memory_space<hbm>>
      %dma_start3A_143 = tpu.memref_squeeze %dma_start3A_142 : memref<1x80x128xf32, #tpu.memory_space<hbm>> -> memref<80x128xf32, #tpu.memory_space<hbm>>
      tpu.enqueue_dma source(%arg8 : memref<80x128xf32, #tpu.memory_space<vmem>>) target(%dma_start3A_143 : memref<80x128xf32, #tpu.memory_space<hbm>>) target_semaphore(%run_scoped3A_137 : memref<!tpu.dma_semaphore, #tpu.memory_space<semaphore_mem>>)
      %dma_wait3A_144 = arith.constant 0 : i32
      %dma_wait3A_145 = tpu.memref_slice %arg5[%arg0, %add3A_88, %dma_wait3A_144] : memref<2x10240x128xf32, #tpu.memory_space<hbm>> -> memref<1x80x128xf32, #tpu.memory_space<hbm>>
      %dma_wait3A_146 = tpu.memref_squeeze %dma_wait3A_145 : memref<1x80x128xf32, #tpu.memory_space<hbm>> -> memref<80x128xf32, #tpu.memory_space<hbm>>
      %dma_wait3A_147 = arith.constant 0 : i32
      %dma_wait3A_148 = tpu.memref_slice %arg5[%arg0, %add3A_88, %dma_wait3A_147] : memref<2x10240x128xf32, #tpu.memory_space<hbm>> -> memref<1x80x128xf32, #tpu.memory_space<hbm>>
      %dma_wait3A_149 = tpu.memref_squeeze %dma_wait3A_148 : memref<1x80x128xf32, #tpu.memory_space<hbm>> -> memref<80x128xf32, #tpu.memory_space<hbm>>
      tpu.wait_dma2 semaphore(%run_scoped3A_137 : memref<!tpu.dma_semaphore, #tpu.memory_space<semaphore_mem>>) src(%arg8 : memref<80x128xf32, #tpu.memory_space<vmem>>) dst(%dma_wait3A_149 : memref<80x128xf32, #tpu.memory_space<hbm>>)
      tpu.yield
    }) : () -> ()
    %mul3A_89 = arith.constant 640 : i32
    %mul3A_90 = arith.muli %arg1, %mul3A_89 : i32
    %add3A_91 = arith.constant 160 : i32
    %add3A_92 = arith.addi %mul3A_90, %add3A_91 : i32
    "tpu.region"() ({
      %run_scoped3A_137 = tpu.sem_alloc : memref<!tpu.dma_semaphore, #tpu.memory_space<semaphore_mem>>
      %dma_start3A_138 = arith.constant 0 : i32
      %dma_start3A_139 = tpu.memref_slice %arg10[%add3A_92, %dma_start3A_138] : memref<10240x128xf32, #tpu.memory_space<vmem_shared>> -> memref<80x128xf32, #tpu.memory_space<vmem_shared>>
      %dma_start3A_140 = arith.constant 0 : i32
      %dma_start3A_141 = tpu.memref_slice %arg10[%add3A_92, %dma_start3A_140] : memref<10240x128xf32, #tpu.memory_space<vmem_shared>> -> memref<80x128xf32, #tpu.memory_space<vmem_shared>>
      tpu.enqueue_dma source(%dma_start3A_141 : memref<80x128xf32, #tpu.memory_space<vmem_shared>>) target(%arg8 : memref<80x128xf32, #tpu.memory_space<vmem>>) target_semaphore(%run_scoped3A_137 : memref<!tpu.dma_semaphore, #tpu.memory_space<semaphore_mem>>)
      %dma_wait3A_142 = arith.constant 0 : i32
      %dma_wait3A_143 = tpu.memref_slice %arg10[%add3A_92, %dma_wait3A_142] : memref<10240x128xf32, #tpu.memory_space<vmem_shared>> -> memref<80x128xf32, #tpu.memory_space<vmem_shared>>
      %dma_wait3A_144 = arith.constant 0 : i32
      %dma_wait3A_145 = tpu.memref_slice %arg10[%add3A_92, %dma_wait3A_144] : memref<10240x128xf32, #tpu.memory_space<vmem_shared>> -> memref<80x128xf32, #tpu.memory_space<vmem_shared>>
      tpu.wait_dma2 semaphore(%run_scoped3A_137 : memref<!tpu.dma_semaphore, #tpu.memory_space<semaphore_mem>>) src(%dma_wait3A_145 : memref<80x128xf32, #tpu.memory_space<vmem_shared>>) dst(%arg8 : memref<80x128xf32, #tpu.memory_space<vmem>>)
      tpu.yield
    }) : () -> ()
    %mul3A_93 = arith.constant 640 : i32
    %mul3A_94 = arith.muli %arg1, %mul3A_93 : i32
    %add3A_95 = arith.constant 160 : i32
    %add3A_96 = arith.addi %mul3A_94, %add3A_95 : i32
    "tpu.region"() ({
      %run_scoped3A_137 = tpu.sem_alloc : memref<!tpu.dma_semaphore, #tpu.memory_space<semaphore_mem>>
      %dma_start3A_138 = arith.constant 0 : i32
      %dma_start3A_139 = tpu.memref_slice %arg5[%arg0, %add3A_96, %dma_start3A_138] : memref<2x10240x128xf32, #tpu.memory_space<hbm>> -> memref<1x80x128xf32, #tpu.memory_space<hbm>>
      %dma_start3A_140 = tpu.memref_squeeze %dma_start3A_139 : memref<1x80x128xf32, #tpu.memory_space<hbm>> -> memref<80x128xf32, #tpu.memory_space<hbm>>
      %dma_start3A_141 = arith.constant 0 : i32
      %dma_start3A_142 = tpu.memref_slice %arg5[%arg0, %add3A_96, %dma_start3A_141] : memref<2x10240x128xf32, #tpu.memory_space<hbm>> -> memref<1x80x128xf32, #tpu.memory_space<hbm>>
      %dma_start3A_143 = tpu.memref_squeeze %dma_start3A_142 : memref<1x80x128xf32, #tpu.memory_space<hbm>> -> memref<80x128xf32, #tpu.memory_space<hbm>>
      tpu.enqueue_dma source(%arg8 : memref<80x128xf32, #tpu.memory_space<vmem>>) target(%dma_start3A_143 : memref<80x128xf32, #tpu.memory_space<hbm>>) target_semaphore(%run_scoped3A_137 : memref<!tpu.dma_semaphore, #tpu.memory_space<semaphore_mem>>)
      %dma_wait3A_144 = arith.constant 0 : i32
      %dma_wait3A_145 = tpu.memref_slice %arg5[%arg0, %add3A_96, %dma_wait3A_144] : memref<2x10240x128xf32, #tpu.memory_space<hbm>> -> memref<1x80x128xf32, #tpu.memory_space<hbm>>
      %dma_wait3A_146 = tpu.memref_squeeze %dma_wait3A_145 : memref<1x80x128xf32, #tpu.memory_space<hbm>> -> memref<80x128xf32, #tpu.memory_space<hbm>>
      %dma_wait3A_147 = arith.constant 0 : i32
      %dma_wait3A_148 = tpu.memref_slice %arg5[%arg0, %add3A_96, %dma_wait3A_147] : memref<2x10240x128xf32, #tpu.memory_space<hbm>> -> memref<1x80x128xf32, #tpu.memory_space<hbm>>
      %dma_wait3A_149 = tpu.memref_squeeze %dma_wait3A_148 : memref<1x80x128xf32, #tpu.memory_space<hbm>> -> memref<80x128xf32, #tpu.memory_space<hbm>>
      tpu.wait_dma2 semaphore(%run_scoped3A_137 : memref<!tpu.dma_semaphore, #tpu.memory_space<semaphore_mem>>) src(%arg8 : memref<80x128xf32, #tpu.memory_space<vmem>>) dst(%dma_wait3A_149 : memref<80x128xf32, #tpu.memory_space<hbm>>)
      tpu.yield
    }) : () -> ()
    %mul3A_97 = arith.constant 640 : i32
    %mul3A_98 = arith.muli %arg1, %mul3A_97 : i32
    %add3A_99 = arith.constant 240 : i32
    %add3A_100 = arith.addi %mul3A_98, %add3A_99 : i32
    "tpu.region"() ({
      %run_scoped3A_137 = tpu.sem_alloc : memref<!tpu.dma_semaphore, #tpu.memory_space<semaphore_mem>>
      %dma_start3A_138 = arith.constant 0 : i32
      %dma_start3A_139 = tpu.memref_slice %arg10[%add3A_100, %dma_start3A_138] : memref<10240x128xf32, #tpu.memory_space<vmem_shared>> -> memref<80x128xf32, #tpu.memory_space<vmem_shared>>
      %dma_start3A_140 = arith.constant 0 : i32
      %dma_start3A_141 = tpu.memref_slice %arg10[%add3A_100, %dma_start3A_140] : memref<10240x128xf32, #tpu.memory_space<vmem_shared>> -> memref<80x128xf32, #tpu.memory_space<vmem_shared>>
      tpu.enqueue_dma source(%dma_start3A_141 : memref<80x128xf32, #tpu.memory_space<vmem_shared>>) target(%arg8 : memref<80x128xf32, #tpu.memory_space<vmem>>) target_semaphore(%run_scoped3A_137 : memref<!tpu.dma_semaphore, #tpu.memory_space<semaphore_mem>>)
      %dma_wait3A_142 = arith.constant 0 : i32
      %dma_wait3A_143 = tpu.memref_slice %arg10[%add3A_100, %dma_wait3A_142] : memref<10240x128xf32, #tpu.memory_space<vmem_shared>> -> memref<80x128xf32, #tpu.memory_space<vmem_shared>>
      %dma_wait3A_144 = arith.constant 0 : i32
      %dma_wait3A_145 = tpu.memref_slice %arg10[%add3A_100, %dma_wait3A_144] : memref<10240x128xf32, #tpu.memory_space<vmem_shared>> -> memref<80x128xf32, #tpu.memory_space<vmem_shared>>
      tpu.wait_dma2 semaphore(%run_scoped3A_137 : memref<!tpu.dma_semaphore, #tpu.memory_space<semaphore_mem>>) src(%dma_wait3A_145 : memref<80x128xf32, #tpu.memory_space<vmem_shared>>) dst(%arg8 : memref<80x128xf32, #tpu.memory_space<vmem>>)
      tpu.yield
    }) : () -> ()
    %mul3A_101 = arith.constant 640 : i32
    %mul3A_102 = arith.muli %arg1, %mul3A_101 : i32
    %add3A_103 = arith.constant 240 : i32
    %add3A_104 = arith.addi %mul3A_102, %add3A_103 : i32
    "tpu.region"() ({
      %run_scoped3A_137 = tpu.sem_alloc : memref<!tpu.dma_semaphore, #tpu.memory_space<semaphore_mem>>
      %dma_start3A_138 = arith.constant 0 : i32
      %dma_start3A_139 = tpu.memref_slice %arg5[%arg0, %add3A_104, %dma_start3A_138] : memref<2x10240x128xf32, #tpu.memory_space<hbm>> -> memref<1x80x128xf32, #tpu.memory_space<hbm>>
      %dma_start3A_140 = tpu.memref_squeeze %dma_start3A_139 : memref<1x80x128xf32, #tpu.memory_space<hbm>> -> memref<80x128xf32, #tpu.memory_space<hbm>>
      %dma_start3A_141 = arith.constant 0 : i32
      %dma_start3A_142 = tpu.memref_slice %arg5[%arg0, %add3A_104, %dma_start3A_141] : memref<2x10240x128xf32, #tpu.memory_space<hbm>> -> memref<1x80x128xf32, #tpu.memory_space<hbm>>
      %dma_start3A_143 = tpu.memref_squeeze %dma_start3A_142 : memref<1x80x128xf32, #tpu.memory_space<hbm>> -> memref<80x128xf32, #tpu.memory_space<hbm>>
      tpu.enqueue_dma source(%arg8 : memref<80x128xf32, #tpu.memory_space<vmem>>) target(%dma_start3A_143 : memref<80x128xf32, #tpu.memory_space<hbm>>) target_semaphore(%run_scoped3A_137 : memref<!tpu.dma_semaphore, #tpu.memory_space<semaphore_mem>>)
      %dma_wait3A_144 = arith.constant 0 : i32
      %dma_wait3A_145 = tpu.memref_slice %arg5[%arg0, %add3A_104, %dma_wait3A_144] : memref<2x10240x128xf32, #tpu.memory_space<hbm>> -> memref<1x80x128xf32, #tpu.memory_space<hbm>>
      %dma_wait3A_146 = tpu.memref_squeeze %dma_wait3A_145 : memref<1x80x128xf32, #tpu.memory_space<hbm>> -> memref<80x128xf32, #tpu.memory_space<hbm>>
      %dma_wait3A_147 = arith.constant 0 : i32
      %dma_wait3A_148 = tpu.memref_slice %arg5[%arg0, %add3A_104, %dma_wait3A_147] : memref<2x10240x128xf32, #tpu.memory_space<hbm>> -> memref<1x80x128xf32, #tpu.memory_space<hbm>>
      %dma_wait3A_149 = tpu.memref_squeeze %dma_wait3A_148 : memref<1x80x128xf32, #tpu.memory_space<hbm>> -> memref<80x128xf32, #tpu.memory_space<hbm>>
      tpu.wait_dma2 semaphore(%run_scoped3A_137 : memref<!tpu.dma_semaphore, #tpu.memory_space<semaphore_mem>>) src(%arg8 : memref<80x128xf32, #tpu.memory_space<vmem>>) dst(%dma_wait3A_149 : memref<80x128xf32, #tpu.memory_space<hbm>>)
      tpu.yield
    }) : () -> ()
    %mul3A_105 = arith.constant 640 : i32
    %mul3A_106 = arith.muli %arg1, %mul3A_105 : i32
    %add3A_107 = arith.constant 320 : i32
    %add3A_108 = arith.addi %mul3A_106, %add3A_107 : i32
    "tpu.region"() ({
      %run_scoped3A_137 = tpu.sem_alloc : memref<!tpu.dma_semaphore, #tpu.memory_space<semaphore_mem>>
      %dma_start3A_138 = arith.constant 0 : i32
      %dma_start3A_139 = tpu.memref_slice %arg10[%add3A_108, %dma_start3A_138] : memref<10240x128xf32, #tpu.memory_space<vmem_shared>> -> memref<80x128xf32, #tpu.memory_space<vmem_shared>>
      %dma_start3A_140 = arith.constant 0 : i32
      %dma_start3A_141 = tpu.memref_slice %arg10[%add3A_108, %dma_start3A_140] : memref<10240x128xf32, #tpu.memory_space<vmem_shared>> -> memref<80x128xf32, #tpu.memory_space<vmem_shared>>
      tpu.enqueue_dma source(%dma_start3A_141 : memref<80x128xf32, #tpu.memory_space<vmem_shared>>) target(%arg8 : memref<80x128xf32, #tpu.memory_space<vmem>>) target_semaphore(%run_scoped3A_137 : memref<!tpu.dma_semaphore, #tpu.memory_space<semaphore_mem>>)
      %dma_wait3A_142 = arith.constant 0 : i32
      %dma_wait3A_143 = tpu.memref_slice %arg10[%add3A_108, %dma_wait3A_142] : memref<10240x128xf32, #tpu.memory_space<vmem_shared>> -> memref<80x128xf32, #tpu.memory_space<vmem_shared>>
      %dma_wait3A_144 = arith.constant 0 : i32
      %dma_wait3A_145 = tpu.memref_slice %arg10[%add3A_108, %dma_wait3A_144] : memref<10240x128xf32, #tpu.memory_space<vmem_shared>> -> memref<80x128xf32, #tpu.memory_space<vmem_shared>>
      tpu.wait_dma2 semaphore(%run_scoped3A_137 : memref<!tpu.dma_semaphore, #tpu.memory_space<semaphore_mem>>) src(%dma_wait3A_145 : memref<80x128xf32, #tpu.memory_space<vmem_shared>>) dst(%arg8 : memref<80x128xf32, #tpu.memory_space<vmem>>)
      tpu.yield
    }) : () -> ()
    %mul3A_109 = arith.constant 640 : i32
    %mul3A_110 = arith.muli %arg1, %mul3A_109 : i32
    %add3A_111 = arith.constant 320 : i32
    %add3A_112 = arith.addi %mul3A_110, %add3A_111 : i32
    "tpu.region"() ({
      %run_scoped3A_137 = tpu.sem_alloc : memref<!tpu.dma_semaphore, #tpu.memory_space<semaphore_mem>>
      %dma_start3A_138 = arith.constant 0 : i32
      %dma_start3A_139 = tpu.memref_slice %arg5[%arg0, %add3A_112, %dma_start3A_138] : memref<2x10240x128xf32, #tpu.memory_space<hbm>> -> memref<1x80x128xf32, #tpu.memory_space<hbm>>
      %dma_start3A_140 = tpu.memref_squeeze %dma_start3A_139 : memref<1x80x128xf32, #tpu.memory_space<hbm>> -> memref<80x128xf32, #tpu.memory_space<hbm>>
      %dma_start3A_141 = arith.constant 0 : i32
      %dma_start3A_142 = tpu.memref_slice %arg5[%arg0, %add3A_112, %dma_start3A_141] : memref<2x10240x128xf32, #tpu.memory_space<hbm>> -> memref<1x80x128xf32, #tpu.memory_space<hbm>>
      %dma_start3A_143 = tpu.memref_squeeze %dma_start3A_142 : memref<1x80x128xf32, #tpu.memory_space<hbm>> -> memref<80x128xf32, #tpu.memory_space<hbm>>
      tpu.enqueue_dma source(%arg8 : memref<80x128xf32, #tpu.memory_space<vmem>>) target(%dma_start3A_143 : memref<80x128xf32, #tpu.memory_space<hbm>>) target_semaphore(%run_scoped3A_137 : memref<!tpu.dma_semaphore, #tpu.memory_space<semaphore_mem>>)
      %dma_wait3A_144 = arith.constant 0 : i32
      %dma_wait3A_145 = tpu.memref_slice %arg5[%arg0, %add3A_112, %dma_wait3A_144] : memref<2x10240x128xf32, #tpu.memory_space<hbm>> -> memref<1x80x128xf32, #tpu.memory_space<hbm>>
      %dma_wait3A_146 = tpu.memref_squeeze %dma_wait3A_145 : memref<1x80x128xf32, #tpu.memory_space<hbm>> -> memref<80x128xf32, #tpu.memory_space<hbm>>
      %dma_wait3A_147 = arith.constant 0 : i32
      %dma_wait3A_148 = tpu.memref_slice %arg5[%arg0, %add3A_112, %dma_wait3A_147] : memref<2x10240x128xf32, #tpu.memory_space<hbm>> -> memref<1x80x128xf32, #tpu.memory_space<hbm>>
      %dma_wait3A_149 = tpu.memref_squeeze %dma_wait3A_148 : memref<1x80x128xf32, #tpu.memory_space<hbm>> -> memref<80x128xf32, #tpu.memory_space<hbm>>
      tpu.wait_dma2 semaphore(%run_scoped3A_137 : memref<!tpu.dma_semaphore, #tpu.memory_space<semaphore_mem>>) src(%arg8 : memref<80x128xf32, #tpu.memory_space<vmem>>) dst(%dma_wait3A_149 : memref<80x128xf32, #tpu.memory_space<hbm>>)
      tpu.yield
    }) : () -> ()
    %mul3A_113 = arith.constant 640 : i32
    %mul3A_114 = arith.muli %arg1, %mul3A_113 : i32
    %add3A_115 = arith.constant 400 : i32
    %add3A_116 = arith.addi %mul3A_114, %add3A_115 : i32
    "tpu.region"() ({
      %run_scoped3A_137 = tpu.sem_alloc : memref<!tpu.dma_semaphore, #tpu.memory_space<semaphore_mem>>
      %dma_start3A_138 = arith.constant 0 : i32
      %dma_start3A_139 = tpu.memref_slice %arg10[%add3A_116, %dma_start3A_138] : memref<10240x128xf32, #tpu.memory_space<vmem_shared>> -> memref<80x128xf32, #tpu.memory_space<vmem_shared>>
      %dma_start3A_140 = arith.constant 0 : i32
      %dma_start3A_141 = tpu.memref_slice %arg10[%add3A_116, %dma_start3A_140] : memref<10240x128xf32, #tpu.memory_space<vmem_shared>> -> memref<80x128xf32, #tpu.memory_space<vmem_shared>>
      tpu.enqueue_dma source(%dma_start3A_141 : memref<80x128xf32, #tpu.memory_space<vmem_shared>>) target(%arg8 : memref<80x128xf32, #tpu.memory_space<vmem>>) target_semaphore(%run_scoped3A_137 : memref<!tpu.dma_semaphore, #tpu.memory_space<semaphore_mem>>)
      %dma_wait3A_142 = arith.constant 0 : i32
      %dma_wait3A_143 = tpu.memref_slice %arg10[%add3A_116, %dma_wait3A_142] : memref<10240x128xf32, #tpu.memory_space<vmem_shared>> -> memref<80x128xf32, #tpu.memory_space<vmem_shared>>
      %dma_wait3A_144 = arith.constant 0 : i32
      %dma_wait3A_145 = tpu.memref_slice %arg10[%add3A_116, %dma_wait3A_144] : memref<10240x128xf32, #tpu.memory_space<vmem_shared>> -> memref<80x128xf32, #tpu.memory_space<vmem_shared>>
      tpu.wait_dma2 semaphore(%run_scoped3A_137 : memref<!tpu.dma_semaphore, #tpu.memory_space<semaphore_mem>>) src(%dma_wait3A_145 : memref<80x128xf32, #tpu.memory_space<vmem_shared>>) dst(%arg8 : memref<80x128xf32, #tpu.memory_space<vmem>>)
      tpu.yield
    }) : () -> ()
    %mul3A_117 = arith.constant 640 : i32
    %mul3A_118 = arith.muli %arg1, %mul3A_117 : i32
    %add3A_119 = arith.constant 400 : i32
    %add3A_120 = arith.addi %mul3A_118, %add3A_119 : i32
    "tpu.region"() ({
      %run_scoped3A_137 = tpu.sem_alloc : memref<!tpu.dma_semaphore, #tpu.memory_space<semaphore_mem>>
      %dma_start3A_138 = arith.constant 0 : i32
      %dma_start3A_139 = tpu.memref_slice %arg5[%arg0, %add3A_120, %dma_start3A_138] : memref<2x10240x128xf32, #tpu.memory_space<hbm>> -> memref<1x80x128xf32, #tpu.memory_space<hbm>>
      %dma_start3A_140 = tpu.memref_squeeze %dma_start3A_139 : memref<1x80x128xf32, #tpu.memory_space<hbm>> -> memref<80x128xf32, #tpu.memory_space<hbm>>
      %dma_start3A_141 = arith.constant 0 : i32
      %dma_start3A_142 = tpu.memref_slice %arg5[%arg0, %add3A_120, %dma_start3A_141] : memref<2x10240x128xf32, #tpu.memory_space<hbm>> -> memref<1x80x128xf32, #tpu.memory_space<hbm>>
      %dma_start3A_143 = tpu.memref_squeeze %dma_start3A_142 : memref<1x80x128xf32, #tpu.memory_space<hbm>> -> memref<80x128xf32, #tpu.memory_space<hbm>>
      tpu.enqueue_dma source(%arg8 : memref<80x128xf32, #tpu.memory_space<vmem>>) target(%dma_start3A_143 : memref<80x128xf32, #tpu.memory_space<hbm>>) target_semaphore(%run_scoped3A_137 : memref<!tpu.dma_semaphore, #tpu.memory_space<semaphore_mem>>)
      %dma_wait3A_144 = arith.constant 0 : i32
      %dma_wait3A_145 = tpu.memref_slice %arg5[%arg0, %add3A_120, %dma_wait3A_144] : memref<2x10240x128xf32, #tpu.memory_space<hbm>> -> memref<1x80x128xf32, #tpu.memory_space<hbm>>
      %dma_wait3A_146 = tpu.memref_squeeze %dma_wait3A_145 : memref<1x80x128xf32, #tpu.memory_space<hbm>> -> memref<80x128xf32, #tpu.memory_space<hbm>>
      %dma_wait3A_147 = arith.constant 0 : i32
      %dma_wait3A_148 = tpu.memref_slice %arg5[%arg0, %add3A_120, %dma_wait3A_147] : memref<2x10240x128xf32, #tpu.memory_space<hbm>> -> memref<1x80x128xf32, #tpu.memory_space<hbm>>
      %dma_wait3A_149 = tpu.memref_squeeze %dma_wait3A_148 : memref<1x80x128xf32, #tpu.memory_space<hbm>> -> memref<80x128xf32, #tpu.memory_space<hbm>>
      tpu.wait_dma2 semaphore(%run_scoped3A_137 : memref<!tpu.dma_semaphore, #tpu.memory_space<semaphore_mem>>) src(%arg8 : memref<80x128xf32, #tpu.memory_space<vmem>>) dst(%dma_wait3A_149 : memref<80x128xf32, #tpu.memory_space<hbm>>)
      tpu.yield
    }) : () -> ()
    %mul3A_121 = arith.constant 640 : i32
    %mul3A_122 = arith.muli %arg1, %mul3A_121 : i32
    %add3A_123 = arith.constant 480 : i32
    %add3A_124 = arith.addi %mul3A_122, %add3A_123 : i32
    "tpu.region"() ({
      %run_scoped3A_137 = tpu.sem_alloc : memref<!tpu.dma_semaphore, #tpu.memory_space<semaphore_mem>>
      %dma_start3A_138 = arith.constant 0 : i32
      %dma_start3A_139 = tpu.memref_slice %arg10[%add3A_124, %dma_start3A_138] : memref<10240x128xf32, #tpu.memory_space<vmem_shared>> -> memref<80x128xf32, #tpu.memory_space<vmem_shared>>
      %dma_start3A_140 = arith.constant 0 : i32
      %dma_start3A_141 = tpu.memref_slice %arg10[%add3A_124, %dma_start3A_140] : memref<10240x128xf32, #tpu.memory_space<vmem_shared>> -> memref<80x128xf32, #tpu.memory_space<vmem_shared>>
      tpu.enqueue_dma source(%dma_start3A_141 : memref<80x128xf32, #tpu.memory_space<vmem_shared>>) target(%arg8 : memref<80x128xf32, #tpu.memory_space<vmem>>) target_semaphore(%run_scoped3A_137 : memref<!tpu.dma_semaphore, #tpu.memory_space<semaphore_mem>>)
      %dma_wait3A_142 = arith.constant 0 : i32
      %dma_wait3A_143 = tpu.memref_slice %arg10[%add3A_124, %dma_wait3A_142] : memref<10240x128xf32, #tpu.memory_space<vmem_shared>> -> memref<80x128xf32, #tpu.memory_space<vmem_shared>>
      %dma_wait3A_144 = arith.constant 0 : i32
      %dma_wait3A_145 = tpu.memref_slice %arg10[%add3A_124, %dma_wait3A_144] : memref<10240x128xf32, #tpu.memory_space<vmem_shared>> -> memref<80x128xf32, #tpu.memory_space<vmem_shared>>
      tpu.wait_dma2 semaphore(%run_scoped3A_137 : memref<!tpu.dma_semaphore, #tpu.memory_space<semaphore_mem>>) src(%dma_wait3A_145 : memref<80x128xf32, #tpu.memory_space<vmem_shared>>) dst(%arg8 : memref<80x128xf32, #tpu.memory_space<vmem>>)
      tpu.yield
    }) : () -> ()
    %mul3A_125 = arith.constant 640 : i32
    %mul3A_126 = arith.muli %arg1, %mul3A_125 : i32
    %add3A_127 = arith.constant 480 : i32
    %add3A_128 = arith.addi %mul3A_126, %add3A_127 : i32
    "tpu.region"() ({
      %run_scoped3A_137 = tpu.sem_alloc : memref<!tpu.dma_semaphore, #tpu.memory_space<semaphore_mem>>
      %dma_start3A_138 = arith.constant 0 : i32
      %dma_start3A_139 = tpu.memref_slice %arg5[%arg0, %add3A_128, %dma_start3A_138] : memref<2x10240x128xf32, #tpu.memory_space<hbm>> -> memref<1x80x128xf32, #tpu.memory_space<hbm>>
      %dma_start3A_140 = tpu.memref_squeeze %dma_start3A_139 : memref<1x80x128xf32, #tpu.memory_space<hbm>> -> memref<80x128xf32, #tpu.memory_space<hbm>>
      %dma_start3A_141 = arith.constant 0 : i32
      %dma_start3A_142 = tpu.memref_slice %arg5[%arg0, %add3A_128, %dma_start3A_141] : memref<2x10240x128xf32, #tpu.memory_space<hbm>> -> memref<1x80x128xf32, #tpu.memory_space<hbm>>
      %dma_start3A_143 = tpu.memref_squeeze %dma_start3A_142 : memref<1x80x128xf32, #tpu.memory_space<hbm>> -> memref<80x128xf32, #tpu.memory_space<hbm>>
      tpu.enqueue_dma source(%arg8 : memref<80x128xf32, #tpu.memory_space<vmem>>) target(%dma_start3A_143 : memref<80x128xf32, #tpu.memory_space<hbm>>) target_semaphore(%run_scoped3A_137 : memref<!tpu.dma_semaphore, #tpu.memory_space<semaphore_mem>>)
      %dma_wait3A_144 = arith.constant 0 : i32
      %dma_wait3A_145 = tpu.memref_slice %arg5[%arg0, %add3A_128, %dma_wait3A_144] : memref<2x10240x128xf32, #tpu.memory_space<hbm>> -> memref<1x80x128xf32, #tpu.memory_space<hbm>>
      %dma_wait3A_146 = tpu.memref_squeeze %dma_wait3A_145 : memref<1x80x128xf32, #tpu.memory_space<hbm>> -> memref<80x128xf32, #tpu.memory_space<hbm>>
      %dma_wait3A_147 = arith.constant 0 : i32
      %dma_wait3A_148 = tpu.memref_slice %arg5[%arg0, %add3A_128, %dma_wait3A_147] : memref<2x10240x128xf32, #tpu.memory_space<hbm>> -> memref<1x80x128xf32, #tpu.memory_space<hbm>>
      %dma_wait3A_149 = tpu.memref_squeeze %dma_wait3A_148 : memref<1x80x128xf32, #tpu.memory_space<hbm>> -> memref<80x128xf32, #tpu.memory_space<hbm>>
      tpu.wait_dma2 semaphore(%run_scoped3A_137 : memref<!tpu.dma_semaphore, #tpu.memory_space<semaphore_mem>>) src(%arg8 : memref<80x128xf32, #tpu.memory_space<vmem>>) dst(%dma_wait3A_149 : memref<80x128xf32, #tpu.memory_space<hbm>>)
      tpu.yield
    }) : () -> ()
    %mul3A_129 = arith.constant 640 : i32
    %mul3A_130 = arith.muli %arg1, %mul3A_129 : i32
    %add3A_131 = arith.constant 560 : i32
    %add3A_132 = arith.addi %mul3A_130, %add3A_131 : i32
    "tpu.region"() ({
      %run_scoped3A_137 = tpu.sem_alloc : memref<!tpu.dma_semaphore, #tpu.memory_space<semaphore_mem>>
      %dma_start3A_138 = arith.constant 0 : i32
      %dma_start3A_139 = tpu.memref_slice %arg10[%add3A_132, %dma_start3A_138] : memref<10240x128xf32, #tpu.memory_space<vmem_shared>> -> memref<80x128xf32, #tpu.memory_space<vmem_shared>>
      %dma_start3A_140 = arith.constant 0 : i32
      %dma_start3A_141 = tpu.memref_slice %arg10[%add3A_132, %dma_start3A_140] : memref<10240x128xf32, #tpu.memory_space<vmem_shared>> -> memref<80x128xf32, #tpu.memory_space<vmem_shared>>
      tpu.enqueue_dma source(%dma_start3A_141 : memref<80x128xf32, #tpu.memory_space<vmem_shared>>) target(%arg8 : memref<80x128xf32, #tpu.memory_space<vmem>>) target_semaphore(%run_scoped3A_137 : memref<!tpu.dma_semaphore, #tpu.memory_space<semaphore_mem>>)
      %dma_wait3A_142 = arith.constant 0 : i32
      %dma_wait3A_143 = tpu.memref_slice %arg10[%add3A_132, %dma_wait3A_142] : memref<10240x128xf32, #tpu.memory_space<vmem_shared>> -> memref<80x128xf32, #tpu.memory_space<vmem_shared>>
      %dma_wait3A_144 = arith.constant 0 : i32
      %dma_wait3A_145 = tpu.memref_slice %arg10[%add3A_132, %dma_wait3A_144] : memref<10240x128xf32, #tpu.memory_space<vmem_shared>> -> memref<80x128xf32, #tpu.memory_space<vmem_shared>>
      tpu.wait_dma2 semaphore(%run_scoped3A_137 : memref<!tpu.dma_semaphore, #tpu.memory_space<semaphore_mem>>) src(%dma_wait3A_145 : memref<80x128xf32, #tpu.memory_space<vmem_shared>>) dst(%arg8 : memref<80x128xf32, #tpu.memory_space<vmem>>)
      tpu.yield
    }) : () -> ()
    %mul3A_133 = arith.constant 640 : i32
    %mul3A_134 = arith.muli %arg1, %mul3A_133 : i32
    %add3A_135 = arith.constant 560 : i32
    %add3A_136 = arith.addi %mul3A_134, %add3A_135 : i32
    "tpu.region"() ({
      %run_scoped3A_137 = tpu.sem_alloc : memref<!tpu.dma_semaphore, #tpu.memory_space<semaphore_mem>>
      %dma_start3A_138 = arith.constant 0 : i32
      %dma_start3A_139 = tpu.memref_slice %arg5[%arg0, %add3A_136, %dma_start3A_138] : memref<2x10240x128xf32, #tpu.memory_space<hbm>> -> memref<1x80x128xf32, #tpu.memory_space<hbm>>
      %dma_start3A_140 = tpu.memref_squeeze %dma_start3A_139 : memref<1x80x128xf32, #tpu.memory_space<hbm>> -> memref<80x128xf32, #tpu.memory_space<hbm>>
      %dma_start3A_141 = arith.constant 0 : i32
      %dma_start3A_142 = tpu.memref_slice %arg5[%arg0, %add3A_136, %dma_start3A_141] : memref<2x10240x128xf32, #tpu.memory_space<hbm>> -> memref<1x80x128xf32, #tpu.memory_space<hbm>>
      %dma_start3A_143 = tpu.memref_squeeze %dma_start3A_142 : memref<1x80x128xf32, #tpu.memory_space<hbm>> -> memref<80x128xf32, #tpu.memory_space<hbm>>
      tpu.enqueue_dma source(%arg8 : memref<80x128xf32, #tpu.memory_space<vmem>>) target(%dma_start3A_143 : memref<80x128xf32, #tpu.memory_space<hbm>>) target_semaphore(%run_scoped3A_137 : memref<!tpu.dma_semaphore, #tpu.memory_space<semaphore_mem>>)
      %dma_wait3A_144 = arith.constant 0 : i32
      %dma_wait3A_145 = tpu.memref_slice %arg5[%arg0, %add3A_136, %dma_wait3A_144] : memref<2x10240x128xf32, #tpu.memory_space<hbm>> -> memref<1x80x128xf32, #tpu.memory_space<hbm>>
      %dma_wait3A_146 = tpu.memref_squeeze %dma_wait3A_145 : memref<1x80x128xf32, #tpu.memory_space<hbm>> -> memref<80x128xf32, #tpu.memory_space<hbm>>
      %dma_wait3A_147 = arith.constant 0 : i32
      %dma_wait3A_148 = tpu.memref_slice %arg5[%arg0, %add3A_136, %dma_wait3A_147] : memref<2x10240x128xf32, #tpu.memory_space<hbm>> -> memref<1x80x128xf32, #tpu.memory_space<hbm>>
      %dma_wait3A_149 = tpu.memref_squeeze %dma_wait3A_148 : memref<1x80x128xf32, #tpu.memory_space<hbm>> -> memref<80x128xf32, #tpu.memory_space<hbm>>
      tpu.wait_dma2 semaphore(%run_scoped3A_137 : memref<!tpu.dma_semaphore, #tpu.memory_space<semaphore_mem>>) src(%arg8 : memref<80x128xf32, #tpu.memory_space<vmem>>) dst(%dma_wait3A_149 : memref<80x128xf32, #tpu.memory_space<hbm>>)
      tpu.yield
    }) : () -> ()
    return
  }
}

#map = affine_map<(d0, d1) -> (0, 0)>
#map1 = affine_map<(d0, d1) -> (0, 0, 0)>
module attributes {stable_mosaic.version = 14 : i64} {
  func.func @_sc_aggregate(%arg0: i32, %arg1: i32, %arg2: memref<10000x128xf32, #tpu.memory_space<hbm>>, %arg3: memref<4000x2x80xi32, #tpu.memory_space<hbm>>, %arg4: memref<80x128xf32, #tpu.memory_space<hbm>>, %arg5: memref<2x10240x128xf32, #tpu.memory_space<hbm>>, %arg6: memref<1x2x80xi32, #tpu.memory_space<vmem>>, %arg7: memref<1x2x80xi32, #tpu.memory_space<vmem>>, %arg8: memref<80x128xf32, #tpu.memory_space<vmem>>, %arg9: memref<80x128xf32, #tpu.memory_space<vmem>>, %arg10: memref<10240x128xf32, #tpu.memory_space<vmem_shared>>, %arg11: memref<!tpu.dma_semaphore, #tpu.memory_space<semaphore_mem>>, %arg12: memref<!tpu.dma_semaphore, #tpu.memory_space<semaphore_mem>>) attributes {dimension_semantics = [#tpu.dimension_semantics<core_parallel>, #tpu.dimension_semantics<subcore_parallel>], iteration_bounds = array<i64: 2, 16>, scalar_prefetch = 0 : i64, scratch_operands = 7 : i64, tpu.core_type = #tpu.core_type<sc_vector_subcore>, window_params = [{transform_indices = #map}, {transform_indices = #map1}, {transform_indices = #map}, {transform_indices = #map1}]} {
    "tpu.region"() ({
      %run_scoped3A_137 = tpu.sem_alloc : memref<!tpu.dma_semaphore, #tpu.memory_space<semaphore_mem>>
      tpu.enqueue_dma source(%arg4 : memref<80x128xf32, #tpu.memory_space<hbm>>) target(%arg8 : memref<80x128xf32, #tpu.memory_space<vmem>>) target_semaphore(%run_scoped3A_137 : memref<!tpu.dma_semaphore, #tpu.memory_space<semaphore_mem>>)
      tpu.wait_dma2 semaphore(%run_scoped3A_137 : memref<!tpu.dma_semaphore, #tpu.memory_space<semaphore_mem>>) src(%arg4 : memref<80x128xf32, #tpu.memory_space<hbm>>) dst(%arg8 : memref<80x128xf32, #tpu.memory_space<vmem>>)
      tpu.yield
    }) : () -> ()
    %mul3A = arith.constant 640 : i32
    %mul3A_0 = arith.muli %arg1, %mul3A : i32
    %add3A = arith.constant 0 : i32
    %add3A_1 = arith.addi %mul3A_0, %add3A : i32
    "tpu.region"() ({
      %run_scoped3A_137 = tpu.sem_alloc : memref<!tpu.dma_semaphore, #tpu.memory_space<semaphore_mem>>
      %dma_start3A_138 = arith.constant 0 : i32
      %dma_start3A_139 = tpu.memref_slice %arg10[%add3A_1, %dma_start3A_138] : memref<10240x128xf32, #tpu.memory_space<vmem_shared>> -> memref<80x128xf32, #tpu.memory_space<vmem_shared>>
      %dma_start3A_140 = arith.constant 0 : i32
      %dma_start3A_141 = tpu.memref_slice %arg10[%add3A_1, %dma_start3A_140] : memref<10240x128xf32, #tpu.memory_space<vmem_shared>> -> memref<80x128xf32, #tpu.memory_space<vmem_shared>>
      tpu.enqueue_dma source(%arg8 : memref<80x128xf32, #tpu.memory_space<vmem>>) target(%dma_start3A_141 : memref<80x128xf32, #tpu.memory_space<vmem_shared>>) target_semaphore(%run_scoped3A_137 : memref<!tpu.dma_semaphore, #tpu.memory_space<semaphore_mem>>)
      %dma_wait3A_142 = arith.constant 0 : i32
      %dma_wait3A_143 = tpu.memref_slice %arg10[%add3A_1, %dma_wait3A_142] : memref<10240x128xf32, #tpu.memory_space<vmem_shared>> -> memref<80x128xf32, #tpu.memory_space<vmem_shared>>
      %dma_wait3A_144 = arith.constant 0 : i32
      %dma_wait3A_145 = tpu.memref_slice %arg10[%add3A_1, %dma_wait3A_144] : memref<10240x128xf32, #tpu.memory_space<vmem_shared>> -> memref<80x128xf32, #tpu.memory_space<vmem_shared>>
      tpu.wait_dma2 semaphore(%run_scoped3A_137 : memref<!tpu.dma_semaphore, #tpu.memory_space<semaphore_mem>>) src(%arg8 : memref<80x128xf32, #tpu.memory_space<vmem>>) dst(%dma_wait3A_145 : memref<80x128xf32, #tpu.memory_space<vmem_shared>>)
      tpu.yield
    }) : () -> ()
    %mul3A_2 = arith.constant 640 : i32
    %mul3A_3 = arith.muli %arg1, %mul3A_2 : i32
    %add3A_4 = arith.constant 80 : i32
    %add3A_5 = arith.addi %mul3A_3, %add3A_4 : i32
    "tpu.region"() ({
      %run_scoped3A_137 = tpu.sem_alloc : memref<!tpu.dma_semaphore, #tpu.memory_space<semaphore_mem>>
      %dma_start3A_138 = arith.constant 0 : i32
      %dma_start3A_139 = tpu.memref_slice %arg10[%add3A_5, %dma_start3A_138] : memref<10240x128xf32, #tpu.memory_space<vmem_shared>> -> memref<80x128xf32, #tpu.memory_space<vmem_shared>>
      %dma_start3A_140 = arith.constant 0 : i32
      %dma_start3A_141 = tpu.memref_slice %arg10[%add3A_5, %dma_start3A_140] : memref<10240x128xf32, #tpu.memory_space<vmem_shared>> -> memref<80x128xf32, #tpu.memory_space<vmem_shared>>
      tpu.enqueue_dma source(%arg8 : memref<80x128xf32, #tpu.memory_space<vmem>>) target(%dma_start3A_141 : memref<80x128xf32, #tpu.memory_space<vmem_shared>>) target_semaphore(%run_scoped3A_137 : memref<!tpu.dma_semaphore, #tpu.memory_space<semaphore_mem>>)
      %dma_wait3A_142 = arith.constant 0 : i32
      %dma_wait3A_143 = tpu.memref_slice %arg10[%add3A_5, %dma_wait3A_142] : memref<10240x128xf32, #tpu.memory_space<vmem_shared>> -> memref<80x128xf32, #tpu.memory_space<vmem_shared>>
      %dma_wait3A_144 = arith.constant 0 : i32
      %dma_wait3A_145 = tpu.memref_slice %arg10[%add3A_5, %dma_wait3A_144] : memref<10240x128xf32, #tpu.memory_space<vmem_shared>> -> memref<80x128xf32, #tpu.memory_space<vmem_shared>>
      tpu.wait_dma2 semaphore(%run_scoped3A_137 : memref<!tpu.dma_semaphore, #tpu.memory_space<semaphore_mem>>) src(%arg8 : memref<80x128xf32, #tpu.memory_space<vmem>>) dst(%dma_wait3A_145 : memref<80x128xf32, #tpu.memory_space<vmem_shared>>)
      tpu.yield
    }) : () -> ()
    %mul3A_6 = arith.constant 640 : i32
    %mul3A_7 = arith.muli %arg1, %mul3A_6 : i32
    %add3A_8 = arith.constant 160 : i32
    %add3A_9 = arith.addi %mul3A_7, %add3A_8 : i32
    "tpu.region"() ({
      %run_scoped3A_137 = tpu.sem_alloc : memref<!tpu.dma_semaphore, #tpu.memory_space<semaphore_mem>>
      %dma_start3A_138 = arith.constant 0 : i32
      %dma_start3A_139 = tpu.memref_slice %arg10[%add3A_9, %dma_start3A_138] : memref<10240x128xf32, #tpu.memory_space<vmem_shared>> -> memref<80x128xf32, #tpu.memory_space<vmem_shared>>
      %dma_start3A_140 = arith.constant 0 : i32
      %dma_start3A_141 = tpu.memref_slice %arg10[%add3A_9, %dma_start3A_140] : memref<10240x128xf32, #tpu.memory_space<vmem_shared>> -> memref<80x128xf32, #tpu.memory_space<vmem_shared>>
      tpu.enqueue_dma source(%arg8 : memref<80x128xf32, #tpu.memory_space<vmem>>) target(%dma_start3A_141 : memref<80x128xf32, #tpu.memory_space<vmem_shared>>) target_semaphore(%run_scoped3A_137 : memref<!tpu.dma_semaphore, #tpu.memory_space<semaphore_mem>>)
      %dma_wait3A_142 = arith.constant 0 : i32
      %dma_wait3A_143 = tpu.memref_slice %arg10[%add3A_9, %dma_wait3A_142] : memref<10240x128xf32, #tpu.memory_space<vmem_shared>> -> memref<80x128xf32, #tpu.memory_space<vmem_shared>>
      %dma_wait3A_144 = arith.constant 0 : i32
      %dma_wait3A_145 = tpu.memref_slice %arg10[%add3A_9, %dma_wait3A_144] : memref<10240x128xf32, #tpu.memory_space<vmem_shared>> -> memref<80x128xf32, #tpu.memory_space<vmem_shared>>
      tpu.wait_dma2 semaphore(%run_scoped3A_137 : memref<!tpu.dma_semaphore, #tpu.memory_space<semaphore_mem>>) src(%arg8 : memref<80x128xf32, #tpu.memory_space<vmem>>) dst(%dma_wait3A_145 : memref<80x128xf32, #tpu.memory_space<vmem_shared>>)
      tpu.yield
    }) : () -> ()
    %mul3A_10 = arith.constant 640 : i32
    %mul3A_11 = arith.muli %arg1, %mul3A_10 : i32
    %add3A_12 = arith.constant 240 : i32
    %add3A_13 = arith.addi %mul3A_11, %add3A_12 : i32
    "tpu.region"() ({
      %run_scoped3A_137 = tpu.sem_alloc : memref<!tpu.dma_semaphore, #tpu.memory_space<semaphore_mem>>
      %dma_start3A_138 = arith.constant 0 : i32
      %dma_start3A_139 = tpu.memref_slice %arg10[%add3A_13, %dma_start3A_138] : memref<10240x128xf32, #tpu.memory_space<vmem_shared>> -> memref<80x128xf32, #tpu.memory_space<vmem_shared>>
      %dma_start3A_140 = arith.constant 0 : i32
      %dma_start3A_141 = tpu.memref_slice %arg10[%add3A_13, %dma_start3A_140] : memref<10240x128xf32, #tpu.memory_space<vmem_shared>> -> memref<80x128xf32, #tpu.memory_space<vmem_shared>>
      tpu.enqueue_dma source(%arg8 : memref<80x128xf32, #tpu.memory_space<vmem>>) target(%dma_start3A_141 : memref<80x128xf32, #tpu.memory_space<vmem_shared>>) target_semaphore(%run_scoped3A_137 : memref<!tpu.dma_semaphore, #tpu.memory_space<semaphore_mem>>)
      %dma_wait3A_142 = arith.constant 0 : i32
      %dma_wait3A_143 = tpu.memref_slice %arg10[%add3A_13, %dma_wait3A_142] : memref<10240x128xf32, #tpu.memory_space<vmem_shared>> -> memref<80x128xf32, #tpu.memory_space<vmem_shared>>
      %dma_wait3A_144 = arith.constant 0 : i32
      %dma_wait3A_145 = tpu.memref_slice %arg10[%add3A_13, %dma_wait3A_144] : memref<10240x128xf32, #tpu.memory_space<vmem_shared>> -> memref<80x128xf32, #tpu.memory_space<vmem_shared>>
      tpu.wait_dma2 semaphore(%run_scoped3A_137 : memref<!tpu.dma_semaphore, #tpu.memory_space<semaphore_mem>>) src(%arg8 : memref<80x128xf32, #tpu.memory_space<vmem>>) dst(%dma_wait3A_145 : memref<80x128xf32, #tpu.memory_space<vmem_shared>>)
      tpu.yield
    }) : () -> ()
    %mul3A_14 = arith.constant 640 : i32
    %mul3A_15 = arith.muli %arg1, %mul3A_14 : i32
    %add3A_16 = arith.constant 320 : i32
    %add3A_17 = arith.addi %mul3A_15, %add3A_16 : i32
    "tpu.region"() ({
      %run_scoped3A_137 = tpu.sem_alloc : memref<!tpu.dma_semaphore, #tpu.memory_space<semaphore_mem>>
      %dma_start3A_138 = arith.constant 0 : i32
      %dma_start3A_139 = tpu.memref_slice %arg10[%add3A_17, %dma_start3A_138] : memref<10240x128xf32, #tpu.memory_space<vmem_shared>> -> memref<80x128xf32, #tpu.memory_space<vmem_shared>>
      %dma_start3A_140 = arith.constant 0 : i32
      %dma_start3A_141 = tpu.memref_slice %arg10[%add3A_17, %dma_start3A_140] : memref<10240x128xf32, #tpu.memory_space<vmem_shared>> -> memref<80x128xf32, #tpu.memory_space<vmem_shared>>
      tpu.enqueue_dma source(%arg8 : memref<80x128xf32, #tpu.memory_space<vmem>>) target(%dma_start3A_141 : memref<80x128xf32, #tpu.memory_space<vmem_shared>>) target_semaphore(%run_scoped3A_137 : memref<!tpu.dma_semaphore, #tpu.memory_space<semaphore_mem>>)
      %dma_wait3A_142 = arith.constant 0 : i32
      %dma_wait3A_143 = tpu.memref_slice %arg10[%add3A_17, %dma_wait3A_142] : memref<10240x128xf32, #tpu.memory_space<vmem_shared>> -> memref<80x128xf32, #tpu.memory_space<vmem_shared>>
      %dma_wait3A_144 = arith.constant 0 : i32
      %dma_wait3A_145 = tpu.memref_slice %arg10[%add3A_17, %dma_wait3A_144] : memref<10240x128xf32, #tpu.memory_space<vmem_shared>> -> memref<80x128xf32, #tpu.memory_space<vmem_shared>>
      tpu.wait_dma2 semaphore(%run_scoped3A_137 : memref<!tpu.dma_semaphore, #tpu.memory_space<semaphore_mem>>) src(%arg8 : memref<80x128xf32, #tpu.memory_space<vmem>>) dst(%dma_wait3A_145 : memref<80x128xf32, #tpu.memory_space<vmem_shared>>)
      tpu.yield
    }) : () -> ()
    %mul3A_18 = arith.constant 640 : i32
    %mul3A_19 = arith.muli %arg1, %mul3A_18 : i32
    %add3A_20 = arith.constant 400 : i32
    %add3A_21 = arith.addi %mul3A_19, %add3A_20 : i32
    "tpu.region"() ({
      %run_scoped3A_137 = tpu.sem_alloc : memref<!tpu.dma_semaphore, #tpu.memory_space<semaphore_mem>>
      %dma_start3A_138 = arith.constant 0 : i32
      %dma_start3A_139 = tpu.memref_slice %arg10[%add3A_21, %dma_start3A_138] : memref<10240x128xf32, #tpu.memory_space<vmem_shared>> -> memref<80x128xf32, #tpu.memory_space<vmem_shared>>
      %dma_start3A_140 = arith.constant 0 : i32
      %dma_start3A_141 = tpu.memref_slice %arg10[%add3A_21, %dma_start3A_140] : memref<10240x128xf32, #tpu.memory_space<vmem_shared>> -> memref<80x128xf32, #tpu.memory_space<vmem_shared>>
      tpu.enqueue_dma source(%arg8 : memref<80x128xf32, #tpu.memory_space<vmem>>) target(%dma_start3A_141 : memref<80x128xf32, #tpu.memory_space<vmem_shared>>) target_semaphore(%run_scoped3A_137 : memref<!tpu.dma_semaphore, #tpu.memory_space<semaphore_mem>>)
      %dma_wait3A_142 = arith.constant 0 : i32
      %dma_wait3A_143 = tpu.memref_slice %arg10[%add3A_21, %dma_wait3A_142] : memref<10240x128xf32, #tpu.memory_space<vmem_shared>> -> memref<80x128xf32, #tpu.memory_space<vmem_shared>>
      %dma_wait3A_144 = arith.constant 0 : i32
      %dma_wait3A_145 = tpu.memref_slice %arg10[%add3A_21, %dma_wait3A_144] : memref<10240x128xf32, #tpu.memory_space<vmem_shared>> -> memref<80x128xf32, #tpu.memory_space<vmem_shared>>
      tpu.wait_dma2 semaphore(%run_scoped3A_137 : memref<!tpu.dma_semaphore, #tpu.memory_space<semaphore_mem>>) src(%arg8 : memref<80x128xf32, #tpu.memory_space<vmem>>) dst(%dma_wait3A_145 : memref<80x128xf32, #tpu.memory_space<vmem_shared>>)
      tpu.yield
    }) : () -> ()
    %mul3A_22 = arith.constant 640 : i32
    %mul3A_23 = arith.muli %arg1, %mul3A_22 : i32
    %add3A_24 = arith.constant 480 : i32
    %add3A_25 = arith.addi %mul3A_23, %add3A_24 : i32
    "tpu.region"() ({
      %run_scoped3A_137 = tpu.sem_alloc : memref<!tpu.dma_semaphore, #tpu.memory_space<semaphore_mem>>
      %dma_start3A_138 = arith.constant 0 : i32
      %dma_start3A_139 = tpu.memref_slice %arg10[%add3A_25, %dma_start3A_138] : memref<10240x128xf32, #tpu.memory_space<vmem_shared>> -> memref<80x128xf32, #tpu.memory_space<vmem_shared>>
      %dma_start3A_140 = arith.constant 0 : i32
      %dma_start3A_141 = tpu.memref_slice %arg10[%add3A_25, %dma_start3A_140] : memref<10240x128xf32, #tpu.memory_space<vmem_shared>> -> memref<80x128xf32, #tpu.memory_space<vmem_shared>>
      tpu.enqueue_dma source(%arg8 : memref<80x128xf32, #tpu.memory_space<vmem>>) target(%dma_start3A_141 : memref<80x128xf32, #tpu.memory_space<vmem_shared>>) target_semaphore(%run_scoped3A_137 : memref<!tpu.dma_semaphore, #tpu.memory_space<semaphore_mem>>)
      %dma_wait3A_142 = arith.constant 0 : i32
      %dma_wait3A_143 = tpu.memref_slice %arg10[%add3A_25, %dma_wait3A_142] : memref<10240x128xf32, #tpu.memory_space<vmem_shared>> -> memref<80x128xf32, #tpu.memory_space<vmem_shared>>
      %dma_wait3A_144 = arith.constant 0 : i32
      %dma_wait3A_145 = tpu.memref_slice %arg10[%add3A_25, %dma_wait3A_144] : memref<10240x128xf32, #tpu.memory_space<vmem_shared>> -> memref<80x128xf32, #tpu.memory_space<vmem_shared>>
      tpu.wait_dma2 semaphore(%run_scoped3A_137 : memref<!tpu.dma_semaphore, #tpu.memory_space<semaphore_mem>>) src(%arg8 : memref<80x128xf32, #tpu.memory_space<vmem>>) dst(%dma_wait3A_145 : memref<80x128xf32, #tpu.memory_space<vmem_shared>>)
      tpu.yield
    }) : () -> ()
    %mul3A_26 = arith.constant 640 : i32
    %mul3A_27 = arith.muli %arg1, %mul3A_26 : i32
    %add3A_28 = arith.constant 560 : i32
    %add3A_29 = arith.addi %mul3A_27, %add3A_28 : i32
    "tpu.region"() ({
      %run_scoped3A_137 = tpu.sem_alloc : memref<!tpu.dma_semaphore, #tpu.memory_space<semaphore_mem>>
      %dma_start3A_138 = arith.constant 0 : i32
      %dma_start3A_139 = tpu.memref_slice %arg10[%add3A_29, %dma_start3A_138] : memref<10240x128xf32, #tpu.memory_space<vmem_shared>> -> memref<80x128xf32, #tpu.memory_space<vmem_shared>>
      %dma_start3A_140 = arith.constant 0 : i32
      %dma_start3A_141 = tpu.memref_slice %arg10[%add3A_29, %dma_start3A_140] : memref<10240x128xf32, #tpu.memory_space<vmem_shared>> -> memref<80x128xf32, #tpu.memory_space<vmem_shared>>
      tpu.enqueue_dma source(%arg8 : memref<80x128xf32, #tpu.memory_space<vmem>>) target(%dma_start3A_141 : memref<80x128xf32, #tpu.memory_space<vmem_shared>>) target_semaphore(%run_scoped3A_137 : memref<!tpu.dma_semaphore, #tpu.memory_space<semaphore_mem>>)
      %dma_wait3A_142 = arith.constant 0 : i32
      %dma_wait3A_143 = tpu.memref_slice %arg10[%add3A_29, %dma_wait3A_142] : memref<10240x128xf32, #tpu.memory_space<vmem_shared>> -> memref<80x128xf32, #tpu.memory_space<vmem_shared>>
      %dma_wait3A_144 = arith.constant 0 : i32
      %dma_wait3A_145 = tpu.memref_slice %arg10[%add3A_29, %dma_wait3A_144] : memref<10240x128xf32, #tpu.memory_space<vmem_shared>> -> memref<80x128xf32, #tpu.memory_space<vmem_shared>>
      tpu.wait_dma2 semaphore(%run_scoped3A_137 : memref<!tpu.dma_semaphore, #tpu.memory_space<semaphore_mem>>) src(%arg8 : memref<80x128xf32, #tpu.memory_space<vmem>>) dst(%dma_wait3A_145 : memref<80x128xf32, #tpu.memory_space<vmem_shared>>)
      tpu.yield
    }) : () -> ()
    %barrier3A = arith.constant 0 : index
    tpu.barrier barrier_id(%barrier3A)
    %mul3A_30 = arith.constant 160000 : i32
    %mul3A_31 = arith.muli %arg0, %mul3A_30 : i32
    %mul3A_32 = arith.constant 10000 : i32
    %mul3A_33 = arith.muli %arg1, %mul3A_32 : i32
    %add3A_34 = arith.addi %mul3A_31, %mul3A_33 : i32
    %jit3A = arith.constant 80 : i32
    %div3A = arith.divsi %add3A_34, %jit3A : i32
    %sign3A = arith.constant 0 : i32
    %sign3A_35 = arith.cmpi sgt, %add3A_34, %sign3A : i32
    %sign3A_36 = arith.extui %sign3A_35 : i1 to i32
    %sign3A_37 = arith.constant 0 : i32
    %sign3A_38 = arith.cmpi slt, %add3A_34, %sign3A_37 : i32
    %sign3A_39 = arith.extui %sign3A_38 : i1 to i32
    %sign3A_40 = arith.subi %sign3A_36, %sign3A_39 : i32
    %sign3A_41 = arith.constant 0 : i32
    %sign3A_42 = arith.cmpi sgt, %jit3A, %sign3A_41 : i32
    %sign3A_43 = arith.extui %sign3A_42 : i1 to i32
    %sign3A_44 = arith.constant 0 : i32
    %sign3A_45 = arith.cmpi slt, %jit3A, %sign3A_44 : i32
    %sign3A_46 = arith.extui %sign3A_45 : i1 to i32
    %sign3A_47 = arith.subi %sign3A_43, %sign3A_46 : i32
    %ne3A = arith.cmpi ne, %sign3A_40, %sign3A_47 : i32
    %rem3A = arith.remsi %add3A_34, %jit3A : i32
    %ne3A_48 = arith.constant 0 : i32
    %ne3A_49 = arith.cmpi ne, %rem3A, %ne3A_48 : i32
    %and3A = arith.andi %ne3A, %ne3A_49 : i1
    %sub3A = arith.constant 1 : i32
    %sub3A_50 = arith.subi %div3A, %sub3A : i32
    %select_n3A = arith.select %and3A, %sub3A_50, %div3A : i32
    "tpu.region"() ({
      %run_scoped3A_137 = tpu.sem_alloc : memref<!tpu.dma_semaphore, #tpu.memory_space<semaphore_mem>>
      %dma_start3A_138 = arith.constant 0 : i32
      %dma_start3A_139 = arith.constant 0 : i32
      %dma_start3A_140 = tpu.memref_slice %arg3[%select_n3A, %dma_start3A_138, %dma_start3A_139] : memref<4000x2x80xi32, #tpu.memory_space<hbm>> -> memref<1x2x80xi32, #tpu.memory_space<hbm>>
      %dma_start3A_141 = arith.constant 0 : i32
      %dma_start3A_142 = arith.constant 0 : i32
      %dma_start3A_143 = tpu.memref_slice %arg3[%select_n3A, %dma_start3A_141, %dma_start3A_142] : memref<4000x2x80xi32, #tpu.memory_space<hbm>> -> memref<1x2x80xi32, #tpu.memory_space<hbm>>
      tpu.enqueue_dma source(%dma_start3A_143 : memref<1x2x80xi32, #tpu.memory_space<hbm>>) target(%arg6 : memref<1x2x80xi32, #tpu.memory_space<vmem>>) target_semaphore(%run_scoped3A_137 : memref<!tpu.dma_semaphore, #tpu.memory_space<semaphore_mem>>)
      %dma_wait3A_144 = arith.constant 0 : i32
      %dma_wait3A_145 = arith.constant 0 : i32
      %dma_wait3A_146 = tpu.memref_slice %arg3[%select_n3A, %dma_wait3A_144, %dma_wait3A_145] : memref<4000x2x80xi32, #tpu.memory_space<hbm>> -> memref<1x2x80xi32, #tpu.memory_space<hbm>>
      %dma_wait3A_147 = arith.constant 0 : i32
      %dma_wait3A_148 = arith.constant 0 : i32
      %dma_wait3A_149 = tpu.memref_slice %arg3[%select_n3A, %dma_wait3A_147, %dma_wait3A_148] : memref<4000x2x80xi32, #tpu.memory_space<hbm>> -> memref<1x2x80xi32, #tpu.memory_space<hbm>>
      tpu.wait_dma2 semaphore(%run_scoped3A_137 : memref<!tpu.dma_semaphore, #tpu.memory_space<semaphore_mem>>) src(%dma_wait3A_149 : memref<1x2x80xi32, #tpu.memory_space<hbm>>) dst(%arg6 : memref<1x2x80xi32, #tpu.memory_space<vmem>>)
      tpu.yield
    }) : () -> ()
    %dma_start3A = arith.constant 0 : i32
    %dma_start3A_51 = arith.constant 0 : i32
    %dma_start3A_52 = arith.constant 0 : i32
    %dma_start3A_53 = tpu.memref_slice %arg6[%dma_start3A, %dma_start3A_51, %dma_start3A_52] : memref<1x2x80xi32, #tpu.memory_space<vmem>> -> memref<1x1x80xi32, #tpu.memory_space<vmem>>
    %dma_start3A_54 = tpu.memref_squeeze %dma_start3A_53 : memref<1x1x80xi32, #tpu.memory_space<vmem>> -> memref<80xi32, #tpu.memory_space<vmem>>
    %dma_start3A_55 = arith.constant 0 : i32
    %dma_start3A_56 = arith.constant 0 : i32
    %dma_start3A_57 = tpu.memref_slice %arg2[%dma_start3A_55, %dma_start3A_56] : memref<10000x128xf32, #tpu.memory_space<hbm>> -> memref<10000x128xf32, #tpu.memory_space<hbm>>
    tpu.enqueue_indirect_dma source(%dma_start3A_57 : memref<10000x128xf32, #tpu.memory_space<hbm>>) target(%arg8 : memref<80x128xf32, #tpu.memory_space<vmem>>) offsets(%dma_start3A_54 : memref<80xi32, #tpu.memory_space<vmem>>) semaphore(%arg11 : memref<!tpu.dma_semaphore, #tpu.memory_space<semaphore_mem>>)
    %scan3A = arith.constant 0 : i32
    %scan3A_58 = arith.constant 0 : i32
    %scan3A_59 = arith.constant 0 : i32
    %scan3A_60 = arith.constant 62 : i32
    %scan3A_61 = arith.addi %scan3A_59, %scan3A_60 : i32
    %scan3A_62 = arith.constant 1 : i32
    scf.for %scan3A_137 = %scan3A_59 to %scan3A_61 step %scan3A_62  : i32 {
      %mul3A_138 = arith.constant 1 : i32
      %mul3A_139 = arith.muli %scan3A_137, %mul3A_138 : i32
      %add3A_140 = arith.constant 0 : i32
      %add3A_141 = arith.addi %add3A_140, %mul3A_139 : i32
      %mul3A_142 = arith.constant 2 : i32
      %mul3A_143 = arith.muli %mul3A_142, %add3A_141 : i32
      %add3A_144 = arith.addi %select_n3A, %mul3A_143 : i32
      %add3A_145 = arith.constant 1 : i32
      %add3A_146 = arith.addi %add3A_144, %add3A_145 : i32
      "tpu.region"() ({
        %run_scoped3A_183 = tpu.sem_alloc : memref<!tpu.dma_semaphore, #tpu.memory_space<semaphore_mem>>
        %dma_start3A_184 = arith.constant 0 : i32
        %dma_start3A_185 = arith.constant 0 : i32
        %dma_start3A_186 = tpu.memref_slice %arg3[%add3A_146, %dma_start3A_184, %dma_start3A_185] : memref<4000x2x80xi32, #tpu.memory_space<hbm>> -> memref<1x2x80xi32, #tpu.memory_space<hbm>>
        %dma_start3A_187 = arith.constant 0 : i32
        %dma_start3A_188 = arith.constant 0 : i32
        %dma_start3A_189 = tpu.memref_slice %arg3[%add3A_146, %dma_start3A_187, %dma_start3A_188] : memref<4000x2x80xi32, #tpu.memory_space<hbm>> -> memref<1x2x80xi32, #tpu.memory_space<hbm>>
        tpu.enqueue_dma source(%dma_start3A_189 : memref<1x2x80xi32, #tpu.memory_space<hbm>>) target(%arg7 : memref<1x2x80xi32, #tpu.memory_space<vmem>>) target_semaphore(%run_scoped3A_183 : memref<!tpu.dma_semaphore, #tpu.memory_space<semaphore_mem>>)
        %dma_wait3A_190 = arith.constant 0 : i32
        %dma_wait3A_191 = arith.constant 0 : i32
        %dma_wait3A_192 = tpu.memref_slice %arg3[%add3A_146, %dma_wait3A_190, %dma_wait3A_191] : memref<4000x2x80xi32, #tpu.memory_space<hbm>> -> memref<1x2x80xi32, #tpu.memory_space<hbm>>
        %dma_wait3A_193 = arith.constant 0 : i32
        %dma_wait3A_194 = arith.constant 0 : i32
        %dma_wait3A_195 = tpu.memref_slice %arg3[%add3A_146, %dma_wait3A_193, %dma_wait3A_194] : memref<4000x2x80xi32, #tpu.memory_space<hbm>> -> memref<1x2x80xi32, #tpu.memory_space<hbm>>
        tpu.wait_dma2 semaphore(%run_scoped3A_183 : memref<!tpu.dma_semaphore, #tpu.memory_space<semaphore_mem>>) src(%dma_wait3A_195 : memref<1x2x80xi32, #tpu.memory_space<hbm>>) dst(%arg7 : memref<1x2x80xi32, #tpu.memory_space<vmem>>)
        tpu.yield
      }) : () -> ()
      %dma_start3A_147 = arith.constant 0 : i32
      %dma_start3A_148 = arith.constant 0 : i32
      %dma_start3A_149 = arith.constant 0 : i32
      %dma_start3A_150 = tpu.memref_slice %arg7[%dma_start3A_147, %dma_start3A_148, %dma_start3A_149] : memref<1x2x80xi32, #tpu.memory_space<vmem>> -> memref<1x1x80xi32, #tpu.memory_space<vmem>>
      %dma_start3A_151 = tpu.memref_squeeze %dma_start3A_150 : memref<1x1x80xi32, #tpu.memory_space<vmem>> -> memref<80xi32, #tpu.memory_space<vmem>>
      %dma_start3A_152 = arith.constant 0 : i32
      %dma_start3A_153 = arith.constant 0 : i32
      %dma_start3A_154 = tpu.memref_slice %arg2[%dma_start3A_152, %dma_start3A_153] : memref<10000x128xf32, #tpu.memory_space<hbm>> -> memref<10000x128xf32, #tpu.memory_space<hbm>>
      tpu.enqueue_indirect_dma source(%dma_start3A_154 : memref<10000x128xf32, #tpu.memory_space<hbm>>) target(%arg9 : memref<80x128xf32, #tpu.memory_space<vmem>>) offsets(%dma_start3A_151 : memref<80xi32, #tpu.memory_space<vmem>>) semaphore(%arg12 : memref<!tpu.dma_semaphore, #tpu.memory_space<semaphore_mem>>)
      %dma_wait3A_155 = arith.constant 0 : i32
      %dma_wait3A_156 = tpu.memref_slice %arg6[%scan3A, %scan3A_58, %dma_wait3A_155] : memref<1x2x80xi32, #tpu.memory_space<vmem>> -> memref<1x1x80xi32, #tpu.memory_space<vmem>>
      %dma_wait3A_157 = tpu.memref_squeeze %dma_wait3A_156 : memref<1x1x80xi32, #tpu.memory_space<vmem>> -> memref<80xi32, #tpu.memory_space<vmem>>
      %dma_wait3A_158 = arith.constant 0 : i32
      %dma_wait3A_159 = arith.constant 0 : i32
      %dma_wait3A_160 = tpu.memref_slice %arg2[%dma_wait3A_158, %dma_wait3A_159] : memref<10000x128xf32, #tpu.memory_space<hbm>> -> memref<10000x128xf32, #tpu.memory_space<hbm>>
      tpu.wait_indirect_dma semaphore(%arg11 : memref<!tpu.dma_semaphore, #tpu.memory_space<semaphore_mem>>) src(%dma_wait3A_160 : memref<10000x128xf32, #tpu.memory_space<hbm>>) dst(%arg8 : memref<80x128xf32, #tpu.memory_space<vmem>>)
      %run_scoped3A_161 = arith.constant 0 : i32
      %run_scoped3A_162 = arith.constant 1 : i32
      "tpu.region"() ({
        %run_scoped3A_183 = tpu.sem_alloc : memref<!tpu.dma_semaphore, #tpu.memory_space<semaphore_mem>>
        %dma_start3A_184 = arith.constant 0 : i32
        %dma_start3A_185 = tpu.memref_slice %arg6[%run_scoped3A_161, %run_scoped3A_162, %dma_start3A_184] : memref<1x2x80xi32, #tpu.memory_space<vmem>> -> memref<1x1x80xi32, #tpu.memory_space<vmem>>
        %dma_start3A_186 = tpu.memref_squeeze %dma_start3A_185 : memref<1x1x80xi32, #tpu.memory_space<vmem>> -> memref<80xi32, #tpu.memory_space<vmem>>
        %dma_start3A_187 = arith.constant 0 : i32
        %dma_start3A_188 = arith.constant 0 : i32
        %dma_start3A_189 = tpu.memref_slice %arg10[%dma_start3A_187, %dma_start3A_188] : memref<10240x128xf32, #tpu.memory_space<vmem_shared>> -> memref<10240x128xf32, #tpu.memory_space<vmem_shared>>
        tpu.enqueue_indirect_dma source(%arg8 : memref<80x128xf32, #tpu.memory_space<vmem>>) target(%dma_start3A_189 : memref<10240x128xf32, #tpu.memory_space<vmem_shared>>) offsets(%dma_start3A_186 : memref<80xi32, #tpu.memory_space<vmem>>) semaphore(%run_scoped3A_183 : memref<!tpu.dma_semaphore, #tpu.memory_space<semaphore_mem>>) {add = true}
        %dma_wait3A_190 = arith.constant 0 : i32
        %dma_wait3A_191 = tpu.memref_slice %arg6[%run_scoped3A_161, %run_scoped3A_162, %dma_wait3A_190] : memref<1x2x80xi32, #tpu.memory_space<vmem>> -> memref<1x1x80xi32, #tpu.memory_space<vmem>>
        %dma_wait3A_192 = tpu.memref_squeeze %dma_wait3A_191 : memref<1x1x80xi32, #tpu.memory_space<vmem>> -> memref<80xi32, #tpu.memory_space<vmem>>
        %dma_wait3A_193 = arith.constant 0 : i32
        %dma_wait3A_194 = arith.constant 0 : i32
        %dma_wait3A_195 = tpu.memref_slice %arg10[%dma_wait3A_193, %dma_wait3A_194] : memref<10240x128xf32, #tpu.memory_space<vmem_shared>> -> memref<10240x128xf32, #tpu.memory_space<vmem_shared>>
        tpu.wait_indirect_dma semaphore(%run_scoped3A_183 : memref<!tpu.dma_semaphore, #tpu.memory_space<semaphore_mem>>) src(%arg8 : memref<80x128xf32, #tpu.memory_space<vmem>>) dst(%dma_wait3A_195 : memref<10240x128xf32, #tpu.memory_space<vmem_shared>>)
        tpu.yield
      }) : () -> ()
      %add3A_163 = arith.constant 2 : i32
      %add3A_164 = arith.addi %add3A_144, %add3A_163 : i32
      "tpu.region"() ({
        %run_scoped3A_183 = tpu.sem_alloc : memref<!tpu.dma_semaphore, #tpu.memory_space<semaphore_mem>>
        %dma_start3A_184 = arith.constant 0 : i32
        %dma_start3A_185 = arith.constant 0 : i32
        %dma_start3A_186 = tpu.memref_slice %arg3[%add3A_164, %dma_start3A_184, %dma_start3A_185] : memref<4000x2x80xi32, #tpu.memory_space<hbm>> -> memref<1x2x80xi32, #tpu.memory_space<hbm>>
        %dma_start3A_187 = arith.constant 0 : i32
        %dma_start3A_188 = arith.constant 0 : i32
        %dma_start3A_189 = tpu.memref_slice %arg3[%add3A_164, %dma_start3A_187, %dma_start3A_188] : memref<4000x2x80xi32, #tpu.memory_space<hbm>> -> memref<1x2x80xi32, #tpu.memory_space<hbm>>
        tpu.enqueue_dma source(%dma_start3A_189 : memref<1x2x80xi32, #tpu.memory_space<hbm>>) target(%arg6 : memref<1x2x80xi32, #tpu.memory_space<vmem>>) target_semaphore(%run_scoped3A_183 : memref<!tpu.dma_semaphore, #tpu.memory_space<semaphore_mem>>)
        %dma_wait3A_190 = arith.constant 0 : i32
        %dma_wait3A_191 = arith.constant 0 : i32
        %dma_wait3A_192 = tpu.memref_slice %arg3[%add3A_164, %dma_wait3A_190, %dma_wait3A_191] : memref<4000x2x80xi32, #tpu.memory_space<hbm>> -> memref<1x2x80xi32, #tpu.memory_space<hbm>>
        %dma_wait3A_193 = arith.constant 0 : i32
        %dma_wait3A_194 = arith.constant 0 : i32
        %dma_wait3A_195 = tpu.memref_slice %arg3[%add3A_164, %dma_wait3A_193, %dma_wait3A_194] : memref<4000x2x80xi32, #tpu.memory_space<hbm>> -> memref<1x2x80xi32, #tpu.memory_space<hbm>>
        tpu.wait_dma2 semaphore(%run_scoped3A_183 : memref<!tpu.dma_semaphore, #tpu.memory_space<semaphore_mem>>) src(%dma_wait3A_195 : memref<1x2x80xi32, #tpu.memory_space<hbm>>) dst(%arg6 : memref<1x2x80xi32, #tpu.memory_space<vmem>>)
        tpu.yield
      }) : () -> ()
      %dma_start3A_165 = arith.constant 0 : i32
      %dma_start3A_166 = arith.constant 0 : i32
      %dma_start3A_167 = arith.constant 0 : i32
      %dma_start3A_168 = tpu.memref_slice %arg6[%dma_start3A_165, %dma_start3A_166, %dma_start3A_167] : memref<1x2x80xi32, #tpu.memory_space<vmem>> -> memref<1x1x80xi32, #tpu.memory_space<vmem>>
      %dma_start3A_169 = tpu.memref_squeeze %dma_start3A_168 : memref<1x1x80xi32, #tpu.memory_space<vmem>> -> memref<80xi32, #tpu.memory_space<vmem>>
      %dma_start3A_170 = arith.constant 0 : i32
      %dma_start3A_171 = arith.constant 0 : i32
      %dma_start3A_172 = tpu.memref_slice %arg2[%dma_start3A_170, %dma_start3A_171] : memref<10000x128xf32, #tpu.memory_space<hbm>> -> memref<10000x128xf32, #tpu.memory_space<hbm>>
      tpu.enqueue_indirect_dma source(%dma_start3A_172 : memref<10000x128xf32, #tpu.memory_space<hbm>>) target(%arg8 : memref<80x128xf32, #tpu.memory_space<vmem>>) offsets(%dma_start3A_169 : memref<80xi32, #tpu.memory_space<vmem>>) semaphore(%arg11 : memref<!tpu.dma_semaphore, #tpu.memory_space<semaphore_mem>>)
      %dma_wait3A_173 = arith.constant 0 : i32
      %dma_wait3A_174 = arith.constant 0 : i32
      %dma_wait3A_175 = arith.constant 0 : i32
      %dma_wait3A_176 = tpu.memref_slice %arg7[%dma_wait3A_173, %dma_wait3A_174, %dma_wait3A_175] : memref<1x2x80xi32, #tpu.memory_space<vmem>> -> memref<1x1x80xi32, #tpu.memory_space<vmem>>
      %dma_wait3A_177 = tpu.memref_squeeze %dma_wait3A_176 : memref<1x1x80xi32, #tpu.memory_space<vmem>> -> memref<80xi32, #tpu.memory_space<vmem>>
      %dma_wait3A_178 = arith.constant 0 : i32
      %dma_wait3A_179 = arith.constant 0 : i32
      %dma_wait3A_180 = tpu.memref_slice %arg2[%dma_wait3A_178, %dma_wait3A_179] : memref<10000x128xf32, #tpu.memory_space<hbm>> -> memref<10000x128xf32, #tpu.memory_space<hbm>>
      tpu.wait_indirect_dma semaphore(%arg12 : memref<!tpu.dma_semaphore, #tpu.memory_space<semaphore_mem>>) src(%dma_wait3A_180 : memref<10000x128xf32, #tpu.memory_space<hbm>>) dst(%arg9 : memref<80x128xf32, #tpu.memory_space<vmem>>)
      %run_scoped3A_181 = arith.constant 0 : i32
      %run_scoped3A_182 = arith.constant 1 : i32
      "tpu.region"() ({
        %run_scoped3A_183 = tpu.sem_alloc : memref<!tpu.dma_semaphore, #tpu.memory_space<semaphore_mem>>
        %dma_start3A_184 = arith.constant 0 : i32
        %dma_start3A_185 = tpu.memref_slice %arg7[%run_scoped3A_181, %run_scoped3A_182, %dma_start3A_184] : memref<1x2x80xi32, #tpu.memory_space<vmem>> -> memref<1x1x80xi32, #tpu.memory_space<vmem>>
        %dma_start3A_186 = tpu.memref_squeeze %dma_start3A_185 : memref<1x1x80xi32, #tpu.memory_space<vmem>> -> memref<80xi32, #tpu.memory_space<vmem>>
        %dma_start3A_187 = arith.constant 0 : i32
        %dma_start3A_188 = arith.constant 0 : i32
        %dma_start3A_189 = tpu.memref_slice %arg10[%dma_start3A_187, %dma_start3A_188] : memref<10240x128xf32, #tpu.memory_space<vmem_shared>> -> memref<10240x128xf32, #tpu.memory_space<vmem_shared>>
        tpu.enqueue_indirect_dma source(%arg9 : memref<80x128xf32, #tpu.memory_space<vmem>>) target(%dma_start3A_189 : memref<10240x128xf32, #tpu.memory_space<vmem_shared>>) offsets(%dma_start3A_186 : memref<80xi32, #tpu.memory_space<vmem>>) semaphore(%run_scoped3A_183 : memref<!tpu.dma_semaphore, #tpu.memory_space<semaphore_mem>>) {add = true}
        %dma_wait3A_190 = arith.constant 0 : i32
        %dma_wait3A_191 = tpu.memref_slice %arg7[%run_scoped3A_181, %run_scoped3A_182, %dma_wait3A_190] : memref<1x2x80xi32, #tpu.memory_space<vmem>> -> memref<1x1x80xi32, #tpu.memory_space<vmem>>
        %dma_wait3A_192 = tpu.memref_squeeze %dma_wait3A_191 : memref<1x1x80xi32, #tpu.memory_space<vmem>> -> memref<80xi32, #tpu.memory_space<vmem>>
        %dma_wait3A_193 = arith.constant 0 : i32
        %dma_wait3A_194 = arith.constant 0 : i32
        %dma_wait3A_195 = tpu.memref_slice %arg10[%dma_wait3A_193, %dma_wait3A_194] : memref<10240x128xf32, #tpu.memory_space<vmem_shared>> -> memref<10240x128xf32, #tpu.memory_space<vmem_shared>>
        tpu.wait_indirect_dma semaphore(%run_scoped3A_183 : memref<!tpu.dma_semaphore, #tpu.memory_space<semaphore_mem>>) src(%arg9 : memref<80x128xf32, #tpu.memory_space<vmem>>) dst(%dma_wait3A_195 : memref<10240x128xf32, #tpu.memory_space<vmem_shared>>)
        tpu.yield
      }) : () -> ()
    }
    %scan3A_63 = arith.constant 62 : i32
    %dma_wait3A = arith.constant 0 : i32
    %dma_wait3A_64 = arith.constant 0 : i32
    %dma_wait3A_65 = arith.constant 0 : i32
    %dma_wait3A_66 = tpu.memref_slice %arg6[%dma_wait3A, %dma_wait3A_64, %dma_wait3A_65] : memref<1x2x80xi32, #tpu.memory_space<vmem>> -> memref<1x1x80xi32, #tpu.memory_space<vmem>>
    %dma_wait3A_67 = tpu.memref_squeeze %dma_wait3A_66 : memref<1x1x80xi32, #tpu.memory_space<vmem>> -> memref<80xi32, #tpu.memory_space<vmem>>
    %dma_wait3A_68 = arith.constant 0 : i32
    %dma_wait3A_69 = arith.constant 0 : i32
    %dma_wait3A_70 = tpu.memref_slice %arg2[%dma_wait3A_68, %dma_wait3A_69] : memref<10000x128xf32, #tpu.memory_space<hbm>> -> memref<10000x128xf32, #tpu.memory_space<hbm>>
    tpu.wait_indirect_dma semaphore(%arg11 : memref<!tpu.dma_semaphore, #tpu.memory_space<semaphore_mem>>) src(%dma_wait3A_70 : memref<10000x128xf32, #tpu.memory_space<hbm>>) dst(%arg8 : memref<80x128xf32, #tpu.memory_space<vmem>>)
    %run_scoped3A = arith.constant 0 : i32
    %run_scoped3A_71 = arith.constant 1 : i32
    "tpu.region"() ({
      %run_scoped3A_137 = tpu.sem_alloc : memref<!tpu.dma_semaphore, #tpu.memory_space<semaphore_mem>>
      %dma_start3A_138 = arith.constant 0 : i32
      %dma_start3A_139 = tpu.memref_slice %arg6[%run_scoped3A, %run_scoped3A_71, %dma_start3A_138] : memref<1x2x80xi32, #tpu.memory_space<vmem>> -> memref<1x1x80xi32, #tpu.memory_space<vmem>>
      %dma_start3A_140 = tpu.memref_squeeze %dma_start3A_139 : memref<1x1x80xi32, #tpu.memory_space<vmem>> -> memref<80xi32, #tpu.memory_space<vmem>>
      %dma_start3A_141 = arith.constant 0 : i32
      %dma_start3A_142 = arith.constant 0 : i32
      %dma_start3A_143 = tpu.memref_slice %arg10[%dma_start3A_141, %dma_start3A_142] : memref<10240x128xf32, #tpu.memory_space<vmem_shared>> -> memref<10240x128xf32, #tpu.memory_space<vmem_shared>>
      tpu.enqueue_indirect_dma source(%arg8 : memref<80x128xf32, #tpu.memory_space<vmem>>) target(%dma_start3A_143 : memref<10240x128xf32, #tpu.memory_space<vmem_shared>>) offsets(%dma_start3A_140 : memref<80xi32, #tpu.memory_space<vmem>>) semaphore(%run_scoped3A_137 : memref<!tpu.dma_semaphore, #tpu.memory_space<semaphore_mem>>) {add = true}
      %dma_wait3A_144 = arith.constant 0 : i32
      %dma_wait3A_145 = tpu.memref_slice %arg6[%run_scoped3A, %run_scoped3A_71, %dma_wait3A_144] : memref<1x2x80xi32, #tpu.memory_space<vmem>> -> memref<1x1x80xi32, #tpu.memory_space<vmem>>
      %dma_wait3A_146 = tpu.memref_squeeze %dma_wait3A_145 : memref<1x1x80xi32, #tpu.memory_space<vmem>> -> memref<80xi32, #tpu.memory_space<vmem>>
      %dma_wait3A_147 = arith.constant 0 : i32
      %dma_wait3A_148 = arith.constant 0 : i32
      %dma_wait3A_149 = tpu.memref_slice %arg10[%dma_wait3A_147, %dma_wait3A_148] : memref<10240x128xf32, #tpu.memory_space<vmem_shared>> -> memref<10240x128xf32, #tpu.memory_space<vmem_shared>>
      tpu.wait_indirect_dma semaphore(%run_scoped3A_137 : memref<!tpu.dma_semaphore, #tpu.memory_space<semaphore_mem>>) src(%arg8 : memref<80x128xf32, #tpu.memory_space<vmem>>) dst(%dma_wait3A_149 : memref<10240x128xf32, #tpu.memory_space<vmem_shared>>)
      tpu.yield
    }) : () -> ()
    %barrier3A_72 = arith.constant 0 : index
    tpu.barrier barrier_id(%barrier3A_72)
    %mul3A_73 = arith.constant 640 : i32
    %mul3A_74 = arith.muli %arg1, %mul3A_73 : i32
    %add3A_75 = arith.constant 0 : i32
    %add3A_76 = arith.addi %mul3A_74, %add3A_75 : i32
    "tpu.region"() ({
      %run_scoped3A_137 = tpu.sem_alloc : memref<!tpu.dma_semaphore, #tpu.memory_space<semaphore_mem>>
      %dma_start3A_138 = arith.constant 0 : i32
      %dma_start3A_139 = tpu.memref_slice %arg10[%add3A_76, %dma_start3A_138] : memref<10240x128xf32, #tpu.memory_space<vmem_shared>> -> memref<80x128xf32, #tpu.memory_space<vmem_shared>>
      %dma_start3A_140 = arith.constant 0 : i32
      %dma_start3A_141 = tpu.memref_slice %arg10[%add3A_76, %dma_start3A_140] : memref<10240x128xf32, #tpu.memory_space<vmem_shared>> -> memref<80x128xf32, #tpu.memory_space<vmem_shared>>
      tpu.enqueue_dma source(%dma_start3A_141 : memref<80x128xf32, #tpu.memory_space<vmem_shared>>) target(%arg8 : memref<80x128xf32, #tpu.memory_space<vmem>>) target_semaphore(%run_scoped3A_137 : memref<!tpu.dma_semaphore, #tpu.memory_space<semaphore_mem>>)
      %dma_wait3A_142 = arith.constant 0 : i32
      %dma_wait3A_143 = tpu.memref_slice %arg10[%add3A_76, %dma_wait3A_142] : memref<10240x128xf32, #tpu.memory_space<vmem_shared>> -> memref<80x128xf32, #tpu.memory_space<vmem_shared>>
      %dma_wait3A_144 = arith.constant 0 : i32
      %dma_wait3A_145 = tpu.memref_slice %arg10[%add3A_76, %dma_wait3A_144] : memref<10240x128xf32, #tpu.memory_space<vmem_shared>> -> memref<80x128xf32, #tpu.memory_space<vmem_shared>>
      tpu.wait_dma2 semaphore(%run_scoped3A_137 : memref<!tpu.dma_semaphore, #tpu.memory_space<semaphore_mem>>) src(%dma_wait3A_145 : memref<80x128xf32, #tpu.memory_space<vmem_shared>>) dst(%arg8 : memref<80x128xf32, #tpu.memory_space<vmem>>)
      tpu.yield
    }) : () -> ()
    %mul3A_77 = arith.constant 640 : i32
    %mul3A_78 = arith.muli %arg1, %mul3A_77 : i32
    %add3A_79 = arith.constant 0 : i32
    %add3A_80 = arith.addi %mul3A_78, %add3A_79 : i32
    "tpu.region"() ({
      %run_scoped3A_137 = tpu.sem_alloc : memref<!tpu.dma_semaphore, #tpu.memory_space<semaphore_mem>>
      %dma_start3A_138 = arith.constant 0 : i32
      %dma_start3A_139 = tpu.memref_slice %arg5[%arg0, %add3A_80, %dma_start3A_138] : memref<2x10240x128xf32, #tpu.memory_space<hbm>> -> memref<1x80x128xf32, #tpu.memory_space<hbm>>
      %dma_start3A_140 = tpu.memref_squeeze %dma_start3A_139 : memref<1x80x128xf32, #tpu.memory_space<hbm>> -> memref<80x128xf32, #tpu.memory_space<hbm>>
      %dma_start3A_141 = arith.constant 0 : i32
      %dma_start3A_142 = tpu.memref_slice %arg5[%arg0, %add3A_80, %dma_start3A_141] : memref<2x10240x128xf32, #tpu.memory_space<hbm>> -> memref<1x80x128xf32, #tpu.memory_space<hbm>>
      %dma_start3A_143 = tpu.memref_squeeze %dma_start3A_142 : memref<1x80x128xf32, #tpu.memory_space<hbm>> -> memref<80x128xf32, #tpu.memory_space<hbm>>
      tpu.enqueue_dma source(%arg8 : memref<80x128xf32, #tpu.memory_space<vmem>>) target(%dma_start3A_143 : memref<80x128xf32, #tpu.memory_space<hbm>>) target_semaphore(%run_scoped3A_137 : memref<!tpu.dma_semaphore, #tpu.memory_space<semaphore_mem>>)
      %dma_wait3A_144 = arith.constant 0 : i32
      %dma_wait3A_145 = tpu.memref_slice %arg5[%arg0, %add3A_80, %dma_wait3A_144] : memref<2x10240x128xf32, #tpu.memory_space<hbm>> -> memref<1x80x128xf32, #tpu.memory_space<hbm>>
      %dma_wait3A_146 = tpu.memref_squeeze %dma_wait3A_145 : memref<1x80x128xf32, #tpu.memory_space<hbm>> -> memref<80x128xf32, #tpu.memory_space<hbm>>
      %dma_wait3A_147 = arith.constant 0 : i32
      %dma_wait3A_148 = tpu.memref_slice %arg5[%arg0, %add3A_80, %dma_wait3A_147] : memref<2x10240x128xf32, #tpu.memory_space<hbm>> -> memref<1x80x128xf32, #tpu.memory_space<hbm>>
      %dma_wait3A_149 = tpu.memref_squeeze %dma_wait3A_148 : memref<1x80x128xf32, #tpu.memory_space<hbm>> -> memref<80x128xf32, #tpu.memory_space<hbm>>
      tpu.wait_dma2 semaphore(%run_scoped3A_137 : memref<!tpu.dma_semaphore, #tpu.memory_space<semaphore_mem>>) src(%arg8 : memref<80x128xf32, #tpu.memory_space<vmem>>) dst(%dma_wait3A_149 : memref<80x128xf32, #tpu.memory_space<hbm>>)
      tpu.yield
    }) : () -> ()
    %mul3A_81 = arith.constant 640 : i32
    %mul3A_82 = arith.muli %arg1, %mul3A_81 : i32
    %add3A_83 = arith.constant 80 : i32
    %add3A_84 = arith.addi %mul3A_82, %add3A_83 : i32
    "tpu.region"() ({
      %run_scoped3A_137 = tpu.sem_alloc : memref<!tpu.dma_semaphore, #tpu.memory_space<semaphore_mem>>
      %dma_start3A_138 = arith.constant 0 : i32
      %dma_start3A_139 = tpu.memref_slice %arg10[%add3A_84, %dma_start3A_138] : memref<10240x128xf32, #tpu.memory_space<vmem_shared>> -> memref<80x128xf32, #tpu.memory_space<vmem_shared>>
      %dma_start3A_140 = arith.constant 0 : i32
      %dma_start3A_141 = tpu.memref_slice %arg10[%add3A_84, %dma_start3A_140] : memref<10240x128xf32, #tpu.memory_space<vmem_shared>> -> memref<80x128xf32, #tpu.memory_space<vmem_shared>>
      tpu.enqueue_dma source(%dma_start3A_141 : memref<80x128xf32, #tpu.memory_space<vmem_shared>>) target(%arg8 : memref<80x128xf32, #tpu.memory_space<vmem>>) target_semaphore(%run_scoped3A_137 : memref<!tpu.dma_semaphore, #tpu.memory_space<semaphore_mem>>)
      %dma_wait3A_142 = arith.constant 0 : i32
      %dma_wait3A_143 = tpu.memref_slice %arg10[%add3A_84, %dma_wait3A_142] : memref<10240x128xf32, #tpu.memory_space<vmem_shared>> -> memref<80x128xf32, #tpu.memory_space<vmem_shared>>
      %dma_wait3A_144 = arith.constant 0 : i32
      %dma_wait3A_145 = tpu.memref_slice %arg10[%add3A_84, %dma_wait3A_144] : memref<10240x128xf32, #tpu.memory_space<vmem_shared>> -> memref<80x128xf32, #tpu.memory_space<vmem_shared>>
      tpu.wait_dma2 semaphore(%run_scoped3A_137 : memref<!tpu.dma_semaphore, #tpu.memory_space<semaphore_mem>>) src(%dma_wait3A_145 : memref<80x128xf32, #tpu.memory_space<vmem_shared>>) dst(%arg8 : memref<80x128xf32, #tpu.memory_space<vmem>>)
      tpu.yield
    }) : () -> ()
    %mul3A_85 = arith.constant 640 : i32
    %mul3A_86 = arith.muli %arg1, %mul3A_85 : i32
    %add3A_87 = arith.constant 80 : i32
    %add3A_88 = arith.addi %mul3A_86, %add3A_87 : i32
    "tpu.region"() ({
      %run_scoped3A_137 = tpu.sem_alloc : memref<!tpu.dma_semaphore, #tpu.memory_space<semaphore_mem>>
      %dma_start3A_138 = arith.constant 0 : i32
      %dma_start3A_139 = tpu.memref_slice %arg5[%arg0, %add3A_88, %dma_start3A_138] : memref<2x10240x128xf32, #tpu.memory_space<hbm>> -> memref<1x80x128xf32, #tpu.memory_space<hbm>>
      %dma_start3A_140 = tpu.memref_squeeze %dma_start3A_139 : memref<1x80x128xf32, #tpu.memory_space<hbm>> -> memref<80x128xf32, #tpu.memory_space<hbm>>
      %dma_start3A_141 = arith.constant 0 : i32
      %dma_start3A_142 = tpu.memref_slice %arg5[%arg0, %add3A_88, %dma_start3A_141] : memref<2x10240x128xf32, #tpu.memory_space<hbm>> -> memref<1x80x128xf32, #tpu.memory_space<hbm>>
      %dma_start3A_143 = tpu.memref_squeeze %dma_start3A_142 : memref<1x80x128xf32, #tpu.memory_space<hbm>> -> memref<80x128xf32, #tpu.memory_space<hbm>>
      tpu.enqueue_dma source(%arg8 : memref<80x128xf32, #tpu.memory_space<vmem>>) target(%dma_start3A_143 : memref<80x128xf32, #tpu.memory_space<hbm>>) target_semaphore(%run_scoped3A_137 : memref<!tpu.dma_semaphore, #tpu.memory_space<semaphore_mem>>)
      %dma_wait3A_144 = arith.constant 0 : i32
      %dma_wait3A_145 = tpu.memref_slice %arg5[%arg0, %add3A_88, %dma_wait3A_144] : memref<2x10240x128xf32, #tpu.memory_space<hbm>> -> memref<1x80x128xf32, #tpu.memory_space<hbm>>
      %dma_wait3A_146 = tpu.memref_squeeze %dma_wait3A_145 : memref<1x80x128xf32, #tpu.memory_space<hbm>> -> memref<80x128xf32, #tpu.memory_space<hbm>>
      %dma_wait3A_147 = arith.constant 0 : i32
      %dma_wait3A_148 = tpu.memref_slice %arg5[%arg0, %add3A_88, %dma_wait3A_147] : memref<2x10240x128xf32, #tpu.memory_space<hbm>> -> memref<1x80x128xf32, #tpu.memory_space<hbm>>
      %dma_wait3A_149 = tpu.memref_squeeze %dma_wait3A_148 : memref<1x80x128xf32, #tpu.memory_space<hbm>> -> memref<80x128xf32, #tpu.memory_space<hbm>>
      tpu.wait_dma2 semaphore(%run_scoped3A_137 : memref<!tpu.dma_semaphore, #tpu.memory_space<semaphore_mem>>) src(%arg8 : memref<80x128xf32, #tpu.memory_space<vmem>>) dst(%dma_wait3A_149 : memref<80x128xf32, #tpu.memory_space<hbm>>)
      tpu.yield
    }) : () -> ()
    %mul3A_89 = arith.constant 640 : i32
    %mul3A_90 = arith.muli %arg1, %mul3A_89 : i32
    %add3A_91 = arith.constant 160 : i32
    %add3A_92 = arith.addi %mul3A_90, %add3A_91 : i32
    "tpu.region"() ({
      %run_scoped3A_137 = tpu.sem_alloc : memref<!tpu.dma_semaphore, #tpu.memory_space<semaphore_mem>>
      %dma_start3A_138 = arith.constant 0 : i32
      %dma_start3A_139 = tpu.memref_slice %arg10[%add3A_92, %dma_start3A_138] : memref<10240x128xf32, #tpu.memory_space<vmem_shared>> -> memref<80x128xf32, #tpu.memory_space<vmem_shared>>
      %dma_start3A_140 = arith.constant 0 : i32
      %dma_start3A_141 = tpu.memref_slice %arg10[%add3A_92, %dma_start3A_140] : memref<10240x128xf32, #tpu.memory_space<vmem_shared>> -> memref<80x128xf32, #tpu.memory_space<vmem_shared>>
      tpu.enqueue_dma source(%dma_start3A_141 : memref<80x128xf32, #tpu.memory_space<vmem_shared>>) target(%arg8 : memref<80x128xf32, #tpu.memory_space<vmem>>) target_semaphore(%run_scoped3A_137 : memref<!tpu.dma_semaphore, #tpu.memory_space<semaphore_mem>>)
      %dma_wait3A_142 = arith.constant 0 : i32
      %dma_wait3A_143 = tpu.memref_slice %arg10[%add3A_92, %dma_wait3A_142] : memref<10240x128xf32, #tpu.memory_space<vmem_shared>> -> memref<80x128xf32, #tpu.memory_space<vmem_shared>>
      %dma_wait3A_144 = arith.constant 0 : i32
      %dma_wait3A_145 = tpu.memref_slice %arg10[%add3A_92, %dma_wait3A_144] : memref<10240x128xf32, #tpu.memory_space<vmem_shared>> -> memref<80x128xf32, #tpu.memory_space<vmem_shared>>
      tpu.wait_dma2 semaphore(%run_scoped3A_137 : memref<!tpu.dma_semaphore, #tpu.memory_space<semaphore_mem>>) src(%dma_wait3A_145 : memref<80x128xf32, #tpu.memory_space<vmem_shared>>) dst(%arg8 : memref<80x128xf32, #tpu.memory_space<vmem>>)
      tpu.yield
    }) : () -> ()
    %mul3A_93 = arith.constant 640 : i32
    %mul3A_94 = arith.muli %arg1, %mul3A_93 : i32
    %add3A_95 = arith.constant 160 : i32
    %add3A_96 = arith.addi %mul3A_94, %add3A_95 : i32
    "tpu.region"() ({
      %run_scoped3A_137 = tpu.sem_alloc : memref<!tpu.dma_semaphore, #tpu.memory_space<semaphore_mem>>
      %dma_start3A_138 = arith.constant 0 : i32
      %dma_start3A_139 = tpu.memref_slice %arg5[%arg0, %add3A_96, %dma_start3A_138] : memref<2x10240x128xf32, #tpu.memory_space<hbm>> -> memref<1x80x128xf32, #tpu.memory_space<hbm>>
      %dma_start3A_140 = tpu.memref_squeeze %dma_start3A_139 : memref<1x80x128xf32, #tpu.memory_space<hbm>> -> memref<80x128xf32, #tpu.memory_space<hbm>>
      %dma_start3A_141 = arith.constant 0 : i32
      %dma_start3A_142 = tpu.memref_slice %arg5[%arg0, %add3A_96, %dma_start3A_141] : memref<2x10240x128xf32, #tpu.memory_space<hbm>> -> memref<1x80x128xf32, #tpu.memory_space<hbm>>
      %dma_start3A_143 = tpu.memref_squeeze %dma_start3A_142 : memref<1x80x128xf32, #tpu.memory_space<hbm>> -> memref<80x128xf32, #tpu.memory_space<hbm>>
      tpu.enqueue_dma source(%arg8 : memref<80x128xf32, #tpu.memory_space<vmem>>) target(%dma_start3A_143 : memref<80x128xf32, #tpu.memory_space<hbm>>) target_semaphore(%run_scoped3A_137 : memref<!tpu.dma_semaphore, #tpu.memory_space<semaphore_mem>>)
      %dma_wait3A_144 = arith.constant 0 : i32
      %dma_wait3A_145 = tpu.memref_slice %arg5[%arg0, %add3A_96, %dma_wait3A_144] : memref<2x10240x128xf32, #tpu.memory_space<hbm>> -> memref<1x80x128xf32, #tpu.memory_space<hbm>>
      %dma_wait3A_146 = tpu.memref_squeeze %dma_wait3A_145 : memref<1x80x128xf32, #tpu.memory_space<hbm>> -> memref<80x128xf32, #tpu.memory_space<hbm>>
      %dma_wait3A_147 = arith.constant 0 : i32
      %dma_wait3A_148 = tpu.memref_slice %arg5[%arg0, %add3A_96, %dma_wait3A_147] : memref<2x10240x128xf32, #tpu.memory_space<hbm>> -> memref<1x80x128xf32, #tpu.memory_space<hbm>>
      %dma_wait3A_149 = tpu.memref_squeeze %dma_wait3A_148 : memref<1x80x128xf32, #tpu.memory_space<hbm>> -> memref<80x128xf32, #tpu.memory_space<hbm>>
      tpu.wait_dma2 semaphore(%run_scoped3A_137 : memref<!tpu.dma_semaphore, #tpu.memory_space<semaphore_mem>>) src(%arg8 : memref<80x128xf32, #tpu.memory_space<vmem>>) dst(%dma_wait3A_149 : memref<80x128xf32, #tpu.memory_space<hbm>>)
      tpu.yield
    }) : () -> ()
    %mul3A_97 = arith.constant 640 : i32
    %mul3A_98 = arith.muli %arg1, %mul3A_97 : i32
    %add3A_99 = arith.constant 240 : i32
    %add3A_100 = arith.addi %mul3A_98, %add3A_99 : i32
    "tpu.region"() ({
      %run_scoped3A_137 = tpu.sem_alloc : memref<!tpu.dma_semaphore, #tpu.memory_space<semaphore_mem>>
      %dma_start3A_138 = arith.constant 0 : i32
      %dma_start3A_139 = tpu.memref_slice %arg10[%add3A_100, %dma_start3A_138] : memref<10240x128xf32, #tpu.memory_space<vmem_shared>> -> memref<80x128xf32, #tpu.memory_space<vmem_shared>>
      %dma_start3A_140 = arith.constant 0 : i32
      %dma_start3A_141 = tpu.memref_slice %arg10[%add3A_100, %dma_start3A_140] : memref<10240x128xf32, #tpu.memory_space<vmem_shared>> -> memref<80x128xf32, #tpu.memory_space<vmem_shared>>
      tpu.enqueue_dma source(%dma_start3A_141 : memref<80x128xf32, #tpu.memory_space<vmem_shared>>) target(%arg8 : memref<80x128xf32, #tpu.memory_space<vmem>>) target_semaphore(%run_scoped3A_137 : memref<!tpu.dma_semaphore, #tpu.memory_space<semaphore_mem>>)
      %dma_wait3A_142 = arith.constant 0 : i32
      %dma_wait3A_143 = tpu.memref_slice %arg10[%add3A_100, %dma_wait3A_142] : memref<10240x128xf32, #tpu.memory_space<vmem_shared>> -> memref<80x128xf32, #tpu.memory_space<vmem_shared>>
      %dma_wait3A_144 = arith.constant 0 : i32
      %dma_wait3A_145 = tpu.memref_slice %arg10[%add3A_100, %dma_wait3A_144] : memref<10240x128xf32, #tpu.memory_space<vmem_shared>> -> memref<80x128xf32, #tpu.memory_space<vmem_shared>>
      tpu.wait_dma2 semaphore(%run_scoped3A_137 : memref<!tpu.dma_semaphore, #tpu.memory_space<semaphore_mem>>) src(%dma_wait3A_145 : memref<80x128xf32, #tpu.memory_space<vmem_shared>>) dst(%arg8 : memref<80x128xf32, #tpu.memory_space<vmem>>)
      tpu.yield
    }) : () -> ()
    %mul3A_101 = arith.constant 640 : i32
    %mul3A_102 = arith.muli %arg1, %mul3A_101 : i32
    %add3A_103 = arith.constant 240 : i32
    %add3A_104 = arith.addi %mul3A_102, %add3A_103 : i32
    "tpu.region"() ({
      %run_scoped3A_137 = tpu.sem_alloc : memref<!tpu.dma_semaphore, #tpu.memory_space<semaphore_mem>>
      %dma_start3A_138 = arith.constant 0 : i32
      %dma_start3A_139 = tpu.memref_slice %arg5[%arg0, %add3A_104, %dma_start3A_138] : memref<2x10240x128xf32, #tpu.memory_space<hbm>> -> memref<1x80x128xf32, #tpu.memory_space<hbm>>
      %dma_start3A_140 = tpu.memref_squeeze %dma_start3A_139 : memref<1x80x128xf32, #tpu.memory_space<hbm>> -> memref<80x128xf32, #tpu.memory_space<hbm>>
      %dma_start3A_141 = arith.constant 0 : i32
      %dma_start3A_142 = tpu.memref_slice %arg5[%arg0, %add3A_104, %dma_start3A_141] : memref<2x10240x128xf32, #tpu.memory_space<hbm>> -> memref<1x80x128xf32, #tpu.memory_space<hbm>>
      %dma_start3A_143 = tpu.memref_squeeze %dma_start3A_142 : memref<1x80x128xf32, #tpu.memory_space<hbm>> -> memref<80x128xf32, #tpu.memory_space<hbm>>
      tpu.enqueue_dma source(%arg8 : memref<80x128xf32, #tpu.memory_space<vmem>>) target(%dma_start3A_143 : memref<80x128xf32, #tpu.memory_space<hbm>>) target_semaphore(%run_scoped3A_137 : memref<!tpu.dma_semaphore, #tpu.memory_space<semaphore_mem>>)
      %dma_wait3A_144 = arith.constant 0 : i32
      %dma_wait3A_145 = tpu.memref_slice %arg5[%arg0, %add3A_104, %dma_wait3A_144] : memref<2x10240x128xf32, #tpu.memory_space<hbm>> -> memref<1x80x128xf32, #tpu.memory_space<hbm>>
      %dma_wait3A_146 = tpu.memref_squeeze %dma_wait3A_145 : memref<1x80x128xf32, #tpu.memory_space<hbm>> -> memref<80x128xf32, #tpu.memory_space<hbm>>
      %dma_wait3A_147 = arith.constant 0 : i32
      %dma_wait3A_148 = tpu.memref_slice %arg5[%arg0, %add3A_104, %dma_wait3A_147] : memref<2x10240x128xf32, #tpu.memory_space<hbm>> -> memref<1x80x128xf32, #tpu.memory_space<hbm>>
      %dma_wait3A_149 = tpu.memref_squeeze %dma_wait3A_148 : memref<1x80x128xf32, #tpu.memory_space<hbm>> -> memref<80x128xf32, #tpu.memory_space<hbm>>
      tpu.wait_dma2 semaphore(%run_scoped3A_137 : memref<!tpu.dma_semaphore, #tpu.memory_space<semaphore_mem>>) src(%arg8 : memref<80x128xf32, #tpu.memory_space<vmem>>) dst(%dma_wait3A_149 : memref<80x128xf32, #tpu.memory_space<hbm>>)
      tpu.yield
    }) : () -> ()
    %mul3A_105 = arith.constant 640 : i32
    %mul3A_106 = arith.muli %arg1, %mul3A_105 : i32
    %add3A_107 = arith.constant 320 : i32
    %add3A_108 = arith.addi %mul3A_106, %add3A_107 : i32
    "tpu.region"() ({
      %run_scoped3A_137 = tpu.sem_alloc : memref<!tpu.dma_semaphore, #tpu.memory_space<semaphore_mem>>
      %dma_start3A_138 = arith.constant 0 : i32
      %dma_start3A_139 = tpu.memref_slice %arg10[%add3A_108, %dma_start3A_138] : memref<10240x128xf32, #tpu.memory_space<vmem_shared>> -> memref<80x128xf32, #tpu.memory_space<vmem_shared>>
      %dma_start3A_140 = arith.constant 0 : i32
      %dma_start3A_141 = tpu.memref_slice %arg10[%add3A_108, %dma_start3A_140] : memref<10240x128xf32, #tpu.memory_space<vmem_shared>> -> memref<80x128xf32, #tpu.memory_space<vmem_shared>>
      tpu.enqueue_dma source(%dma_start3A_141 : memref<80x128xf32, #tpu.memory_space<vmem_shared>>) target(%arg8 : memref<80x128xf32, #tpu.memory_space<vmem>>) target_semaphore(%run_scoped3A_137 : memref<!tpu.dma_semaphore, #tpu.memory_space<semaphore_mem>>)
      %dma_wait3A_142 = arith.constant 0 : i32
      %dma_wait3A_143 = tpu.memref_slice %arg10[%add3A_108, %dma_wait3A_142] : memref<10240x128xf32, #tpu.memory_space<vmem_shared>> -> memref<80x128xf32, #tpu.memory_space<vmem_shared>>
      %dma_wait3A_144 = arith.constant 0 : i32
      %dma_wait3A_145 = tpu.memref_slice %arg10[%add3A_108, %dma_wait3A_144] : memref<10240x128xf32, #tpu.memory_space<vmem_shared>> -> memref<80x128xf32, #tpu.memory_space<vmem_shared>>
      tpu.wait_dma2 semaphore(%run_scoped3A_137 : memref<!tpu.dma_semaphore, #tpu.memory_space<semaphore_mem>>) src(%dma_wait3A_145 : memref<80x128xf32, #tpu.memory_space<vmem_shared>>) dst(%arg8 : memref<80x128xf32, #tpu.memory_space<vmem>>)
      tpu.yield
    }) : () -> ()
    %mul3A_109 = arith.constant 640 : i32
    %mul3A_110 = arith.muli %arg1, %mul3A_109 : i32
    %add3A_111 = arith.constant 320 : i32
    %add3A_112 = arith.addi %mul3A_110, %add3A_111 : i32
    "tpu.region"() ({
      %run_scoped3A_137 = tpu.sem_alloc : memref<!tpu.dma_semaphore, #tpu.memory_space<semaphore_mem>>
      %dma_start3A_138 = arith.constant 0 : i32
      %dma_start3A_139 = tpu.memref_slice %arg5[%arg0, %add3A_112, %dma_start3A_138] : memref<2x10240x128xf32, #tpu.memory_space<hbm>> -> memref<1x80x128xf32, #tpu.memory_space<hbm>>
      %dma_start3A_140 = tpu.memref_squeeze %dma_start3A_139 : memref<1x80x128xf32, #tpu.memory_space<hbm>> -> memref<80x128xf32, #tpu.memory_space<hbm>>
      %dma_start3A_141 = arith.constant 0 : i32
      %dma_start3A_142 = tpu.memref_slice %arg5[%arg0, %add3A_112, %dma_start3A_141] : memref<2x10240x128xf32, #tpu.memory_space<hbm>> -> memref<1x80x128xf32, #tpu.memory_space<hbm>>
      %dma_start3A_143 = tpu.memref_squeeze %dma_start3A_142 : memref<1x80x128xf32, #tpu.memory_space<hbm>> -> memref<80x128xf32, #tpu.memory_space<hbm>>
      tpu.enqueue_dma source(%arg8 : memref<80x128xf32, #tpu.memory_space<vmem>>) target(%dma_start3A_143 : memref<80x128xf32, #tpu.memory_space<hbm>>) target_semaphore(%run_scoped3A_137 : memref<!tpu.dma_semaphore, #tpu.memory_space<semaphore_mem>>)
      %dma_wait3A_144 = arith.constant 0 : i32
      %dma_wait3A_145 = tpu.memref_slice %arg5[%arg0, %add3A_112, %dma_wait3A_144] : memref<2x10240x128xf32, #tpu.memory_space<hbm>> -> memref<1x80x128xf32, #tpu.memory_space<hbm>>
      %dma_wait3A_146 = tpu.memref_squeeze %dma_wait3A_145 : memref<1x80x128xf32, #tpu.memory_space<hbm>> -> memref<80x128xf32, #tpu.memory_space<hbm>>
      %dma_wait3A_147 = arith.constant 0 : i32
      %dma_wait3A_148 = tpu.memref_slice %arg5[%arg0, %add3A_112, %dma_wait3A_147] : memref<2x10240x128xf32, #tpu.memory_space<hbm>> -> memref<1x80x128xf32, #tpu.memory_space<hbm>>
      %dma_wait3A_149 = tpu.memref_squeeze %dma_wait3A_148 : memref<1x80x128xf32, #tpu.memory_space<hbm>> -> memref<80x128xf32, #tpu.memory_space<hbm>>
      tpu.wait_dma2 semaphore(%run_scoped3A_137 : memref<!tpu.dma_semaphore, #tpu.memory_space<semaphore_mem>>) src(%arg8 : memref<80x128xf32, #tpu.memory_space<vmem>>) dst(%dma_wait3A_149 : memref<80x128xf32, #tpu.memory_space<hbm>>)
      tpu.yield
    }) : () -> ()
    %mul3A_113 = arith.constant 640 : i32
    %mul3A_114 = arith.muli %arg1, %mul3A_113 : i32
    %add3A_115 = arith.constant 400 : i32
    %add3A_116 = arith.addi %mul3A_114, %add3A_115 : i32
    "tpu.region"() ({
      %run_scoped3A_137 = tpu.sem_alloc : memref<!tpu.dma_semaphore, #tpu.memory_space<semaphore_mem>>
      %dma_start3A_138 = arith.constant 0 : i32
      %dma_start3A_139 = tpu.memref_slice %arg10[%add3A_116, %dma_start3A_138] : memref<10240x128xf32, #tpu.memory_space<vmem_shared>> -> memref<80x128xf32, #tpu.memory_space<vmem_shared>>
      %dma_start3A_140 = arith.constant 0 : i32
      %dma_start3A_141 = tpu.memref_slice %arg10[%add3A_116, %dma_start3A_140] : memref<10240x128xf32, #tpu.memory_space<vmem_shared>> -> memref<80x128xf32, #tpu.memory_space<vmem_shared>>
      tpu.enqueue_dma source(%dma_start3A_141 : memref<80x128xf32, #tpu.memory_space<vmem_shared>>) target(%arg8 : memref<80x128xf32, #tpu.memory_space<vmem>>) target_semaphore(%run_scoped3A_137 : memref<!tpu.dma_semaphore, #tpu.memory_space<semaphore_mem>>)
      %dma_wait3A_142 = arith.constant 0 : i32
      %dma_wait3A_143 = tpu.memref_slice %arg10[%add3A_116, %dma_wait3A_142] : memref<10240x128xf32, #tpu.memory_space<vmem_shared>> -> memref<80x128xf32, #tpu.memory_space<vmem_shared>>
      %dma_wait3A_144 = arith.constant 0 : i32
      %dma_wait3A_145 = tpu.memref_slice %arg10[%add3A_116, %dma_wait3A_144] : memref<10240x128xf32, #tpu.memory_space<vmem_shared>> -> memref<80x128xf32, #tpu.memory_space<vmem_shared>>
      tpu.wait_dma2 semaphore(%run_scoped3A_137 : memref<!tpu.dma_semaphore, #tpu.memory_space<semaphore_mem>>) src(%dma_wait3A_145 : memref<80x128xf32, #tpu.memory_space<vmem_shared>>) dst(%arg8 : memref<80x128xf32, #tpu.memory_space<vmem>>)
      tpu.yield
    }) : () -> ()
    %mul3A_117 = arith.constant 640 : i32
    %mul3A_118 = arith.muli %arg1, %mul3A_117 : i32
    %add3A_119 = arith.constant 400 : i32
    %add3A_120 = arith.addi %mul3A_118, %add3A_119 : i32
    "tpu.region"() ({
      %run_scoped3A_137 = tpu.sem_alloc : memref<!tpu.dma_semaphore, #tpu.memory_space<semaphore_mem>>
      %dma_start3A_138 = arith.constant 0 : i32
      %dma_start3A_139 = tpu.memref_slice %arg5[%arg0, %add3A_120, %dma_start3A_138] : memref<2x10240x128xf32, #tpu.memory_space<hbm>> -> memref<1x80x128xf32, #tpu.memory_space<hbm>>
      %dma_start3A_140 = tpu.memref_squeeze %dma_start3A_139 : memref<1x80x128xf32, #tpu.memory_space<hbm>> -> memref<80x128xf32, #tpu.memory_space<hbm>>
      %dma_start3A_141 = arith.constant 0 : i32
      %dma_start3A_142 = tpu.memref_slice %arg5[%arg0, %add3A_120, %dma_start3A_141] : memref<2x10240x128xf32, #tpu.memory_space<hbm>> -> memref<1x80x128xf32, #tpu.memory_space<hbm>>
      %dma_start3A_143 = tpu.memref_squeeze %dma_start3A_142 : memref<1x80x128xf32, #tpu.memory_space<hbm>> -> memref<80x128xf32, #tpu.memory_space<hbm>>
      tpu.enqueue_dma source(%arg8 : memref<80x128xf32, #tpu.memory_space<vmem>>) target(%dma_start3A_143 : memref<80x128xf32, #tpu.memory_space<hbm>>) target_semaphore(%run_scoped3A_137 : memref<!tpu.dma_semaphore, #tpu.memory_space<semaphore_mem>>)
      %dma_wait3A_144 = arith.constant 0 : i32
      %dma_wait3A_145 = tpu.memref_slice %arg5[%arg0, %add3A_120, %dma_wait3A_144] : memref<2x10240x128xf32, #tpu.memory_space<hbm>> -> memref<1x80x128xf32, #tpu.memory_space<hbm>>
      %dma_wait3A_146 = tpu.memref_squeeze %dma_wait3A_145 : memref<1x80x128xf32, #tpu.memory_space<hbm>> -> memref<80x128xf32, #tpu.memory_space<hbm>>
      %dma_wait3A_147 = arith.constant 0 : i32
      %dma_wait3A_148 = tpu.memref_slice %arg5[%arg0, %add3A_120, %dma_wait3A_147] : memref<2x10240x128xf32, #tpu.memory_space<hbm>> -> memref<1x80x128xf32, #tpu.memory_space<hbm>>
      %dma_wait3A_149 = tpu.memref_squeeze %dma_wait3A_148 : memref<1x80x128xf32, #tpu.memory_space<hbm>> -> memref<80x128xf32, #tpu.memory_space<hbm>>
      tpu.wait_dma2 semaphore(%run_scoped3A_137 : memref<!tpu.dma_semaphore, #tpu.memory_space<semaphore_mem>>) src(%arg8 : memref<80x128xf32, #tpu.memory_space<vmem>>) dst(%dma_wait3A_149 : memref<80x128xf32, #tpu.memory_space<hbm>>)
      tpu.yield
    }) : () -> ()
    %mul3A_121 = arith.constant 640 : i32
    %mul3A_122 = arith.muli %arg1, %mul3A_121 : i32
    %add3A_123 = arith.constant 480 : i32
    %add3A_124 = arith.addi %mul3A_122, %add3A_123 : i32
    "tpu.region"() ({
      %run_scoped3A_137 = tpu.sem_alloc : memref<!tpu.dma_semaphore, #tpu.memory_space<semaphore_mem>>
      %dma_start3A_138 = arith.constant 0 : i32
      %dma_start3A_139 = tpu.memref_slice %arg10[%add3A_124, %dma_start3A_138] : memref<10240x128xf32, #tpu.memory_space<vmem_shared>> -> memref<80x128xf32, #tpu.memory_space<vmem_shared>>
      %dma_start3A_140 = arith.constant 0 : i32
      %dma_start3A_141 = tpu.memref_slice %arg10[%add3A_124, %dma_start3A_140] : memref<10240x128xf32, #tpu.memory_space<vmem_shared>> -> memref<80x128xf32, #tpu.memory_space<vmem_shared>>
      tpu.enqueue_dma source(%dma_start3A_141 : memref<80x128xf32, #tpu.memory_space<vmem_shared>>) target(%arg8 : memref<80x128xf32, #tpu.memory_space<vmem>>) target_semaphore(%run_scoped3A_137 : memref<!tpu.dma_semaphore, #tpu.memory_space<semaphore_mem>>)
      %dma_wait3A_142 = arith.constant 0 : i32
      %dma_wait3A_143 = tpu.memref_slice %arg10[%add3A_124, %dma_wait3A_142] : memref<10240x128xf32, #tpu.memory_space<vmem_shared>> -> memref<80x128xf32, #tpu.memory_space<vmem_shared>>
      %dma_wait3A_144 = arith.constant 0 : i32
      %dma_wait3A_145 = tpu.memref_slice %arg10[%add3A_124, %dma_wait3A_144] : memref<10240x128xf32, #tpu.memory_space<vmem_shared>> -> memref<80x128xf32, #tpu.memory_space<vmem_shared>>
      tpu.wait_dma2 semaphore(%run_scoped3A_137 : memref<!tpu.dma_semaphore, #tpu.memory_space<semaphore_mem>>) src(%dma_wait3A_145 : memref<80x128xf32, #tpu.memory_space<vmem_shared>>) dst(%arg8 : memref<80x128xf32, #tpu.memory_space<vmem>>)
      tpu.yield
    }) : () -> ()
    %mul3A_125 = arith.constant 640 : i32
    %mul3A_126 = arith.muli %arg1, %mul3A_125 : i32
    %add3A_127 = arith.constant 480 : i32
    %add3A_128 = arith.addi %mul3A_126, %add3A_127 : i32
    "tpu.region"() ({
      %run_scoped3A_137 = tpu.sem_alloc : memref<!tpu.dma_semaphore, #tpu.memory_space<semaphore_mem>>
      %dma_start3A_138 = arith.constant 0 : i32
      %dma_start3A_139 = tpu.memref_slice %arg5[%arg0, %add3A_128, %dma_start3A_138] : memref<2x10240x128xf32, #tpu.memory_space<hbm>> -> memref<1x80x128xf32, #tpu.memory_space<hbm>>
      %dma_start3A_140 = tpu.memref_squeeze %dma_start3A_139 : memref<1x80x128xf32, #tpu.memory_space<hbm>> -> memref<80x128xf32, #tpu.memory_space<hbm>>
      %dma_start3A_141 = arith.constant 0 : i32
      %dma_start3A_142 = tpu.memref_slice %arg5[%arg0, %add3A_128, %dma_start3A_141] : memref<2x10240x128xf32, #tpu.memory_space<hbm>> -> memref<1x80x128xf32, #tpu.memory_space<hbm>>
      %dma_start3A_143 = tpu.memref_squeeze %dma_start3A_142 : memref<1x80x128xf32, #tpu.memory_space<hbm>> -> memref<80x128xf32, #tpu.memory_space<hbm>>
      tpu.enqueue_dma source(%arg8 : memref<80x128xf32, #tpu.memory_space<vmem>>) target(%dma_start3A_143 : memref<80x128xf32, #tpu.memory_space<hbm>>) target_semaphore(%run_scoped3A_137 : memref<!tpu.dma_semaphore, #tpu.memory_space<semaphore_mem>>)
      %dma_wait3A_144 = arith.constant 0 : i32
      %dma_wait3A_145 = tpu.memref_slice %arg5[%arg0, %add3A_128, %dma_wait3A_144] : memref<2x10240x128xf32, #tpu.memory_space<hbm>> -> memref<1x80x128xf32, #tpu.memory_space<hbm>>
      %dma_wait3A_146 = tpu.memref_squeeze %dma_wait3A_145 : memref<1x80x128xf32, #tpu.memory_space<hbm>> -> memref<80x128xf32, #tpu.memory_space<hbm>>
      %dma_wait3A_147 = arith.constant 0 : i32
      %dma_wait3A_148 = tpu.memref_slice %arg5[%arg0, %add3A_128, %dma_wait3A_147] : memref<2x10240x128xf32, #tpu.memory_space<hbm>> -> memref<1x80x128xf32, #tpu.memory_space<hbm>>
      %dma_wait3A_149 = tpu.memref_squeeze %dma_wait3A_148 : memref<1x80x128xf32, #tpu.memory_space<hbm>> -> memref<80x128xf32, #tpu.memory_space<hbm>>
      tpu.wait_dma2 semaphore(%run_scoped3A_137 : memref<!tpu.dma_semaphore, #tpu.memory_space<semaphore_mem>>) src(%arg8 : memref<80x128xf32, #tpu.memory_space<vmem>>) dst(%dma_wait3A_149 : memref<80x128xf32, #tpu.memory_space<hbm>>)
      tpu.yield
    }) : () -> ()
    %mul3A_129 = arith.constant 640 : i32
    %mul3A_130 = arith.muli %arg1, %mul3A_129 : i32
    %add3A_131 = arith.constant 560 : i32
    %add3A_132 = arith.addi %mul3A_130, %add3A_131 : i32
    "tpu.region"() ({
      %run_scoped3A_137 = tpu.sem_alloc : memref<!tpu.dma_semaphore, #tpu.memory_space<semaphore_mem>>
      %dma_start3A_138 = arith.constant 0 : i32
      %dma_start3A_139 = tpu.memref_slice %arg10[%add3A_132, %dma_start3A_138] : memref<10240x128xf32, #tpu.memory_space<vmem_shared>> -> memref<80x128xf32, #tpu.memory_space<vmem_shared>>
      %dma_start3A_140 = arith.constant 0 : i32
      %dma_start3A_141 = tpu.memref_slice %arg10[%add3A_132, %dma_start3A_140] : memref<10240x128xf32, #tpu.memory_space<vmem_shared>> -> memref<80x128xf32, #tpu.memory_space<vmem_shared>>
      tpu.enqueue_dma source(%dma_start3A_141 : memref<80x128xf32, #tpu.memory_space<vmem_shared>>) target(%arg8 : memref<80x128xf32, #tpu.memory_space<vmem>>) target_semaphore(%run_scoped3A_137 : memref<!tpu.dma_semaphore, #tpu.memory_space<semaphore_mem>>)
      %dma_wait3A_142 = arith.constant 0 : i32
      %dma_wait3A_143 = tpu.memref_slice %arg10[%add3A_132, %dma_wait3A_142] : memref<10240x128xf32, #tpu.memory_space<vmem_shared>> -> memref<80x128xf32, #tpu.memory_space<vmem_shared>>
      %dma_wait3A_144 = arith.constant 0 : i32
      %dma_wait3A_145 = tpu.memref_slice %arg10[%add3A_132, %dma_wait3A_144] : memref<10240x128xf32, #tpu.memory_space<vmem_shared>> -> memref<80x128xf32, #tpu.memory_space<vmem_shared>>
      tpu.wait_dma2 semaphore(%run_scoped3A_137 : memref<!tpu.dma_semaphore, #tpu.memory_space<semaphore_mem>>) src(%dma_wait3A_145 : memref<80x128xf32, #tpu.memory_space<vmem_shared>>) dst(%arg8 : memref<80x128xf32, #tpu.memory_space<vmem>>)
      tpu.yield
    }) : () -> ()
    %mul3A_133 = arith.constant 640 : i32
    %mul3A_134 = arith.muli %arg1, %mul3A_133 : i32
    %add3A_135 = arith.constant 560 : i32
    %add3A_136 = arith.addi %mul3A_134, %add3A_135 : i32
    "tpu.region"() ({
      %run_scoped3A_137 = tpu.sem_alloc : memref<!tpu.dma_semaphore, #tpu.memory_space<semaphore_mem>>
      %dma_start3A_138 = arith.constant 0 : i32
      %dma_start3A_139 = tpu.memref_slice %arg5[%arg0, %add3A_136, %dma_start3A_138] : memref<2x10240x128xf32, #tpu.memory_space<hbm>> -> memref<1x80x128xf32, #tpu.memory_space<hbm>>
      %dma_start3A_140 = tpu.memref_squeeze %dma_start3A_139 : memref<1x80x128xf32, #tpu.memory_space<hbm>> -> memref<80x128xf32, #tpu.memory_space<hbm>>
      %dma_start3A_141 = arith.constant 0 : i32
      %dma_start3A_142 = tpu.memref_slice %arg5[%arg0, %add3A_136, %dma_start3A_141] : memref<2x10240x128xf32, #tpu.memory_space<hbm>> -> memref<1x80x128xf32, #tpu.memory_space<hbm>>
      %dma_start3A_143 = tpu.memref_squeeze %dma_start3A_142 : memref<1x80x128xf32, #tpu.memory_space<hbm>> -> memref<80x128xf32, #tpu.memory_space<hbm>>
      tpu.enqueue_dma source(%arg8 : memref<80x128xf32, #tpu.memory_space<vmem>>) target(%dma_start3A_143 : memref<80x128xf32, #tpu.memory_space<hbm>>) target_semaphore(%run_scoped3A_137 : memref<!tpu.dma_semaphore, #tpu.memory_space<semaphore_mem>>)
      %dma_wait3A_144 = arith.constant 0 : i32
      %dma_wait3A_145 = tpu.memref_slice %arg5[%arg0, %add3A_136, %dma_wait3A_144] : memref<2x10240x128xf32, #tpu.memory_space<hbm>> -> memref<1x80x128xf32, #tpu.memory_space<hbm>>
      %dma_wait3A_146 = tpu.memref_squeeze %dma_wait3A_145 : memref<1x80x128xf32, #tpu.memory_space<hbm>> -> memref<80x128xf32, #tpu.memory_space<hbm>>
      %dma_wait3A_147 = arith.constant 0 : i32
      %dma_wait3A_148 = tpu.memref_slice %arg5[%arg0, %add3A_136, %dma_wait3A_147] : memref<2x10240x128xf32, #tpu.memory_space<hbm>> -> memref<1x80x128xf32, #tpu.memory_space<hbm>>
      %dma_wait3A_149 = tpu.memref_squeeze %dma_wait3A_148 : memref<1x80x128xf32, #tpu.memory_space<hbm>> -> memref<80x128xf32, #tpu.memory_space<hbm>>
      tpu.wait_dma2 semaphore(%run_scoped3A_137 : memref<!tpu.dma_semaphore, #tpu.memory_space<semaphore_mem>>) src(%arg8 : memref<80x128xf32, #tpu.memory_space<vmem>>) dst(%dma_wait3A_149 : memref<80x128xf32, #tpu.memory_space<hbm>>)
      tpu.yield
    }) : () -> ()
    return
  }
}

module attributes {stable_mosaic.version = 14 : i64} {
  func.func @body(%arg0: i32, %arg1: memref<2000x128xf32, #tpu.memory_space<vmem>>, %arg2: memref<128x128xf32, #tpu.memory_space<vmem>>, %arg3: memref<1x128xf32, #tpu.memory_space<vmem>>, %arg4: memref<2000x128xf32, #tpu.memory_space<vmem>>) attributes {dimension_semantics = [#tpu.dimension_semantics<arbitrary>], iteration_bounds = array<i64: 5>, scalar_prefetch = 0 : i64, scratch_operands = 0 : i64, tpu.core_type = #tpu.core_type<tc>, window_params = [{transform_indices = @transform_0, window_bounds = array<i64: 2000, 128>}, {pipeline_mode = #tpu.pipeline_mode<synchronous>, transform_indices = @transform_1, window_bounds = array<i64: 128, 128>}, {pipeline_mode = #tpu.pipeline_mode<synchronous>, transform_indices = @transform_2, window_bounds = array<i64: 1, 128>}, {transform_indices = @transform_3, window_bounds = array<i64: 2000, 128>}]} {
    %get3A = arith.constant 0 : index
    %get3A_0 = arith.constant 0 : index
    %get3A_1 = vector.load %arg1[%get3A, %get3A_0] : memref<2000x128xf32, #tpu.memory_space<vmem>>, vector<2000x128xf32>
    %get3A_2 = arith.constant 0 : index
    %get3A_3 = arith.constant 0 : index
    %get3A_4 = vector.load %arg2[%get3A_2, %get3A_3] : memref<128x128xf32, #tpu.memory_space<vmem>>, vector<128x128xf32>
    %dot_general3A = arith.constant dense<0.000000e+00> : vector<2000x128xf32>
    %dot_general3A_5 = tpu.matmul %get3A_1, %get3A_4, %dot_general3A {dimension_numbers = #tpu.dot_dimension_numbers<[1], [0], [0], [1], [0, 0, 1, 1], [], []>, precision = #tpu.contract_precision<fp32>, transpose_lhs_hint = false} : vector<2000x128xf32>, vector<128x128xf32>, vector<2000x128xf32> -> vector<2000x128xf32>
    %get3A_6 = arith.constant 0 : index
    %get3A_7 = arith.constant 0 : index
    %get3A_8 = vector.load %arg3[%get3A_6, %get3A_7] : memref<1x128xf32, #tpu.memory_space<vmem>>, vector<1x128xf32>
    %add3A = vector.broadcast %get3A_8 : vector<1x128xf32> to vector<2000x128xf32>
    %add3A_9 = arith.addf %dot_general3A_5, %add3A : vector<2000x128xf32>
    %max3A = arith.constant 0.000000e+00 : f32
    %max3A_10 = vector.broadcast %max3A : f32 to vector<2000x128xf32>
    %max3A_11 = arith.maximumf %add3A_9, %max3A_10 : vector<2000x128xf32>
    %swap3A = arith.constant 0 : index
    %swap3A_12 = arith.constant 0 : index
    %swap3A_13 = vector.load %arg4[%swap3A, %swap3A_12] : memref<2000x128xf32, #tpu.memory_space<vmem>>, vector<2000x128xf32>
    tpu.vector_store %arg4[%swap3A, %swap3A_12], %max3A_11 {strides = array<i32>} : memref<2000x128xf32, #tpu.memory_space<vmem>>, vector<2000x128xf32>,
    return
  }
  func.func @transform_0(%arg0: i32) -> (i32, i32) {
    %c0_i32 = arith.constant 0 : i32
    %c0_i32_0 = arith.constant 0 : i32
    return %arg0, %c0_i32 : i32, i32
  }
  func.func @transform_1(%arg0: i32) -> (i32, i32) {
    %c0_i32 = arith.constant 0 : i32
    %c0_i32_0 = arith.constant 0 : i32
    %c0_i32_1 = arith.constant 0 : i32
    return %c0_i32, %c0_i32_0 : i32, i32
  }
  func.func @transform_2(%arg0: i32) -> (i32, i32) {
    %c0_i32 = arith.constant 0 : i32
    %c0_i32_0 = arith.constant 0 : i32
    %c0_i32_1 = arith.constant 0 : i32
    return %c0_i32, %c0_i32_0 : i32, i32
  }
  func.func @transform_3(%arg0: i32) -> (i32, i32) {
    %c0_i32 = arith.constant 0 : i32
    %c0_i32_0 = arith.constant 0 : i32
    return %arg0, %c0_i32 : i32, i32
  }
}

module attributes {stable_mosaic.version = 14 : i64} {
  func.func @body(%arg0: i32, %arg1: memref<2x2000x128xf32, #tpu.memory_space<vmem>>, %arg2: memref<2x2000x1xf32, #tpu.memory_space<vmem>>, %arg3: memref<2000x128xf32, #tpu.memory_space<vmem>>, %arg4: memref<128x128xf32, #tpu.memory_space<vmem>>, %arg5: memref<1x128xf32, #tpu.memory_space<vmem>>, %arg6: memref<128x128xf32, #tpu.memory_space<vmem>>, %arg7: memref<1x128xf32, #tpu.memory_space<vmem>>, %arg8: memref<1x128xf32, #tpu.memory_space<vmem>>, %arg9: memref<128x128xf32, #tpu.memory_space<vmem>>, %arg10: memref<1x128xf32, #tpu.memory_space<vmem>>, %arg11: memref<2000x128xf32, #tpu.memory_space<vmem>>) attributes {dimension_semantics = [#tpu.dimension_semantics<arbitrary>], iteration_bounds = array<i64: 5>, scalar_prefetch = 0 : i64, scratch_operands = 0 : i64, tpu.core_type = #tpu.core_type<tc>, window_params = [{transform_indices = @transform_0, window_bounds = array<i64: 2, 2000, 128>}, {transform_indices = @transform_1, window_bounds = array<i64: 2, 2000, 1>}, {transform_indices = @transform_2, window_bounds = array<i64: 2000, 128>}, {pipeline_mode = #tpu.pipeline_mode<synchronous>, transform_indices = @transform_3, window_bounds = array<i64: 128, 128>}, {pipeline_mode = #tpu.pipeline_mode<synchronous>, transform_indices = @transform_4, window_bounds = array<i64: 1, 128>}, {pipeline_mode = #tpu.pipeline_mode<synchronous>, transform_indices = @transform_5, window_bounds = array<i64: 128, 128>}, {pipeline_mode = #tpu.pipeline_mode<synchronous>, transform_indices = @transform_6, window_bounds = array<i64: 1, 128>}, {pipeline_mode = #tpu.pipeline_mode<synchronous>, transform_indices = @transform_7, window_bounds = array<i64: 1, 128>}, {pipeline_mode = #tpu.pipeline_mode<synchronous>, transform_indices = @transform_8, window_bounds = array<i64: 128, 128>}, {pipeline_mode = #tpu.pipeline_mode<synchronous>, transform_indices = @transform_9, window_bounds = array<i64: 1, 128>}, {transform_indices = @transform_10, window_bounds = array<i64: 2000, 128>}]} {
    %get3A = arith.constant 0 : index
    %get3A_0 = arith.constant 0 : index
    %get3A_1 = arith.constant 0 : index
    %get3A_2 = vector.load %arg1[%get3A, %get3A_0, %get3A_1] : memref<2x2000x128xf32, #tpu.memory_space<vmem>>, vector<1x2000x128xf32>
    %get3A_3 = vector.shape_cast %get3A_2 : vector<1x2000x128xf32> to vector<2000x128xf32>
    %get3A_4 = arith.constant 1 : index
    %get3A_5 = arith.constant 0 : index
    %get3A_6 = arith.constant 0 : index
    %get3A_7 = vector.load %arg1[%get3A_4, %get3A_5, %get3A_6] : memref<2x2000x128xf32, #tpu.memory_space<vmem>>, vector<1x2000x128xf32>
    %get3A_8 = vector.shape_cast %get3A_7 : vector<1x2000x128xf32> to vector<2000x128xf32>
    %add3A = arith.addf %get3A_3, %get3A_8 : vector<2000x128xf32>
    %get3A_9 = arith.constant 0 : index
    %get3A_10 = arith.constant 0 : index
    %get3A_11 = arith.constant 0 : index
    %get3A_12 = vector.load %arg2[%get3A_9, %get3A_10, %get3A_11] : memref<2x2000x1xf32, #tpu.memory_space<vmem>>, vector<1x2000x1xf32>
    %get3A_13 = vector.shape_cast %get3A_12 : vector<1x2000x1xf32> to vector<2000x1xf32>
    %get3A_14 = arith.constant 1 : index
    %get3A_15 = arith.constant 0 : index
    %get3A_16 = arith.constant 0 : index
    %get3A_17 = vector.load %arg2[%get3A_14, %get3A_15, %get3A_16] : memref<2x2000x1xf32, #tpu.memory_space<vmem>>, vector<1x2000x1xf32>
    %get3A_18 = vector.shape_cast %get3A_17 : vector<1x2000x1xf32> to vector<2000x1xf32>
    %add3A_19 = arith.addf %get3A_13, %get3A_18 : vector<2000x1xf32>
    %max3A = arith.constant 1.000000e+00 : f32
    %max3A_20 = vector.broadcast %max3A : f32 to vector<2000x1xf32>
    %max3A_21 = arith.maximumf %add3A_19, %max3A_20 : vector<2000x1xf32>
    %div3A = vector.broadcast %max3A_21 : vector<2000x1xf32> to vector<2000x128xf32>
    %div3A_22 = arith.divf %add3A, %div3A : vector<2000x128xf32>
    %get3A_23 = arith.constant 0 : index
    %get3A_24 = arith.constant 0 : index
    %get3A_25 = vector.load %arg4[%get3A_23, %get3A_24] : memref<128x128xf32, #tpu.memory_space<vmem>>, vector<128x128xf32>
    %dot_general3A = arith.constant dense<0.000000e+00> : vector<2000x128xf32>
    %dot_general3A_26 = tpu.matmul %div3A_22, %get3A_25, %dot_general3A {dimension_numbers = #tpu.dot_dimension_numbers<[1], [0], [0], [1], [0, 0, 1, 1], [], []>, precision = #tpu.contract_precision<fp32>, transpose_lhs_hint = false} : vector<2000x128xf32>, vector<128x128xf32>, vector<2000x128xf32> -> vector<2000x128xf32>
    %get3A_27 = arith.constant 0 : index
    %get3A_28 = arith.constant 0 : index
    %get3A_29 = vector.load %arg5[%get3A_27, %get3A_28] : memref<1x128xf32, #tpu.memory_space<vmem>>, vector<1x128xf32>
    %add3A_30 = vector.broadcast %get3A_29 : vector<1x128xf32> to vector<2000x128xf32>
    %add3A_31 = arith.addf %dot_general3A_26, %add3A_30 : vector<2000x128xf32>
    %get3A_32 = arith.constant 0 : index
    %get3A_33 = arith.constant 0 : index
    %get3A_34 = vector.load %arg3[%get3A_32, %get3A_33] : memref<2000x128xf32, #tpu.memory_space<vmem>>, vector<2000x128xf32>
    %get3A_35 = arith.constant 0 : index
    %get3A_36 = arith.constant 0 : index
    %get3A_37 = vector.load %arg6[%get3A_35, %get3A_36] : memref<128x128xf32, #tpu.memory_space<vmem>>, vector<128x128xf32>
    %dot_general3A_38 = arith.constant dense<0.000000e+00> : vector<2000x128xf32>
    %dot_general3A_39 = tpu.matmul %get3A_34, %get3A_37, %dot_general3A_38 {dimension_numbers = #tpu.dot_dimension_numbers<[1], [0], [0], [1], [0, 0, 1, 1], [], []>, precision = #tpu.contract_precision<fp32>, transpose_lhs_hint = false} : vector<2000x128xf32>, vector<128x128xf32>, vector<2000x128xf32> -> vector<2000x128xf32>
    %add3A_40 = arith.addf %add3A_31, %dot_general3A_39 : vector<2000x128xf32>
    %max3A_41 = arith.constant 0.000000e+00 : f32
    %max3A_42 = vector.broadcast %max3A_41 : f32 to vector<2000x128xf32>
    %max3A_43 = arith.maximumf %add3A_40, %max3A_42 : vector<2000x128xf32>
    %reduce_sum3A = arith.constant dense<0.000000e+00> : vector<2000xf32>
    %reduce_sum3A_44 = vector.multi_reduction <add>, %max3A_43, %reduce_sum3A [1] : vector<2000x128xf32> to vector<2000xf32>
    %broadcast_in_dim3A = vector.shape_cast %reduce_sum3A_44 : vector<2000xf32> to vector<2000x1xf32>
    %div3A_45 = arith.constant 1.280000e+02 : f32
    %div3A_46 = vector.broadcast %div3A_45 : f32 to vector<2000x1xf32>
    %div3A_47 = arith.divf %broadcast_in_dim3A, %div3A_46 : vector<2000x1xf32>
    %sub3A = vector.broadcast %div3A_47 : vector<2000x1xf32> to vector<2000x128xf32>
    %sub3A_48 = arith.subf %max3A_43, %sub3A : vector<2000x128xf32>
    %sub3A_49 = vector.broadcast %div3A_47 : vector<2000x1xf32> to vector<2000x128xf32>
    %sub3A_50 = arith.subf %max3A_43, %sub3A_49 : vector<2000x128xf32>
    %mul3A = arith.mulf %sub3A_48, %sub3A_50 : vector<2000x128xf32>
    %reduce_sum3A_51 = arith.constant dense<0.000000e+00> : vector<2000xf32>
    %reduce_sum3A_52 = vector.multi_reduction <add>, %mul3A, %reduce_sum3A_51 [1] : vector<2000x128xf32> to vector<2000xf32>
    %broadcast_in_dim3A_53 = vector.shape_cast %reduce_sum3A_52 : vector<2000xf32> to vector<2000x1xf32>
    %div3A_54 = arith.constant 1.280000e+02 : f32
    %div3A_55 = vector.broadcast %div3A_54 : f32 to vector<2000x1xf32>
    %div3A_56 = arith.divf %broadcast_in_dim3A_53, %div3A_55 : vector<2000x1xf32>
    %sub3A_57 = vector.broadcast %div3A_47 : vector<2000x1xf32> to vector<2000x128xf32>
    %sub3A_58 = arith.subf %max3A_43, %sub3A_57 : vector<2000x128xf32>
    %add3A_59 = arith.constant 9.99999974E-6 : f32
    %add3A_60 = vector.broadcast %add3A_59 : f32 to vector<2000x1xf32>
    %add3A_61 = arith.addf %div3A_56, %add3A_60 : vector<2000x1xf32>
    %rsqrt3A = math.rsqrt %add3A_61 : vector<2000x1xf32>
    %mul3A_62 = vector.broadcast %rsqrt3A : vector<2000x1xf32> to vector<2000x128xf32>
    %mul3A_63 = arith.mulf %sub3A_58, %mul3A_62 : vector<2000x128xf32>
    %get3A_64 = arith.constant 0 : index
    %get3A_65 = arith.constant 0 : index
    %get3A_66 = vector.load %arg7[%get3A_64, %get3A_65] : memref<1x128xf32, #tpu.memory_space<vmem>>, vector<1x128xf32>
    %mul3A_67 = vector.broadcast %get3A_66 : vector<1x128xf32> to vector<2000x128xf32>
    %mul3A_68 = arith.mulf %mul3A_63, %mul3A_67 : vector<2000x128xf32>
    %get3A_69 = arith.constant 0 : index
    %get3A_70 = arith.constant 0 : index
    %get3A_71 = vector.load %arg8[%get3A_69, %get3A_70] : memref<1x128xf32, #tpu.memory_space<vmem>>, vector<1x128xf32>
    %add3A_72 = vector.broadcast %get3A_71 : vector<1x128xf32> to vector<2000x128xf32>
    %add3A_73 = arith.addf %mul3A_68, %add3A_72 : vector<2000x128xf32>
    %get3A_74 = arith.constant 0 : index
    %get3A_75 = arith.constant 0 : index
    %get3A_76 = vector.load %arg9[%get3A_74, %get3A_75] : memref<128x128xf32, #tpu.memory_space<vmem>>, vector<128x128xf32>
    %dot_general3A_77 = arith.constant dense<0.000000e+00> : vector<2000x128xf32>
    %dot_general3A_78 = tpu.matmul %add3A_73, %get3A_76, %dot_general3A_77 {dimension_numbers = #tpu.dot_dimension_numbers<[1], [0], [0], [1], [0, 0, 1, 1], [], []>, precision = #tpu.contract_precision<fp32>, transpose_lhs_hint = false} : vector<2000x128xf32>, vector<128x128xf32>, vector<2000x128xf32> -> vector<2000x128xf32>
    %get3A_79 = arith.constant 0 : index
    %get3A_80 = arith.constant 0 : index
    %get3A_81 = vector.load %arg10[%get3A_79, %get3A_80] : memref<1x128xf32, #tpu.memory_space<vmem>>, vector<1x128xf32>
    %add3A_82 = vector.broadcast %get3A_81 : vector<1x128xf32> to vector<2000x128xf32>
    %add3A_83 = arith.addf %dot_general3A_78, %add3A_82 : vector<2000x128xf32>
    %max3A_84 = arith.constant 0.000000e+00 : f32
    %max3A_85 = vector.broadcast %max3A_84 : f32 to vector<2000x128xf32>
    %max3A_86 = arith.maximumf %add3A_83, %max3A_85 : vector<2000x128xf32>
    %swap3A = arith.constant 0 : index
    %swap3A_87 = arith.constant 0 : index
    %swap3A_88 = vector.load %arg11[%swap3A, %swap3A_87] : memref<2000x128xf32, #tpu.memory_space<vmem>>, vector<2000x128xf32>
    tpu.vector_store %arg11[%swap3A, %swap3A_87], %max3A_86 {strides = array<i32>} : memref<2000x128xf32, #tpu.memory_space<vmem>>, vector<2000x128xf32>,
    return
  }
  func.func @transform_0(%arg0: i32) -> (i32, i32, i32) {
    %c0_i32 = arith.constant 0 : i32
    %c0_i32_0 = arith.constant 0 : i32
    %c0_i32_1 = arith.constant 0 : i32
    return %c0_i32, %arg0, %c0_i32_0 : i32, i32, i32
  }
  func.func @transform_1(%arg0: i32) -> (i32, i32, i32) {
    %c0_i32 = arith.constant 0 : i32
    %c0_i32_0 = arith.constant 0 : i32
    %c0_i32_1 = arith.constant 0 : i32
    return %c0_i32, %arg0, %c0_i32_0 : i32, i32, i32
  }
  func.func @transform_2(%arg0: i32) -> (i32, i32) {
    %c0_i32 = arith.constant 0 : i32
    %c0_i32_0 = arith.constant 0 : i32
    return %arg0, %c0_i32 : i32, i32
  }
  func.func @transform_3(%arg0: i32) -> (i32, i32) {
    %c0_i32 = arith.constant 0 : i32
    %c0_i32_0 = arith.constant 0 : i32
    %c0_i32_1 = arith.constant 0 : i32
    return %c0_i32, %c0_i32_0 : i32, i32
  }
  func.func @transform_4(%arg0: i32) -> (i32, i32) {
    %c0_i32 = arith.constant 0 : i32
    %c0_i32_0 = arith.constant 0 : i32
    %c0_i32_1 = arith.constant 0 : i32
    return %c0_i32, %c0_i32_0 : i32, i32
  }
  func.func @transform_5(%arg0: i32) -> (i32, i32) {
    %c0_i32 = arith.constant 0 : i32
    %c0_i32_0 = arith.constant 0 : i32
    %c0_i32_1 = arith.constant 0 : i32
    return %c0_i32, %c0_i32_0 : i32, i32
  }
  func.func @transform_6(%arg0: i32) -> (i32, i32) {
    %c0_i32 = arith.constant 0 : i32
    %c0_i32_0 = arith.constant 0 : i32
    %c0_i32_1 = arith.constant 0 : i32
    return %c0_i32, %c0_i32_0 : i32, i32
  }
  func.func @transform_7(%arg0: i32) -> (i32, i32) {
    %c0_i32 = arith.constant 0 : i32
    %c0_i32_0 = arith.constant 0 : i32
    %c0_i32_1 = arith.constant 0 : i32
    return %c0_i32, %c0_i32_0 : i32, i32
  }
  func.func @transform_8(%arg0: i32) -> (i32, i32) {
    %c0_i32 = arith.constant 0 : i32
    %c0_i32_0 = arith.constant 0 : i32
    %c0_i32_1 = arith.constant 0 : i32
    return %c0_i32, %c0_i32_0 : i32, i32
  }
  func.func @transform_9(%arg0: i32) -> (i32, i32) {
    %c0_i32 = arith.constant 0 : i32
    %c0_i32_0 = arith.constant 0 : i32
    %c0_i32_1 = arith.constant 0 : i32
    return %c0_i32, %c0_i32_0 : i32, i32
  }
  func.func @transform_10(%arg0: i32) -> (i32, i32) {
    %c0_i32 = arith.constant 0 : i32
    %c0_i32_0 = arith.constant 0 : i32
    return %arg0, %c0_i32 : i32, i32
  }
}

module attributes {stable_mosaic.version = 14 : i64} {
  func.func @body(%arg0: i32, %arg1: memref<2x2000x128xf32, #tpu.memory_space<vmem>>, %arg2: memref<2x2000x1xf32, #tpu.memory_space<vmem>>, %arg3: memref<2000x128xf32, #tpu.memory_space<vmem>>, %arg4: memref<128x128xf32, #tpu.memory_space<vmem>>, %arg5: memref<1x128xf32, #tpu.memory_space<vmem>>, %arg6: memref<128x128xf32, #tpu.memory_space<vmem>>, %arg7: memref<2000x128xf32, #tpu.memory_space<vmem>>) attributes {dimension_semantics = [#tpu.dimension_semantics<arbitrary>], iteration_bounds = array<i64: 5>, scalar_prefetch = 0 : i64, scratch_operands = 0 : i64, tpu.core_type = #tpu.core_type<tc>, window_params = [{transform_indices = @transform_0, window_bounds = array<i64: 2, 2000, 128>}, {transform_indices = @transform_1, window_bounds = array<i64: 2, 2000, 1>}, {transform_indices = @transform_2, window_bounds = array<i64: 2000, 128>}, {pipeline_mode = #tpu.pipeline_mode<synchronous>, transform_indices = @transform_3, window_bounds = array<i64: 128, 128>}, {pipeline_mode = #tpu.pipeline_mode<synchronous>, transform_indices = @transform_4, window_bounds = array<i64: 1, 128>}, {pipeline_mode = #tpu.pipeline_mode<synchronous>, transform_indices = @transform_5, window_bounds = array<i64: 128, 128>}, {transform_indices = @transform_6, window_bounds = array<i64: 2000, 128>}]} {
    %get3A = arith.constant 0 : index
    %get3A_0 = arith.constant 0 : index
    %get3A_1 = arith.constant 0 : index
    %get3A_2 = vector.load %arg1[%get3A, %get3A_0, %get3A_1] : memref<2x2000x128xf32, #tpu.memory_space<vmem>>, vector<1x2000x128xf32>
    %get3A_3 = vector.shape_cast %get3A_2 : vector<1x2000x128xf32> to vector<2000x128xf32>
    %get3A_4 = arith.constant 1 : index
    %get3A_5 = arith.constant 0 : index
    %get3A_6 = arith.constant 0 : index
    %get3A_7 = vector.load %arg1[%get3A_4, %get3A_5, %get3A_6] : memref<2x2000x128xf32, #tpu.memory_space<vmem>>, vector<1x2000x128xf32>
    %get3A_8 = vector.shape_cast %get3A_7 : vector<1x2000x128xf32> to vector<2000x128xf32>
    %add3A = arith.addf %get3A_3, %get3A_8 : vector<2000x128xf32>
    %get3A_9 = arith.constant 0 : index
    %get3A_10 = arith.constant 0 : index
    %get3A_11 = arith.constant 0 : index
    %get3A_12 = vector.load %arg2[%get3A_9, %get3A_10, %get3A_11] : memref<2x2000x1xf32, #tpu.memory_space<vmem>>, vector<1x2000x1xf32>
    %get3A_13 = vector.shape_cast %get3A_12 : vector<1x2000x1xf32> to vector<2000x1xf32>
    %get3A_14 = arith.constant 1 : index
    %get3A_15 = arith.constant 0 : index
    %get3A_16 = arith.constant 0 : index
    %get3A_17 = vector.load %arg2[%get3A_14, %get3A_15, %get3A_16] : memref<2x2000x1xf32, #tpu.memory_space<vmem>>, vector<1x2000x1xf32>
    %get3A_18 = vector.shape_cast %get3A_17 : vector<1x2000x1xf32> to vector<2000x1xf32>
    %add3A_19 = arith.addf %get3A_13, %get3A_18 : vector<2000x1xf32>
    %max3A = arith.constant 1.000000e+00 : f32
    %max3A_20 = vector.broadcast %max3A : f32 to vector<2000x1xf32>
    %max3A_21 = arith.maximumf %add3A_19, %max3A_20 : vector<2000x1xf32>
    %div3A = vector.broadcast %max3A_21 : vector<2000x1xf32> to vector<2000x128xf32>
    %div3A_22 = arith.divf %add3A, %div3A : vector<2000x128xf32>
    %get3A_23 = arith.constant 0 : index
    %get3A_24 = arith.constant 0 : index
    %get3A_25 = vector.load %arg4[%get3A_23, %get3A_24] : memref<128x128xf32, #tpu.memory_space<vmem>>, vector<128x128xf32>
    %dot_general3A = arith.constant dense<0.000000e+00> : vector<2000x128xf32>
    %dot_general3A_26 = tpu.matmul %div3A_22, %get3A_25, %dot_general3A {dimension_numbers = #tpu.dot_dimension_numbers<[1], [0], [0], [1], [0, 0, 1, 1], [], []>, precision = #tpu.contract_precision<fp32>, transpose_lhs_hint = false} : vector<2000x128xf32>, vector<128x128xf32>, vector<2000x128xf32> -> vector<2000x128xf32>
    %get3A_27 = arith.constant 0 : index
    %get3A_28 = arith.constant 0 : index
    %get3A_29 = vector.load %arg5[%get3A_27, %get3A_28] : memref<1x128xf32, #tpu.memory_space<vmem>>, vector<1x128xf32>
    %add3A_30 = vector.broadcast %get3A_29 : vector<1x128xf32> to vector<2000x128xf32>
    %add3A_31 = arith.addf %dot_general3A_26, %add3A_30 : vector<2000x128xf32>
    %get3A_32 = arith.constant 0 : index
    %get3A_33 = arith.constant 0 : index
    %get3A_34 = vector.load %arg3[%get3A_32, %get3A_33] : memref<2000x128xf32, #tpu.memory_space<vmem>>, vector<2000x128xf32>
    %get3A_35 = arith.constant 0 : index
    %get3A_36 = arith.constant 0 : index
    %get3A_37 = vector.load %arg6[%get3A_35, %get3A_36] : memref<128x128xf32, #tpu.memory_space<vmem>>, vector<128x128xf32>
    %dot_general3A_38 = arith.constant dense<0.000000e+00> : vector<2000x128xf32>
    %dot_general3A_39 = tpu.matmul %get3A_34, %get3A_37, %dot_general3A_38 {dimension_numbers = #tpu.dot_dimension_numbers<[1], [0], [0], [1], [0, 0, 1, 1], [], []>, precision = #tpu.contract_precision<fp32>, transpose_lhs_hint = false} : vector<2000x128xf32>, vector<128x128xf32>, vector<2000x128xf32> -> vector<2000x128xf32>
    %add3A_40 = arith.addf %add3A_31, %dot_general3A_39 : vector<2000x128xf32>
    %swap3A = arith.constant 0 : index
    %swap3A_41 = arith.constant 0 : index
    %swap3A_42 = vector.load %arg7[%swap3A, %swap3A_41] : memref<2000x128xf32, #tpu.memory_space<vmem>>, vector<2000x128xf32>
    tpu.vector_store %arg7[%swap3A, %swap3A_41], %add3A_40 {strides = array<i32>} : memref<2000x128xf32, #tpu.memory_space<vmem>>, vector<2000x128xf32>,
    return
  }
  func.func @transform_0(%arg0: i32) -> (i32, i32, i32) {
    %c0_i32 = arith.constant 0 : i32
    %c0_i32_0 = arith.constant 0 : i32
    %c0_i32_1 = arith.constant 0 : i32
    return %c0_i32, %arg0, %c0_i32_0 : i32, i32, i32
  }
  func.func @transform_1(%arg0: i32) -> (i32, i32, i32) {
    %c0_i32 = arith.constant 0 : i32
    %c0_i32_0 = arith.constant 0 : i32
    %c0_i32_1 = arith.constant 0 : i32
    return %c0_i32, %arg0, %c0_i32_0 : i32, i32, i32
  }
  func.func @transform_2(%arg0: i32) -> (i32, i32) {
    %c0_i32 = arith.constant 0 : i32
    %c0_i32_0 = arith.constant 0 : i32
    return %arg0, %c0_i32 : i32, i32
  }
  func.func @transform_3(%arg0: i32) -> (i32, i32) {
    %c0_i32 = arith.constant 0 : i32
    %c0_i32_0 = arith.constant 0 : i32
    %c0_i32_1 = arith.constant 0 : i32
    return %c0_i32, %c0_i32_0 : i32, i32
  }
  func.func @transform_4(%arg0: i32) -> (i32, i32) {
    %c0_i32 = arith.constant 0 : i32
    %c0_i32_0 = arith.constant 0 : i32
    %c0_i32_1 = arith.constant 0 : i32
    return %c0_i32, %c0_i32_0 : i32, i32
  }
  func.func @transform_5(%arg0: i32) -> (i32, i32) {
    %c0_i32 = arith.constant 0 : i32
    %c0_i32_0 = arith.constant 0 : i32
    %c0_i32_1 = arith.constant 0 : i32
    return %c0_i32, %c0_i32_0 : i32, i32
  }
  func.func @transform_6(%arg0: i32) -> (i32, i32) {
    %c0_i32 = arith.constant 0 : i32
    %c0_i32_0 = arith.constant 0 : i32
    return %arg0, %c0_i32 : i32, i32
  }
}

</mosaic_0001>

<sc_bundles>
// kernel: kernel.11.cloned.1.call-start
scs
__scs_entry_jumppad:
0x0: {  	(pc) =	sbr.rel $0x88, $3  }
0x1: {  	(tag) =	ssettag $0x0;
	lr =	simm.s32 $0x1  }
0x2: {  	[smem:$0x3F93] =	sst lr;
	_ =	strace $0xD0000000  }
0x3: {  	_ = 	snop  }
0x4: {  	_ = 	snop  }
0x5: {  	_ = 	snop  }
0x6: {  	_ = 	snop  }
0x7: {  	_ = 	snop  }
__scs_overlays_trampoline_lowered:
0x8: {  	[smem:$0x3FA2] =	sst s0  }
0x9: {  	[smem:$0x3FA3] =	sst s1  }
0xa: {  	[smem:$0x3FA4] =	sst s2  }
0xb: {  	[smem:$0x3FA5] =	sst s3  }
0xc: {  	[smem:$0x3FA6] =	sst s4  }
0xd: {  	[smem:$0x3FA7] =	sst s5  }
0xe: {  	[smem:$0x3FA8] =	sst s6  }
0xf: {  	[smem:$0x3FA9] =	sst s7  }
0x10: {  	[smem:$0x3FAA] =	sst s8  }
0x11: {  	[smem:$0x3FAB] =	sst s9;
	s0 =	simm.s32 @!p0 $0x0  }
0x12: {  	s1 =	sld [smem:$0x3F91];
	s0 =	simm.s32 @p0 $0x1  }
0x13: {  	[smem:$0x3FAC] =	sst s0;
	s0 =	simm.s32 @!p1 $0x0  }
0x14: {  	s2 =	sld [smem:$0x3F90];
	s0 =	simm.s32 @p1 $0x1  }
0x15: {  	[smem:$0x3FAD] =	sst s0;
	s0 =	simm.s32 @!p2 $0x0  }
0x16: {  	s3 =	sld [smem:$0x3FDB];
	s0 =	simm.s32 @p2 $0x1  }
0x17: {  	s4 =	simm.s32 $0x1BF5;
	[smem:$0x3FAF] =	sst s0  }
0x18: {  	s0 =	sld [smem:$0x3F92];
	_ =	swait.ge [sflag:s4], $0x0  }
0x19: {  	s7 =	sld [smem:$0x3F93]  }
0x1a: {  	s8 =	sadd.s32 $0xFFFFE003, lr  }
0x1b: {  	s9 =	sadd.s32 $0xFFFFFEF7, lr;
	s5 =	simm.s32 $0xFFFFFFFF;
	p2 =	slt.u32 s8, $0xFFFFF086  }
0x1c: {  	p1 =	slt.u32 s9, $0xF7A;
	s5 =	simm.s32 @!p2 $0x0  }
0x1d: {  	s5 =	simm.s32 @p1 $0x1;
	p0 =	seq.s32 s7, s2  }
0x1e: {  	s7 =	smul.u32 @!p0 $0xF7A, s2;
	p2 =	seq.s32 @!p0 s5, $0x0  }
0x1f: {  	s9 =	smul.u32 $0xF7A, s1;
	s8 =	simm.s32 @!p0 $0x1BF5;
	p2 =	por !p2, p0  }
0x20: {  	[sflag:s8] =	ssyncset.s32 @!p0 $0xFFFFF086;
	s6 =	sadd.s32 @!p0 s3, s7;
	s7 =	simm.s32 @!p0 $0x108  }
0x21: {  	s3 =	sadd.s32 s3, s9;
	s6 =	sadd.s32 @!p0 $0x88, s6;
	s7 =	simm.s32 @p2 $0x1082  }
0x22: {  	[simem:s7], [sflag:s8] =	dma.local @!p0 [hbm:s6], $0xF7A  }
0x23: {  	s9 =	sor.u32 $0xD0000000, s2;
	s6 =	simm.s32 $0x108;
	_ =	swait.ge @!p0 [sflag:s8], $0x0  }
0x24: {  	s3 =	sadd.s32 $0x88, s3;
	s6 =	simm.s32 @!p1 $0x1082;
	[sflag:s4] =	ssyncset.s32 $0xFFFFF086  }
0x25: {  	[simem:s6], [sflag:s4] =	dma.local [hbm:s3], $0xF7A  }
0x26: {  	[smem:$0x3F93] =	sst s1;
	(tag) =	ssettag s2;
	_ =	strace s9  }
0x27: {  	s1 =	sld [smem:$0x3FA3]  }
0x28: {  	s2 =	sld [smem:$0x3FA4]  }
0x29: {  	s4 =	sld [smem:$0x3FA6]  }
0x2a: {  	p0 =	seq.s32 s5, $0x0;
	s5 =	sld [smem:$0x3FA7]  }
0x2b: {  	s6 =	sld [smem:$0x3FA8]  }
0x2c: {  	s7 =	sld [smem:$0x3FA9]  }
0x2d: {  	s3 =	simm.s32 $0x108;
	s8 =	sld [smem:$0x3FAA]  }
0x2e: {  	s3 =	simm.s32 @!p0 $0x1082;
	s9 =	sld [smem:$0x3FAB]  }
0x2f: {  	lr =	sadd.s32 s0, s3;
	s0 =	sld [smem:$0x3FA2]  }
0x30: {  	s3 =	sld [smem:$0x3FA5]  }
0x31: {  	[smem:$0x3FAE] =	sst s10  }
0x32: {  	s10 =	sld [smem:$0x3FAC];
	_ =	sdelay $0x3  }
0x33: {  	p0 =	seq.s32 s10, $0x1;
	s10 =	sld [smem:$0x3FAE];
	_ =	sdelay $0x3  }
0x34: {  	[smem:$0x3FAE] =	sst s10  }
0x35: {  	s10 =	sld [smem:$0x3FAD];
	_ =	sdelay $0x3  }
0x36: {  	p1 =	seq.s32 s10, $0x1;
	s10 =	sld [smem:$0x3FAE];
	_ =	sdelay $0x3  }
0x37: {  	[smem:$0x3FAE] =	sst s10  }
0x38: {  	s10 =	sld [smem:$0x3FAF]  }
0x39: {  	_ = 	snop;
	(pc) =	sbr.ind lr, $3  }
0x3a: {  	_ = 	snop  }
0x3b: {  	_ = 	snop  }
0x3c: {  	p2 =	seq.s32 s10, $0x1;
	s10 =	sld [smem:$0x3FAE]  }
0x3d: {  	_ =	shalt  }
0x3e: {  	_ =	shalt  }
0x3f: {  	_ =	shalt  }
0x40: {  	_ =	shalt  }
0x41: {  	_ =	shalt  }
0x42: {  	_ =	shalt  }
0x43: {  	_ =	shalt  }
0x44: {  	_ =	shalt  }
0x45: {  	_ =	shalt  }
0x46: {  	_ =	shalt  }
0x47: {  	_ =	shalt  }
0x48: {  	_ =	shalt  }
0x49: {  	_ =	shalt  }
0x4a: {  	_ =	shalt  }
0x4b: {  	_ =	shalt  }
0x4c: {  	_ =	shalt  }
0x4d: {  	_ =	shalt  }
0x4e: {  	_ =	shalt  }
0x4f: {  	_ =	shalt  }
0x50: {  	_ =	shalt  }
0x51: {  	_ =	shalt  }
0x52: {  	_ =	shalt  }
0x53: {  	_ =	shalt  }
0x54: {  	_ =	shalt  }
0x55: {  	_ =	shalt  }
0x56: {  	_ =	shalt  }
0x57: {  	_ =	shalt  }
0x58: {  	_ =	shalt  }
0x59: {  	_ =	shalt  }
0x5a: {  	_ =	shalt  }
0x5b: {  	_ =	shalt  }
0x5c: {  	_ =	shalt  }
0x5d: {  	_ =	shalt  }
0x5e: {  	_ =	shalt  }
0x5f: {  	_ =	shalt  }
0x60: {  	_ =	shalt  }
0x61: {  	_ =	shalt  }
0x62: {  	_ =	shalt  }
0x63: {  	_ =	shalt  }
0x64: {  	_ =	shalt  }
0x65: {  	_ =	shalt  }
0x66: {  	_ =	shalt  }
0x67: {  	_ =	shalt  }
0x68: {  	_ =	shalt  }
0x69: {  	_ =	shalt  }
0x6a: {  	_ =	shalt  }
0x6b: {  	_ =	shalt  }
0x6c: {  	_ =	shalt  }
0x6d: {  	_ =	shalt  }
0x6e: {  	_ =	shalt  }
0x6f: {  	_ =	shalt  }
0x70: {  	_ =	shalt  }
0x71: {  	_ =	shalt  }
0x72: {  	_ =	shalt  }
0x73: {  	_ =	shalt  }
0x74: {  	_ =	shalt  }
0x75: {  	_ =	shalt  }
0x76: {  	_ =	shalt  }
0x77: {  	_ =	shalt  }
0x78: {  	_ =	shalt  }
0x79: {  	_ =	shalt  }
0x7a: {  	_ =	shalt  }
0x7b: {  	_ =	shalt  }
0x7c: {  	_ =	shalt  }
0x7d: {  	_ =	shalt  }
0x7e: {  	_ =	shalt  }
0x7f: {  	_ =	shalt  }
0x80: {  	_ =	shalt  }
0x81: {  	_ =	shalt  }
0x82: {  	_ =	shalt  }
0x83: {  	_ =	shalt  }
0x84: {  	_ =	shalt  }
0x85: {  	_ =	shalt  }
0x86: {  	_ =	shalt  }
0x87: {  	_ =	shalt  }
.Lfunc_end0:
.L_simem_size_0:
called_computation.1_lowered:
.L_overlay_start_0:
0x88: {  	s2 =	sld [smem:$0x3FD9]  }
0x89: {  	s3 =	sld [smem:$0x3FFE];
	_ =	sdelay $0x1  }
0x8a: {  	s1 =	srdreg.scid  }
0x8b: {  	s0 =	sand.u32 $0x1, s1  }
0x8c: {  	s17 =	sshll.u32 s0, $0xA;
	s2 =	sadd.s32 s3, s2  }
0x8d: {  	s2 =	sadd.s32 s2, s17  }
0x8e: {  	[smem:$0x3FBA] =	sst s2  }
0x8f: {  	_ = 	snop  }
0x90: {  	s2 =	sld [smem:$0x3FD0];
	(tm) =	ssettm $0x1  }
0x91: {  	s18 =	sld [smem:$0x3FFB];
	_ =	sdelay $0x3  }
0x92: {  	_ =	strace s18  }
0x93: {  	s3 =	sld [smem:$0x3FFC];
	_ =	sdelay $0x3  }
0x94: {  	_ =	strace s3  }
0x95: {  	s3 =	sld [smem:$0x3FFD];
	_ =	sdelay $0x3  }
0x96: {  	_ =	strace s3  }
0x97: {  	_ =	strace $0x8FFFFFFF  }
0x98: {  	s19 =	sld [smem:$0x3FDB];
	_ =	sdelay $0x1  }
0x99: {  	s4 =	simm.s32 $_scs_section_size  }
0x9a: {  	s5 =	simm.s32 $_size__tile_overlayer_lowered;
	s6 =	simm.s32 $_tile_overlayer_lowered  }
0x9b: {  	s22 =	simm.s32 $0x1BFF;
	s21 =	sshll.u32 s6, $0x1;
	s3 =	sadd.s32 s4, s19  }
0x9c: {  	s7 =	simm.s32 $0x0;
	s20 =	sshll.u32 s5, $0x1;
	s5 =	sadd.s32 s21, s3  }
0x9d: {  	[timem:s7], [sflag:s22] =	dma.local [hbm:s5], s20  }
0x9e: {  	_ =	swait.ge [sflag:s22], s20  }
0x9f: {  	s4 =	ssub.s32 $0x0, s20;
	[sflag:s22] =	ssyncset.done $0x0  }
0xa0: {  	[sflag:s22] =	ssyncadd.s32 s4;
	_ =	sdelay $0x1  }
0xa1: {  	s23 =	simm.s32 $0x1B8B  }
0xa2: {  	_ =	swait.ge [sflag:s23], $0x1  }
0xa3: {  	[sflag:s23] =	ssyncset.done $0x0  }
0xa4: {  	s25 =	simm.s32 $0x1B8E;
	s24 =	sld [smem:$0x3FFE];
	[sflag:s23] =	ssyncadd.s32 $0xFFFFFFFF  }
0xa5: {  	s26 =	simm.s32 $execute0_lowered;
	[smem:$0x3FD2] =	sst s25  }
0xa6: {  	s5 =	sshll.u32 s26, $0x1;
	_ =	strace $0x80000046;
	[dreg:$0x1] =	wrdreg $0xFFFFFFFF  }
0xa7: {  	s28 =	simm.s32 $_size_execute0_lowered;
	s3 =	sadd.s32 s3, s5;
	[dreg:$0x0] =	wrdreg $0x0  }
0xa8: {  	s5 =	sshll.u32 s28, $0x1;
	[dreg:$0x2] =	wrdreg s3  }
0xa9: {  	[dreg:$0x3] =	wrdreg s5  }
0xaa: {  	[dreg:$0x4] =	wrdreg $0xC0  }
0xab: {  	_ =	task [dreg:s7], $0x5FFFF  }
0xac: {  	[dreg:$0x1] =	wrdreg $0xFFFFFFFF  }
0xad: {  	[dreg:$0x0] =	wrdreg $0x60  }
0xae: {  	[dreg:$0x2] =	wrdreg s2  }
0xaf: {  	[dreg:$0x3] =	wrdreg s24  }
0xb0: {  	[dreg:$0x4] =	wrdreg $0x52000  }
0xb1: {  	[dreg:$0x5] =	wrdreg $0xA  }
0xb2: {  	_ =	task.clear_ibuf [dreg:s7], $0x6FFFF;
	_ =	strace $0x90000046  }
0xb3: {  	s29 =	simm.s32 $0xA;
	_ =	strace $0x80000048  }
0xb4: {  	_ =	swait.ge [sflag:s29], $0x1  }
0xb5: {  	[sflag:s29] =	ssyncadd.s32 $0xFFFFFFFF  }
0xb6: {  	_ =	strace $0x90000048  }
0xb7: {  	_ =	sfence  }
0xb8: {  	s30 =	sld [smem:$0x0];
	_ =	sdelay $0x2  }
0xb9: {  	s31 =	sshll.u32 s1, $0xD;
	s1 =	sshrl.u32 s1, $0x2  }
0xba: {  	s3 =	sand.u32 $0x4000, s31;
	s1 =	sadd.s32 s1, s30  }
0xbb: {  	s0 =	sor.u32 s3, s0;
	s1 =	sshll.u32 s1, $0x11  }
0xbc: {  	s0 =	sor.u32 s1, s0  }
0xbd: {  	s0 =	sadd.s32 $0x8F2B, s0  }
0xbe: {  	[sflag:s0] =	ssyncadd.remote.s32 $0x1  }
0xbf: {  	_ =	sfence.sel $0xFFFF  }
0xc0: {  	[dreg:$0x0] =	wrdreg $0xFFFFFFFF;
	(pc) =	sbr.abs _section_cstart, $3  }
0xc1: {  	[dreg:$0x1] =	wrdreg $0xFFFFFFFF  }
0xc2: {  	_ =	task.clear_ibuf [dreg:s7], $0x2FFFF;
	_ =	strace $0x9FFFFFFF  }
0xc3: {  	(tm) =	ssettm $0x7FFFFFFF  }
tec
execute0_lowered:
.L_overlay_start_1:
0x0: {  	(tag) =	ssettag $0x1  }
0x1: {  	s0 =	srdreg.scid;
	s2 =	rddreg [dreg:$0x0]  }
0x2: {  	s9 =	stileid.u32;
	s5 =	rddreg [dreg:$0x1]  }
0x3: {  	s3 =	rddreg [dreg:$0x2];
	s4 =	smul.u32 $0x2710, s9  }
0x4: {  	s28 =	simm.s32 $0x100;
	s29 =	simm.s32 $0x2A00;
	s6 =	smul.u32 $0x50000, s9  }
0x5: {  	s30 =	simm.s32 $0x1;
	s0 =	sand.u32 $0x1, s0;
	s13 =	smul.u32 $0x14000, s9  }
0x6: {  	s31 =	simm.s32 $0x80;
	s1 =	smul.u32 $0x27100, s0;
	s24 =	ssub.s32 $0x2, s0  }
0x7: {  	s7 =	sadd.s32 $0x23C00, s5;
	s0 =	smul.u32 $0x140000, s0;
	s8 =	sshrl.u32 s24, $0x1  }
0x8: {  	s6 =	sshrl.u32 s6, $0x2;
	s14 =	sor.u32 $0x2800, s13;
	s16 =	sadd.s32 $0x5000, s13  }
0x9: {  	s17 =	sadd.s32 $0x7800, s13;
	s18 =	sadd.s32 $0xA000, s13;
	s20 =	sadd.s32 $0xC800, s13  }
0xa: {  	s21 =	sadd.s32 $0xF000, s13;
	s22 =	sadd.s32 $0x11800, s13;
	s1 =	sadd.s32 s4, s1  }
0xb: {  	s4 =	simm.s32 $0x0;
	s15 =	ssub.s32 s24, s8;
	s6 =	sadd.s32 s6, s3  }
0xc: {  	s8 =	sadd.s32 s16, s3;
	s9 =	sadd.s32 s17, s3;
	s10 =	sadd.s32 s18, s3  }
0xd: {  	s11 =	sadd.s32 s20, s3;
	s12 =	sadd.s32 s21, s3;
	s19 =	sadd.s32 s13, s0  }
0xe: {  	s13 =	sadd.s32 s22, s3;
	s23 =	sadd.s32 s0, s14;
	s16 =	sadd.s32 s0, s16  }
0xf: {  	s17 =	sadd.s32 s0, s17;
	s18 =	sadd.s32 s0, s18;
	s1 =	smulhi.u32 $0x3333334, s1  }
0x10: {  	[smem:$0x7FF] =	sst s4;
	s19 =	sshrl.u32 s19, $0x3;
	s26 =	sshrl.u32 s23, $0x3  }
0x11: {  	s24 =	sshrl.u32 s18, $0x3;
	_ =	strace $0x80000047;
	s1 =	sshll.u32 s1, $0x5  }
0x12: {  	[dreg:$0x4] =	wrdreg s7;
	s1 =	sadd.s32 s1, s5;
	s5 =	sadd.s32 $0x24200, s5  }
0x13: {  	s7 =	sadd.s32 s14, s3;
	s14 =	sadd.s32 $0x4800, s1;
	s25 =	sadd.s32 s5, s19  }
0x14: {  	s1 =	sadd.s32 s5, s26;
	s26 =	sadd.s32 s0, s21;
	[dreg:$0x5] =	wrdreg s25  }
0x15: {  	[dreg:$0x6] =	wrdreg s1;
	s1 =	sshrl.u32 s16, $0x3;
	s16 =	sshrl.u32 s17, $0x3  }
0x16: {  	s25 =	sadd.s32 s0, s20;
	s0 =	sadd.s32 s0, s22;
	s1 =	sadd.s32 s5, s1  }
0x17: {  	s23 =	sadd.s32 s5, s16;
	s16 =	sshrl.u32 s26, $0x3;
	[dreg:$0x7] =	wrdreg s1  }
0x18: {  	s0 =	sshrl.u32 s0, $0x3;
	s26 =	simm.s32 $0x50;
	[dreg:$0x8] =	wrdreg s23  }
0x19: {  	s1 =	sadd.s32 s5, s24;
	s21 =	sadd.s32 s5, s16;
	s22 =	sadd.s32 s5, s0  }
0x1a: {  	s23 =	smax.u32 s15, $0x1;
	s24 =	simm.s32 $0x200;
	s0 =	simm.s32 $0x180  }
0x1b: {  	[dreg:$0x9] =	wrdreg s1;
	s1 =	sshrl.u32 s25, $0x3;
	s25 =	simm.s32 $0x3  }
0x1c: {  	s20 =	sadd.s32 s5, s1;
	s1 =	simm.s32 $0x2;
	s5 =	simm.s32 $0x0  }
.LBB2_1:
0x1d: {  	s15 =	rddreg [dreg:$0x4]  }
0x1e: {  	[tilespmem:s24], [sflag:$0x3] =	stream.linear.gather [hbm4b:s15+s4], $0x2800, $0x38;
	[tilespmem:$0x19200] =	vst v63  }
0x1f: {  	_ =	swait.ge [sflag:s25], $0x2800  }
0x20: {  	[sflag:s25] =	ssyncset.done $0x0  }
0x21: {  	[sflag:s25] =	ssyncadd.s32 $0xFFFFD800  }
0x22: {  	[spmem:s6] =	stream.linear.scatter [tilespmem:s24], [sflag:$0x3], $0x2800, $0x38;
	[tilespmem:$0x19200] =	vst v63  }
0x23: {  	_ =	swait.ge [sflag:s25], $0x2800  }
0x24: {  	[sflag:s25] =	ssyncset.done $0x0  }
0x25: {  	[sflag:s25] =	ssyncadd.s32 $0xFFFFD800  }
0x26: {  	[spmem:s7] =	stream.linear.scatter [tilespmem:s24], [sflag:$0x3], $0x2800, $0x38;
	[tilespmem:$0x19200] =	vst v63  }
0x27: {  	_ =	swait.ge [sflag:s25], $0x2800  }
0x28: {  	[sflag:s25] =	ssyncset.done $0x0  }
0x29: {  	[sflag:s25] =	ssyncadd.s32 $0xFFFFD800  }
0x2a: {  	[spmem:s8] =	stream.linear.scatter [tilespmem:s24], [sflag:$0x3], $0x2800, $0x38;
	[tilespmem:$0x19200] =	vst v63  }
0x2b: {  	_ =	swait.ge [sflag:s25], $0x2800  }
0x2c: {  	[sflag:s25] =	ssyncset.done $0x0  }
0x2d: {  	[sflag:s25] =	ssyncadd.s32 $0xFFFFD800  }
0x2e: {  	[spmem:s9] =	stream.linear.scatter [tilespmem:s24], [sflag:$0x3], $0x2800, $0x38;
	[tilespmem:$0x19200] =	vst v63  }
0x2f: {  	_ =	swait.ge [sflag:s25], $0x2800  }
0x30: {  	[sflag:s25] =	ssyncset.done $0x0  }
0x31: {  	[sflag:s25] =	ssyncadd.s32 $0xFFFFD800  }
0x32: {  	[spmem:s10] =	stream.linear.scatter [tilespmem:s24], [sflag:$0x3], $0x2800, $0x38;
	[tilespmem:$0x19200] =	vst v63  }
0x33: {  	_ =	swait.ge [sflag:s25], $0x2800  }
0x34: {  	[sflag:s25] =	ssyncset.done $0x0  }
0x35: {  	[sflag:s25] =	ssyncadd.s32 $0xFFFFD800  }
0x36: {  	[spmem:s11] =	stream.linear.scatter [tilespmem:s24], [sflag:$0x3], $0x2800, $0x38;
	[tilespmem:$0x19200] =	vst v63  }
0x37: {  	_ =	swait.ge [sflag:s25], $0x2800  }
0x38: {  	[sflag:s25] =	ssyncset.done $0x0  }
0x39: {  	[sflag:s25] =	ssyncadd.s32 $0xFFFFD800  }
0x3a: {  	[spmem:s12] =	stream.linear.scatter [tilespmem:s24], [sflag:$0x3], $0x2800, $0x38;
	[tilespmem:$0x19200] =	vst v63  }
0x3b: {  	_ =	swait.ge [sflag:s25], $0x2800  }
0x3c: {  	[sflag:s25] =	ssyncset.done $0x0  }
0x3d: {  	[sflag:s25] =	ssyncadd.s32 $0xFFFFD800  }
0x3e: {  	[spmem:s13] =	stream.linear.scatter [tilespmem:s24], [sflag:$0x3], $0x2800, $0x38;
	[tilespmem:$0x19200] =	vst v63  }
0x3f: {  	_ =	swait.ge [sflag:s25], $0x2800  }
0x40: {  	[sflag:s25] =	ssyncset.done $0x0  }
0x41: {  	[sflag:s25] =	ssyncadd.s32 $0xFFFFD800  }
0x42: {  	[bflag:$0x0] =	sbarrier.arrive $0xFFFF  }
0x43: {  	[tilespmem:s4], [sflag:$0x3] =	stream.linear.gather [hbm4b:s14+s4], $0x100, $0x38;
	[tilespmem:$0x19200] =	vst v63  }
0x44: {  	_ =	swait.ge [sflag:s25], $0x100  }
0x45: {  	[sflag:s25] =	ssyncset.done $0x0  }
0x46: {  	s19 =	sadd.s32 $0xFFFFF080, s14;
	[sflag:s25] =	ssyncadd.s32 $0xFFFFFF00  }
0x47: {  	[tilespmem:s24], [sflag:$0x1] =	stream.indirect.gather [hbm4b:s2+s26], $0x80, s4, s26, $0xb8;
	[tilespmem:$0x19200] =	vst v63  }
0x48: {  	s16 =	sadd.s32 $0xFA0, s19  }
0x49: {  	[tilespmem:s28], [sflag:$0x3] =	stream.linear.gather [hbm4b:s16+s4], $0x100, $0x38;
	[tilespmem:$0x19200] =	vst v63  }
0x4a: {  	_ =	swait.ge [sflag:s25], $0x100  }
0x4b: {  	[sflag:s25] =	ssyncset.done $0x0  }
0x4c: {  	[sflag:s25] =	ssyncadd.s32 $0xFFFFFF00  }
0x4d: {  	[tilespmem:s29], [sflag:$0x2] =	stream.indirect.gather [hbm4b:s2+s26], $0x80, s28, s26, $0xb8;
	[tilespmem:$0x19200] =	vst v63  }
0x4e: {  	_ =	swait.ge [sflag:s30], $0x2800  }
0x4f: {  	[sflag:s30] =	ssyncset.done $0x0  }
0x50: {  	[sflag:s30] =	ssyncadd.s32 $0xFFFFD800  }
0x51: {  	[spmem:s3] =	stream.indirect.scatter.add.f32 [tilespmem:s24], [sflag:$0x3], $0x80, s31, s26, $0xb8;
	[tilespmem:$0x19200] =	vst v63  }
0x52: {  	_ =	swait.ge [sflag:s25], $0x2800  }
0x53: {  	[sflag:s25] =	ssyncset.done $0x0  }
0x54: {  	s15 =	sadd.s32 $0xFC0, s19;
	[sflag:s25] =	ssyncadd.s32 $0xFFFFD800  }
0x55: {  	[tilespmem:s4], [sflag:$0x3] =	stream.linear.gather [hbm4b:s15+s4], $0x100, $0x38;
	[tilespmem:$0x19200] =	vst v63  }
0x56: {  	_ =	swait.ge [sflag:s25], $0x100  }
0x57: {  	[sflag:s25] =	ssyncset.done $0x0  }
0x58: {  	[sflag:s25] =	ssyncadd.s32 $0xFFFFFF00  }
0x59: {  	[tilespmem:s24], [sflag:$0x1] =	stream.indirect.gather [hbm4b:s2+s26], $0x80, s4, s26, $0xb8;
	[tilespmem:$0x19200] =	vst v63  }
0x5a: {  	_ =	swait.ge [sflag:s1], $0x2800  }
0x5b: {  	[sflag:s1] =	ssyncset.done $0x0  }
0x5c: {  	[sflag:s1] =	ssyncadd.s32 $0xFFFFD800  }
0x5d: {  	[spmem:s3] =	stream.indirect.scatter.add.f32 [tilespmem:s29], [sflag:$0x3], $0x80, s0, s26, $0xb8;
	[tilespmem:$0x19200] =	vst v63  }
0x5e: {  	_ =	swait.ge [sflag:s25], $0x2800  }
0x5f: {  	s16 =	simm.s32 $0xFFFFF100;
	s15 =	sadd.s32 $0xFFFFF0C0, s14;
	[sflag:s25] =	ssyncset.done $0x0  }
.LBB2_2:
0x60: {  	s17 =	sadd.s32 $0xFA0, s15  }
0x61: {  	[sflag:s25] =	ssyncadd.s32 $0xFFFFD800;
	s18 =	smov.u32 s16;
	s19 =	sadd.s32 $0x40, s16  }
0x62: {  	[tilespmem:s28], [sflag:$0x3] =	stream.linear.gather [hbm4b:s17+s4], $0x100, $0x38;
	[tilespmem:$0x19200] =	vst v63  }
0x63: {  	p0 =	sne.s32 s16, $0xFFFFFFC0;
	_ =	swait.ge [sflag:s25], $0x100  }
0x64: {  	[sflag:s25] =	ssyncset.done $0x0  }
0x65: {  	[sflag:s25] =	ssyncadd.s32 $0xFFFFFF00  }
0x66: {  	[tilespmem:s29], [sflag:$0x2] =	stream.indirect.gather [hbm4b:s2+s26], $0x80, s28, s26, $0xb8;
	[tilespmem:$0x19200] =	vst v63  }
0x67: {  	_ =	swait.ge [sflag:s30], $0x2800  }
0x68: {  	[sflag:s30] =	ssyncset.done $0x0  }
0x69: {  	[sflag:s30] =	ssyncadd.s32 $0xFFFFD800  }
0x6a: {  	[spmem:s3] =	stream.indirect.scatter.add.f32 [tilespmem:s24], [sflag:$0x3], $0x80, s31, s26, $0xb8;
	[tilespmem:$0x19200] =	vst v63  }
0x6b: {  	_ =	swait.ge [sflag:s25], $0x2800  }
0x6c: {  	[sflag:s25] =	ssyncset.done $0x0  }
0x6d: {  	s15 =	sadd.s32 $0xFC0, s15;
	[sflag:s25] =	ssyncadd.s32 $0xFFFFD800  }
0x6e: {  	[tilespmem:s4], [sflag:$0x3] =	stream.linear.gather [hbm4b:s15+s4], $0x100, $0x38;
	[tilespmem:$0x19200] =	vst v63  }
0x6f: {  	_ =	swait.ge [sflag:s25], $0x100  }
0x70: {  	[sflag:s25] =	ssyncset.done $0x0  }
0x71: {  	[sflag:s25] =	ssyncadd.s32 $0xFFFFFF00  }
0x72: {  	[tilespmem:s24], [sflag:$0x1] =	stream.indirect.gather [hbm4b:s2+s26], $0x80, s4, s26, $0xb8;
	[tilespmem:$0x19200] =	vst v63  }
0x73: {  	_ =	swait.ge [sflag:s1], $0x2800  }
.Ltmp0:
0x74: {  	[sflag:s1] =	ssyncset.done $0x0;
	(pc) =	sbr.rel @p0 .LBB2_2-.Ltmp0, $4  }
0x75: {  	[sflag:s1] =	ssyncadd.s32 $0xFFFFD800  }
0x76: {  	[spmem:s3] =	stream.indirect.scatter.add.f32 [tilespmem:s29], [sflag:$0x3], $0x80, s0, s26, $0xb8;
	[tilespmem:$0x19200] =	vst v63  }
0x77: {  	_ =	swait.ge [sflag:s25], $0x2800  }
0x78: {  	s16 =	smov.u32 s19;
	s15 =	sadd.s32 s18, s14;
	[sflag:s25] =	ssyncset.done $0x0  }
0x79: {  	s16 =	sadd.s32 $0xFA0, s15;
	[sflag:s25] =	ssyncadd.s32 $0xFFFFD800  }
0x7a: {  	[tilespmem:s28], [sflag:$0x3] =	stream.linear.gather [hbm4b:s16+s4], $0x100, $0x38;
	[tilespmem:$0x19200] =	vst v63  }
0x7b: {  	_ =	swait.ge [sflag:s25], $0x100  }
0x7c: {  	[sflag:s25] =	ssyncset.done $0x0  }
0x7d: {  	[sflag:s25] =	ssyncadd.s32 $0xFFFFFF00  }
0x7e: {  	[tilespmem:s29], [sflag:$0x2] =	stream.indirect.gather [hbm4b:s2+s26], $0x80, s28, s26, $0xb8;
	[tilespmem:$0x19200] =	vst v63  }
0x7f: {  	_ =	swait.ge [sflag:s30], $0x2800  }
0x80: {  	[sflag:s30] =	ssyncset.done $0x0  }
0x81: {  	[sflag:s30] =	ssyncadd.s32 $0xFFFFD800  }
0x82: {  	[spmem:s3] =	stream.indirect.scatter.add.f32 [tilespmem:s24], [sflag:$0x3], $0x80, s31, s26, $0xb8;
	[tilespmem:$0x19200] =	vst v63  }
0x83: {  	_ =	swait.ge [sflag:s25], $0x2800  }
0x84: {  	[sflag:s25] =	ssyncset.done $0x0  }
0x85: {  	s18 =	sadd.s32 $0xFC0, s15;
	[sflag:s25] =	ssyncadd.s32 $0xFFFFD800  }
0x86: {  	[tilespmem:s4], [sflag:$0x3] =	stream.linear.gather [hbm4b:s18+s4], $0x100, $0x38;
	[tilespmem:$0x19200] =	vst v63  }
0x87: {  	_ =	swait.ge [sflag:s25], $0x100  }
0x88: {  	[sflag:s25] =	ssyncset.done $0x0  }
0x89: {  	[sflag:s25] =	ssyncadd.s32 $0xFFFFFF00  }
0x8a: {  	[tilespmem:s24], [sflag:$0x1] =	stream.indirect.gather [hbm4b:s2+s26], $0x80, s4, s26, $0xb8;
	[tilespmem:$0x19200] =	vst v63  }
0x8b: {  	_ =	swait.ge [sflag:s1], $0x2800  }
0x8c: {  	[sflag:s1] =	ssyncset.done $0x0  }
0x8d: {  	[sflag:s1] =	ssyncadd.s32 $0xFFFFD800  }
0x8e: {  	[spmem:s3] =	stream.indirect.scatter.add.f32 [tilespmem:s29], [sflag:$0x3], $0x80, s0, s26, $0xb8;
	[tilespmem:$0x19200] =	vst v63  }
0x8f: {  	_ =	swait.ge [sflag:s25], $0x2800  }
0x90: {  	[sflag:s25] =	ssyncset.done $0x0  }
0x91: {  	[sflag:s25] =	ssyncadd.s32 $0xFFFFD800  }
0x92: {  	_ =	swait.ge [sflag:s30], $0x2800  }
0x93: {  	[sflag:s30] =	ssyncset.done $0x0  }
0x94: {  	[sflag:s30] =	ssyncadd.s32 $0xFFFFD800  }
0x95: {  	[spmem:s3] =	stream.indirect.scatter.add.f32 [tilespmem:s24], [sflag:$0x3], $0x80, s31, s26, $0xb8;
	[tilespmem:$0x19200] =	vst v63  }
0x96: {  	_ =	swait.ge [sflag:s25], $0x2800  }
0x97: {  	[sflag:s25] =	ssyncset.done $0x0  }
0x98: {  	[sflag:s25] =	ssyncadd.s32 $0xFFFFD800  }
0x99: {  	[bflag:$0x0] =	sbarrier.arrive $0xFFFF  }
0x9a: {  	[tilespmem:s24], [sflag:$0x3] =	stream.linear.gather [spmem:s6], $0x2800, $0x38;
	[tilespmem:$0x19200] =	vst v63  }
0x9b: {  	_ =	swait.ge [sflag:s25], $0x2800  }
0x9c: {  	[sflag:s25] =	ssyncset.done $0x0  }
0x9d: {  	s19 =	rddreg [dreg:$0x5];
	[sflag:s25] =	ssyncadd.s32 $0xFFFFD800  }
0x9e: {  	[hbm4b:s19+s4] =	stream.linear.scatter [tilespmem:s24], [sflag:$0x3], $0x2800, $0x38;
	[tilespmem:$0x19200] =	vst v63  }
0x9f: {  	_ =	swait.ge [sflag:s25], $0x2800  }
0xa0: {  	[sflag:s25] =	ssyncset.done $0x0  }
0xa1: {  	[sflag:s25] =	ssyncadd.s32 $0xFFFFD800  }
0xa2: {  	[tilespmem:s24], [sflag:$0x3] =	stream.linear.gather [spmem:s7], $0x2800, $0x38;
	[tilespmem:$0x19200] =	vst v63  }
0xa3: {  	_ =	swait.ge [sflag:s25], $0x2800  }
0xa4: {  	[sflag:s25] =	ssyncset.done $0x0  }
0xa5: {  	s16 =	rddreg [dreg:$0x6];
	[sflag:s25] =	ssyncadd.s32 $0xFFFFD800  }
0xa6: {  	[hbm4b:s16+s4] =	stream.linear.scatter [tilespmem:s24], [sflag:$0x3], $0x2800, $0x38;
	[tilespmem:$0x19200] =	vst v63  }
0xa7: {  	_ =	swait.ge [sflag:s25], $0x2800  }
0xa8: {  	[sflag:s25] =	ssyncset.done $0x0  }
0xa9: {  	[sflag:s25] =	ssyncadd.s32 $0xFFFFD800  }
0xaa: {  	[tilespmem:s24], [sflag:$0x3] =	stream.linear.gather [spmem:s8], $0x2800, $0x38;
	[tilespmem:$0x19200] =	vst v63  }
0xab: {  	_ =	swait.ge [sflag:s25], $0x2800  }
0xac: {  	[sflag:s25] =	ssyncset.done $0x0  }
0xad: {  	s17 =	rddreg [dreg:$0x7];
	[sflag:s25] =	ssyncadd.s32 $0xFFFFD800  }
0xae: {  	[hbm4b:s17+s4] =	stream.linear.scatter [tilespmem:s24], [sflag:$0x3], $0x2800, $0x38;
	[tilespmem:$0x19200] =	vst v63  }
0xaf: {  	_ =	swait.ge [sflag:s25], $0x2800  }
0xb0: {  	[sflag:s25] =	ssyncset.done $0x0  }
0xb1: {  	[sflag:s25] =	ssyncadd.s32 $0xFFFFD800  }
0xb2: {  	[tilespmem:s24], [sflag:$0x3] =	stream.linear.gather [spmem:s9], $0x2800, $0x38;
	[tilespmem:$0x19200] =	vst v63  }
0xb3: {  	_ =	swait.ge [sflag:s25], $0x2800  }
0xb4: {  	[sflag:s25] =	ssyncset.done $0x0  }
0xb5: {  	s18 =	rddreg [dreg:$0x8];
	[sflag:s25] =	ssyncadd.s32 $0xFFFFD800  }
0xb6: {  	[hbm4b:s18+s4] =	stream.linear.scatter [tilespmem:s24], [sflag:$0x3], $0x2800, $0x38;
	[tilespmem:$0x19200] =	vst v63  }
0xb7: {  	_ =	swait.ge [sflag:s25], $0x2800  }
0xb8: {  	[sflag:s25] =	ssyncset.done $0x0  }
0xb9: {  	[sflag:s25] =	ssyncadd.s32 $0xFFFFD800  }
0xba: {  	[tilespmem:s24], [sflag:$0x3] =	stream.linear.gather [spmem:s10], $0x2800, $0x38;
	[tilespmem:$0x19200] =	vst v63  }
0xbb: {  	_ =	swait.ge [sflag:s25], $0x2800  }
0xbc: {  	[sflag:s25] =	ssyncset.done $0x0  }
0xbd: {  	s19 =	rddreg [dreg:$0x9];
	[sflag:s25] =	ssyncadd.s32 $0xFFFFD800  }
0xbe: {  	[hbm4b:s19+s4] =	stream.linear.scatter [tilespmem:s24], [sflag:$0x3], $0x2800, $0x38;
	[tilespmem:$0x19200] =	vst v63  }
0xbf: {  	_ =	swait.ge [sflag:s25], $0x2800  }
0xc0: {  	[sflag:s25] =	ssyncset.done $0x0  }
0xc1: {  	[sflag:s25] =	ssyncadd.s32 $0xFFFFD800  }
0xc2: {  	[tilespmem:s24], [sflag:$0x3] =	stream.linear.gather [spmem:s11], $0x2800, $0x38;
	[tilespmem:$0x19200] =	vst v63  }
0xc3: {  	_ =	swait.ge [sflag:s25], $0x2800  }
0xc4: {  	[sflag:s25] =	ssyncset.done $0x0  }
0xc5: {  	[sflag:s25] =	ssyncadd.s32 $0xFFFFD800  }
0xc6: {  	[hbm4b:s20+s4] =	stream.linear.scatter [tilespmem:s24], [sflag:$0x3], $0x2800, $0x38;
	[tilespmem:$0x19200] =	vst v63  }
0xc7: {  	_ =	swait.ge [sflag:s25], $0x2800  }
0xc8: {  	[sflag:s25] =	ssyncset.done $0x0  }
0xc9: {  	[sflag:s25] =	ssyncadd.s32 $0xFFFFD800  }
0xca: {  	[tilespmem:s24], [sflag:$0x3] =	stream.linear.gather [spmem:s12], $0x2800, $0x38;
	[tilespmem:$0x19200] =	vst v63  }
0xcb: {  	_ =	swait.ge [sflag:s25], $0x2800  }
0xcc: {  	[sflag:s25] =	ssyncset.done $0x0  }
0xcd: {  	[sflag:s25] =	ssyncadd.s32 $0xFFFFD800  }
0xce: {  	[hbm4b:s21+s4] =	stream.linear.scatter [tilespmem:s24], [sflag:$0x3], $0x2800, $0x38;
	[tilespmem:$0x19200] =	vst v63  }
0xcf: {  	_ =	swait.ge [sflag:s25], $0x2800  }
0xd0: {  	[sflag:s25] =	ssyncset.done $0x0  }
0xd1: {  	[sflag:s25] =	ssyncadd.s32 $0xFFFFD800  }
0xd2: {  	[tilespmem:s24], [sflag:$0x3] =	stream.linear.gather [spmem:s13], $0x2800, $0x38;
	[tilespmem:$0x19200] =	vst v63  }
0xd3: {  	s5 =	sadd.s32 $0x1, s5;
	_ =	swait.ge [sflag:s25], $0x2800  }
0xd4: {  	p0 =	sne.s32 s5, s23;
	[sflag:s25] =	ssyncset.done $0x0  }
.Ltmp1:
0xd5: {  	[sflag:s25] =	ssyncadd.s32 $0xFFFFD800;
	(pc) =	sbr.rel @p0 .LBB2_1-.Ltmp1, $4  }
0xd6: {  	[hbm4b:s22+s4] =	stream.linear.scatter [tilespmem:s24], [sflag:$0x3], $0x2800, $0x38;
	[tilespmem:$0x19200] =	vst v63  }
0xd7: {  	_ =	swait.ge [sflag:s25], $0x2800  }
0xd8: {  	[sflag:s25] =	ssyncset.done $0x0  }
0xd9: {  	[sflag:s25] =	ssyncadd.s32 $0xFFFFD800  }
0xda: {  	_ =	sfence.sel $0x180000  }
0xdb: {  	[bflag:$0x0] =	sbarrier.arrive $0xFFFF  }
0xdc: {  	_ =	strace $0x90000047  }
0xdd: {  	s0 =	stileid.u32;
	[bflag:$0x2] =	sbarrier.arrive $0xFFFF  }
0xde: {  	p0 =	sne.s32 s0, $0x0;
	s0 =	rddreg [dreg:$0x3]  }
0xdf: {  	s0 =	sadd.s32 @!p0 $0x100000, s0  }
0xe0: {  	[sflag:s0] =	ssyncadd.tile.s32 @!p0 $0x1;
	_ =	shalt  }
.Lfunc_end2:
_tile_overlayer_lowered:
.L_overlay_start_2:
0xe1: {  	(tag) =	ssettag $0x2  }
0xe2: {  	s0 =	rddreg [dreg:$0x0];
	s2 =	stileid.u32  }
0xe3: {  	s1 =	rddreg [dreg:$0x1];
	p0 =	sne.s32 s2, $0x0  }
0xe4: {  	s3 =	rddreg [dreg:$0x2];
	[bflag:$0x3] =	sbarrier.arrive $0xFFFF;
	s2 =	simm.s32 @!p0 $0x1C03  }
0xe5: {  	[timem:s3], [sflag:s2] =	dma.local @!p0 [hbm:s0], s1  }
0xe6: {  	s0 =	simm.s32 @!p0 $0x3  }
0xe7: {  	_ =	swait.ge @!p0 [sflag:s0], s1  }
0xe8: {  	s1 =	ssub.s32 @!p0 $0x0, s1;
	[sflag:s0] =	ssyncset.done @!p0 $0x0  }
0xe9: {  	[sflag:s0] =	ssyncadd.s32 @!p0 s1  }
0xea: {  	[bflag:$0x3] =	sbarrier.arrive $0xFFFF  }
0xeb: {  	_ =	shalt  }

// kernel: kernel.14.cloned.1.call-start
scs
__scs_entry_jumppad:
0x0: {  	(pc) =	sbr.rel $0x88, $3  }
0x1: {  	(tag) =	ssettag $0x0;
	lr =	simm.s32 $0x1  }
0x2: {  	[smem:$0x3F93] =	sst lr;
	_ =	strace $0xD0000000  }
0x3: {  	_ = 	snop  }
0x4: {  	_ = 	snop  }
0x5: {  	_ = 	snop  }
0x6: {  	_ = 	snop  }
0x7: {  	_ = 	snop  }
__scs_overlays_trampoline_lowered:
0x8: {  	[smem:$0x3FA2] =	sst s0  }
0x9: {  	[smem:$0x3FA3] =	sst s1  }
0xa: {  	[smem:$0x3FA4] =	sst s2  }
0xb: {  	[smem:$0x3FA5] =	sst s3  }
0xc: {  	[smem:$0x3FA6] =	sst s4  }
0xd: {  	[smem:$0x3FA7] =	sst s5  }
0xe: {  	[smem:$0x3FA8] =	sst s6  }
0xf: {  	[smem:$0x3FA9] =	sst s7  }
0x10: {  	[smem:$0x3FAA] =	sst s8  }
0x11: {  	[smem:$0x3FAB] =	sst s9;
	s0 =	simm.s32 @!p0 $0x0  }
0x12: {  	s1 =	sld [smem:$0x3F91];
	s0 =	simm.s32 @p0 $0x1  }
0x13: {  	[smem:$0x3FAC] =	sst s0;
	s0 =	simm.s32 @!p1 $0x0  }
0x14: {  	s2 =	sld [smem:$0x3F90];
	s0 =	simm.s32 @p1 $0x1  }
0x15: {  	[smem:$0x3FAD] =	sst s0;
	s0 =	simm.s32 @!p2 $0x0  }
0x16: {  	s3 =	sld [smem:$0x3FDB];
	s0 =	simm.s32 @p2 $0x1  }
0x17: {  	s4 =	simm.s32 $0x1BF5;
	[smem:$0x3FAF] =	sst s0  }
0x18: {  	s0 =	sld [smem:$0x3F92];
	_ =	swait.ge [sflag:s4], $0x0  }
0x19: {  	s7 =	sld [smem:$0x3F93]  }
0x1a: {  	s8 =	sadd.s32 $0xFFFFE003, lr  }
0x1b: {  	s9 =	sadd.s32 $0xFFFFFEF7, lr;
	s5 =	simm.s32 $0xFFFFFFFF;
	p2 =	slt.u32 s8, $0xFFFFF086  }
0x1c: {  	p1 =	slt.u32 s9, $0xF7A;
	s5 =	simm.s32 @!p2 $0x0  }
0x1d: {  	s5 =	simm.s32 @p1 $0x1;
	p0 =	seq.s32 s7, s2  }
0x1e: {  	s7 =	smul.u32 @!p0 $0xF7A, s2;
	p2 =	seq.s32 @!p0 s5, $0x0  }
0x1f: {  	s9 =	smul.u32 $0xF7A, s1;
	s8 =	simm.s32 @!p0 $0x1BF5;
	p2 =	por !p2, p0  }
0x20: {  	[sflag:s8] =	ssyncset.s32 @!p0 $0xFFFFF086;
	s6 =	sadd.s32 @!p0 s3, s7;
	s7 =	simm.s32 @!p0 $0x108  }
0x21: {  	s3 =	sadd.s32 s3, s9;
	s6 =	sadd.s32 @!p0 $0x88, s6;
	s7 =	simm.s32 @p2 $0x1082  }
0x22: {  	[simem:s7], [sflag:s8] =	dma.local @!p0 [hbm:s6], $0xF7A  }
0x23: {  	s9 =	sor.u32 $0xD0000000, s2;
	s6 =	simm.s32 $0x108;
	_ =	swait.ge @!p0 [sflag:s8], $0x0  }
0x24: {  	s3 =	sadd.s32 $0x88, s3;
	s6 =	simm.s32 @!p1 $0x1082;
	[sflag:s4] =	ssyncset.s32 $0xFFFFF086  }
0x25: {  	[simem:s6], [sflag:s4] =	dma.local [hbm:s3], $0xF7A  }
0x26: {  	[smem:$0x3F93] =	sst s1;
	(tag) =	ssettag s2;
	_ =	strace s9  }
0x27: {  	s1 =	sld [smem:$0x3FA3]  }
0x28: {  	s2 =	sld [smem:$0x3FA4]  }
0x29: {  	s4 =	sld [smem:$0x3FA6]  }
0x2a: {  	p0 =	seq.s32 s5, $0x0;
	s5 =	sld [smem:$0x3FA7]  }
0x2b: {  	s6 =	sld [smem:$0x3FA8]  }
0x2c: {  	s7 =	sld [smem:$0x3FA9]  }
0x2d: {  	s3 =	simm.s32 $0x108;
	s8 =	sld [smem:$0x3FAA]  }
0x2e: {  	s3 =	simm.s32 @!p0 $0x1082;
	s9 =	sld [smem:$0x3FAB]  }
0x2f: {  	lr =	sadd.s32 s0, s3;
	s0 =	sld [smem:$0x3FA2]  }
0x30: {  	s3 =	sld [smem:$0x3FA5]  }
0x31: {  	[smem:$0x3FAE] =	sst s10  }
0x32: {  	s10 =	sld [smem:$0x3FAC];
	_ =	sdelay $0x3  }
0x33: {  	p0 =	seq.s32 s10, $0x1;
	s10 =	sld [smem:$0x3FAE];
	_ =	sdelay $0x3  }
0x34: {  	[smem:$0x3FAE] =	sst s10  }
0x35: {  	s10 =	sld [smem:$0x3FAD];
	_ =	sdelay $0x3  }
0x36: {  	p1 =	seq.s32 s10, $0x1;
	s10 =	sld [smem:$0x3FAE];
	_ =	sdelay $0x3  }
0x37: {  	[smem:$0x3FAE] =	sst s10  }
0x38: {  	s10 =	sld [smem:$0x3FAF]  }
0x39: {  	_ = 	snop;
	(pc) =	sbr.ind lr, $3  }
0x3a: {  	_ = 	snop  }
0x3b: {  	_ = 	snop  }
0x3c: {  	p2 =	seq.s32 s10, $0x1;
	s10 =	sld [smem:$0x3FAE]  }
0x3d: {  	_ =	shalt  }
0x3e: {  	_ =	shalt  }
0x3f: {  	_ =	shalt  }
0x40: {  	_ =	shalt  }
0x41: {  	_ =	shalt  }
0x42: {  	_ =	shalt  }
0x43: {  	_ =	shalt  }
0x44: {  	_ =	shalt  }
0x45: {  	_ =	shalt  }
0x46: {  	_ =	shalt  }
0x47: {  	_ =	shalt  }
0x48: {  	_ =	shalt  }
0x49: {  	_ =	shalt  }
0x4a: {  	_ =	shalt  }
0x4b: {  	_ =	shalt  }
0x4c: {  	_ =	shalt  }
0x4d: {  	_ =	shalt  }
0x4e: {  	_ =	shalt  }
0x4f: {  	_ =	shalt  }
0x50: {  	_ =	shalt  }
0x51: {  	_ =	shalt  }
0x52: {  	_ =	shalt  }
0x53: {  	_ =	shalt  }
0x54: {  	_ =	shalt  }
0x55: {  	_ =	shalt  }
0x56: {  	_ =	shalt  }
0x57: {  	_ =	shalt  }
0x58: {  	_ =	shalt  }
0x59: {  	_ =	shalt  }
0x5a: {  	_ =	shalt  }
0x5b: {  	_ =	shalt  }
0x5c: {  	_ =	shalt  }
0x5d: {  	_ =	shalt  }
0x5e: {  	_ =	shalt  }
0x5f: {  	_ =	shalt  }
0x60: {  	_ =	shalt  }
0x61: {  	_ =	shalt  }
0x62: {  	_ =	shalt  }
0x63: {  	_ =	shalt  }
0x64: {  	_ =	shalt  }
0x65: {  	_ =	shalt  }
0x66: {  	_ =	shalt  }
0x67: {  	_ =	shalt  }
0x68: {  	_ =	shalt  }
0x69: {  	_ =	shalt  }
0x6a: {  	_ =	shalt  }
0x6b: {  	_ =	shalt  }
0x6c: {  	_ =	shalt  }
0x6d: {  	_ =	shalt  }
0x6e: {  	_ =	shalt  }
0x6f: {  	_ =	shalt  }
0x70: {  	_ =	shalt  }
0x71: {  	_ =	shalt  }
0x72: {  	_ =	shalt  }
0x73: {  	_ =	shalt  }
0x74: {  	_ =	shalt  }
0x75: {  	_ =	shalt  }
0x76: {  	_ =	shalt  }
0x77: {  	_ =	shalt  }
0x78: {  	_ =	shalt  }
0x79: {  	_ =	shalt  }
0x7a: {  	_ =	shalt  }
0x7b: {  	_ =	shalt  }
0x7c: {  	_ =	shalt  }
0x7d: {  	_ =	shalt  }
0x7e: {  	_ =	shalt  }
0x7f: {  	_ =	shalt  }
0x80: {  	_ =	shalt  }
0x81: {  	_ =	shalt  }
0x82: {  	_ =	shalt  }
0x83: {  	_ =	shalt  }
0x84: {  	_ =	shalt  }
0x85: {  	_ =	shalt  }
0x86: {  	_ =	shalt  }
0x87: {  	_ =	shalt  }
.Lfunc_end0:
.L_simem_size_0:
called_computation.2_lowered:
.L_overlay_start_0:
0x88: {  	s2 =	sld [smem:$0x3FD9]  }
0x89: {  	s3 =	sld [smem:$0x3FFE];
	_ =	sdelay $0x1  }
0x8a: {  	s1 =	srdreg.scid  }
0x8b: {  	s0 =	sand.u32 $0x1, s1  }
0x8c: {  	s17 =	sshll.u32 s0, $0xA;
	s2 =	sadd.s32 s3, s2  }
0x8d: {  	s2 =	sadd.s32 s2, s17  }
0x8e: {  	[smem:$0x3FBA] =	sst s2  }
0x8f: {  	_ = 	snop  }
0x90: {  	s2 =	sld [smem:$0x3FD0];
	(tm) =	ssettm $0x1  }
0x91: {  	s18 =	sld [smem:$0x3FFB];
	_ =	sdelay $0x3  }
0x92: {  	_ =	strace s18  }
0x93: {  	s3 =	sld [smem:$0x3FFC];
	_ =	sdelay $0x3  }
0x94: {  	_ =	strace s3  }
0x95: {  	s3 =	sld [smem:$0x3FFD];
	_ =	sdelay $0x3  }
0x96: {  	_ =	strace s3  }
0x97: {  	_ =	strace $0x8FFFFFFF  }
0x98: {  	s19 =	sld [smem:$0x3FDB];
	_ =	sdelay $0x1  }
0x99: {  	s4 =	simm.s32 $_scs_section_size  }
0x9a: {  	s5 =	simm.s32 $_size__tile_overlayer_lowered;
	s6 =	simm.s32 $_tile_overlayer_lowered  }
0x9b: {  	s22 =	simm.s32 $0x1BFF;
	s21 =	sshll.u32 s6, $0x1;
	s3 =	sadd.s32 s4, s19  }
0x9c: {  	s7 =	simm.s32 $0x0;
	s20 =	sshll.u32 s5, $0x1;
	s5 =	sadd.s32 s21, s3  }
0x9d: {  	[timem:s7], [sflag:s22] =	dma.local [hbm:s5], s20  }
0x9e: {  	_ =	swait.ge [sflag:s22], s20  }
0x9f: {  	s4 =	ssub.s32 $0x0, s20;
	[sflag:s22] =	ssyncset.done $0x0  }
0xa0: {  	[sflag:s22] =	ssyncadd.s32 s4;
	_ =	sdelay $0x1  }
0xa1: {  	s23 =	simm.s32 $0x1B8B  }
0xa2: {  	_ =	swait.ge [sflag:s23], $0x1  }
0xa3: {  	[sflag:s23] =	ssyncset.done $0x0  }
0xa4: {  	s25 =	simm.s32 $0x1B8E;
	s24 =	sld [smem:$0x3FFE];
	[sflag:s23] =	ssyncadd.s32 $0xFFFFFFFF  }
0xa5: {  	s26 =	simm.s32 $execute0_lowered;
	[smem:$0x3FD2] =	sst s25  }
0xa6: {  	s5 =	sshll.u32 s26, $0x1;
	_ =	strace $0x8000004C;
	[dreg:$0x1] =	wrdreg $0xFFFFFFFF  }
0xa7: {  	s28 =	simm.s32 $_size_execute0_lowered;
	s3 =	sadd.s32 s3, s5;
	[dreg:$0x0] =	wrdreg $0x0  }
0xa8: {  	s5 =	sshll.u32 s28, $0x1;
	[dreg:$0x2] =	wrdreg s3  }
0xa9: {  	[dreg:$0x3] =	wrdreg s5  }
0xaa: {  	[dreg:$0x4] =	wrdreg $0xC0  }
0xab: {  	_ =	task [dreg:s7], $0x5FFFF  }
0xac: {  	[dreg:$0x1] =	wrdreg $0xFFFFFFFF  }
0xad: {  	[dreg:$0x0] =	wrdreg $0x60  }
0xae: {  	[dreg:$0x2] =	wrdreg s2  }
0xaf: {  	[dreg:$0x3] =	wrdreg s24  }
0xb0: {  	[dreg:$0x4] =	wrdreg $0x52000  }
0xb1: {  	[dreg:$0x5] =	wrdreg $0x9  }
0xb2: {  	_ =	task.clear_ibuf [dreg:s7], $0x6FFFF;
	_ =	strace $0x9000004C  }
0xb3: {  	s29 =	simm.s32 $0x9;
	_ =	strace $0x8000004E  }
0xb4: {  	_ =	swait.ge [sflag:s29], $0x1  }
0xb5: {  	[sflag:s29] =	ssyncadd.s32 $0xFFFFFFFF  }
0xb6: {  	_ =	strace $0x9000004E  }
0xb7: {  	_ =	sfence  }
0xb8: {  	s30 =	sld [smem:$0x0];
	_ =	sdelay $0x2  }
0xb9: {  	s31 =	sshll.u32 s1, $0xD;
	s1 =	sshrl.u32 s1, $0x2  }
0xba: {  	s3 =	sand.u32 $0x4000, s31;
	s1 =	sadd.s32 s1, s30  }
0xbb: {  	s0 =	sor.u32 s3, s0;
	s1 =	sshll.u32 s1, $0x11  }
0xbc: {  	s0 =	sor.u32 s1, s0  }
0xbd: {  	s0 =	sadd.s32 $0x8F2B, s0  }
0xbe: {  	[sflag:s0] =	ssyncadd.remote.s32 $0x1  }
0xbf: {  	_ =	sfence.sel $0xFFFF  }
0xc0: {  	[dreg:$0x0] =	wrdreg $0xFFFFFFFF;
	(pc) =	sbr.abs _section_cstart, $3  }
0xc1: {  	[dreg:$0x1] =	wrdreg $0xFFFFFFFF  }
0xc2: {  	_ =	task.clear_ibuf [dreg:s7], $0x2FFFF;
	_ =	strace $0x9FFFFFFF  }
0xc3: {  	(tm) =	ssettm $0x7FFFFFFF  }
tec
execute0_lowered:
.L_overlay_start_1:
0x0: {  	(tag) =	ssettag $0x1  }
0x1: {  	s0 =	srdreg.scid;
	s2 =	rddreg [dreg:$0x0]  }
0x2: {  	s9 =	stileid.u32;
	s5 =	rddreg [dreg:$0x1]  }
0x3: {  	s3 =	rddreg [dreg:$0x2];
	s4 =	smul.u32 $0x2710, s9  }
0x4: {  	s28 =	simm.s32 $0x100;
	s29 =	simm.s32 $0x2A00;
	s6 =	smul.u32 $0x50000, s9  }
0x5: {  	s30 =	simm.s32 $0x1;
	s0 =	sand.u32 $0x1, s0;
	s13 =	smul.u32 $0x14000, s9  }
0x6: {  	s31 =	simm.s32 $0x80;
	s1 =	smul.u32 $0x27100, s0;
	s24 =	ssub.s32 $0x2, s0  }
0x7: {  	s7 =	sadd.s32 $0x23C00, s5;
	s0 =	smul.u32 $0x140000, s0;
	s8 =	sshrl.u32 s24, $0x1  }
0x8: {  	s6 =	sshrl.u32 s6, $0x2;
	s14 =	sor.u32 $0x2800, s13;
	s16 =	sadd.s32 $0x5000, s13  }
0x9: {  	s17 =	sadd.s32 $0x7800, s13;
	s18 =	sadd.s32 $0xA000, s13;
	s20 =	sadd.s32 $0xC800, s13  }
0xa: {  	s21 =	sadd.s32 $0xF000, s13;
	s22 =	sadd.s32 $0x11800, s13;
	s1 =	sadd.s32 s4, s1  }
0xb: {  	s4 =	simm.s32 $0x0;
	s15 =	ssub.s32 s24, s8;
	s6 =	sadd.s32 s6, s3  }
0xc: {  	s8 =	sadd.s32 s16, s3;
	s9 =	sadd.s32 s17, s3;
	s10 =	sadd.s32 s18, s3  }
0xd: {  	s11 =	sadd.s32 s20, s3;
	s12 =	sadd.s32 s21, s3;
	s19 =	sadd.s32 s13, s0  }
0xe: {  	s13 =	sadd.s32 s22, s3;
	s23 =	sadd.s32 s0, s14;
	s16 =	sadd.s32 s0, s16  }
0xf: {  	s17 =	sadd.s32 s0, s17;
	s18 =	sadd.s32 s0, s18;
	s1 =	smulhi.u32 $0x3333334, s1  }
0x10: {  	[smem:$0x7FF] =	sst s4;
	s19 =	sshrl.u32 s19, $0x3;
	s26 =	sshrl.u32 s23, $0x3  }
0x11: {  	s24 =	sshrl.u32 s18, $0x3;
	_ =	strace $0x8000004D;
	s1 =	sshll.u32 s1, $0x5  }
0x12: {  	[dreg:$0x4] =	wrdreg s7;
	s1 =	sadd.s32 s1, s5;
	s5 =	sadd.s32 $0x72400, s5  }
0x13: {  	s7 =	sadd.s32 s14, s3;
	s14 =	sadd.s32 $0x4800, s1;
	s25 =	sadd.s32 s5, s19  }
0x14: {  	s1 =	sadd.s32 s5, s26;
	s26 =	sadd.s32 s0, s21;
	[dreg:$0x5] =	wrdreg s25  }
0x15: {  	[dreg:$0x6] =	wrdreg s1;
	s1 =	sshrl.u32 s16, $0x3;
	s16 =	sshrl.u32 s17, $0x3  }
0x16: {  	s25 =	sadd.s32 s0, s20;
	s0 =	sadd.s32 s0, s22;
	s1 =	sadd.s32 s5, s1  }
0x17: {  	s23 =	sadd.s32 s5, s16;
	s16 =	sshrl.u32 s26, $0x3;
	[dreg:$0x7] =	wrdreg s1  }
0x18: {  	s0 =	sshrl.u32 s0, $0x3;
	s26 =	simm.s32 $0x50;
	[dreg:$0x8] =	wrdreg s23  }
0x19: {  	s1 =	sadd.s32 s5, s24;
	s21 =	sadd.s32 s5, s16;
	s22 =	sadd.s32 s5, s0  }
0x1a: {  	s23 =	smax.u32 s15, $0x1;
	s24 =	simm.s32 $0x200;
	s0 =	simm.s32 $0x180  }
0x1b: {  	[dreg:$0x9] =	wrdreg s1;
	s1 =	sshrl.u32 s25, $0x3;
	s25 =	simm.s32 $0x3  }
0x1c: {  	s20 =	sadd.s32 s5, s1;
	s1 =	simm.s32 $0x2;
	s5 =	simm.s32 $0x0  }
.LBB2_1:
0x1d: {  	s15 =	rddreg [dreg:$0x4]  }
0x1e: {  	[tilespmem:s24], [sflag:$0x3] =	stream.linear.gather [hbm4b:s15+s4], $0x2800, $0x38;
	[tilespmem:$0x19200] =	vst v63  }
0x1f: {  	_ =	swait.ge [sflag:s25], $0x2800  }
0x20: {  	[sflag:s25] =	ssyncset.done $0x0  }
0x21: {  	[sflag:s25] =	ssyncadd.s32 $0xFFFFD800  }
0x22: {  	[spmem:s6] =	stream.linear.scatter [tilespmem:s24], [sflag:$0x3], $0x2800, $0x38;
	[tilespmem:$0x19200] =	vst v63  }
0x23: {  	_ =	swait.ge [sflag:s25], $0x2800  }
0x24: {  	[sflag:s25] =	ssyncset.done $0x0  }
0x25: {  	[sflag:s25] =	ssyncadd.s32 $0xFFFFD800  }
0x26: {  	[spmem:s7] =	stream.linear.scatter [tilespmem:s24], [sflag:$0x3], $0x2800, $0x38;
	[tilespmem:$0x19200] =	vst v63  }
0x27: {  	_ =	swait.ge [sflag:s25], $0x2800  }
0x28: {  	[sflag:s25] =	ssyncset.done $0x0  }
0x29: {  	[sflag:s25] =	ssyncadd.s32 $0xFFFFD800  }
0x2a: {  	[spmem:s8] =	stream.linear.scatter [tilespmem:s24], [sflag:$0x3], $0x2800, $0x38;
	[tilespmem:$0x19200] =	vst v63  }
0x2b: {  	_ =	swait.ge [sflag:s25], $0x2800  }
0x2c: {  	[sflag:s25] =	ssyncset.done $0x0  }
0x2d: {  	[sflag:s25] =	ssyncadd.s32 $0xFFFFD800  }
0x2e: {  	[spmem:s9] =	stream.linear.scatter [tilespmem:s24], [sflag:$0x3], $0x2800, $0x38;
	[tilespmem:$0x19200] =	vst v63  }
0x2f: {  	_ =	swait.ge [sflag:s25], $0x2800  }
0x30: {  	[sflag:s25] =	ssyncset.done $0x0  }
0x31: {  	[sflag:s25] =	ssyncadd.s32 $0xFFFFD800  }
0x32: {  	[spmem:s10] =	stream.linear.scatter [tilespmem:s24], [sflag:$0x3], $0x2800, $0x38;
	[tilespmem:$0x19200] =	vst v63  }
0x33: {  	_ =	swait.ge [sflag:s25], $0x2800  }
0x34: {  	[sflag:s25] =	ssyncset.done $0x0  }
0x35: {  	[sflag:s25] =	ssyncadd.s32 $0xFFFFD800  }
0x36: {  	[spmem:s11] =	stream.linear.scatter [tilespmem:s24], [sflag:$0x3], $0x2800, $0x38;
	[tilespmem:$0x19200] =	vst v63  }
0x37: {  	_ =	swait.ge [sflag:s25], $0x2800  }
0x38: {  	[sflag:s25] =	ssyncset.done $0x0  }
0x39: {  	[sflag:s25] =	ssyncadd.s32 $0xFFFFD800  }
0x3a: {  	[spmem:s12] =	stream.linear.scatter [tilespmem:s24], [sflag:$0x3], $0x2800, $0x38;
	[tilespmem:$0x19200] =	vst v63  }
0x3b: {  	_ =	swait.ge [sflag:s25], $0x2800  }
0x3c: {  	[sflag:s25] =	ssyncset.done $0x0  }
0x3d: {  	[sflag:s25] =	ssyncadd.s32 $0xFFFFD800  }
0x3e: {  	[spmem:s13] =	stream.linear.scatter [tilespmem:s24], [sflag:$0x3], $0x2800, $0x38;
	[tilespmem:$0x19200] =	vst v63  }
0x3f: {  	_ =	swait.ge [sflag:s25], $0x2800  }
0x40: {  	[sflag:s25] =	ssyncset.done $0x0  }
0x41: {  	[sflag:s25] =	ssyncadd.s32 $0xFFFFD800  }
0x42: {  	[bflag:$0x0] =	sbarrier.arrive $0xFFFF  }
0x43: {  	[tilespmem:s4], [sflag:$0x3] =	stream.linear.gather [hbm4b:s14+s4], $0x100, $0x38;
	[tilespmem:$0x19200] =	vst v63  }
0x44: {  	_ =	swait.ge [sflag:s25], $0x100  }
0x45: {  	[sflag:s25] =	ssyncset.done $0x0  }
0x46: {  	s19 =	sadd.s32 $0xFFFFF080, s14;
	[sflag:s25] =	ssyncadd.s32 $0xFFFFFF00  }
0x47: {  	[tilespmem:s24], [sflag:$0x1] =	stream.indirect.gather [hbm4b:s2+s26], $0x80, s4, s26, $0xb8;
	[tilespmem:$0x19200] =	vst v63  }
0x48: {  	s16 =	sadd.s32 $0xFA0, s19  }
0x49: {  	[tilespmem:s28], [sflag:$0x3] =	stream.linear.gather [hbm4b:s16+s4], $0x100, $0x38;
	[tilespmem:$0x19200] =	vst v63  }
0x4a: {  	_ =	swait.ge [sflag:s25], $0x100  }
0x4b: {  	[sflag:s25] =	ssyncset.done $0x0  }
0x4c: {  	[sflag:s25] =	ssyncadd.s32 $0xFFFFFF00  }
0x4d: {  	[tilespmem:s29], [sflag:$0x2] =	stream.indirect.gather [hbm4b:s2+s26], $0x80, s28, s26, $0xb8;
	[tilespmem:$0x19200] =	vst v63  }
0x4e: {  	_ =	swait.ge [sflag:s30], $0x2800  }
0x4f: {  	[sflag:s30] =	ssyncset.done $0x0  }
0x50: {  	[sflag:s30] =	ssyncadd.s32 $0xFFFFD800  }
0x51: {  	[spmem:s3] =	stream.indirect.scatter.add.f32 [tilespmem:s24], [sflag:$0x3], $0x80, s31, s26, $0xb8;
	[tilespmem:$0x19200] =	vst v63  }
0x52: {  	_ =	swait.ge [sflag:s25], $0x2800  }
0x53: {  	[sflag:s25] =	ssyncset.done $0x0  }
0x54: {  	s15 =	sadd.s32 $0xFC0, s19;
	[sflag:s25] =	ssyncadd.s32 $0xFFFFD800  }
0x55: {  	[tilespmem:s4], [sflag:$0x3] =	stream.linear.gather [hbm4b:s15+s4], $0x100, $0x38;
	[tilespmem:$0x19200] =	vst v63  }
0x56: {  	_ =	swait.ge [sflag:s25], $0x100  }
0x57: {  	[sflag:s25] =	ssyncset.done $0x0  }
0x58: {  	[sflag:s25] =	ssyncadd.s32 $0xFFFFFF00  }
0x59: {  	[tilespmem:s24], [sflag:$0x1] =	stream.indirect.gather [hbm4b:s2+s26], $0x80, s4, s26, $0xb8;
	[tilespmem:$0x19200] =	vst v63  }
0x5a: {  	_ =	swait.ge [sflag:s1], $0x2800  }
0x5b: {  	[sflag:s1] =	ssyncset.done $0x0  }
0x5c: {  	[sflag:s1] =	ssyncadd.s32 $0xFFFFD800  }
0x5d: {  	[spmem:s3] =	stream.indirect.scatter.add.f32 [tilespmem:s29], [sflag:$0x3], $0x80, s0, s26, $0xb8;
	[tilespmem:$0x19200] =	vst v63  }
0x5e: {  	_ =	swait.ge [sflag:s25], $0x2800  }
0x5f: {  	s16 =	simm.s32 $0xFFFFF100;
	s15 =	sadd.s32 $0xFFFFF0C0, s14;
	[sflag:s25] =	ssyncset.done $0x0  }
.LBB2_2:
0x60: {  	s17 =	sadd.s32 $0xFA0, s15  }
0x61: {  	[sflag:s25] =	ssyncadd.s32 $0xFFFFD800;
	s18 =	smov.u32 s16;
	s19 =	sadd.s32 $0x40, s16  }
0x62: {  	[tilespmem:s28], [sflag:$0x3] =	stream.linear.gather [hbm4b:s17+s4], $0x100, $0x38;
	[tilespmem:$0x19200] =	vst v63  }
0x63: {  	p0 =	sne.s32 s16, $0xFFFFFFC0;
	_ =	swait.ge [sflag:s25], $0x100  }
0x64: {  	[sflag:s25] =	ssyncset.done $0x0  }
0x65: {  	[sflag:s25] =	ssyncadd.s32 $0xFFFFFF00  }
0x66: {  	[tilespmem:s29], [sflag:$0x2] =	stream.indirect.gather [hbm4b:s2+s26], $0x80, s28, s26, $0xb8;
	[tilespmem:$0x19200] =	vst v63  }
0x67: {  	_ =	swait.ge [sflag:s30], $0x2800  }
0x68: {  	[sflag:s30] =	ssyncset.done $0x0  }
0x69: {  	[sflag:s30] =	ssyncadd.s32 $0xFFFFD800  }
0x6a: {  	[spmem:s3] =	stream.indirect.scatter.add.f32 [tilespmem:s24], [sflag:$0x3], $0x80, s31, s26, $0xb8;
	[tilespmem:$0x19200] =	vst v63  }
0x6b: {  	_ =	swait.ge [sflag:s25], $0x2800  }
0x6c: {  	[sflag:s25] =	ssyncset.done $0x0  }
0x6d: {  	s15 =	sadd.s32 $0xFC0, s15;
	[sflag:s25] =	ssyncadd.s32 $0xFFFFD800  }
0x6e: {  	[tilespmem:s4], [sflag:$0x3] =	stream.linear.gather [hbm4b:s15+s4], $0x100, $0x38;
	[tilespmem:$0x19200] =	vst v63  }
0x6f: {  	_ =	swait.ge [sflag:s25], $0x100  }
0x70: {  	[sflag:s25] =	ssyncset.done $0x0  }
0x71: {  	[sflag:s25] =	ssyncadd.s32 $0xFFFFFF00  }
0x72: {  	[tilespmem:s24], [sflag:$0x1] =	stream.indirect.gather [hbm4b:s2+s26], $0x80, s4, s26, $0xb8;
	[tilespmem:$0x19200] =	vst v63  }
0x73: {  	_ =	swait.ge [sflag:s1], $0x2800  }
.Ltmp0:
0x74: {  	[sflag:s1] =	ssyncset.done $0x0;
	(pc) =	sbr.rel @p0 .LBB2_2-.Ltmp0, $4  }
0x75: {  	[sflag:s1] =	ssyncadd.s32 $0xFFFFD800  }
0x76: {  	[spmem:s3] =	stream.indirect.scatter.add.f32 [tilespmem:s29], [sflag:$0x3], $0x80, s0, s26, $0xb8;
	[tilespmem:$0x19200] =	vst v63  }
0x77: {  	_ =	swait.ge [sflag:s25], $0x2800  }
0x78: {  	s16 =	smov.u32 s19;
	s15 =	sadd.s32 s18, s14;
	[sflag:s25] =	ssyncset.done $0x0  }
0x79: {  	s16 =	sadd.s32 $0xFA0, s15;
	[sflag:s25] =	ssyncadd.s32 $0xFFFFD800  }
0x7a: {  	[tilespmem:s28], [sflag:$0x3] =	stream.linear.gather [hbm4b:s16+s4], $0x100, $0x38;
	[tilespmem:$0x19200] =	vst v63  }
0x7b: {  	_ =	swait.ge [sflag:s25], $0x100  }
0x7c: {  	[sflag:s25] =	ssyncset.done $0x0  }
0x7d: {  	[sflag:s25] =	ssyncadd.s32 $0xFFFFFF00  }
0x7e: {  	[tilespmem:s29], [sflag:$0x2] =	stream.indirect.gather [hbm4b:s2+s26], $0x80, s28, s26, $0xb8;
	[tilespmem:$0x19200] =	vst v63  }
0x7f: {  	_ =	swait.ge [sflag:s30], $0x2800  }
0x80: {  	[sflag:s30] =	ssyncset.done $0x0  }
0x81: {  	[sflag:s30] =	ssyncadd.s32 $0xFFFFD800  }
0x82: {  	[spmem:s3] =	stream.indirect.scatter.add.f32 [tilespmem:s24], [sflag:$0x3], $0x80, s31, s26, $0xb8;
	[tilespmem:$0x19200] =	vst v63  }
0x83: {  	_ =	swait.ge [sflag:s25], $0x2800  }
0x84: {  	[sflag:s25] =	ssyncset.done $0x0  }
0x85: {  	s18 =	sadd.s32 $0xFC0, s15;
	[sflag:s25] =	ssyncadd.s32 $0xFFFFD800  }
0x86: {  	[tilespmem:s4], [sflag:$0x3] =	stream.linear.gather [hbm4b:s18+s4], $0x100, $0x38;
	[tilespmem:$0x19200] =	vst v63  }
0x87: {  	_ =	swait.ge [sflag:s25], $0x100  }
0x88: {  	[sflag:s25] =	ssyncset.done $0x0  }
0x89: {  	[sflag:s25] =	ssyncadd.s32 $0xFFFFFF00  }
0x8a: {  	[tilespmem:s24], [sflag:$0x1] =	stream.indirect.gather [hbm4b:s2+s26], $0x80, s4, s26, $0xb8;
	[tilespmem:$0x19200] =	vst v63  }
0x8b: {  	_ =	swait.ge [sflag:s1], $0x2800  }
0x8c: {  	[sflag:s1] =	ssyncset.done $0x0  }
0x8d: {  	[sflag:s1] =	ssyncadd.s32 $0xFFFFD800  }
0x8e: {  	[spmem:s3] =	stream.indirect.scatter.add.f32 [tilespmem:s29], [sflag:$0x3], $0x80, s0, s26, $0xb8;
	[tilespmem:$0x19200] =	vst v63  }
0x8f: {  	_ =	swait.ge [sflag:s25], $0x2800  }
0x90: {  	[sflag:s25] =	ssyncset.done $0x0  }
0x91: {  	[sflag:s25] =	ssyncadd.s32 $0xFFFFD800  }
0x92: {  	_ =	swait.ge [sflag:s30], $0x2800  }
0x93: {  	[sflag:s30] =	ssyncset.done $0x0  }
0x94: {  	[sflag:s30] =	ssyncadd.s32 $0xFFFFD800  }
0x95: {  	[spmem:s3] =	stream.indirect.scatter.add.f32 [tilespmem:s24], [sflag:$0x3], $0x80, s31, s26, $0xb8;
	[tilespmem:$0x19200] =	vst v63  }
0x96: {  	_ =	swait.ge [sflag:s25], $0x2800  }
0x97: {  	[sflag:s25] =	ssyncset.done $0x0  }
0x98: {  	[sflag:s25] =	ssyncadd.s32 $0xFFFFD800  }
0x99: {  	[bflag:$0x0] =	sbarrier.arrive $0xFFFF  }
0x9a: {  	[tilespmem:s24], [sflag:$0x3] =	stream.linear.gather [spmem:s6], $0x2800, $0x38;
	[tilespmem:$0x19200] =	vst v63  }
0x9b: {  	_ =	swait.ge [sflag:s25], $0x2800  }
0x9c: {  	[sflag:s25] =	ssyncset.done $0x0  }
0x9d: {  	s19 =	rddreg [dreg:$0x5];
	[sflag:s25] =	ssyncadd.s32 $0xFFFFD800  }
0x9e: {  	[hbm4b:s19+s4] =	stream.linear.scatter [tilespmem:s24], [sflag:$0x3], $0x2800, $0x38;
	[tilespmem:$0x19200] =	vst v63  }
0x9f: {  	_ =	swait.ge [sflag:s25], $0x2800  }
0xa0: {  	[sflag:s25] =	ssyncset.done $0x0  }
0xa1: {  	[sflag:s25] =	ssyncadd.s32 $0xFFFFD800  }
0xa2: {  	[tilespmem:s24], [sflag:$0x3] =	stream.linear.gather [spmem:s7], $0x2800, $0x38;
	[tilespmem:$0x19200] =	vst v63  }
0xa3: {  	_ =	swait.ge [sflag:s25], $0x2800  }
0xa4: {  	[sflag:s25] =	ssyncset.done $0x0  }
0xa5: {  	s16 =	rddreg [dreg:$0x6];
	[sflag:s25] =	ssyncadd.s32 $0xFFFFD800  }
0xa6: {  	[hbm4b:s16+s4] =	stream.linear.scatter [tilespmem:s24], [sflag:$0x3], $0x2800, $0x38;
	[tilespmem:$0x19200] =	vst v63  }
0xa7: {  	_ =	swait.ge [sflag:s25], $0x2800  }
0xa8: {  	[sflag:s25] =	ssyncset.done $0x0  }
0xa9: {  	[sflag:s25] =	ssyncadd.s32 $0xFFFFD800  }
0xaa: {  	[tilespmem:s24], [sflag:$0x3] =	stream.linear.gather [spmem:s8], $0x2800, $0x38;
	[tilespmem:$0x19200] =	vst v63  }
0xab: {  	_ =	swait.ge [sflag:s25], $0x2800  }
0xac: {  	[sflag:s25] =	ssyncset.done $0x0  }
0xad: {  	s17 =	rddreg [dreg:$0x7];
	[sflag:s25] =	ssyncadd.s32 $0xFFFFD800  }
0xae: {  	[hbm4b:s17+s4] =	stream.linear.scatter [tilespmem:s24], [sflag:$0x3], $0x2800, $0x38;
	[tilespmem:$0x19200] =	vst v63  }
0xaf: {  	_ =	swait.ge [sflag:s25], $0x2800  }
0xb0: {  	[sflag:s25] =	ssyncset.done $0x0  }
0xb1: {  	[sflag:s25] =	ssyncadd.s32 $0xFFFFD800  }
0xb2: {  	[tilespmem:s24], [sflag:$0x3] =	stream.linear.gather [spmem:s9], $0x2800, $0x38;
	[tilespmem:$0x19200] =	vst v63  }
0xb3: {  	_ =	swait.ge [sflag:s25], $0x2800  }
0xb4: {  	[sflag:s25] =	ssyncset.done $0x0  }
0xb5: {  	s18 =	rddreg [dreg:$0x8];
	[sflag:s25] =	ssyncadd.s32 $0xFFFFD800  }
0xb6: {  	[hbm4b:s18+s4] =	stream.linear.scatter [tilespmem:s24], [sflag:$0x3], $0x2800, $0x38;
	[tilespmem:$0x19200] =	vst v63  }
0xb7: {  	_ =	swait.ge [sflag:s25], $0x2800  }
0xb8: {  	[sflag:s25] =	ssyncset.done $0x0  }
0xb9: {  	[sflag:s25] =	ssyncadd.s32 $0xFFFFD800  }
0xba: {  	[tilespmem:s24], [sflag:$0x3] =	stream.linear.gather [spmem:s10], $0x2800, $0x38;
	[tilespmem:$0x19200] =	vst v63  }
0xbb: {  	_ =	swait.ge [sflag:s25], $0x2800  }
0xbc: {  	[sflag:s25] =	ssyncset.done $0x0  }
0xbd: {  	s19 =	rddreg [dreg:$0x9];
	[sflag:s25] =	ssyncadd.s32 $0xFFFFD800  }
0xbe: {  	[hbm4b:s19+s4] =	stream.linear.scatter [tilespmem:s24], [sflag:$0x3], $0x2800, $0x38;
	[tilespmem:$0x19200] =	vst v63  }
0xbf: {  	_ =	swait.ge [sflag:s25], $0x2800  }
0xc0: {  	[sflag:s25] =	ssyncset.done $0x0  }
0xc1: {  	[sflag:s25] =	ssyncadd.s32 $0xFFFFD800  }
0xc2: {  	[tilespmem:s24], [sflag:$0x3] =	stream.linear.gather [spmem:s11], $0x2800, $0x38;
	[tilespmem:$0x19200] =	vst v63  }
0xc3: {  	_ =	swait.ge [sflag:s25], $0x2800  }
0xc4: {  	[sflag:s25] =	ssyncset.done $0x0  }
0xc5: {  	[sflag:s25] =	ssyncadd.s32 $0xFFFFD800  }
0xc6: {  	[hbm4b:s20+s4] =	stream.linear.scatter [tilespmem:s24], [sflag:$0x3], $0x2800, $0x38;
	[tilespmem:$0x19200] =	vst v63  }
0xc7: {  	_ =	swait.ge [sflag:s25], $0x2800  }
0xc8: {  	[sflag:s25] =	ssyncset.done $0x0  }
0xc9: {  	[sflag:s25] =	ssyncadd.s32 $0xFFFFD800  }
0xca: {  	[tilespmem:s24], [sflag:$0x3] =	stream.linear.gather [spmem:s12], $0x2800, $0x38;
	[tilespmem:$0x19200] =	vst v63  }
0xcb: {  	_ =	swait.ge [sflag:s25], $0x2800  }
0xcc: {  	[sflag:s25] =	ssyncset.done $0x0  }
0xcd: {  	[sflag:s25] =	ssyncadd.s32 $0xFFFFD800  }
0xce: {  	[hbm4b:s21+s4] =	stream.linear.scatter [tilespmem:s24], [sflag:$0x3], $0x2800, $0x38;
	[tilespmem:$0x19200] =	vst v63  }
0xcf: {  	_ =	swait.ge [sflag:s25], $0x2800  }
0xd0: {  	[sflag:s25] =	ssyncset.done $0x0  }
0xd1: {  	[sflag:s25] =	ssyncadd.s32 $0xFFFFD800  }
0xd2: {  	[tilespmem:s24], [sflag:$0x3] =	stream.linear.gather [spmem:s13], $0x2800, $0x38;
	[tilespmem:$0x19200] =	vst v63  }
0xd3: {  	s5 =	sadd.s32 $0x1, s5;
	_ =	swait.ge [sflag:s25], $0x2800  }
0xd4: {  	p0 =	sne.s32 s5, s23;
	[sflag:s25] =	ssyncset.done $0x0  }
.Ltmp1:
0xd5: {  	[sflag:s25] =	ssyncadd.s32 $0xFFFFD800;
	(pc) =	sbr.rel @p0 .LBB2_1-.Ltmp1, $4  }
0xd6: {  	[hbm4b:s22+s4] =	stream.linear.scatter [tilespmem:s24], [sflag:$0x3], $0x2800, $0x38;
	[tilespmem:$0x19200] =	vst v63  }
0xd7: {  	_ =	swait.ge [sflag:s25], $0x2800  }
0xd8: {  	[sflag:s25] =	ssyncset.done $0x0  }
0xd9: {  	[sflag:s25] =	ssyncadd.s32 $0xFFFFD800  }
0xda: {  	_ =	sfence.sel $0x180000  }
0xdb: {  	[bflag:$0x0] =	sbarrier.arrive $0xFFFF  }
0xdc: {  	_ =	strace $0x9000004D  }
0xdd: {  	s0 =	stileid.u32;
	[bflag:$0x2] =	sbarrier.arrive $0xFFFF  }
0xde: {  	p0 =	sne.s32 s0, $0x0;
	s0 =	rddreg [dreg:$0x3]  }
0xdf: {  	s0 =	sadd.s32 @!p0 $0x100000, s0  }
0xe0: {  	[sflag:s0] =	ssyncadd.tile.s32 @!p0 $0x1;
	_ =	shalt  }
.Lfunc_end2:
_tile_overlayer_lowered:
.L_overlay_start_2:
0xe1: {  	(tag) =	ssettag $0x2  }
0xe2: {  	s0 =	rddreg [dreg:$0x0];
	s2 =	stileid.u32  }
0xe3: {  	s1 =	rddreg [dreg:$0x1];
	p0 =	sne.s32 s2, $0x0  }
0xe4: {  	s3 =	rddreg [dreg:$0x2];
	[bflag:$0x3] =	sbarrier.arrive $0xFFFF;
	s2 =	simm.s32 @!p0 $0x1C03  }
0xe5: {  	[timem:s3], [sflag:s2] =	dma.local @!p0 [hbm:s0], s1  }
0xe6: {  	s0 =	simm.s32 @!p0 $0x3  }
0xe7: {  	_ =	swait.ge @!p0 [sflag:s0], s1  }
0xe8: {  	s1 =	ssub.s32 @!p0 $0x0, s1;
	[sflag:s0] =	ssyncset.done @!p0 $0x0  }
0xe9: {  	[sflag:s0] =	ssyncadd.s32 @!p0 s1  }
0xea: {  	[bflag:$0x3] =	sbarrier.arrive $0xFFFF  }
0xeb: {  	_ =	shalt  }

// kernel: kernel.8.cloned.1.call-start
scs
__scs_entry_jumppad:
0x0: {  	(pc) =	sbr.rel $0x88, $3  }
0x1: {  	(tag) =	ssettag $0x0;
	lr =	simm.s32 $0x1  }
0x2: {  	[smem:$0x3F93] =	sst lr;
	_ =	strace $0xD0000000  }
0x3: {  	_ = 	snop  }
0x4: {  	_ = 	snop  }
0x5: {  	_ = 	snop  }
0x6: {  	_ = 	snop  }
0x7: {  	_ = 	snop  }
__scs_overlays_trampoline_lowered:
0x8: {  	[smem:$0x3FA2] =	sst s0  }
0x9: {  	[smem:$0x3FA3] =	sst s1  }
0xa: {  	[smem:$0x3FA4] =	sst s2  }
0xb: {  	[smem:$0x3FA5] =	sst s3  }
0xc: {  	[smem:$0x3FA6] =	sst s4  }
0xd: {  	[smem:$0x3FA7] =	sst s5  }
0xe: {  	[smem:$0x3FA8] =	sst s6  }
0xf: {  	[smem:$0x3FA9] =	sst s7  }
0x10: {  	[smem:$0x3FAA] =	sst s8  }
0x11: {  	[smem:$0x3FAB] =	sst s9;
	s0 =	simm.s32 @!p0 $0x0  }
0x12: {  	s1 =	sld [smem:$0x3F91];
	s0 =	simm.s32 @p0 $0x1  }
0x13: {  	[smem:$0x3FAC] =	sst s0;
	s0 =	simm.s32 @!p1 $0x0  }
0x14: {  	s2 =	sld [smem:$0x3F90];
	s0 =	simm.s32 @p1 $0x1  }
0x15: {  	[smem:$0x3FAD] =	sst s0;
	s0 =	simm.s32 @!p2 $0x0  }
0x16: {  	s3 =	sld [smem:$0x3FDB];
	s0 =	simm.s32 @p2 $0x1  }
0x17: {  	s4 =	simm.s32 $0x1BF5;
	[smem:$0x3FAF] =	sst s0  }
0x18: {  	s0 =	sld [smem:$0x3F92];
	_ =	swait.ge [sflag:s4], $0x0  }
0x19: {  	s7 =	sld [smem:$0x3F93]  }
0x1a: {  	s8 =	sadd.s32 $0xFFFFE003, lr  }
0x1b: {  	s9 =	sadd.s32 $0xFFFFFEF7, lr;
	s5 =	simm.s32 $0xFFFFFFFF;
	p2 =	slt.u32 s8, $0xFFFFF086  }
0x1c: {  	p1 =	slt.u32 s9, $0xF7A;
	s5 =	simm.s32 @!p2 $0x0  }
0x1d: {  	s5 =	simm.s32 @p1 $0x1;
	p0 =	seq.s32 s7, s2  }
0x1e: {  	s7 =	smul.u32 @!p0 $0xF7A, s2;
	p2 =	seq.s32 @!p0 s5, $0x0  }
0x1f: {  	s9 =	smul.u32 $0xF7A, s1;
	s8 =	simm.s32 @!p0 $0x1BF5;
	p2 =	por !p2, p0  }
0x20: {  	[sflag:s8] =	ssyncset.s32 @!p0 $0xFFFFF086;
	s6 =	sadd.s32 @!p0 s3, s7;
	s7 =	simm.s32 @!p0 $0x108  }
0x21: {  	s3 =	sadd.s32 s3, s9;
	s6 =	sadd.s32 @!p0 $0x88, s6;
	s7 =	simm.s32 @p2 $0x1082  }
0x22: {  	[simem:s7], [sflag:s8] =	dma.local @!p0 [hbm:s6], $0xF7A  }
0x23: {  	s9 =	sor.u32 $0xD0000000, s2;
	s6 =	simm.s32 $0x108;
	_ =	swait.ge @!p0 [sflag:s8], $0x0  }
0x24: {  	s3 =	sadd.s32 $0x88, s3;
	s6 =	simm.s32 @!p1 $0x1082;
	[sflag:s4] =	ssyncset.s32 $0xFFFFF086  }
0x25: {  	[simem:s6], [sflag:s4] =	dma.local [hbm:s3], $0xF7A  }
0x26: {  	[smem:$0x3F93] =	sst s1;
	(tag) =	ssettag s2;
	_ =	strace s9  }
0x27: {  	s1 =	sld [smem:$0x3FA3]  }
0x28: {  	s2 =	sld [smem:$0x3FA4]  }
0x29: {  	s4 =	sld [smem:$0x3FA6]  }
0x2a: {  	p0 =	seq.s32 s5, $0x0;
	s5 =	sld [smem:$0x3FA7]  }
0x2b: {  	s6 =	sld [smem:$0x3FA8]  }
0x2c: {  	s7 =	sld [smem:$0x3FA9]  }
0x2d: {  	s3 =	simm.s32 $0x108;
	s8 =	sld [smem:$0x3FAA]  }
0x2e: {  	s3 =	simm.s32 @!p0 $0x1082;
	s9 =	sld [smem:$0x3FAB]  }
0x2f: {  	lr =	sadd.s32 s0, s3;
	s0 =	sld [smem:$0x3FA2]  }
0x30: {  	s3 =	sld [smem:$0x3FA5]  }
0x31: {  	[smem:$0x3FAE] =	sst s10  }
0x32: {  	s10 =	sld [smem:$0x3FAC];
	_ =	sdelay $0x3  }
0x33: {  	p0 =	seq.s32 s10, $0x1;
	s10 =	sld [smem:$0x3FAE];
	_ =	sdelay $0x3  }
0x34: {  	[smem:$0x3FAE] =	sst s10  }
0x35: {  	s10 =	sld [smem:$0x3FAD];
	_ =	sdelay $0x3  }
0x36: {  	p1 =	seq.s32 s10, $0x1;
	s10 =	sld [smem:$0x3FAE];
	_ =	sdelay $0x3  }
0x37: {  	[smem:$0x3FAE] =	sst s10  }
0x38: {  	s10 =	sld [smem:$0x3FAF]  }
0x39: {  	_ = 	snop;
	(pc) =	sbr.ind lr, $3  }
0x3a: {  	_ = 	snop  }
0x3b: {  	_ = 	snop  }
0x3c: {  	p2 =	seq.s32 s10, $0x1;
	s10 =	sld [smem:$0x3FAE]  }
0x3d: {  	_ =	shalt  }
0x3e: {  	_ =	shalt  }
0x3f: {  	_ =	shalt  }
0x40: {  	_ =	shalt  }
0x41: {  	_ =	shalt  }
0x42: {  	_ =	shalt  }
0x43: {  	_ =	shalt  }
0x44: {  	_ =	shalt  }
0x45: {  	_ =	shalt  }
0x46: {  	_ =	shalt  }
0x47: {  	_ =	shalt  }
0x48: {  	_ =	shalt  }
0x49: {  	_ =	shalt  }
0x4a: {  	_ =	shalt  }
0x4b: {  	_ =	shalt  }
0x4c: {  	_ =	shalt  }
0x4d: {  	_ =	shalt  }
0x4e: {  	_ =	shalt  }
0x4f: {  	_ =	shalt  }
0x50: {  	_ =	shalt  }
0x51: {  	_ =	shalt  }
0x52: {  	_ =	shalt  }
0x53: {  	_ =	shalt  }
0x54: {  	_ =	shalt  }
0x55: {  	_ =	shalt  }
0x56: {  	_ =	shalt  }
0x57: {  	_ =	shalt  }
0x58: {  	_ =	shalt  }
0x59: {  	_ =	shalt  }
0x5a: {  	_ =	shalt  }
0x5b: {  	_ =	shalt  }
0x5c: {  	_ =	shalt  }
0x5d: {  	_ =	shalt  }
0x5e: {  	_ =	shalt  }
0x5f: {  	_ =	shalt  }
0x60: {  	_ =	shalt  }
0x61: {  	_ =	shalt  }
0x62: {  	_ =	shalt  }
0x63: {  	_ =	shalt  }
0x64: {  	_ =	shalt  }
0x65: {  	_ =	shalt  }
0x66: {  	_ =	shalt  }
0x67: {  	_ =	shalt  }
0x68: {  	_ =	shalt  }
0x69: {  	_ =	shalt  }
0x6a: {  	_ =	shalt  }
0x6b: {  	_ =	shalt  }
0x6c: {  	_ =	shalt  }
0x6d: {  	_ =	shalt  }
0x6e: {  	_ =	shalt  }
0x6f: {  	_ =	shalt  }
0x70: {  	_ =	shalt  }
0x71: {  	_ =	shalt  }
0x72: {  	_ =	shalt  }
0x73: {  	_ =	shalt  }
0x74: {  	_ =	shalt  }
0x75: {  	_ =	shalt  }
0x76: {  	_ =	shalt  }
0x77: {  	_ =	shalt  }
0x78: {  	_ =	shalt  }
0x79: {  	_ =	shalt  }
0x7a: {  	_ =	shalt  }
0x7b: {  	_ =	shalt  }
0x7c: {  	_ =	shalt  }
0x7d: {  	_ =	shalt  }
0x7e: {  	_ =	shalt  }
0x7f: {  	_ =	shalt  }
0x80: {  	_ =	shalt  }
0x81: {  	_ =	shalt  }
0x82: {  	_ =	shalt  }
0x83: {  	_ =	shalt  }
0x84: {  	_ =	shalt  }
0x85: {  	_ =	shalt  }
0x86: {  	_ =	shalt  }
0x87: {  	_ =	shalt  }
.Lfunc_end0:
.L_simem_size_0:
called_computation_lowered:
.L_overlay_start_0:
0x88: {  	s2 =	sld [smem:$0x3FD9]  }
0x89: {  	s3 =	sld [smem:$0x3FFE];
	_ =	sdelay $0x1  }
0x8a: {  	s1 =	srdreg.scid  }
0x8b: {  	s0 =	sand.u32 $0x1, s1  }
0x8c: {  	s17 =	sshll.u32 s0, $0xA;
	s2 =	sadd.s32 s3, s2  }
0x8d: {  	s2 =	sadd.s32 s2, s17  }
0x8e: {  	[smem:$0x3FBA] =	sst s2  }
0x8f: {  	_ = 	snop  }
0x90: {  	(tm) =	ssettm $0x1  }
0x91: {  	s18 =	sld [smem:$0x3FFB];
	_ =	sdelay $0x3  }
0x92: {  	_ =	strace s18  }
0x93: {  	s2 =	sld [smem:$0x3FFC];
	_ =	sdelay $0x3  }
0x94: {  	_ =	strace s2  }
0x95: {  	s2 =	sld [smem:$0x3FFD];
	_ =	sdelay $0x3  }
0x96: {  	_ =	strace s2  }
0x97: {  	_ =	strace $0x8FFFFFFF  }
0x98: {  	s19 =	sld [smem:$0x3FDB];
	_ =	sdelay $0x1  }
0x99: {  	s20 =	simm.s32 $_scs_section_size  }
0x9a: {  	s4 =	simm.s32 $_size__tile_overlayer_lowered;
	s5 =	simm.s32 $_tile_overlayer_lowered  }
0x9b: {  	s6 =	simm.s32 $0x1BFF;
	s21 =	sshll.u32 s5, $0x1;
	s3 =	sadd.s32 s20, s19  }
0x9c: {  	s22 =	simm.s32 $0x0;
	s4 =	sshll.u32 s4, $0x1;
	s5 =	sadd.s32 s21, s3  }
0x9d: {  	[timem:s22], [sflag:s6] =	dma.local [hbm:s5], s4  }
0x9e: {  	_ =	swait.ge [sflag:s6], s4  }
0x9f: {  	s4 =	ssub.s32 $0x0, s4;
	[sflag:s6] =	ssyncset.done $0x0  }
0xa0: {  	[sflag:s6] =	ssyncadd.s32 s4;
	_ =	sdelay $0x1  }
0xa1: {  	s23 =	simm.s32 $0x1B8B  }
0xa2: {  	_ =	swait.ge [sflag:s23], $0x1  }
0xa3: {  	[sflag:s23] =	ssyncset.done $0x0  }
0xa4: {  	[sflag:s23] =	ssyncadd.s32 $0xFFFFFFFF  }
0xa5: {  	s4 =	sld [smem:$0x0]  }
0xa6: {  	s5 =	sand.u32 $0xFFFFFFFE, s1  }
0xa7: {  	p0 =	sne.s32 s1, s5  }
0xa8: {  	s5 =	sshll.u32 @p0 s5, $0xE  }
0xa9: {  	s5 =	sadd.s32 @p0 $0x11B8D, s5;
	s6 =	sshll.u32 @p0 s4, $0x11  }
0xaa: {  	s5 =	sor.u32 @p0 s6, s5  }
0xab: {  	[sflag:s5] =	ssyncadd.remote.s32 @p0 $0x1;
	_ =	sdelay $0x1  }
0xac: {  	s5 =	simm.s32 @p0 $0x1B8D  }
0xad: {  	_ =	swait.eq @p0 [sflag:s5], $0x1  }
0xae: {  	[sflag:s5] =	ssyncadd.s32 @p0 $0xFFFFFFFF  }
0xaf: {  	s6 =	sshll.u32 @!p0 s1, $0xE  }
0xb0: {  	s6 =	sor.u32 @!p0 $0x4000, s6;
	s5 =	simm.s32 @!p0 $0x1B8D  }
0xb1: {  	s4 =	sshll.u32 @!p0 s4, $0x11;
	s6 =	sadd.s32 @!p0 $0x11B8D, s6;
	_ =	swait.eq @!p0 [sflag:s5], $0x1  }
0xb2: {  	s4 =	sor.u32 @!p0 s4, s6;
	[sflag:s5] =	ssyncadd.s32 @!p0 $0xFFFFFFFF  }
0xb3: {  	s25 =	simm.s32 $0x1B8E;
	s24 =	sld [smem:$0x3FFE];
	[sflag:s4] =	ssyncadd.remote.s32 @!p0 $0x1  }
0xb4: {  	s26 =	simm.s32 $execute0_lowered;
	[smem:$0x3FD2] =	sst s25  }
0xb5: {  	s5 =	sshll.u32 s26, $0x1;
	_ =	strace $0x80000049;
	[dreg:$0x1] =	wrdreg $0xFFFFFFFF  }
0xb6: {  	s28 =	simm.s32 $_size_execute0_lowered;
	s3 =	sadd.s32 s3, s5;
	[dreg:$0x0] =	wrdreg $0x0  }
0xb7: {  	s5 =	sshll.u32 s28, $0x1;
	[dreg:$0x2] =	wrdreg s3  }
0xb8: {  	[dreg:$0x3] =	wrdreg s5  }
0xb9: {  	[dreg:$0x4] =	wrdreg $0xC0  }
0xba: {  	_ =	task [dreg:s22], $0x5FFFF  }
0xbb: {  	[dreg:$0x1] =	wrdreg $0xFFFFFFFF  }
0xbc: {  	[dreg:$0x0] =	wrdreg $0x60  }
0xbd: {  	[dreg:$0x2] =	wrdreg s24  }
0xbe: {  	[dreg:$0x3] =	wrdreg $0x2A000  }
0xbf: {  	[dreg:$0x4] =	wrdreg $0x9  }
0xc0: {  	_ =	task.clear_ibuf [dreg:s22], $0x5FFFF;
	_ =	strace $0x90000049  }
0xc1: {  	s29 =	simm.s32 $0x9;
	_ =	strace $0x8000004B  }
0xc2: {  	_ =	swait.ge [sflag:s29], $0x1  }
0xc3: {  	[sflag:s29] =	ssyncadd.s32 $0xFFFFFFFF  }
0xc4: {  	_ =	strace $0x9000004B  }
0xc5: {  	_ =	sfence  }
0xc6: {  	s30 =	sld [smem:$0x0];
	_ =	sdelay $0x2  }
0xc7: {  	s31 =	sshll.u32 s1, $0xD;
	s1 =	sshrl.u32 s1, $0x2  }
0xc8: {  	s4 =	sand.u32 $0x4000, s31;
	s1 =	sadd.s32 s1, s30  }
0xc9: {  	s0 =	sor.u32 s4, s0;
	s1 =	sshll.u32 s1, $0x11  }
0xca: {  	s0 =	sor.u32 s1, s0  }
0xcb: {  	s0 =	sadd.s32 $0x8F2B, s0  }
0xcc: {  	[sflag:s0] =	ssyncadd.remote.s32 $0x1  }
0xcd: {  	_ =	sfence.sel $0xFFFF  }
0xce: {  	[dreg:$0x0] =	wrdreg $0xFFFFFFFF;
	(pc) =	sbr.abs _section_cstart, $3  }
0xcf: {  	[dreg:$0x1] =	wrdreg $0xFFFFFFFF  }
0xd0: {  	_ =	task.clear_ibuf [dreg:s22], $0x2FFFF;
	_ =	strace $0x9FFFFFFF  }
0xd1: {  	(tm) =	ssettm $0x7FFFFFFF  }
tec
execute0_lowered:
.L_overlay_start_1:
0x0: {  	(tag) =	ssettag $0x1  }
0x1: {  	s0 =	srdreg.scid;
	s4 =	rddreg [dreg:$0x0]  }
0x2: {  	s6 =	stileid.u32;
	s2 =	rddreg [dreg:$0x1]  }
0x3: {  	s28 =	simm.s32 $0x1;
	s29 =	simm.s32 $0x50;
	s3 =	smul.u32 $0x2710, s6  }
0x4: {  	s30 =	simm.s32 $0x80;
	s31 =	simm.s32 $0x2;
	s5 =	smul.u32 $0x50000, s6  }
0x5: {  	s0 =	sand.u32 $0x1, s0;
	s7 =	sadd.s32 $0x23C00, s4;
	s14 =	smul.u32 $0x14000, s6  }
0x6: {  	s16 =	sadd.s32 $0x74200, s4;
	s1 =	smul.u32 $0x27100, s0;
	s17 =	ssub.s32 $0x2, s0  }
0x7: {  	s0 =	smul.u32 $0x140000, s0;
	s18 =	sshrl.u32 s17, $0x1;
	s5 =	sshrl.u32 s5, $0x2  }
0x8: {  	s15 =	sor.u32 $0x2800, s14;
	s19 =	sadd.s32 $0x5000, s14;
	s20 =	sadd.s32 $0xC800, s14  }
0x9: {  	s21 =	sadd.s32 $0xF000, s14;
	s22 =	sadd.s32 $0x11800, s14;
	s1 =	sadd.s32 s3, s1  }
0xa: {  	s3 =	simm.s32 $0x0;
	s23 =	ssub.s32 s17, s18;
	s6 =	sadd.s32 s5, s2  }
0xb: {  	s17 =	sadd.s32 $0x7800, s14;
	s18 =	sadd.s32 $0xA000, s14;
	s8 =	sadd.s32 s19, s2  }
0xc: {  	s11 =	sadd.s32 s20, s2;
	s12 =	sadd.s32 s21, s2;
	s13 =	sadd.s32 s22, s2  }
0xd: {  	s1 =	smulhi.u32 $0x3333334, s1;
	[smem:$0x7FF] =	sst s3;
	s9 =	sadd.s32 s17, s2  }
0xe: {  	s10 =	sadd.s32 s18, s2;
	_ =	strace $0x8000004A;
	[dreg:$0x3] =	wrdreg s7  }
0xf: {  	s18 =	sadd.s32 s0, s18;
	s23 =	smax.u32 s23, $0x1;
	[dreg:$0x4] =	wrdreg s16  }
0x10: {  	s7 =	sadd.s32 s15, s2;
	s16 =	sadd.s32 s14, s0;
	s15 =	sadd.s32 s0, s15  }
0x11: {  	s1 =	sshll.u32 s1, $0x5;
	s24 =	sshrl.u32 s16, $0x3;
	s25 =	sshrl.u32 s15, $0x3  }
0x12: {  	s15 =	sadd.s32 s0, s19;
	s16 =	sadd.s32 s0, s17;
	s19 =	sshrl.u32 s18, $0x3  }
0x13: {  	s1 =	sadd.s32 s1, s4;
	s4 =	sadd.s32 $0x74800, s4;
	s17 =	sshrl.u32 s16, $0x3  }
0x14: {  	s14 =	sadd.s32 $0x4800, s1;
	s1 =	sadd.s32 s4, s24;
	s26 =	sadd.s32 s4, s25  }
0x15: {  	s18 =	sadd.s32 s4, s17;
	s19 =	sadd.s32 s4, s19;
	s24 =	sadd.s32 s0, s20  }
0x16: {  	s25 =	sadd.s32 s0, s21;
	s0 =	sadd.s32 s0, s22;
	[dreg:$0x5] =	wrdreg s1  }
0x17: {  	[dreg:$0x6] =	wrdreg s26;
	s1 =	sshrl.u32 s15, $0x3;
	s26 =	sshrl.u32 s25, $0x3  }
0x18: {  	s0 =	sshrl.u32 s0, $0x3;
	s25 =	simm.s32 $0x3;
	s1 =	sadd.s32 s4, s1  }
0x19: {  	s21 =	sadd.s32 s4, s26;
	s22 =	sadd.s32 s4, s0;
	s26 =	simm.s32 $0x100  }
0x1a: {  	s0 =	simm.s32 $0x0;
	[dreg:$0x7] =	wrdreg s1;
	s1 =	sshrl.u32 s24, $0x3  }
0x1b: {  	s24 =	simm.s32 $0x200;
	s20 =	sadd.s32 s4, s1;
	s1 =	simm.s32 $0x180  }
.LBB2_1:
0x1c: {  	s4 =	rddreg [dreg:$0x3]  }
0x1d: {  	[tilespmem:s24], [sflag:$0x3] =	stream.linear.gather [hbm4b:s4+s3], $0x2800, $0x38;
	[tilespmem:$0x16A00] =	vst v63  }
0x1e: {  	_ =	swait.ge [sflag:s25], $0x2800  }
0x1f: {  	[sflag:s25] =	ssyncset.done $0x0  }
0x20: {  	[sflag:s25] =	ssyncadd.s32 $0xFFFFD800  }
0x21: {  	[spmem:s6] =	stream.linear.scatter [tilespmem:s24], [sflag:$0x3], $0x2800, $0x38;
	[tilespmem:$0x16A00] =	vst v63  }
0x22: {  	_ =	swait.ge [sflag:s25], $0x2800  }
0x23: {  	[sflag:s25] =	ssyncset.done $0x0  }
0x24: {  	[sflag:s25] =	ssyncadd.s32 $0xFFFFD800  }
0x25: {  	[spmem:s7] =	stream.linear.scatter [tilespmem:s24], [sflag:$0x3], $0x2800, $0x38;
	[tilespmem:$0x16A00] =	vst v63  }
0x26: {  	_ =	swait.ge [sflag:s25], $0x2800  }
0x27: {  	[sflag:s25] =	ssyncset.done $0x0  }
0x28: {  	[sflag:s25] =	ssyncadd.s32 $0xFFFFD800  }
0x29: {  	[spmem:s8] =	stream.linear.scatter [tilespmem:s24], [sflag:$0x3], $0x2800, $0x38;
	[tilespmem:$0x16A00] =	vst v63  }
0x2a: {  	_ =	swait.ge [sflag:s25], $0x2800  }
0x2b: {  	[sflag:s25] =	ssyncset.done $0x0  }
0x2c: {  	[sflag:s25] =	ssyncadd.s32 $0xFFFFD800  }
0x2d: {  	[spmem:s9] =	stream.linear.scatter [tilespmem:s24], [sflag:$0x3], $0x2800, $0x38;
	[tilespmem:$0x16A00] =	vst v63  }
0x2e: {  	_ =	swait.ge [sflag:s25], $0x2800  }
0x2f: {  	[sflag:s25] =	ssyncset.done $0x0  }
0x30: {  	[sflag:s25] =	ssyncadd.s32 $0xFFFFD800  }
0x31: {  	[spmem:s10] =	stream.linear.scatter [tilespmem:s24], [sflag:$0x3], $0x2800, $0x38;
	[tilespmem:$0x16A00] =	vst v63  }
0x32: {  	_ =	swait.ge [sflag:s25], $0x2800  }
0x33: {  	[sflag:s25] =	ssyncset.done $0x0  }
0x34: {  	[sflag:s25] =	ssyncadd.s32 $0xFFFFD800  }
0x35: {  	[spmem:s11] =	stream.linear.scatter [tilespmem:s24], [sflag:$0x3], $0x2800, $0x38;
	[tilespmem:$0x16A00] =	vst v63  }
0x36: {  	_ =	swait.ge [sflag:s25], $0x2800  }
0x37: {  	[sflag:s25] =	ssyncset.done $0x0  }
0x38: {  	[sflag:s25] =	ssyncadd.s32 $0xFFFFD800  }
0x39: {  	[spmem:s12] =	stream.linear.scatter [tilespmem:s24], [sflag:$0x3], $0x2800, $0x38;
	[tilespmem:$0x16A00] =	vst v63  }
0x3a: {  	_ =	swait.ge [sflag:s25], $0x2800  }
0x3b: {  	[sflag:s25] =	ssyncset.done $0x0  }
0x3c: {  	[sflag:s25] =	ssyncadd.s32 $0xFFFFD800  }
0x3d: {  	[spmem:s13] =	stream.linear.scatter [tilespmem:s24], [sflag:$0x3], $0x2800, $0x38;
	[tilespmem:$0x16A00] =	vst v63  }
0x3e: {  	_ =	swait.ge [sflag:s25], $0x2800  }
0x3f: {  	[sflag:s25] =	ssyncset.done $0x0  }
0x40: {  	s16 =	rddreg [dreg:$0x4];
	[sflag:s25] =	ssyncadd.s32 $0xFFFFD800  }
0x41: {  	[tilespmem:s24], [sflag:$0x3] =	stream.linear.gather [hbm4b:s16+s3], $0x2800, $0x38;
	[tilespmem:$0x16A00] =	vst v63  }
0x42: {  	_ =	swait.ge [sflag:s25], $0x2800  }
0x43: {  	[sflag:s25] =	ssyncset.done $0x0  }
0x44: {  	[sflag:s25] =	ssyncadd.s32 $0xFFFFD800  }
0x45: {  	s17 =	sadd.s32 $0xFFFFF080, s14;
	[bflag:$0x0] =	sbarrier.arrive $0xFFFF  }
0x46: {  	[tilespmem:s3], [sflag:$0x1] =	stream.linear.gather [hbm4b:s14+s3], $0x100, $0x38;
	[tilespmem:$0x16A00] =	vst v63  }
0x47: {  	s5 =	sadd.s32 $0xFA0, s17  }
0x48: {  	[tilespmem:s26], [sflag:$0x2] =	stream.linear.gather [hbm4b:s5+s3], $0x100, $0x38;
	[tilespmem:$0x16A00] =	vst v63  }
0x49: {  	_ =	swait.ge [sflag:s28], $0x100  }
0x4a: {  	[sflag:s28] =	ssyncset.done $0x0  }
0x4b: {  	[sflag:s28] =	ssyncadd.s32 $0xFFFFFF00  }
0x4c: {  	[spmem:s2] =	stream.indirect.scatter.add.f32 [tilespmem:s24], [sflag:$0x3], $0x80, s30, s29, $0xb8;
	[tilespmem:$0x16A00] =	vst v63  }
0x4d: {  	_ =	swait.ge [sflag:s25], $0x2800  }
0x4e: {  	[sflag:s25] =	ssyncset.done $0x0  }
0x4f: {  	s4 =	sadd.s32 $0xFC0, s17;
	[sflag:s25] =	ssyncadd.s32 $0xFFFFD800  }
0x50: {  	[tilespmem:s3], [sflag:$0x1] =	stream.linear.gather [hbm4b:s4+s3], $0x100, $0x38;
	[tilespmem:$0x16A00] =	vst v63  }
0x51: {  	_ =	swait.ge [sflag:s31], $0x100  }
0x52: {  	[sflag:s31] =	ssyncset.done $0x0  }
0x53: {  	[sflag:s31] =	ssyncadd.s32 $0xFFFFFF00  }
0x54: {  	[spmem:s2] =	stream.indirect.scatter.add.f32 [tilespmem:s24], [sflag:$0x3], $0x80, s1, s29, $0xb8;
	[tilespmem:$0x16A00] =	vst v63  }
0x55: {  	_ =	swait.ge [sflag:s25], $0x2800  }
0x56: {  	s5 =	simm.s32 $0xFFFFF100;
	s4 =	sadd.s32 $0xFFFFF0C0, s14;
	[sflag:s25] =	ssyncset.done $0x0  }
.LBB2_2:
0x57: {  	s15 =	sadd.s32 $0xFA0, s4  }
0x58: {  	[sflag:s25] =	ssyncadd.s32 $0xFFFFD800;
	s16 =	smov.u32 s5;
	s17 =	sadd.s32 $0x40, s5  }
0x59: {  	[tilespmem:s26], [sflag:$0x2] =	stream.linear.gather [hbm4b:s15+s3], $0x100, $0x38;
	[tilespmem:$0x16A00] =	vst v63  }
0x5a: {  	p0 =	sne.s32 s5, $0xFFFFFFC0;
	_ =	swait.ge [sflag:s28], $0x100  }
0x5b: {  	[sflag:s28] =	ssyncset.done $0x0  }
0x5c: {  	[sflag:s28] =	ssyncadd.s32 $0xFFFFFF00  }
0x5d: {  	[spmem:s2] =	stream.indirect.scatter.add.f32 [tilespmem:s24], [sflag:$0x3], $0x80, s30, s29, $0xb8;
	[tilespmem:$0x16A00] =	vst v63  }
0x5e: {  	_ =	swait.ge [sflag:s25], $0x2800  }
0x5f: {  	[sflag:s25] =	ssyncset.done $0x0  }
0x60: {  	s4 =	sadd.s32 $0xFC0, s4;
	[sflag:s25] =	ssyncadd.s32 $0xFFFFD800  }
0x61: {  	[tilespmem:s3], [sflag:$0x1] =	stream.linear.gather [hbm4b:s4+s3], $0x100, $0x38;
	[tilespmem:$0x16A00] =	vst v63  }
0x62: {  	_ =	swait.ge [sflag:s31], $0x100  }
.Ltmp0:
0x63: {  	[sflag:s31] =	ssyncset.done $0x0;
	(pc) =	sbr.rel @p0 .LBB2_2-.Ltmp0, $4  }
0x64: {  	[sflag:s31] =	ssyncadd.s32 $0xFFFFFF00  }
0x65: {  	[spmem:s2] =	stream.indirect.scatter.add.f32 [tilespmem:s24], [sflag:$0x3], $0x80, s1, s29, $0xb8;
	[tilespmem:$0x16A00] =	vst v63  }
0x66: {  	_ =	swait.ge [sflag:s25], $0x2800  }
0x67: {  	s5 =	smov.u32 s17;
	s4 =	sadd.s32 s16, s14;
	[sflag:s25] =	ssyncset.done $0x0  }
0x68: {  	s5 =	sadd.s32 $0xFA0, s4;
	[sflag:s25] =	ssyncadd.s32 $0xFFFFD800  }
0x69: {  	[tilespmem:s26], [sflag:$0x2] =	stream.linear.gather [hbm4b:s5+s3], $0x100, $0x38;
	[tilespmem:$0x16A00] =	vst v63  }
0x6a: {  	_ =	swait.ge [sflag:s28], $0x100  }
0x6b: {  	[sflag:s28] =	ssyncset.done $0x0  }
0x6c: {  	[sflag:s28] =	ssyncadd.s32 $0xFFFFFF00  }
0x6d: {  	[spmem:s2] =	stream.indirect.scatter.add.f32 [tilespmem:s24], [sflag:$0x3], $0x80, s30, s29, $0xb8;
	[tilespmem:$0x16A00] =	vst v63  }
0x6e: {  	_ =	swait.ge [sflag:s25], $0x2800  }
0x6f: {  	[sflag:s25] =	ssyncset.done $0x0  }
0x70: {  	s5 =	sadd.s32 $0xFC0, s4;
	[sflag:s25] =	ssyncadd.s32 $0xFFFFD800  }
0x71: {  	[tilespmem:s3], [sflag:$0x1] =	stream.linear.gather [hbm4b:s5+s3], $0x100, $0x38;
	[tilespmem:$0x16A00] =	vst v63  }
0x72: {  	_ =	swait.ge [sflag:s31], $0x100  }
0x73: {  	[sflag:s31] =	ssyncset.done $0x0  }
0x74: {  	[sflag:s31] =	ssyncadd.s32 $0xFFFFFF00  }
0x75: {  	[spmem:s2] =	stream.indirect.scatter.add.f32 [tilespmem:s24], [sflag:$0x3], $0x80, s1, s29, $0xb8;
	[tilespmem:$0x16A00] =	vst v63  }
0x76: {  	_ =	swait.ge [sflag:s25], $0x2800  }
0x77: {  	[sflag:s25] =	ssyncset.done $0x0  }
0x78: {  	[sflag:s25] =	ssyncadd.s32 $0xFFFFD800  }
0x79: {  	_ =	swait.ge [sflag:s28], $0x100  }
0x7a: {  	[sflag:s28] =	ssyncset.done $0x0  }
0x7b: {  	[sflag:s28] =	ssyncadd.s32 $0xFFFFFF00  }
0x7c: {  	[spmem:s2] =	stream.indirect.scatter.add.f32 [tilespmem:s24], [sflag:$0x3], $0x80, s30, s29, $0xb8;
	[tilespmem:$0x16A00] =	vst v63  }
0x7d: {  	_ =	swait.ge [sflag:s25], $0x2800  }
0x7e: {  	[sflag:s25] =	ssyncset.done $0x0  }
0x7f: {  	[sflag:s25] =	ssyncadd.s32 $0xFFFFD800  }
0x80: {  	[bflag:$0x0] =	sbarrier.arrive $0xFFFF  }
0x81: {  	[tilespmem:s24], [sflag:$0x3] =	stream.linear.gather [spmem:s6], $0x2800, $0x38;
	[tilespmem:$0x16A00] =	vst v63  }
0x82: {  	_ =	swait.ge [sflag:s25], $0x2800  }
0x83: {  	[sflag:s25] =	ssyncset.done $0x0  }
0x84: {  	s15 =	rddreg [dreg:$0x5];
	[sflag:s25] =	ssyncadd.s32 $0xFFFFD800  }
0x85: {  	[hbm4b:s15+s3] =	stream.linear.scatter [tilespmem:s24], [sflag:$0x3], $0x2800, $0x38;
	[tilespmem:$0x16A00] =	vst v63  }
0x86: {  	_ =	swait.ge [sflag:s25], $0x2800  }
0x87: {  	[sflag:s25] =	ssyncset.done $0x0  }
0x88: {  	[sflag:s25] =	ssyncadd.s32 $0xFFFFD800  }
0x89: {  	[tilespmem:s24], [sflag:$0x3] =	stream.linear.gather [spmem:s7], $0x2800, $0x38;
	[tilespmem:$0x16A00] =	vst v63  }
0x8a: {  	_ =	swait.ge [sflag:s25], $0x2800  }
0x8b: {  	[sflag:s25] =	ssyncset.done $0x0  }
0x8c: {  	s16 =	rddreg [dreg:$0x6];
	[sflag:s25] =	ssyncadd.s32 $0xFFFFD800  }
0x8d: {  	[hbm4b:s16+s3] =	stream.linear.scatter [tilespmem:s24], [sflag:$0x3], $0x2800, $0x38;
	[tilespmem:$0x16A00] =	vst v63  }
0x8e: {  	_ =	swait.ge [sflag:s25], $0x2800  }
0x8f: {  	[sflag:s25] =	ssyncset.done $0x0  }
0x90: {  	[sflag:s25] =	ssyncadd.s32 $0xFFFFD800  }
0x91: {  	[tilespmem:s24], [sflag:$0x3] =	stream.linear.gather [spmem:s8], $0x2800, $0x38;
	[tilespmem:$0x16A00] =	vst v63  }
0x92: {  	_ =	swait.ge [sflag:s25], $0x2800  }
0x93: {  	[sflag:s25] =	ssyncset.done $0x0  }
0x94: {  	s17 =	rddreg [dreg:$0x7];
	[sflag:s25] =	ssyncadd.s32 $0xFFFFD800  }
0x95: {  	[hbm4b:s17+s3] =	stream.linear.scatter [tilespmem:s24], [sflag:$0x3], $0x2800, $0x38;
	[tilespmem:$0x16A00] =	vst v63  }
0x96: {  	_ =	swait.ge [sflag:s25], $0x2800  }
0x97: {  	[sflag:s25] =	ssyncset.done $0x0  }
0x98: {  	[sflag:s25] =	ssyncadd.s32 $0xFFFFD800  }
0x99: {  	[tilespmem:s24], [sflag:$0x3] =	stream.linear.gather [spmem:s9], $0x2800, $0x38;
	[tilespmem:$0x16A00] =	vst v63  }
0x9a: {  	_ =	swait.ge [sflag:s25], $0x2800  }
0x9b: {  	[sflag:s25] =	ssyncset.done $0x0  }
0x9c: {  	[sflag:s25] =	ssyncadd.s32 $0xFFFFD800  }
0x9d: {  	[hbm4b:s18+s3] =	stream.linear.scatter [tilespmem:s24], [sflag:$0x3], $0x2800, $0x38;
	[tilespmem:$0x16A00] =	vst v63  }
0x9e: {  	_ =	swait.ge [sflag:s25], $0x2800  }
0x9f: {  	[sflag:s25] =	ssyncset.done $0x0  }
0xa0: {  	[sflag:s25] =	ssyncadd.s32 $0xFFFFD800  }
0xa1: {  	[tilespmem:s24], [sflag:$0x3] =	stream.linear.gather [spmem:s10], $0x2800, $0x38;
	[tilespmem:$0x16A00] =	vst v63  }
0xa2: {  	_ =	swait.ge [sflag:s25], $0x2800  }
0xa3: {  	[sflag:s25] =	ssyncset.done $0x0  }
0xa4: {  	[sflag:s25] =	ssyncadd.s32 $0xFFFFD800  }
0xa5: {  	[hbm4b:s19+s3] =	stream.linear.scatter [tilespmem:s24], [sflag:$0x3], $0x2800, $0x38;
	[tilespmem:$0x16A00] =	vst v63  }
0xa6: {  	_ =	swait.ge [sflag:s25], $0x2800  }
0xa7: {  	[sflag:s25] =	ssyncset.done $0x0  }
0xa8: {  	[sflag:s25] =	ssyncadd.s32 $0xFFFFD800  }
0xa9: {  	[tilespmem:s24], [sflag:$0x3] =	stream.linear.gather [spmem:s11], $0x2800, $0x38;
	[tilespmem:$0x16A00] =	vst v63  }
0xaa: {  	_ =	swait.ge [sflag:s25], $0x2800  }
0xab: {  	[sflag:s25] =	ssyncset.done $0x0  }
0xac: {  	[sflag:s25] =	ssyncadd.s32 $0xFFFFD800  }
0xad: {  	[hbm4b:s20+s3] =	stream.linear.scatter [tilespmem:s24], [sflag:$0x3], $0x2800, $0x38;
	[tilespmem:$0x16A00] =	vst v63  }
0xae: {  	_ =	swait.ge [sflag:s25], $0x2800  }
0xaf: {  	[sflag:s25] =	ssyncset.done $0x0  }
0xb0: {  	[sflag:s25] =	ssyncadd.s32 $0xFFFFD800  }
0xb1: {  	[tilespmem:s24], [sflag:$0x3] =	stream.linear.gather [spmem:s12], $0x2800, $0x38;
	[tilespmem:$0x16A00] =	vst v63  }
0xb2: {  	_ =	swait.ge [sflag:s25], $0x2800  }
0xb3: {  	[sflag:s25] =	ssyncset.done $0x0  }
0xb4: {  	[sflag:s25] =	ssyncadd.s32 $0xFFFFD800  }
0xb5: {  	[hbm4b:s21+s3] =	stream.linear.scatter [tilespmem:s24], [sflag:$0x3], $0x2800, $0x38;
	[tilespmem:$0x16A00] =	vst v63  }
0xb6: {  	_ =	swait.ge [sflag:s25], $0x2800  }
0xb7: {  	[sflag:s25] =	ssyncset.done $0x0  }
0xb8: {  	[sflag:s25] =	ssyncadd.s32 $0xFFFFD800  }
0xb9: {  	[tilespmem:s24], [sflag:$0x3] =	stream.linear.gather [spmem:s13], $0x2800, $0x38;
	[tilespmem:$0x16A00] =	vst v63  }
0xba: {  	s0 =	sadd.s32 $0x1, s0;
	_ =	swait.ge [sflag:s25], $0x2800  }
0xbb: {  	p0 =	sne.s32 s0, s23;
	[sflag:s25] =	ssyncset.done $0x0  }
.Ltmp1:
0xbc: {  	[sflag:s25] =	ssyncadd.s32 $0xFFFFD800;
	(pc) =	sbr.rel @p0 .LBB2_1-.Ltmp1, $4  }
0xbd: {  	[hbm4b:s22+s3] =	stream.linear.scatter [tilespmem:s24], [sflag:$0x3], $0x2800, $0x38;
	[tilespmem:$0x16A00] =	vst v63  }
0xbe: {  	_ =	swait.ge [sflag:s25], $0x2800  }
0xbf: {  	[sflag:s25] =	ssyncset.done $0x0  }
0xc0: {  	[sflag:s25] =	ssyncadd.s32 $0xFFFFD800  }
0xc1: {  	_ =	sfence.sel $0x180000  }
0xc2: {  	[bflag:$0x0] =	sbarrier.arrive $0xFFFF  }
0xc3: {  	_ =	strace $0x9000004A  }
0xc4: {  	s0 =	stileid.u32;
	[bflag:$0x2] =	sbarrier.arrive $0xFFFF  }
0xc5: {  	p0 =	sne.s32 s0, $0x0;
	s0 =	rddreg [dreg:$0x2]  }
0xc6: {  	s0 =	sadd.s32 @!p0 $0x100000, s0  }
0xc7: {  	[sflag:s0] =	ssyncadd.tile.s32 @!p0 $0x1;
	_ =	shalt  }
.Lfunc_end2:
_tile_overlayer_lowered:
.L_overlay_start_2:
0xc8: {  	(tag) =	ssettag $0x2  }
0xc9: {  	s0 =	rddreg [dreg:$0x0];
	s2 =	stileid.u32  }
0xca: {  	s1 =	rddreg [dreg:$0x1];
	p0 =	sne.s32 s2, $0x0  }
0xcb: {  	s3 =	rddreg [dreg:$0x2];
	[bflag:$0x3] =	sbarrier.arrive $0xFFFF;
	s2 =	simm.s32 @!p0 $0x1C03  }
0xcc: {  	[timem:s3], [sflag:s2] =	dma.local @!p0 [hbm:s0], s1  }
0xcd: {  	s0 =	simm.s32 @!p0 $0x3  }
0xce: {  	_ =	swait.ge @!p0 [sflag:s0], s1  }
0xcf: {  	s1 =	ssub.s32 @!p0 $0x0, s1;
	[sflag:s0] =	ssyncset.done @!p0 $0x0  }
0xd0: {  	[sflag:s0] =	ssyncadd.s32 @!p0 s1  }
0xd1: {  	[bflag:$0x3] =	sbarrier.arrive $0xFFFF  }
0xd2: {  	_ =	shalt  }

</sc_bundles>
